<compile_context>
chip_gen: v7x
topology: tpu7x:2x2x1
jax: 0.10.2.dev20260603
libtpu: 0.0.44.dev20260713+nightly
codegen_flags: <defaults>
</compile_context>

<pallas_src>
import jax
import jax.numpy as jnp
from jax.experimental import pallas as pl
from jax.experimental.pallas import tpu as pltpu

N_TOK = 8192
D_MODEL = 4096
N_EXP = 64
TOP_K = 2
TM = 512
NBUF = 4
NSTEP = N_TOK // TM


def _gate_body(x_hbm, wt_ref, b_ref, tw_ref, ti_ref, w_ref, xbuf, sems):
    i = pl.program_id(0)

    H = TM // 2

    def copies(block, slot):
        return [
            pltpu.make_async_copy(
                x_hbm.at[pl.ds(block * TM + h * H, H), :],
                xbuf.at[slot, pl.ds(h * H, H), :],
                sems.at[slot, h])
            for h in range(2)
        ]

    @pl.when(i == 0)
    def _():
        for j in range(NBUF - 1):
            for c in copies(j, j):
                c.start()

    nxt = i + NBUF - 1

    @pl.when(nxt < NSTEP)
    def _():
        for c in copies(nxt, jax.lax.rem(nxt, NBUF)):
            c.start()

    slot = jax.lax.rem(i, NBUF)
    for c in copies(i, slot):
        c.wait()

    logits = jax.lax.dot_general(
        xbuf[slot], wt_ref[...], (((1,), (0,)), ((), ())),
        preferred_element_type=jnp.float32,
        precision=jax.lax.Precision.DEFAULT)
    logits = logits + b_ref[...]
    m = jnp.max(logits, axis=1, keepdims=True)
    e = jnp.exp(logits - m)
    s = jnp.sum(e, axis=1, keepdims=True)
    w = e / s
    w_ref[...] = w
    ids = jax.lax.broadcasted_iota(jnp.int32, (TM, N_EXP), 1)
    m1 = jnp.max(w, axis=1, keepdims=True)
    i1 = jnp.min(jnp.where(w == m1, ids, N_EXP), axis=1, keepdims=True)
    w2 = jnp.where(ids == i1, -1.0, w)
    m2 = jnp.max(w2, axis=1, keepdims=True)
    i2 = jnp.min(jnp.where(w2 == m2, ids, N_EXP), axis=1, keepdims=True)
    tw_ref[...] = jnp.concatenate([m1, m2], axis=1)
    ti_ref[...] = jnp.concatenate([i1, i2], axis=1)


SC_TOK = 512
SC_GRP = 8
SC_TPG = SC_TOK // SC_GRP
KQ = D_MODEL // 4
SC_B = 4


KH = KQ // 2

_LANE_DNUMS = jax.lax.GatherDimensionNumbers(
    offset_dims=(), collapsed_slice_dims=(0,), start_index_map=(0,))


def _lane_bcast(v, j):
    idx = jnp.full((16, 1), j, dtype=jnp.int32)
    return jax.lax.gather(
        v, idx, _LANE_DNUMS, (1,),
        mode=jax.lax.GatherScatterMode.PROMISE_IN_BOUNDS)


def _sc_gate_body(x_hbm, wt_hbm, out_hbm, wtq, xb, acc_buf):
    wid = jax.lax.axis_index("s") * 2 + jax.lax.axis_index("c")
    g = wid // 4
    q = jax.lax.rem(wid, 4)
    tok0 = g * SC_TPG

    for kh in range(2):
        k_base = q * KQ + kh * KH
        pltpu.sync_copy(wt_hbm.at[pl.ds(k_base, KH), :], wtq)

        def batch_body(b, _, kh=kh, k_base=k_base):
            pltpu.sync_copy(
                x_hbm.at[pl.ds(tok0 + b * SC_B, SC_B), pl.ds(k_base, KH)], xb)

            def kc_body(kc, accs):
                k0 = kc * 16
                xv = [xb[t, pl.ds(k0, 16)] for t in range(SC_B)]
                new = list(accs)
                for j in range(16):
                    wrow = [wtq[k0 + j, pl.ds(e * 16, 16)] for e in range(4)]
                    for t in range(SC_B):
                        xs = _lane_bcast(xv[t], j)
                        for e in range(4):
                            new[t * 4 + e] = new[t * 4 + e] + xs * wrow[e]
                return tuple(new)

            import jax.experimental.pallas.tpu_sc as plsc
            accs = plsc.parallel_loop(
                0, KH // 16, 1, unroll=2,
                carry=tuple(jnp.zeros((16,), jnp.float32)
                            for _ in range(SC_B * 4)))(kc_body)
            for t in range(SC_B):
                for e in range(4):
                    row = b * SC_B + t
                    sl = pl.ds(e * 16, 16)
                    if kh == 0:
                        acc_buf[row, sl] = accs[t * 4 + e]
                    else:
                        acc_buf[row, sl] = acc_buf[row, sl] + accs[t * 4 + e]
            return 0

        jax.lax.fori_loop(0, SC_TPG // SC_B, batch_body, 0)

    pltpu.sync_copy(acc_buf, out_hbm.at[q, pl.ds(tok0, SC_TPG), :])


def _sc_probe(x, Wt):
    import jax.experimental.pallas.tpu_sc as plsc
    f = pl.kernel(
        _sc_gate_body,
        out_type=jax.ShapeDtypeStruct((4, SC_TOK, N_EXP), jnp.float32),
        mesh=plsc.VectorSubcoreMesh(core_axis_name="c", subcore_axis_name="s"),
        scratch_types=[
            pltpu.VMEM((KH, N_EXP), jnp.float32),
            pltpu.VMEM((SC_B, KH), jnp.float32),
            pltpu.VMEM((SC_TPG, N_EXP), jnp.float32),
        ],
    )
    return f(x, Wt)


def kernel(x, W, b):
    Wt = W.T
    b2 = b.reshape(1, N_EXP)
    tw, ti, w = pl.pallas_call(
        _gate_body,
        grid=(NSTEP,),
        in_specs=[
            pl.BlockSpec(memory_space=pltpu.HBM),
            pl.BlockSpec((D_MODEL, N_EXP), lambda i: (0, 0)),
            pl.BlockSpec((1, N_EXP), lambda i: (0, 0)),
        ],
        out_specs=[
            pl.BlockSpec((TM, TOP_K), lambda i: (i, 0)),
            pl.BlockSpec((TM, TOP_K), lambda i: (i, 0)),
            pl.BlockSpec((TM, N_EXP), lambda i: (i, 0)),
        ],
        out_shape=[
            jax.ShapeDtypeStruct((N_TOK, TOP_K), jnp.float32),
            jax.ShapeDtypeStruct((N_TOK, TOP_K), jnp.int32),
            jax.ShapeDtypeStruct((N_TOK, N_EXP), jnp.float32),
        ],
        scratch_shapes=[
            pltpu.VMEM((NBUF, TM, D_MODEL), jnp.float32),
            pltpu.SemaphoreType.DMA((NBUF, 2)),
        ],
    )(x, Wt, b2)
    sc_out = _sc_probe(x, Wt)
    del tw, ti, w
    return (sc_out[0, :, :2], sc_out[1, :, :2].astype(jnp.int32), sc_out[2])

# --- scband reference (transcript-rebuilt; emitter-appended) ---
"""Pipeline reference for scband-gating-network-49675591745735 (READ-ONLY COPY).

The authoritative reference and input builder live on the scoring server;
editing this copy changes nothing except your own understanding.
"""

import jax, jax.numpy as jnp
import numpy as np

D_MODEL = 4096
NUM_EXPERTS = 64
TOP_K = 2
N_TOKENS = 8192

def setup_inputs(seed: int = 0) -> dict:
    key = jax.random.key(seed)
    kx, kw, kb = jax.random.split(key, 3)
    x = jax.random.normal(kx, (N_TOKENS, D_MODEL), dtype=jnp.float32)
    # nn.Linear(d_model, num_experts): weight [num_experts, d_model], bias [num_experts]
    W = jax.random.normal(kw, (NUM_EXPERTS, D_MODEL), dtype=jnp.float32) * (1.0 / np.sqrt(D_MODEL))
    b = jax.random.normal(kb, (NUM_EXPERTS,), dtype=jnp.float32) * 0.01
    return {"x": x, "W": W, "b": b}

def reference(x, W, b):
    # eval mode: no gating noise (self.training == False)
    logits = x @ W.T + b
    weights = jax.nn.softmax(logits, axis=-1)
    topk_weights, topk_indices = jax.lax.top_k(weights, TOP_K)
    return (topk_weights, topk_indices, weights)

if __name__ == "__main__":
    import jax
    _d = setup_inputs()
    print(jax.jit(kernel)(*tuple(_d.values())))

</pallas_src>

<mosaic_0001>
#map = affine_map<(d0, d1) -> (0, 0)>
#map1 = affine_map<(d0, d1) -> (0, 0, 0)>
module attributes {stable_mosaic.version = 14 : i64} {
  func.func @_sc_gate_body(%arg0: i32, %arg1: i32, %arg2: memref<8192x4096xf32, #tpu.memory_space<hbm>>, %arg3: memref<4096x64xf32, #tpu.memory_space<hbm>>, %arg4: memref<4x512x64xf32, #tpu.memory_space<hbm>>, %arg5: memref<512x64xf32, #tpu.memory_space<vmem>>, %arg6: memref<4x512xf32, #tpu.memory_space<vmem>>, %arg7: memref<64x64xf32, #tpu.memory_space<vmem>>) attributes {dimension_semantics = [#tpu.dimension_semantics<core_parallel>, #tpu.dimension_semantics<subcore_parallel>], iteration_bounds = array<i64: 2, 16>, scalar_prefetch = 0 : i64, scratch_operands = 3 : i64, tpu.core_type = #tpu.core_type<sc_vector_subcore>, window_params = [{transform_indices = #map}, {transform_indices = #map}, {transform_indices = #map1}]} {
    %mul3A = arith.constant 2 : i32
    %mul3A_0 = arith.muli %arg1, %mul3A : i32
    %add3A = arith.addi %mul3A_0, %arg0 : i32
    %jit3A = arith.constant 4 : i32
    %div3A = arith.divsi %add3A, %jit3A : i32
    %sign3A = arith.constant 0 : i32
    %sign3A_1 = arith.cmpi sgt, %add3A, %sign3A : i32
    %sign3A_2 = arith.extui %sign3A_1 : i1 to i32
    %sign3A_3 = arith.constant 0 : i32
    %sign3A_4 = arith.cmpi slt, %add3A, %sign3A_3 : i32
    %sign3A_5 = arith.extui %sign3A_4 : i1 to i32
    %sign3A_6 = arith.subi %sign3A_2, %sign3A_5 : i32
    %sign3A_7 = arith.constant 0 : i32
    %sign3A_8 = arith.cmpi sgt, %jit3A, %sign3A_7 : i32
    %sign3A_9 = arith.extui %sign3A_8 : i1 to i32
    %sign3A_10 = arith.constant 0 : i32
    %sign3A_11 = arith.cmpi slt, %jit3A, %sign3A_10 : i32
    %sign3A_12 = arith.extui %sign3A_11 : i1 to i32
    %sign3A_13 = arith.subi %sign3A_9, %sign3A_12 : i32
    %ne3A = arith.cmpi ne, %sign3A_6, %sign3A_13 : i32
    %rem3A = arith.remsi %add3A, %jit3A : i32
    %ne3A_14 = arith.constant 0 : i32
    %ne3A_15 = arith.cmpi ne, %rem3A, %ne3A_14 : i32
    %and3A = arith.andi %ne3A, %ne3A_15 : i1
    %sub3A = arith.constant 1 : i32
    %sub3A_16 = arith.subi %div3A, %sub3A : i32
    %select_n3A = arith.select %and3A, %sub3A_16, %div3A : i32
    %rem3A_17 = arith.constant 4 : i32
    %rem3A_18 = arith.remsi %add3A, %rem3A_17 : i32
    %mul3A_19 = arith.constant 64 : i32
    %mul3A_20 = arith.muli %select_n3A, %mul3A_19 : i32
    %mul3A_21 = arith.constant 1024 : i32
    %mul3A_22 = arith.muli %rem3A_18, %mul3A_21 : i32
    %add3A_23 = arith.constant 0 : i32
    %add3A_24 = arith.addi %mul3A_22, %add3A_23 : i32
    "tpu.region"() ({
      %run_scoped3A = tpu.sem_alloc : memref<!tpu.dma_semaphore, #tpu.memory_space<semaphore_mem>>
      %dma_start3A = arith.constant 0 : i32
      %dma_start3A_42 = tpu.memref_slice %arg3[%add3A_24, %dma_start3A] : memref<4096x64xf32, #tpu.memory_space<hbm>> -> memref<512x64xf32, #tpu.memory_space<hbm>>
      %dma_start3A_43 = arith.constant 0 : i32
      %dma_start3A_44 = tpu.memref_slice %arg3[%add3A_24, %dma_start3A_43] : memref<4096x64xf32, #tpu.memory_space<hbm>> -> memref<512x64xf32, #tpu.memory_space<hbm>>
      tpu.enqueue_dma source(%dma_start3A_44 : memref<512x64xf32, #tpu.memory_space<hbm>>) target(%arg5 : memref<512x64xf32, #tpu.memory_space<vmem>>) target_semaphore(%run_scoped3A : memref<!tpu.dma_semaphore, #tpu.memory_space<semaphore_mem>>)
      %dma_wait3A = arith.constant 0 : i32
      %dma_wait3A_45 = tpu.memref_slice %arg3[%add3A_24, %dma_wait3A] : memref<4096x64xf32, #tpu.memory_space<hbm>> -> memref<512x64xf32, #tpu.memory_space<hbm>>
      %dma_wait3A_46 = arith.constant 0 : i32
      %dma_wait3A_47 = tpu.memref_slice %arg3[%add3A_24, %dma_wait3A_46] : memref<4096x64xf32, #tpu.memory_space<hbm>> -> memref<512x64xf32, #tpu.memory_space<hbm>>
      tpu.wait_dma2 semaphore(%run_scoped3A : memref<!tpu.dma_semaphore, #tpu.memory_space<semaphore_mem>>) src(%dma_wait3A_47 : memref<512x64xf32, #tpu.memory_space<hbm>>) dst(%arg5 : memref<512x64xf32, #tpu.memory_space<vmem>>)
      tpu.yield
    }) : () -> ()
    %scan3A = arith.constant 0 : i32
    %scan3A_25 = arith.constant 0 : i32
    %scan3A_26 = arith.constant 16 : i32
    %scan3A_27 = arith.addi %scan3A_25, %scan3A_26 : i32
    %scan3A_28 = arith.constant 1 : i32
    %scan3A_29 = scf.for %scan3A_42 = %scan3A_25 to %scan3A_27 step %scan3A_28 iter_args(%scan3A_43 = %scan3A) -> (i32)  : i32 {
      %mul3A_44 = arith.constant 4 : i32
      %mul3A_45 = arith.muli %scan3A_42, %mul3A_44 : i32
      %add3A_46 = arith.addi %mul3A_20, %mul3A_45 : i32
      "tpu.region"() ({
        %run_scoped3A = tpu.sem_alloc : memref<!tpu.dma_semaphore, #tpu.memory_space<semaphore_mem>>
        %dma_start3A = tpu.memref_slice %arg2[%add3A_46, %add3A_24] : memref<8192x4096xf32, #tpu.memory_space<hbm>> -> memref<4x512xf32, #tpu.memory_space<hbm>>
        %dma_start3A_225 = tpu.memref_slice %arg2[%add3A_46, %add3A_24] : memref<8192x4096xf32, #tpu.memory_space<hbm>> -> memref<4x512xf32, #tpu.memory_space<hbm>>
        tpu.enqueue_dma source(%dma_start3A_225 : memref<4x512xf32, #tpu.memory_space<hbm>>) target(%arg6 : memref<4x512xf32, #tpu.memory_space<vmem>>) target_semaphore(%run_scoped3A : memref<!tpu.dma_semaphore, #tpu.memory_space<semaphore_mem>>)
        %dma_wait3A = tpu.memref_slice %arg2[%add3A_46, %add3A_24] : memref<8192x4096xf32, #tpu.memory_space<hbm>> -> memref<4x512xf32, #tpu.memory_space<hbm>>
        %dma_wait3A_226 = tpu.memref_slice %arg2[%add3A_46, %add3A_24] : memref<8192x4096xf32, #tpu.memory_space<hbm>> -> memref<4x512xf32, #tpu.memory_space<hbm>>
        tpu.wait_dma2 semaphore(%run_scoped3A : memref<!tpu.dma_semaphore, #tpu.memory_space<semaphore_mem>>) src(%dma_wait3A_226 : memref<4x512xf32, #tpu.memory_space<hbm>>) dst(%arg6 : memref<4x512xf32, #tpu.memory_space<vmem>>)
        tpu.yield
      }) : () -> ()
      %broadcast_in_dim3A = arith.constant 0.000000e+00 : f32
      %broadcast_in_dim3A_47 = vector.broadcast %broadcast_in_dim3A : f32 to vector<16xf32>
      %broadcast_in_dim3A_48 = arith.constant 0.000000e+00 : f32
      %broadcast_in_dim3A_49 = vector.broadcast %broadcast_in_dim3A_48 : f32 to vector<16xf32>
      %broadcast_in_dim3A_50 = arith.constant 0.000000e+00 : f32
      %broadcast_in_dim3A_51 = vector.broadcast %broadcast_in_dim3A_50 : f32 to vector<16xf32>
      %broadcast_in_dim3A_52 = arith.constant 0.000000e+00 : f32
      %broadcast_in_dim3A_53 = vector.broadcast %broadcast_in_dim3A_52 : f32 to vector<16xf32>
      %broadcast_in_dim3A_54 = arith.constant 0.000000e+00 : f32
      %broadcast_in_dim3A_55 = vector.broadcast %broadcast_in_dim3A_54 : f32 to vector<16xf32>
      %broadcast_in_dim3A_56 = arith.constant 0.000000e+00 : f32
      %broadcast_in_dim3A_57 = vector.broadcast %broadcast_in_dim3A_56 : f32 to vector<16xf32>
      %broadcast_in_dim3A_58 = arith.constant 0.000000e+00 : f32
      %broadcast_in_dim3A_59 = vector.broadcast %broadcast_in_dim3A_58 : f32 to vector<16xf32>
      %broadcast_in_dim3A_60 = arith.constant 0.000000e+00 : f32
      %broadcast_in_dim3A_61 = vector.broadcast %broadcast_in_dim3A_60 : f32 to vector<16xf32>
      %broadcast_in_dim3A_62 = arith.constant 0.000000e+00 : f32
      %broadcast_in_dim3A_63 = vector.broadcast %broadcast_in_dim3A_62 : f32 to vector<16xf32>
      %broadcast_in_dim3A_64 = arith.constant 0.000000e+00 : f32
      %broadcast_in_dim3A_65 = vector.broadcast %broadcast_in_dim3A_64 : f32 to vector<16xf32>
      %broadcast_in_dim3A_66 = arith.constant 0.000000e+00 : f32
      %broadcast_in_dim3A_67 = vector.broadcast %broadcast_in_dim3A_66 : f32 to vector<16xf32>
      %broadcast_in_dim3A_68 = arith.constant 0.000000e+00 : f32
      %broadcast_in_dim3A_69 = vector.broadcast %broadcast_in_dim3A_68 : f32 to vector<16xf32>
      %broadcast_in_dim3A_70 = arith.constant 0.000000e+00 : f32
      %broadcast_in_dim3A_71 = vector.broadcast %broadcast_in_dim3A_70 : f32 to vector<16xf32>
      %broadcast_in_dim3A_72 = arith.constant 0.000000e+00 : f32
      %broadcast_in_dim3A_73 = vector.broadcast %broadcast_in_dim3A_72 : f32 to vector<16xf32>
      %broadcast_in_dim3A_74 = arith.constant 0.000000e+00 : f32
      %broadcast_in_dim3A_75 = vector.broadcast %broadcast_in_dim3A_74 : f32 to vector<16xf32>
      %broadcast_in_dim3A_76 = arith.constant 0.000000e+00 : f32
      %broadcast_in_dim3A_77 = vector.broadcast %broadcast_in_dim3A_76 : f32 to vector<16xf32>
      %parallel_loop3A = arith.constant 0 : i32
      %parallel_loop3A_78 = arith.constant 32 : i32
      %parallel_loop3A_79 = arith.constant 1 : i32
      %parallel_loop3A_80:16 = scf.for %parallel_loop3A_225 = %parallel_loop3A to %parallel_loop3A_78 step %parallel_loop3A_79 iter_args(%parallel_loop3A_226 = %broadcast_in_dim3A_47, %parallel_loop3A_227 = %broadcast_in_dim3A_49, %parallel_loop3A_228 = %broadcast_in_dim3A_51, %parallel_loop3A_229 = %broadcast_in_dim3A_53, %parallel_loop3A_230 = %broadcast_in_dim3A_55, %parallel_loop3A_231 = %broadcast_in_dim3A_57, %parallel_loop3A_232 = %broadcast_in_dim3A_59, %parallel_loop3A_233 = %broadcast_in_dim3A_61, %parallel_loop3A_234 = %broadcast_in_dim3A_63, %parallel_loop3A_235 = %broadcast_in_dim3A_65, %parallel_loop3A_236 = %broadcast_in_dim3A_67, %parallel_loop3A_237 = %broadcast_in_dim3A_69, %parallel_loop3A_238 = %broadcast_in_dim3A_71, %parallel_loop3A_239 = %broadcast_in_dim3A_73, %parallel_loop3A_240 = %broadcast_in_dim3A_75, %parallel_loop3A_241 = %broadcast_in_dim3A_77) -> (vector<16xf32>, vector<16xf32>, vector<16xf32>, vector<16xf32>, vector<16xf32>, vector<16xf32>, vector<16xf32>, vector<16xf32>, vector<16xf32>, vector<16xf32>, vector<16xf32>, vector<16xf32>, vector<16xf32>, vector<16xf32>, vector<16xf32>, vector<16xf32>)  : i32 {
        %parallel_loop3A_242 = arith.constant 16 : i32
        %parallel_loop3A_243 = arith.muli %parallel_loop3A_225, %parallel_loop3A_242 : i32
        %parallel_loop3A_244 = arith.constant 0 : i32
        %parallel_loop3A_245 = arith.index_cast %parallel_loop3A_244 : i32 to index
        %parallel_loop3A_246 = arith.index_cast %parallel_loop3A_243 : i32 to index
        %parallel_loop3A_247 = tpu.vector_load %arg6[%parallel_loop3A_245, %parallel_loop3A_246] {strides = array<i32>} : memref<4x512xf32, #tpu.memory_space<vmem>>, vector<1x16xf32>,
        %parallel_loop3A_248 = vector.shape_cast %parallel_loop3A_247 : vector<1x16xf32> to vector<16xf32>
        %parallel_loop3A_249 = arith.constant 1 : i32
        %parallel_loop3A_250 = arith.index_cast %parallel_loop3A_249 : i32 to index
        %parallel_loop3A_251 = arith.index_cast %parallel_loop3A_243 : i32 to index
        %parallel_loop3A_252 = tpu.vector_load %arg6[%parallel_loop3A_250, %parallel_loop3A_251] {strides = array<i32>} : memref<4x512xf32, #tpu.memory_space<vmem>>, vector<1x16xf32>,
        %parallel_loop3A_253 = vector.shape_cast %parallel_loop3A_252 : vector<1x16xf32> to vector<16xf32>
        %parallel_loop3A_254 = arith.constant 2 : i32
        %parallel_loop3A_255 = arith.index_cast %parallel_loop3A_254 : i32 to index
        %parallel_loop3A_256 = arith.index_cast %parallel_loop3A_243 : i32 to index
        %parallel_loop3A_257 = tpu.vector_load %arg6[%parallel_loop3A_255, %parallel_loop3A_256] {strides = array<i32>} : memref<4x512xf32, #tpu.memory_space<vmem>>, vector<1x16xf32>,
        %parallel_loop3A_258 = vector.shape_cast %parallel_loop3A_257 : vector<1x16xf32> to vector<16xf32>
        %parallel_loop3A_259 = arith.constant 3 : i32
        %parallel_loop3A_260 = arith.index_cast %parallel_loop3A_259 : i32 to index
        %parallel_loop3A_261 = arith.index_cast %parallel_loop3A_243 : i32 to index
        %parallel_loop3A_262 = tpu.vector_load %arg6[%parallel_loop3A_260, %parallel_loop3A_261] {strides = array<i32>} : memref<4x512xf32, #tpu.memory_space<vmem>>, vector<1x16xf32>,
        %parallel_loop3A_263 = vector.shape_cast %parallel_loop3A_262 : vector<1x16xf32> to vector<16xf32>
        %parallel_loop3A_264 = arith.constant 0 : i32
        %parallel_loop3A_265 = arith.addi %parallel_loop3A_243, %parallel_loop3A_264 : i32
        %parallel_loop3A_266 = arith.index_cast %parallel_loop3A_265 : i32 to index
        %parallel_loop3A_267 = arith.constant 0 : index
        %parallel_loop3A_268 = tpu.vector_load %arg5[%parallel_loop3A_266, %parallel_loop3A_267] {strides = array<i32>} : memref<512x64xf32, #tpu.memory_space<vmem>>, vector<1x16xf32>,
        %parallel_loop3A_269 = vector.shape_cast %parallel_loop3A_268 : vector<1x16xf32> to vector<16xf32>
        %parallel_loop3A_270 = arith.constant 0 : i32
        %parallel_loop3A_271 = arith.addi %parallel_loop3A_243, %parallel_loop3A_270 : i32
        %parallel_loop3A_272 = arith.index_cast %parallel_loop3A_271 : i32 to index
        %parallel_loop3A_273 = arith.constant 16 : index
        %parallel_loop3A_274 = tpu.vector_load %arg5[%parallel_loop3A_272, %parallel_loop3A_273] {strides = array<i32>} : memref<512x64xf32, #tpu.memory_space<vmem>>, vector<1x16xf32>,
        %parallel_loop3A_275 = vector.shape_cast %parallel_loop3A_274 : vector<1x16xf32> to vector<16xf32>
        %parallel_loop3A_276 = arith.constant 0 : i32
        %parallel_loop3A_277 = arith.addi %parallel_loop3A_243, %parallel_loop3A_276 : i32
        %parallel_loop3A_278 = arith.index_cast %parallel_loop3A_277 : i32 to index
        %parallel_loop3A_279 = arith.constant 32 : index
        %parallel_loop3A_280 = tpu.vector_load %arg5[%parallel_loop3A_278, %parallel_loop3A_279] {strides = array<i32>} : memref<512x64xf32, #tpu.memory_space<vmem>>, vector<1x16xf32>,
        %parallel_loop3A_281 = vector.shape_cast %parallel_loop3A_280 : vector<1x16xf32> to vector<16xf32>
        %parallel_loop3A_282 = arith.constant 0 : i32
        %parallel_loop3A_283 = arith.addi %parallel_loop3A_243, %parallel_loop3A_282 : i32
        %parallel_loop3A_284 = arith.index_cast %parallel_loop3A_283 : i32 to index
        %parallel_loop3A_285 = arith.constant 48 : index
        %parallel_loop3A_286 = tpu.vector_load %arg5[%parallel_loop3A_284, %parallel_loop3A_285] {strides = array<i32>} : memref<512x64xf32, #tpu.memory_space<vmem>>, vector<1x16xf32>,
        %parallel_loop3A_287 = vector.shape_cast %parallel_loop3A_286 : vector<1x16xf32> to vector<16xf32>
        %parallel_loop3A_288 = arith.constant 0 : i32
        %parallel_loop3A_289 = vector.broadcast %parallel_loop3A_288 : i32 to vector<16x1xi32>
        %parallel_loop3A_290 = vector.shape_cast %parallel_loop3A_289 : vector<16x1xi32> to vector<16xi32>
        %parallel_loop3A_291 = tpu.dynamic_gather %parallel_loop3A_248[%parallel_loop3A_290] in [0] : vector<16xf32>, vector<16xi32> -> vector<16xf32>
        %parallel_loop3A_292 = arith.mulf %parallel_loop3A_291, %parallel_loop3A_269 : vector<16xf32>
        %parallel_loop3A_293 = arith.addf %parallel_loop3A_226, %parallel_loop3A_292 : vector<16xf32>
        %parallel_loop3A_294 = arith.mulf %parallel_loop3A_291, %parallel_loop3A_275 : vector<16xf32>
        %parallel_loop3A_295 = arith.addf %parallel_loop3A_227, %parallel_loop3A_294 : vector<16xf32>
        %parallel_loop3A_296 = arith.mulf %parallel_loop3A_291, %parallel_loop3A_281 : vector<16xf32>
        %parallel_loop3A_297 = arith.addf %parallel_loop3A_228, %parallel_loop3A_296 : vector<16xf32>
        %parallel_loop3A_298 = arith.mulf %parallel_loop3A_291, %parallel_loop3A_287 : vector<16xf32>
        %parallel_loop3A_299 = arith.addf %parallel_loop3A_229, %parallel_loop3A_298 : vector<16xf32>
        %parallel_loop3A_300 = arith.constant 0 : i32
        %parallel_loop3A_301 = vector.broadcast %parallel_loop3A_300 : i32 to vector<16x1xi32>
        %parallel_loop3A_302 = vector.shape_cast %parallel_loop3A_301 : vector<16x1xi32> to vector<16xi32>
        %parallel_loop3A_303 = tpu.dynamic_gather %parallel_loop3A_253[%parallel_loop3A_302] in [0] : vector<16xf32>, vector<16xi32> -> vector<16xf32>
        %parallel_loop3A_304 = arith.mulf %parallel_loop3A_303, %parallel_loop3A_269 : vector<16xf32>
        %parallel_loop3A_305 = arith.addf %parallel_loop3A_230, %parallel_loop3A_304 : vector<16xf32>
        %parallel_loop3A_306 = arith.mulf %parallel_loop3A_303, %parallel_loop3A_275 : vector<16xf32>
        %parallel_loop3A_307 = arith.addf %parallel_loop3A_231, %parallel_loop3A_306 : vector<16xf32>
        %parallel_loop3A_308 = arith.mulf %parallel_loop3A_303, %parallel_loop3A_281 : vector<16xf32>
        %parallel_loop3A_309 = arith.addf %parallel_loop3A_232, %parallel_loop3A_308 : vector<16xf32>
        %parallel_loop3A_310 = arith.mulf %parallel_loop3A_303, %parallel_loop3A_287 : vector<16xf32>
        %parallel_loop3A_311 = arith.addf %parallel_loop3A_233, %parallel_loop3A_310 : vector<16xf32>
        %parallel_loop3A_312 = arith.constant 0 : i32
        %parallel_loop3A_313 = vector.broadcast %parallel_loop3A_312 : i32 to vector<16x1xi32>
        %parallel_loop3A_314 = vector.shape_cast %parallel_loop3A_313 : vector<16x1xi32> to vector<16xi32>
        %parallel_loop3A_315 = tpu.dynamic_gather %parallel_loop3A_258[%parallel_loop3A_314] in [0] : vector<16xf32>, vector<16xi32> -> vector<16xf32>
        %parallel_loop3A_316 = arith.mulf %parallel_loop3A_315, %parallel_loop3A_269 : vector<16xf32>
        %parallel_loop3A_317 = arith.addf %parallel_loop3A_234, %parallel_loop3A_316 : vector<16xf32>
        %parallel_loop3A_318 = arith.mulf %parallel_loop3A_315, %parallel_loop3A_275 : vector<16xf32>
        %parallel_loop3A_319 = arith.addf %parallel_loop3A_235, %parallel_loop3A_318 : vector<16xf32>
        %parallel_loop3A_320 = arith.mulf %parallel_loop3A_315, %parallel_loop3A_281 : vector<16xf32>
        %parallel_loop3A_321 = arith.addf %parallel_loop3A_236, %parallel_loop3A_320 : vector<16xf32>
        %parallel_loop3A_322 = arith.mulf %parallel_loop3A_315, %parallel_loop3A_287 : vector<16xf32>
        %parallel_loop3A_323 = arith.addf %parallel_loop3A_237, %parallel_loop3A_322 : vector<16xf32>
        %parallel_loop3A_324 = arith.constant 0 : i32
        %parallel_loop3A_325 = vector.broadcast %parallel_loop3A_324 : i32 to vector<16x1xi32>
        %parallel_loop3A_326 = vector.shape_cast %parallel_loop3A_325 : vector<16x1xi32> to vector<16xi32>
        %parallel_loop3A_327 = tpu.dynamic_gather %parallel_loop3A_263[%parallel_loop3A_326] in [0] : vector<16xf32>, vector<16xi32> -> vector<16xf32>
        %parallel_loop3A_328 = arith.mulf %parallel_loop3A_327, %parallel_loop3A_269 : vector<16xf32>
        %parallel_loop3A_329 = arith.addf %parallel_loop3A_238, %parallel_loop3A_328 : vector<16xf32>
        %parallel_loop3A_330 = arith.mulf %parallel_loop3A_327, %parallel_loop3A_275 : vector<16xf32>
        %parallel_loop3A_331 = arith.addf %parallel_loop3A_239, %parallel_loop3A_330 : vector<16xf32>
        %parallel_loop3A_332 = arith.mulf %parallel_loop3A_327, %parallel_loop3A_281 : vector<16xf32>
        %parallel_loop3A_333 = arith.addf %parallel_loop3A_240, %parallel_loop3A_332 : vector<16xf32>
        %parallel_loop3A_334 = arith.mulf %parallel_loop3A_327, %parallel_loop3A_287 : vector<16xf32>
        %parallel_loop3A_335 = arith.addf %parallel_loop3A_241, %parallel_loop3A_334 : vector<16xf32>
        %parallel_loop3A_336 = arith.constant 1 : i32
        %parallel_loop3A_337 = arith.addi %parallel_loop3A_243, %parallel_loop3A_336 : i32
        %parallel_loop3A_338 = arith.index_cast %parallel_loop3A_337 : i32 to index
        %parallel_loop3A_339 = arith.constant 0 : index
        %parallel_loop3A_340 = tpu.vector_load %arg5[%parallel_loop3A_338, %parallel_loop3A_339] {strides = array<i32>} : memref<512x64xf32, #tpu.memory_space<vmem>>, vector<1x16xf32>,
        %parallel_loop3A_341 = vector.shape_cast %parallel_loop3A_340 : vector<1x16xf32> to vector<16xf32>
        %parallel_loop3A_342 = arith.constant 1 : i32
        %parallel_loop3A_343 = arith.addi %parallel_loop3A_243, %parallel_loop3A_342 : i32
        %parallel_loop3A_344 = arith.index_cast %parallel_loop3A_343 : i32 to index
        %parallel_loop3A_345 = arith.constant 16 : index
        %parallel_loop3A_346 = tpu.vector_load %arg5[%parallel_loop3A_344, %parallel_loop3A_345] {strides = array<i32>} : memref<512x64xf32, #tpu.memory_space<vmem>>, vector<1x16xf32>,
        %parallel_loop3A_347 = vector.shape_cast %parallel_loop3A_346 : vector<1x16xf32> to vector<16xf32>
        %parallel_loop3A_348 = arith.constant 1 : i32
        %parallel_loop3A_349 = arith.addi %parallel_loop3A_243, %parallel_loop3A_348 : i32
        %parallel_loop3A_350 = arith.index_cast %parallel_loop3A_349 : i32 to index
        %parallel_loop3A_351 = arith.constant 32 : index
        %parallel_loop3A_352 = tpu.vector_load %arg5[%parallel_loop3A_350, %parallel_loop3A_351] {strides = array<i32>} : memref<512x64xf32, #tpu.memory_space<vmem>>, vector<1x16xf32>,
        %parallel_loop3A_353 = vector.shape_cast %parallel_loop3A_352 : vector<1x16xf32> to vector<16xf32>
        %parallel_loop3A_354 = arith.constant 1 : i32
        %parallel_loop3A_355 = arith.addi %parallel_loop3A_243, %parallel_loop3A_354 : i32
        %parallel_loop3A_356 = arith.index_cast %parallel_loop3A_355 : i32 to index
        %parallel_loop3A_357 = arith.constant 48 : index
        %parallel_loop3A_358 = tpu.vector_load %arg5[%parallel_loop3A_356, %parallel_loop3A_357] {strides = array<i32>} : memref<512x64xf32, #tpu.memory_space<vmem>>, vector<1x16xf32>,
        %parallel_loop3A_359 = vector.shape_cast %parallel_loop3A_358 : vector<1x16xf32> to vector<16xf32>
        %parallel_loop3A_360 = arith.constant 1 : i32
        %parallel_loop3A_361 = vector.broadcast %parallel_loop3A_360 : i32 to vector<16x1xi32>
        %parallel_loop3A_362 = vector.shape_cast %parallel_loop3A_361 : vector<16x1xi32> to vector<16xi32>
        %parallel_loop3A_363 = tpu.dynamic_gather %parallel_loop3A_248[%parallel_loop3A_362] in [0] : vector<16xf32>, vector<16xi32> -> vector<16xf32>
        %parallel_loop3A_364 = arith.mulf %parallel_loop3A_363, %parallel_loop3A_341 : vector<16xf32>
        %parallel_loop3A_365 = arith.addf %parallel_loop3A_293, %parallel_loop3A_364 : vector<16xf32>
        %parallel_loop3A_366 = arith.mulf %parallel_loop3A_363, %parallel_loop3A_347 : vector<16xf32>
        %parallel_loop3A_367 = arith.addf %parallel_loop3A_295, %parallel_loop3A_366 : vector<16xf32>
        %parallel_loop3A_368 = arith.mulf %parallel_loop3A_363, %parallel_loop3A_353 : vector<16xf32>
        %parallel_loop3A_369 = arith.addf %parallel_loop3A_297, %parallel_loop3A_368 : vector<16xf32>
        %parallel_loop3A_370 = arith.mulf %parallel_loop3A_363, %parallel_loop3A_359 : vector<16xf32>
        %parallel_loop3A_371 = arith.addf %parallel_loop3A_299, %parallel_loop3A_370 : vector<16xf32>
        %parallel_loop3A_372 = arith.constant 1 : i32
        %parallel_loop3A_373 = vector.broadcast %parallel_loop3A_372 : i32 to vector<16x1xi32>
        %parallel_loop3A_374 = vector.shape_cast %parallel_loop3A_373 : vector<16x1xi32> to vector<16xi32>
        %parallel_loop3A_375 = tpu.dynamic_gather %parallel_loop3A_253[%parallel_loop3A_374] in [0] : vector<16xf32>, vector<16xi32> -> vector<16xf32>
        %parallel_loop3A_376 = arith.mulf %parallel_loop3A_375, %parallel_loop3A_341 : vector<16xf32>
        %parallel_loop3A_377 = arith.addf %parallel_loop3A_305, %parallel_loop3A_376 : vector<16xf32>
        %parallel_loop3A_378 = arith.mulf %parallel_loop3A_375, %parallel_loop3A_347 : vector<16xf32>
        %parallel_loop3A_379 = arith.addf %parallel_loop3A_307, %parallel_loop3A_378 : vector<16xf32>
        %parallel_loop3A_380 = arith.mulf %parallel_loop3A_375, %parallel_loop3A_353 : vector<16xf32>
        %parallel_loop3A_381 = arith.addf %parallel_loop3A_309, %parallel_loop3A_380 : vector<16xf32>
        %parallel_loop3A_382 = arith.mulf %parallel_loop3A_375, %parallel_loop3A_359 : vector<16xf32>
        %parallel_loop3A_383 = arith.addf %parallel_loop3A_311, %parallel_loop3A_382 : vector<16xf32>
        %parallel_loop3A_384 = arith.constant 1 : i32
        %parallel_loop3A_385 = vector.broadcast %parallel_loop3A_384 : i32 to vector<16x1xi32>
        %parallel_loop3A_386 = vector.shape_cast %parallel_loop3A_385 : vector<16x1xi32> to vector<16xi32>
        %parallel_loop3A_387 = tpu.dynamic_gather %parallel_loop3A_258[%parallel_loop3A_386] in [0] : vector<16xf32>, vector<16xi32> -> vector<16xf32>
        %parallel_loop3A_388 = arith.mulf %parallel_loop3A_387, %parallel_loop3A_341 : vector<16xf32>
        %parallel_loop3A_389 = arith.addf %parallel_loop3A_317, %parallel_loop3A_388 : vector<16xf32>
        %parallel_loop3A_390 = arith.mulf %parallel_loop3A_387, %parallel_loop3A_347 : vector<16xf32>
        %parallel_loop3A_391 = arith.addf %parallel_loop3A_319, %parallel_loop3A_390 : vector<16xf32>
        %parallel_loop3A_392 = arith.mulf %parallel_loop3A_387, %parallel_loop3A_353 : vector<16xf32>
        %parallel_loop3A_393 = arith.addf %parallel_loop3A_321, %parallel_loop3A_392 : vector<16xf32>
        %parallel_loop3A_394 = arith.mulf %parallel_loop3A_387, %parallel_loop3A_359 : vector<16xf32>
        %parallel_loop3A_395 = arith.addf %parallel_loop3A_323, %parallel_loop3A_394 : vector<16xf32>
        %parallel_loop3A_396 = arith.constant 1 : i32
        %parallel_loop3A_397 = vector.broadcast %parallel_loop3A_396 : i32 to vector<16x1xi32>
        %parallel_loop3A_398 = vector.shape_cast %parallel_loop3A_397 : vector<16x1xi32> to vector<16xi32>
        %parallel_loop3A_399 = tpu.dynamic_gather %parallel_loop3A_263[%parallel_loop3A_398] in [0] : vector<16xf32>, vector<16xi32> -> vector<16xf32>
        %parallel_loop3A_400 = arith.mulf %parallel_loop3A_399, %parallel_loop3A_341 : vector<16xf32>
        %parallel_loop3A_401 = arith.addf %parallel_loop3A_329, %parallel_loop3A_400 : vector<16xf32>
        %parallel_loop3A_402 = arith.mulf %parallel_loop3A_399, %parallel_loop3A_347 : vector<16xf32>
        %parallel_loop3A_403 = arith.addf %parallel_loop3A_331, %parallel_loop3A_402 : vector<16xf32>
        %parallel_loop3A_404 = arith.mulf %parallel_loop3A_399, %parallel_loop3A_353 : vector<16xf32>
        %parallel_loop3A_405 = arith.addf %parallel_loop3A_333, %parallel_loop3A_404 : vector<16xf32>
        %parallel_loop3A_406 = arith.mulf %parallel_loop3A_399, %parallel_loop3A_359 : vector<16xf32>
        %parallel_loop3A_407 = arith.addf %parallel_loop3A_335, %parallel_loop3A_406 : vector<16xf32>
        %parallel_loop3A_408 = arith.constant 2 : i32
        %parallel_loop3A_409 = arith.addi %parallel_loop3A_243, %parallel_loop3A_408 : i32
        %parallel_loop3A_410 = arith.index_cast %parallel_loop3A_409 : i32 to index
        %parallel_loop3A_411 = arith.constant 0 : index
        %parallel_loop3A_412 = tpu.vector_load %arg5[%parallel_loop3A_410, %parallel_loop3A_411] {strides = array<i32>} : memref<512x64xf32, #tpu.memory_space<vmem>>, vector<1x16xf32>,
        %parallel_loop3A_413 = vector.shape_cast %parallel_loop3A_412 : vector<1x16xf32> to vector<16xf32>
        %parallel_loop3A_414 = arith.constant 2 : i32
        %parallel_loop3A_415 = arith.addi %parallel_loop3A_243, %parallel_loop3A_414 : i32
        %parallel_loop3A_416 = arith.index_cast %parallel_loop3A_415 : i32 to index
        %parallel_loop3A_417 = arith.constant 16 : index
        %parallel_loop3A_418 = tpu.vector_load %arg5[%parallel_loop3A_416, %parallel_loop3A_417] {strides = array<i32>} : memref<512x64xf32, #tpu.memory_space<vmem>>, vector<1x16xf32>,
        %parallel_loop3A_419 = vector.shape_cast %parallel_loop3A_418 : vector<1x16xf32> to vector<16xf32>
        %parallel_loop3A_420 = arith.constant 2 : i32
        %parallel_loop3A_421 = arith.addi %parallel_loop3A_243, %parallel_loop3A_420 : i32
        %parallel_loop3A_422 = arith.index_cast %parallel_loop3A_421 : i32 to index
        %parallel_loop3A_423 = arith.constant 32 : index
        %parallel_loop3A_424 = tpu.vector_load %arg5[%parallel_loop3A_422, %parallel_loop3A_423] {strides = array<i32>} : memref<512x64xf32, #tpu.memory_space<vmem>>, vector<1x16xf32>,
        %parallel_loop3A_425 = vector.shape_cast %parallel_loop3A_424 : vector<1x16xf32> to vector<16xf32>
        %parallel_loop3A_426 = arith.constant 2 : i32
        %parallel_loop3A_427 = arith.addi %parallel_loop3A_243, %parallel_loop3A_426 : i32
        %parallel_loop3A_428 = arith.index_cast %parallel_loop3A_427 : i32 to index
        %parallel_loop3A_429 = arith.constant 48 : index
        %parallel_loop3A_430 = tpu.vector_load %arg5[%parallel_loop3A_428, %parallel_loop3A_429] {strides = array<i32>} : memref<512x64xf32, #tpu.memory_space<vmem>>, vector<1x16xf32>,
        %parallel_loop3A_431 = vector.shape_cast %parallel_loop3A_430 : vector<1x16xf32> to vector<16xf32>
        %parallel_loop3A_432 = arith.constant 2 : i32
        %parallel_loop3A_433 = vector.broadcast %parallel_loop3A_432 : i32 to vector<16x1xi32>
        %parallel_loop3A_434 = vector.shape_cast %parallel_loop3A_433 : vector<16x1xi32> to vector<16xi32>
        %parallel_loop3A_435 = tpu.dynamic_gather %parallel_loop3A_248[%parallel_loop3A_434] in [0] : vector<16xf32>, vector<16xi32> -> vector<16xf32>
        %parallel_loop3A_436 = arith.mulf %parallel_loop3A_435, %parallel_loop3A_413 : vector<16xf32>
        %parallel_loop3A_437 = arith.addf %parallel_loop3A_365, %parallel_loop3A_436 : vector<16xf32>
        %parallel_loop3A_438 = arith.mulf %parallel_loop3A_435, %parallel_loop3A_419 : vector<16xf32>
        %parallel_loop3A_439 = arith.addf %parallel_loop3A_367, %parallel_loop3A_438 : vector<16xf32>
        %parallel_loop3A_440 = arith.mulf %parallel_loop3A_435, %parallel_loop3A_425 : vector<16xf32>
        %parallel_loop3A_441 = arith.addf %parallel_loop3A_369, %parallel_loop3A_440 : vector<16xf32>
        %parallel_loop3A_442 = arith.mulf %parallel_loop3A_435, %parallel_loop3A_431 : vector<16xf32>
        %parallel_loop3A_443 = arith.addf %parallel_loop3A_371, %parallel_loop3A_442 : vector<16xf32>
        %parallel_loop3A_444 = arith.constant 2 : i32
        %parallel_loop3A_445 = vector.broadcast %parallel_loop3A_444 : i32 to vector<16x1xi32>
        %parallel_loop3A_446 = vector.shape_cast %parallel_loop3A_445 : vector<16x1xi32> to vector<16xi32>
        %parallel_loop3A_447 = tpu.dynamic_gather %parallel_loop3A_253[%parallel_loop3A_446] in [0] : vector<16xf32>, vector<16xi32> -> vector<16xf32>
        %parallel_loop3A_448 = arith.mulf %parallel_loop3A_447, %parallel_loop3A_413 : vector<16xf32>
        %parallel_loop3A_449 = arith.addf %parallel_loop3A_377, %parallel_loop3A_448 : vector<16xf32>
        %parallel_loop3A_450 = arith.mulf %parallel_loop3A_447, %parallel_loop3A_419 : vector<16xf32>
        %parallel_loop3A_451 = arith.addf %parallel_loop3A_379, %parallel_loop3A_450 : vector<16xf32>
        %parallel_loop3A_452 = arith.mulf %parallel_loop3A_447, %parallel_loop3A_425 : vector<16xf32>
        %parallel_loop3A_453 = arith.addf %parallel_loop3A_381, %parallel_loop3A_452 : vector<16xf32>
        %parallel_loop3A_454 = arith.mulf %parallel_loop3A_447, %parallel_loop3A_431 : vector<16xf32>
        %parallel_loop3A_455 = arith.addf %parallel_loop3A_383, %parallel_loop3A_454 : vector<16xf32>
        %parallel_loop3A_456 = arith.constant 2 : i32
        %parallel_loop3A_457 = vector.broadcast %parallel_loop3A_456 : i32 to vector<16x1xi32>
        %parallel_loop3A_458 = vector.shape_cast %parallel_loop3A_457 : vector<16x1xi32> to vector<16xi32>
        %parallel_loop3A_459 = tpu.dynamic_gather %parallel_loop3A_258[%parallel_loop3A_458] in [0] : vector<16xf32>, vector<16xi32> -> vector<16xf32>
        %parallel_loop3A_460 = arith.mulf %parallel_loop3A_459, %parallel_loop3A_413 : vector<16xf32>
        %parallel_loop3A_461 = arith.addf %parallel_loop3A_389, %parallel_loop3A_460 : vector<16xf32>
        %parallel_loop3A_462 = arith.mulf %parallel_loop3A_459, %parallel_loop3A_419 : vector<16xf32>
        %parallel_loop3A_463 = arith.addf %parallel_loop3A_391, %parallel_loop3A_462 : vector<16xf32>
        %parallel_loop3A_464 = arith.mulf %parallel_loop3A_459, %parallel_loop3A_425 : vector<16xf32>
        %parallel_loop3A_465 = arith.addf %parallel_loop3A_393, %parallel_loop3A_464 : vector<16xf32>
        %parallel_loop3A_466 = arith.mulf %parallel_loop3A_459, %parallel_loop3A_431 : vector<16xf32>
        %parallel_loop3A_467 = arith.addf %parallel_loop3A_395, %parallel_loop3A_466 : vector<16xf32>
        %parallel_loop3A_468 = arith.constant 2 : i32
        %parallel_loop3A_469 = vector.broadcast %parallel_loop3A_468 : i32 to vector<16x1xi32>
        %parallel_loop3A_470 = vector.shape_cast %parallel_loop3A_469 : vector<16x1xi32> to vector<16xi32>
        %parallel_loop3A_471 = tpu.dynamic_gather %parallel_loop3A_263[%parallel_loop3A_470] in [0] : vector<16xf32>, vector<16xi32> -> vector<16xf32>
        %parallel_loop3A_472 = arith.mulf %parallel_loop3A_471, %parallel_loop3A_413 : vector<16xf32>
        %parallel_loop3A_473 = arith.addf %parallel_loop3A_401, %parallel_loop3A_472 : vector<16xf32>
        %parallel_loop3A_474 = arith.mulf %parallel_loop3A_471, %parallel_loop3A_419 : vector<16xf32>
        %parallel_loop3A_475 = arith.addf %parallel_loop3A_403, %parallel_loop3A_474 : vector<16xf32>
        %parallel_loop3A_476 = arith.mulf %parallel_loop3A_471, %parallel_loop3A_425 : vector<16xf32>
        %parallel_loop3A_477 = arith.addf %parallel_loop3A_405, %parallel_loop3A_476 : vector<16xf32>
        %parallel_loop3A_478 = arith.mulf %parallel_loop3A_471, %parallel_loop3A_431 : vector<16xf32>
        %parallel_loop3A_479 = arith.addf %parallel_loop3A_407, %parallel_loop3A_478 : vector<16xf32>
        %parallel_loop3A_480 = arith.constant 3 : i32
        %parallel_loop3A_481 = arith.addi %parallel_loop3A_243, %parallel_loop3A_480 : i32
        %parallel_loop3A_482 = arith.index_cast %parallel_loop3A_481 : i32 to index
        %parallel_loop3A_483 = arith.constant 0 : index
        %parallel_loop3A_484 = tpu.vector_load %arg5[%parallel_loop3A_482, %parallel_loop3A_483] {strides = array<i32>} : memref<512x64xf32, #tpu.memory_space<vmem>>, vector<1x16xf32>,
        %parallel_loop3A_485 = vector.shape_cast %parallel_loop3A_484 : vector<1x16xf32> to vector<16xf32>
        %parallel_loop3A_486 = arith.constant 3 : i32
        %parallel_loop3A_487 = arith.addi %parallel_loop3A_243, %parallel_loop3A_486 : i32
        %parallel_loop3A_488 = arith.index_cast %parallel_loop3A_487 : i32 to index
        %parallel_loop3A_489 = arith.constant 16 : index
        %parallel_loop3A_490 = tpu.vector_load %arg5[%parallel_loop3A_488, %parallel_loop3A_489] {strides = array<i32>} : memref<512x64xf32, #tpu.memory_space<vmem>>, vector<1x16xf32>,
        %parallel_loop3A_491 = vector.shape_cast %parallel_loop3A_490 : vector<1x16xf32> to vector<16xf32>
        %parallel_loop3A_492 = arith.constant 3 : i32
        %parallel_loop3A_493 = arith.addi %parallel_loop3A_243, %parallel_loop3A_492 : i32
        %parallel_loop3A_494 = arith.index_cast %parallel_loop3A_493 : i32 to index
        %parallel_loop3A_495 = arith.constant 32 : index
        %parallel_loop3A_496 = tpu.vector_load %arg5[%parallel_loop3A_494, %parallel_loop3A_495] {strides = array<i32>} : memref<512x64xf32, #tpu.memory_space<vmem>>, vector<1x16xf32>,
        %parallel_loop3A_497 = vector.shape_cast %parallel_loop3A_496 : vector<1x16xf32> to vector<16xf32>
        %parallel_loop3A_498 = arith.constant 3 : i32
        %parallel_loop3A_499 = arith.addi %parallel_loop3A_243, %parallel_loop3A_498 : i32
        %parallel_loop3A_500 = arith.index_cast %parallel_loop3A_499 : i32 to index
        %parallel_loop3A_501 = arith.constant 48 : index
        %parallel_loop3A_502 = tpu.vector_load %arg5[%parallel_loop3A_500, %parallel_loop3A_501] {strides = array<i32>} : memref<512x64xf32, #tpu.memory_space<vmem>>, vector<1x16xf32>,
        %parallel_loop3A_503 = vector.shape_cast %parallel_loop3A_502 : vector<1x16xf32> to vector<16xf32>
        %parallel_loop3A_504 = arith.constant 3 : i32
        %parallel_loop3A_505 = vector.broadcast %parallel_loop3A_504 : i32 to vector<16x1xi32>
        %parallel_loop3A_506 = vector.shape_cast %parallel_loop3A_505 : vector<16x1xi32> to vector<16xi32>
        %parallel_loop3A_507 = tpu.dynamic_gather %parallel_loop3A_248[%parallel_loop3A_506] in [0] : vector<16xf32>, vector<16xi32> -> vector<16xf32>
        %parallel_loop3A_508 = arith.mulf %parallel_loop3A_507, %parallel_loop3A_485 : vector<16xf32>
        %parallel_loop3A_509 = arith.addf %parallel_loop3A_437, %parallel_loop3A_508 : vector<16xf32>
        %parallel_loop3A_510 = arith.mulf %parallel_loop3A_507, %parallel_loop3A_491 : vector<16xf32>
        %parallel_loop3A_511 = arith.addf %parallel_loop3A_439, %parallel_loop3A_510 : vector<16xf32>
        %parallel_loop3A_512 = arith.mulf %parallel_loop3A_507, %parallel_loop3A_497 : vector<16xf32>
        %parallel_loop3A_513 = arith.addf %parallel_loop3A_441, %parallel_loop3A_512 : vector<16xf32>
        %parallel_loop3A_514 = arith.mulf %parallel_loop3A_507, %parallel_loop3A_503 : vector<16xf32>
        %parallel_loop3A_515 = arith.addf %parallel_loop3A_443, %parallel_loop3A_514 : vector<16xf32>
        %parallel_loop3A_516 = arith.constant 3 : i32
        %parallel_loop3A_517 = vector.broadcast %parallel_loop3A_516 : i32 to vector<16x1xi32>
        %parallel_loop3A_518 = vector.shape_cast %parallel_loop3A_517 : vector<16x1xi32> to vector<16xi32>
        %parallel_loop3A_519 = tpu.dynamic_gather %parallel_loop3A_253[%parallel_loop3A_518] in [0] : vector<16xf32>, vector<16xi32> -> vector<16xf32>
        %parallel_loop3A_520 = arith.mulf %parallel_loop3A_519, %parallel_loop3A_485 : vector<16xf32>
        %parallel_loop3A_521 = arith.addf %parallel_loop3A_449, %parallel_loop3A_520 : vector<16xf32>
        %parallel_loop3A_522 = arith.mulf %parallel_loop3A_519, %parallel_loop3A_491 : vector<16xf32>
        %parallel_loop3A_523 = arith.addf %parallel_loop3A_451, %parallel_loop3A_522 : vector<16xf32>
        %parallel_loop3A_524 = arith.mulf %parallel_loop3A_519, %parallel_loop3A_497 : vector<16xf32>
        %parallel_loop3A_525 = arith.addf %parallel_loop3A_453, %parallel_loop3A_524 : vector<16xf32>
        %parallel_loop3A_526 = arith.mulf %parallel_loop3A_519, %parallel_loop3A_503 : vector<16xf32>
        %parallel_loop3A_527 = arith.addf %parallel_loop3A_455, %parallel_loop3A_526 : vector<16xf32>
        %parallel_loop3A_528 = arith.constant 3 : i32
        %parallel_loop3A_529 = vector.broadcast %parallel_loop3A_528 : i32 to vector<16x1xi32>
        %parallel_loop3A_530 = vector.shape_cast %parallel_loop3A_529 : vector<16x1xi32> to vector<16xi32>
        %parallel_loop3A_531 = tpu.dynamic_gather %parallel_loop3A_258[%parallel_loop3A_530] in [0] : vector<16xf32>, vector<16xi32> -> vector<16xf32>
        %parallel_loop3A_532 = arith.mulf %parallel_loop3A_531, %parallel_loop3A_485 : vector<16xf32>
        %parallel_loop3A_533 = arith.addf %parallel_loop3A_461, %parallel_loop3A_532 : vector<16xf32>
        %parallel_loop3A_534 = arith.mulf %parallel_loop3A_531, %parallel_loop3A_491 : vector<16xf32>
        %parallel_loop3A_535 = arith.addf %parallel_loop3A_463, %parallel_loop3A_534 : vector<16xf32>
        %parallel_loop3A_536 = arith.mulf %parallel_loop3A_531, %parallel_loop3A_497 : vector<16xf32>
        %parallel_loop3A_537 = arith.addf %parallel_loop3A_465, %parallel_loop3A_536 : vector<16xf32>
        %parallel_loop3A_538 = arith.mulf %parallel_loop3A_531, %parallel_loop3A_503 : vector<16xf32>
        %parallel_loop3A_539 = arith.addf %parallel_loop3A_467, %parallel_loop3A_538 : vector<16xf32>
        %parallel_loop3A_540 = arith.constant 3 : i32
        %parallel_loop3A_541 = vector.broadcast %parallel_loop3A_540 : i32 to vector<16x1xi32>
        %parallel_loop3A_542 = vector.shape_cast %parallel_loop3A_541 : vector<16x1xi32> to vector<16xi32>
        %parallel_loop3A_543 = tpu.dynamic_gather %parallel_loop3A_263[%parallel_loop3A_542] in [0] : vector<16xf32>, vector<16xi32> -> vector<16xf32>
        %parallel_loop3A_544 = arith.mulf %parallel_loop3A_543, %parallel_loop3A_485 : vector<16xf32>
        %parallel_loop3A_545 = arith.addf %parallel_loop3A_473, %parallel_loop3A_544 : vector<16xf32>
        %parallel_loop3A_546 = arith.mulf %parallel_loop3A_543, %parallel_loop3A_491 : vector<16xf32>
        %parallel_loop3A_547 = arith.addf %parallel_loop3A_475, %parallel_loop3A_546 : vector<16xf32>
        %parallel_loop3A_548 = arith.mulf %parallel_loop3A_543, %parallel_loop3A_497 : vector<16xf32>
        %parallel_loop3A_549 = arith.addf %parallel_loop3A_477, %parallel_loop3A_548 : vector<16xf32>
        %parallel_loop3A_550 = arith.mulf %parallel_loop3A_543, %parallel_loop3A_503 : vector<16xf32>
        %parallel_loop3A_551 = arith.addf %parallel_loop3A_479, %parallel_loop3A_550 : vector<16xf32>
        %parallel_loop3A_552 = arith.constant 4 : i32
        %parallel_loop3A_553 = arith.addi %parallel_loop3A_243, %parallel_loop3A_552 : i32
        %parallel_loop3A_554 = arith.index_cast %parallel_loop3A_553 : i32 to index
        %parallel_loop3A_555 = arith.constant 0 : index
        %parallel_loop3A_556 = tpu.vector_load %arg5[%parallel_loop3A_554, %parallel_loop3A_555] {strides = array<i32>} : memref<512x64xf32, #tpu.memory_space<vmem>>, vector<1x16xf32>,
        %parallel_loop3A_557 = vector.shape_cast %parallel_loop3A_556 : vector<1x16xf32> to vector<16xf32>
        %parallel_loop3A_558 = arith.constant 4 : i32
        %parallel_loop3A_559 = arith.addi %parallel_loop3A_243, %parallel_loop3A_558 : i32
        %parallel_loop3A_560 = arith.index_cast %parallel_loop3A_559 : i32 to index
        %parallel_loop3A_561 = arith.constant 16 : index
        %parallel_loop3A_562 = tpu.vector_load %arg5[%parallel_loop3A_560, %parallel_loop3A_561] {strides = array<i32>} : memref<512x64xf32, #tpu.memory_space<vmem>>, vector<1x16xf32>,
        %parallel_loop3A_563 = vector.shape_cast %parallel_loop3A_562 : vector<1x16xf32> to vector<16xf32>
        %parallel_loop3A_564 = arith.constant 4 : i32
        %parallel_loop3A_565 = arith.addi %parallel_loop3A_243, %parallel_loop3A_564 : i32
        %parallel_loop3A_566 = arith.index_cast %parallel_loop3A_565 : i32 to index
        %parallel_loop3A_567 = arith.constant 32 : index
        %parallel_loop3A_568 = tpu.vector_load %arg5[%parallel_loop3A_566, %parallel_loop3A_567] {strides = array<i32>} : memref<512x64xf32, #tpu.memory_space<vmem>>, vector<1x16xf32>,
        %parallel_loop3A_569 = vector.shape_cast %parallel_loop3A_568 : vector<1x16xf32> to vector<16xf32>
        %parallel_loop3A_570 = arith.constant 4 : i32
        %parallel_loop3A_571 = arith.addi %parallel_loop3A_243, %parallel_loop3A_570 : i32
        %parallel_loop3A_572 = arith.index_cast %parallel_loop3A_571 : i32 to index
        %parallel_loop3A_573 = arith.constant 48 : index
        %parallel_loop3A_574 = tpu.vector_load %arg5[%parallel_loop3A_572, %parallel_loop3A_573] {strides = array<i32>} : memref<512x64xf32, #tpu.memory_space<vmem>>, vector<1x16xf32>,
        %parallel_loop3A_575 = vector.shape_cast %parallel_loop3A_574 : vector<1x16xf32> to vector<16xf32>
        %parallel_loop3A_576 = arith.constant 4 : i32
        %parallel_loop3A_577 = vector.broadcast %parallel_loop3A_576 : i32 to vector<16x1xi32>
        %parallel_loop3A_578 = vector.shape_cast %parallel_loop3A_577 : vector<16x1xi32> to vector<16xi32>
        %parallel_loop3A_579 = tpu.dynamic_gather %parallel_loop3A_248[%parallel_loop3A_578] in [0] : vector<16xf32>, vector<16xi32> -> vector<16xf32>
        %parallel_loop3A_580 = arith.mulf %parallel_loop3A_579, %parallel_loop3A_557 : vector<16xf32>
        %parallel_loop3A_581 = arith.addf %parallel_loop3A_509, %parallel_loop3A_580 : vector<16xf32>
        %parallel_loop3A_582 = arith.mulf %parallel_loop3A_579, %parallel_loop3A_563 : vector<16xf32>
        %parallel_loop3A_583 = arith.addf %parallel_loop3A_511, %parallel_loop3A_582 : vector<16xf32>
        %parallel_loop3A_584 = arith.mulf %parallel_loop3A_579, %parallel_loop3A_569 : vector<16xf32>
        %parallel_loop3A_585 = arith.addf %parallel_loop3A_513, %parallel_loop3A_584 : vector<16xf32>
        %parallel_loop3A_586 = arith.mulf %parallel_loop3A_579, %parallel_loop3A_575 : vector<16xf32>
        %parallel_loop3A_587 = arith.addf %parallel_loop3A_515, %parallel_loop3A_586 : vector<16xf32>
        %parallel_loop3A_588 = arith.constant 4 : i32
        %parallel_loop3A_589 = vector.broadcast %parallel_loop3A_588 : i32 to vector<16x1xi32>
        %parallel_loop3A_590 = vector.shape_cast %parallel_loop3A_589 : vector<16x1xi32> to vector<16xi32>
        %parallel_loop3A_591 = tpu.dynamic_gather %parallel_loop3A_253[%parallel_loop3A_590] in [0] : vector<16xf32>, vector<16xi32> -> vector<16xf32>
        %parallel_loop3A_592 = arith.mulf %parallel_loop3A_591, %parallel_loop3A_557 : vector<16xf32>
        %parallel_loop3A_593 = arith.addf %parallel_loop3A_521, %parallel_loop3A_592 : vector<16xf32>
        %parallel_loop3A_594 = arith.mulf %parallel_loop3A_591, %parallel_loop3A_563 : vector<16xf32>
        %parallel_loop3A_595 = arith.addf %parallel_loop3A_523, %parallel_loop3A_594 : vector<16xf32>
        %parallel_loop3A_596 = arith.mulf %parallel_loop3A_591, %parallel_loop3A_569 : vector<16xf32>
        %parallel_loop3A_597 = arith.addf %parallel_loop3A_525, %parallel_loop3A_596 : vector<16xf32>
        %parallel_loop3A_598 = arith.mulf %parallel_loop3A_591, %parallel_loop3A_575 : vector<16xf32>
        %parallel_loop3A_599 = arith.addf %parallel_loop3A_527, %parallel_loop3A_598 : vector<16xf32>
        %parallel_loop3A_600 = arith.constant 4 : i32
        %parallel_loop3A_601 = vector.broadcast %parallel_loop3A_600 : i32 to vector<16x1xi32>
        %parallel_loop3A_602 = vector.shape_cast %parallel_loop3A_601 : vector<16x1xi32> to vector<16xi32>
        %parallel_loop3A_603 = tpu.dynamic_gather %parallel_loop3A_258[%parallel_loop3A_602] in [0] : vector<16xf32>, vector<16xi32> -> vector<16xf32>
        %parallel_loop3A_604 = arith.mulf %parallel_loop3A_603, %parallel_loop3A_557 : vector<16xf32>
        %parallel_loop3A_605 = arith.addf %parallel_loop3A_533, %parallel_loop3A_604 : vector<16xf32>
        %parallel_loop3A_606 = arith.mulf %parallel_loop3A_603, %parallel_loop3A_563 : vector<16xf32>
        %parallel_loop3A_607 = arith.addf %parallel_loop3A_535, %parallel_loop3A_606 : vector<16xf32>
        %parallel_loop3A_608 = arith.mulf %parallel_loop3A_603, %parallel_loop3A_569 : vector<16xf32>
        %parallel_loop3A_609 = arith.addf %parallel_loop3A_537, %parallel_loop3A_608 : vector<16xf32>
        %parallel_loop3A_610 = arith.mulf %parallel_loop3A_603, %parallel_loop3A_575 : vector<16xf32>
        %parallel_loop3A_611 = arith.addf %parallel_loop3A_539, %parallel_loop3A_610 : vector<16xf32>
        %parallel_loop3A_612 = arith.constant 4 : i32
        %parallel_loop3A_613 = vector.broadcast %parallel_loop3A_612 : i32 to vector<16x1xi32>
        %parallel_loop3A_614 = vector.shape_cast %parallel_loop3A_613 : vector<16x1xi32> to vector<16xi32>
        %parallel_loop3A_615 = tpu.dynamic_gather %parallel_loop3A_263[%parallel_loop3A_614] in [0] : vector<16xf32>, vector<16xi32> -> vector<16xf32>
        %parallel_loop3A_616 = arith.mulf %parallel_loop3A_615, %parallel_loop3A_557 : vector<16xf32>
        %parallel_loop3A_617 = arith.addf %parallel_loop3A_545, %parallel_loop3A_616 : vector<16xf32>
        %parallel_loop3A_618 = arith.mulf %parallel_loop3A_615, %parallel_loop3A_563 : vector<16xf32>
        %parallel_loop3A_619 = arith.addf %parallel_loop3A_547, %parallel_loop3A_618 : vector<16xf32>
        %parallel_loop3A_620 = arith.mulf %parallel_loop3A_615, %parallel_loop3A_569 : vector<16xf32>
        %parallel_loop3A_621 = arith.addf %parallel_loop3A_549, %parallel_loop3A_620 : vector<16xf32>
        %parallel_loop3A_622 = arith.mulf %parallel_loop3A_615, %parallel_loop3A_575 : vector<16xf32>
        %parallel_loop3A_623 = arith.addf %parallel_loop3A_551, %parallel_loop3A_622 : vector<16xf32>
        %parallel_loop3A_624 = arith.constant 5 : i32
        %parallel_loop3A_625 = arith.addi %parallel_loop3A_243, %parallel_loop3A_624 : i32
        %parallel_loop3A_626 = arith.index_cast %parallel_loop3A_625 : i32 to index
        %parallel_loop3A_627 = arith.constant 0 : index
        %parallel_loop3A_628 = tpu.vector_load %arg5[%parallel_loop3A_626, %parallel_loop3A_627] {strides = array<i32>} : memref<512x64xf32, #tpu.memory_space<vmem>>, vector<1x16xf32>,
        %parallel_loop3A_629 = vector.shape_cast %parallel_loop3A_628 : vector<1x16xf32> to vector<16xf32>
        %parallel_loop3A_630 = arith.constant 5 : i32
        %parallel_loop3A_631 = arith.addi %parallel_loop3A_243, %parallel_loop3A_630 : i32
        %parallel_loop3A_632 = arith.index_cast %parallel_loop3A_631 : i32 to index
        %parallel_loop3A_633 = arith.constant 16 : index
        %parallel_loop3A_634 = tpu.vector_load %arg5[%parallel_loop3A_632, %parallel_loop3A_633] {strides = array<i32>} : memref<512x64xf32, #tpu.memory_space<vmem>>, vector<1x16xf32>,
        %parallel_loop3A_635 = vector.shape_cast %parallel_loop3A_634 : vector<1x16xf32> to vector<16xf32>
        %parallel_loop3A_636 = arith.constant 5 : i32
        %parallel_loop3A_637 = arith.addi %parallel_loop3A_243, %parallel_loop3A_636 : i32
        %parallel_loop3A_638 = arith.index_cast %parallel_loop3A_637 : i32 to index
        %parallel_loop3A_639 = arith.constant 32 : index
        %parallel_loop3A_640 = tpu.vector_load %arg5[%parallel_loop3A_638, %parallel_loop3A_639] {strides = array<i32>} : memref<512x64xf32, #tpu.memory_space<vmem>>, vector<1x16xf32>,
        %parallel_loop3A_641 = vector.shape_cast %parallel_loop3A_640 : vector<1x16xf32> to vector<16xf32>
        %parallel_loop3A_642 = arith.constant 5 : i32
        %parallel_loop3A_643 = arith.addi %parallel_loop3A_243, %parallel_loop3A_642 : i32
        %parallel_loop3A_644 = arith.index_cast %parallel_loop3A_643 : i32 to index
        %parallel_loop3A_645 = arith.constant 48 : index
        %parallel_loop3A_646 = tpu.vector_load %arg5[%parallel_loop3A_644, %parallel_loop3A_645] {strides = array<i32>} : memref<512x64xf32, #tpu.memory_space<vmem>>, vector<1x16xf32>,
        %parallel_loop3A_647 = vector.shape_cast %parallel_loop3A_646 : vector<1x16xf32> to vector<16xf32>
        %parallel_loop3A_648 = arith.constant 5 : i32
        %parallel_loop3A_649 = vector.broadcast %parallel_loop3A_648 : i32 to vector<16x1xi32>
        %parallel_loop3A_650 = vector.shape_cast %parallel_loop3A_649 : vector<16x1xi32> to vector<16xi32>
        %parallel_loop3A_651 = tpu.dynamic_gather %parallel_loop3A_248[%parallel_loop3A_650] in [0] : vector<16xf32>, vector<16xi32> -> vector<16xf32>
        %parallel_loop3A_652 = arith.mulf %parallel_loop3A_651, %parallel_loop3A_629 : vector<16xf32>
        %parallel_loop3A_653 = arith.addf %parallel_loop3A_581, %parallel_loop3A_652 : vector<16xf32>
        %parallel_loop3A_654 = arith.mulf %parallel_loop3A_651, %parallel_loop3A_635 : vector<16xf32>
        %parallel_loop3A_655 = arith.addf %parallel_loop3A_583, %parallel_loop3A_654 : vector<16xf32>
        %parallel_loop3A_656 = arith.mulf %parallel_loop3A_651, %parallel_loop3A_641 : vector<16xf32>
        %parallel_loop3A_657 = arith.addf %parallel_loop3A_585, %parallel_loop3A_656 : vector<16xf32>
        %parallel_loop3A_658 = arith.mulf %parallel_loop3A_651, %parallel_loop3A_647 : vector<16xf32>
        %parallel_loop3A_659 = arith.addf %parallel_loop3A_587, %parallel_loop3A_658 : vector<16xf32>
        %parallel_loop3A_660 = arith.constant 5 : i32
        %parallel_loop3A_661 = vector.broadcast %parallel_loop3A_660 : i32 to vector<16x1xi32>
        %parallel_loop3A_662 = vector.shape_cast %parallel_loop3A_661 : vector<16x1xi32> to vector<16xi32>
        %parallel_loop3A_663 = tpu.dynamic_gather %parallel_loop3A_253[%parallel_loop3A_662] in [0] : vector<16xf32>, vector<16xi32> -> vector<16xf32>
        %parallel_loop3A_664 = arith.mulf %parallel_loop3A_663, %parallel_loop3A_629 : vector<16xf32>
        %parallel_loop3A_665 = arith.addf %parallel_loop3A_593, %parallel_loop3A_664 : vector<16xf32>
        %parallel_loop3A_666 = arith.mulf %parallel_loop3A_663, %parallel_loop3A_635 : vector<16xf32>
        %parallel_loop3A_667 = arith.addf %parallel_loop3A_595, %parallel_loop3A_666 : vector<16xf32>
        %parallel_loop3A_668 = arith.mulf %parallel_loop3A_663, %parallel_loop3A_641 : vector<16xf32>
        %parallel_loop3A_669 = arith.addf %parallel_loop3A_597, %parallel_loop3A_668 : vector<16xf32>
        %parallel_loop3A_670 = arith.mulf %parallel_loop3A_663, %parallel_loop3A_647 : vector<16xf32>
        %parallel_loop3A_671 = arith.addf %parallel_loop3A_599, %parallel_loop3A_670 : vector<16xf32>
        %parallel_loop3A_672 = arith.constant 5 : i32
        %parallel_loop3A_673 = vector.broadcast %parallel_loop3A_672 : i32 to vector<16x1xi32>
        %parallel_loop3A_674 = vector.shape_cast %parallel_loop3A_673 : vector<16x1xi32> to vector<16xi32>
        %parallel_loop3A_675 = tpu.dynamic_gather %parallel_loop3A_258[%parallel_loop3A_674] in [0] : vector<16xf32>, vector<16xi32> -> vector<16xf32>
        %parallel_loop3A_676 = arith.mulf %parallel_loop3A_675, %parallel_loop3A_629 : vector<16xf32>
        %parallel_loop3A_677 = arith.addf %parallel_loop3A_605, %parallel_loop3A_676 : vector<16xf32>
        %parallel_loop3A_678 = arith.mulf %parallel_loop3A_675, %parallel_loop3A_635 : vector<16xf32>
        %parallel_loop3A_679 = arith.addf %parallel_loop3A_607, %parallel_loop3A_678 : vector<16xf32>
        %parallel_loop3A_680 = arith.mulf %parallel_loop3A_675, %parallel_loop3A_641 : vector<16xf32>
        %parallel_loop3A_681 = arith.addf %parallel_loop3A_609, %parallel_loop3A_680 : vector<16xf32>
        %parallel_loop3A_682 = arith.mulf %parallel_loop3A_675, %parallel_loop3A_647 : vector<16xf32>
        %parallel_loop3A_683 = arith.addf %parallel_loop3A_611, %parallel_loop3A_682 : vector<16xf32>
        %parallel_loop3A_684 = arith.constant 5 : i32
        %parallel_loop3A_685 = vector.broadcast %parallel_loop3A_684 : i32 to vector<16x1xi32>
        %parallel_loop3A_686 = vector.shape_cast %parallel_loop3A_685 : vector<16x1xi32> to vector<16xi32>
        %parallel_loop3A_687 = tpu.dynamic_gather %parallel_loop3A_263[%parallel_loop3A_686] in [0] : vector<16xf32>, vector<16xi32> -> vector<16xf32>
        %parallel_loop3A_688 = arith.mulf %parallel_loop3A_687, %parallel_loop3A_629 : vector<16xf32>
        %parallel_loop3A_689 = arith.addf %parallel_loop3A_617, %parallel_loop3A_688 : vector<16xf32>
        %parallel_loop3A_690 = arith.mulf %parallel_loop3A_687, %parallel_loop3A_635 : vector<16xf32>
        %parallel_loop3A_691 = arith.addf %parallel_loop3A_619, %parallel_loop3A_690 : vector<16xf32>
        %parallel_loop3A_692 = arith.mulf %parallel_loop3A_687, %parallel_loop3A_641 : vector<16xf32>
        %parallel_loop3A_693 = arith.addf %parallel_loop3A_621, %parallel_loop3A_692 : vector<16xf32>
        %parallel_loop3A_694 = arith.mulf %parallel_loop3A_687, %parallel_loop3A_647 : vector<16xf32>
        %parallel_loop3A_695 = arith.addf %parallel_loop3A_623, %parallel_loop3A_694 : vector<16xf32>
        %parallel_loop3A_696 = arith.constant 6 : i32
        %parallel_loop3A_697 = arith.addi %parallel_loop3A_243, %parallel_loop3A_696 : i32
        %parallel_loop3A_698 = arith.index_cast %parallel_loop3A_697 : i32 to index
        %parallel_loop3A_699 = arith.constant 0 : index
        %parallel_loop3A_700 = tpu.vector_load %arg5[%parallel_loop3A_698, %parallel_loop3A_699] {strides = array<i32>} : memref<512x64xf32, #tpu.memory_space<vmem>>, vector<1x16xf32>,
        %parallel_loop3A_701 = vector.shape_cast %parallel_loop3A_700 : vector<1x16xf32> to vector<16xf32>
        %parallel_loop3A_702 = arith.constant 6 : i32
        %parallel_loop3A_703 = arith.addi %parallel_loop3A_243, %parallel_loop3A_702 : i32
        %parallel_loop3A_704 = arith.index_cast %parallel_loop3A_703 : i32 to index
        %parallel_loop3A_705 = arith.constant 16 : index
        %parallel_loop3A_706 = tpu.vector_load %arg5[%parallel_loop3A_704, %parallel_loop3A_705] {strides = array<i32>} : memref<512x64xf32, #tpu.memory_space<vmem>>, vector<1x16xf32>,
        %parallel_loop3A_707 = vector.shape_cast %parallel_loop3A_706 : vector<1x16xf32> to vector<16xf32>
        %parallel_loop3A_708 = arith.constant 6 : i32
        %parallel_loop3A_709 = arith.addi %parallel_loop3A_243, %parallel_loop3A_708 : i32
        %parallel_loop3A_710 = arith.index_cast %parallel_loop3A_709 : i32 to index
        %parallel_loop3A_711 = arith.constant 32 : index
        %parallel_loop3A_712 = tpu.vector_load %arg5[%parallel_loop3A_710, %parallel_loop3A_711] {strides = array<i32>} : memref<512x64xf32, #tpu.memory_space<vmem>>, vector<1x16xf32>,
        %parallel_loop3A_713 = vector.shape_cast %parallel_loop3A_712 : vector<1x16xf32> to vector<16xf32>
        %parallel_loop3A_714 = arith.constant 6 : i32
        %parallel_loop3A_715 = arith.addi %parallel_loop3A_243, %parallel_loop3A_714 : i32
        %parallel_loop3A_716 = arith.index_cast %parallel_loop3A_715 : i32 to index
        %parallel_loop3A_717 = arith.constant 48 : index
        %parallel_loop3A_718 = tpu.vector_load %arg5[%parallel_loop3A_716, %parallel_loop3A_717] {strides = array<i32>} : memref<512x64xf32, #tpu.memory_space<vmem>>, vector<1x16xf32>,
        %parallel_loop3A_719 = vector.shape_cast %parallel_loop3A_718 : vector<1x16xf32> to vector<16xf32>
        %parallel_loop3A_720 = arith.constant 6 : i32
        %parallel_loop3A_721 = vector.broadcast %parallel_loop3A_720 : i32 to vector<16x1xi32>
        %parallel_loop3A_722 = vector.shape_cast %parallel_loop3A_721 : vector<16x1xi32> to vector<16xi32>
        %parallel_loop3A_723 = tpu.dynamic_gather %parallel_loop3A_248[%parallel_loop3A_722] in [0] : vector<16xf32>, vector<16xi32> -> vector<16xf32>
        %parallel_loop3A_724 = arith.mulf %parallel_loop3A_723, %parallel_loop3A_701 : vector<16xf32>
        %parallel_loop3A_725 = arith.addf %parallel_loop3A_653, %parallel_loop3A_724 : vector<16xf32>
        %parallel_loop3A_726 = arith.mulf %parallel_loop3A_723, %parallel_loop3A_707 : vector<16xf32>
        %parallel_loop3A_727 = arith.addf %parallel_loop3A_655, %parallel_loop3A_726 : vector<16xf32>
        %parallel_loop3A_728 = arith.mulf %parallel_loop3A_723, %parallel_loop3A_713 : vector<16xf32>
        %parallel_loop3A_729 = arith.addf %parallel_loop3A_657, %parallel_loop3A_728 : vector<16xf32>
        %parallel_loop3A_730 = arith.mulf %parallel_loop3A_723, %parallel_loop3A_719 : vector<16xf32>
        %parallel_loop3A_731 = arith.addf %parallel_loop3A_659, %parallel_loop3A_730 : vector<16xf32>
        %parallel_loop3A_732 = arith.constant 6 : i32
        %parallel_loop3A_733 = vector.broadcast %parallel_loop3A_732 : i32 to vector<16x1xi32>
        %parallel_loop3A_734 = vector.shape_cast %parallel_loop3A_733 : vector<16x1xi32> to vector<16xi32>
        %parallel_loop3A_735 = tpu.dynamic_gather %parallel_loop3A_253[%parallel_loop3A_734] in [0] : vector<16xf32>, vector<16xi32> -> vector<16xf32>
        %parallel_loop3A_736 = arith.mulf %parallel_loop3A_735, %parallel_loop3A_701 : vector<16xf32>
        %parallel_loop3A_737 = arith.addf %parallel_loop3A_665, %parallel_loop3A_736 : vector<16xf32>
        %parallel_loop3A_738 = arith.mulf %parallel_loop3A_735, %parallel_loop3A_707 : vector<16xf32>
        %parallel_loop3A_739 = arith.addf %parallel_loop3A_667, %parallel_loop3A_738 : vector<16xf32>
        %parallel_loop3A_740 = arith.mulf %parallel_loop3A_735, %parallel_loop3A_713 : vector<16xf32>
        %parallel_loop3A_741 = arith.addf %parallel_loop3A_669, %parallel_loop3A_740 : vector<16xf32>
        %parallel_loop3A_742 = arith.mulf %parallel_loop3A_735, %parallel_loop3A_719 : vector<16xf32>
        %parallel_loop3A_743 = arith.addf %parallel_loop3A_671, %parallel_loop3A_742 : vector<16xf32>
        %parallel_loop3A_744 = arith.constant 6 : i32
        %parallel_loop3A_745 = vector.broadcast %parallel_loop3A_744 : i32 to vector<16x1xi32>
        %parallel_loop3A_746 = vector.shape_cast %parallel_loop3A_745 : vector<16x1xi32> to vector<16xi32>
        %parallel_loop3A_747 = tpu.dynamic_gather %parallel_loop3A_258[%parallel_loop3A_746] in [0] : vector<16xf32>, vector<16xi32> -> vector<16xf32>
        %parallel_loop3A_748 = arith.mulf %parallel_loop3A_747, %parallel_loop3A_701 : vector<16xf32>
        %parallel_loop3A_749 = arith.addf %parallel_loop3A_677, %parallel_loop3A_748 : vector<16xf32>
        %parallel_loop3A_750 = arith.mulf %parallel_loop3A_747, %parallel_loop3A_707 : vector<16xf32>
        %parallel_loop3A_751 = arith.addf %parallel_loop3A_679, %parallel_loop3A_750 : vector<16xf32>
        %parallel_loop3A_752 = arith.mulf %parallel_loop3A_747, %parallel_loop3A_713 : vector<16xf32>
        %parallel_loop3A_753 = arith.addf %parallel_loop3A_681, %parallel_loop3A_752 : vector<16xf32>
        %parallel_loop3A_754 = arith.mulf %parallel_loop3A_747, %parallel_loop3A_719 : vector<16xf32>
        %parallel_loop3A_755 = arith.addf %parallel_loop3A_683, %parallel_loop3A_754 : vector<16xf32>
        %parallel_loop3A_756 = arith.constant 6 : i32
        %parallel_loop3A_757 = vector.broadcast %parallel_loop3A_756 : i32 to vector<16x1xi32>
        %parallel_loop3A_758 = vector.shape_cast %parallel_loop3A_757 : vector<16x1xi32> to vector<16xi32>
        %parallel_loop3A_759 = tpu.dynamic_gather %parallel_loop3A_263[%parallel_loop3A_758] in [0] : vector<16xf32>, vector<16xi32> -> vector<16xf32>
        %parallel_loop3A_760 = arith.mulf %parallel_loop3A_759, %parallel_loop3A_701 : vector<16xf32>
        %parallel_loop3A_761 = arith.addf %parallel_loop3A_689, %parallel_loop3A_760 : vector<16xf32>
        %parallel_loop3A_762 = arith.mulf %parallel_loop3A_759, %parallel_loop3A_707 : vector<16xf32>
        %parallel_loop3A_763 = arith.addf %parallel_loop3A_691, %parallel_loop3A_762 : vector<16xf32>
        %parallel_loop3A_764 = arith.mulf %parallel_loop3A_759, %parallel_loop3A_713 : vector<16xf32>
        %parallel_loop3A_765 = arith.addf %parallel_loop3A_693, %parallel_loop3A_764 : vector<16xf32>
        %parallel_loop3A_766 = arith.mulf %parallel_loop3A_759, %parallel_loop3A_719 : vector<16xf32>
        %parallel_loop3A_767 = arith.addf %parallel_loop3A_695, %parallel_loop3A_766 : vector<16xf32>
        %parallel_loop3A_768 = arith.constant 7 : i32
        %parallel_loop3A_769 = arith.addi %parallel_loop3A_243, %parallel_loop3A_768 : i32
        %parallel_loop3A_770 = arith.index_cast %parallel_loop3A_769 : i32 to index
        %parallel_loop3A_771 = arith.constant 0 : index
        %parallel_loop3A_772 = tpu.vector_load %arg5[%parallel_loop3A_770, %parallel_loop3A_771] {strides = array<i32>} : memref<512x64xf32, #tpu.memory_space<vmem>>, vector<1x16xf32>,
        %parallel_loop3A_773 = vector.shape_cast %parallel_loop3A_772 : vector<1x16xf32> to vector<16xf32>
        %parallel_loop3A_774 = arith.constant 7 : i32
        %parallel_loop3A_775 = arith.addi %parallel_loop3A_243, %parallel_loop3A_774 : i32
        %parallel_loop3A_776 = arith.index_cast %parallel_loop3A_775 : i32 to index
        %parallel_loop3A_777 = arith.constant 16 : index
        %parallel_loop3A_778 = tpu.vector_load %arg5[%parallel_loop3A_776, %parallel_loop3A_777] {strides = array<i32>} : memref<512x64xf32, #tpu.memory_space<vmem>>, vector<1x16xf32>,
        %parallel_loop3A_779 = vector.shape_cast %parallel_loop3A_778 : vector<1x16xf32> to vector<16xf32>
        %parallel_loop3A_780 = arith.constant 7 : i32
        %parallel_loop3A_781 = arith.addi %parallel_loop3A_243, %parallel_loop3A_780 : i32
        %parallel_loop3A_782 = arith.index_cast %parallel_loop3A_781 : i32 to index
        %parallel_loop3A_783 = arith.constant 32 : index
        %parallel_loop3A_784 = tpu.vector_load %arg5[%parallel_loop3A_782, %parallel_loop3A_783] {strides = array<i32>} : memref<512x64xf32, #tpu.memory_space<vmem>>, vector<1x16xf32>,
        %parallel_loop3A_785 = vector.shape_cast %parallel_loop3A_784 : vector<1x16xf32> to vector<16xf32>
        %parallel_loop3A_786 = arith.constant 7 : i32
        %parallel_loop3A_787 = arith.addi %parallel_loop3A_243, %parallel_loop3A_786 : i32
        %parallel_loop3A_788 = arith.index_cast %parallel_loop3A_787 : i32 to index
        %parallel_loop3A_789 = arith.constant 48 : index
        %parallel_loop3A_790 = tpu.vector_load %arg5[%parallel_loop3A_788, %parallel_loop3A_789] {strides = array<i32>} : memref<512x64xf32, #tpu.memory_space<vmem>>, vector<1x16xf32>,
        %parallel_loop3A_791 = vector.shape_cast %parallel_loop3A_790 : vector<1x16xf32> to vector<16xf32>
        %parallel_loop3A_792 = arith.constant 7 : i32
        %parallel_loop3A_793 = vector.broadcast %parallel_loop3A_792 : i32 to vector<16x1xi32>
        %parallel_loop3A_794 = vector.shape_cast %parallel_loop3A_793 : vector<16x1xi32> to vector<16xi32>
        %parallel_loop3A_795 = tpu.dynamic_gather %parallel_loop3A_248[%parallel_loop3A_794] in [0] : vector<16xf32>, vector<16xi32> -> vector<16xf32>
        %parallel_loop3A_796 = arith.mulf %parallel_loop3A_795, %parallel_loop3A_773 : vector<16xf32>
        %parallel_loop3A_797 = arith.addf %parallel_loop3A_725, %parallel_loop3A_796 : vector<16xf32>
        %parallel_loop3A_798 = arith.mulf %parallel_loop3A_795, %parallel_loop3A_779 : vector<16xf32>
        %parallel_loop3A_799 = arith.addf %parallel_loop3A_727, %parallel_loop3A_798 : vector<16xf32>
        %parallel_loop3A_800 = arith.mulf %parallel_loop3A_795, %parallel_loop3A_785 : vector<16xf32>
        %parallel_loop3A_801 = arith.addf %parallel_loop3A_729, %parallel_loop3A_800 : vector<16xf32>
        %parallel_loop3A_802 = arith.mulf %parallel_loop3A_795, %parallel_loop3A_791 : vector<16xf32>
        %parallel_loop3A_803 = arith.addf %parallel_loop3A_731, %parallel_loop3A_802 : vector<16xf32>
        %parallel_loop3A_804 = arith.constant 7 : i32
        %parallel_loop3A_805 = vector.broadcast %parallel_loop3A_804 : i32 to vector<16x1xi32>
        %parallel_loop3A_806 = vector.shape_cast %parallel_loop3A_805 : vector<16x1xi32> to vector<16xi32>
        %parallel_loop3A_807 = tpu.dynamic_gather %parallel_loop3A_253[%parallel_loop3A_806] in [0] : vector<16xf32>, vector<16xi32> -> vector<16xf32>
        %parallel_loop3A_808 = arith.mulf %parallel_loop3A_807, %parallel_loop3A_773 : vector<16xf32>
        %parallel_loop3A_809 = arith.addf %parallel_loop3A_737, %parallel_loop3A_808 : vector<16xf32>
        %parallel_loop3A_810 = arith.mulf %parallel_loop3A_807, %parallel_loop3A_779 : vector<16xf32>
        %parallel_loop3A_811 = arith.addf %parallel_loop3A_739, %parallel_loop3A_810 : vector<16xf32>
        %parallel_loop3A_812 = arith.mulf %parallel_loop3A_807, %parallel_loop3A_785 : vector<16xf32>
        %parallel_loop3A_813 = arith.addf %parallel_loop3A_741, %parallel_loop3A_812 : vector<16xf32>
        %parallel_loop3A_814 = arith.mulf %parallel_loop3A_807, %parallel_loop3A_791 : vector<16xf32>
        %parallel_loop3A_815 = arith.addf %parallel_loop3A_743, %parallel_loop3A_814 : vector<16xf32>
        %parallel_loop3A_816 = arith.constant 7 : i32
        %parallel_loop3A_817 = vector.broadcast %parallel_loop3A_816 : i32 to vector<16x1xi32>
        %parallel_loop3A_818 = vector.shape_cast %parallel_loop3A_817 : vector<16x1xi32> to vector<16xi32>
        %parallel_loop3A_819 = tpu.dynamic_gather %parallel_loop3A_258[%parallel_loop3A_818] in [0] : vector<16xf32>, vector<16xi32> -> vector<16xf32>
        %parallel_loop3A_820 = arith.mulf %parallel_loop3A_819, %parallel_loop3A_773 : vector<16xf32>
        %parallel_loop3A_821 = arith.addf %parallel_loop3A_749, %parallel_loop3A_820 : vector<16xf32>
        %parallel_loop3A_822 = arith.mulf %parallel_loop3A_819, %parallel_loop3A_779 : vector<16xf32>
        %parallel_loop3A_823 = arith.addf %parallel_loop3A_751, %parallel_loop3A_822 : vector<16xf32>
        %parallel_loop3A_824 = arith.mulf %parallel_loop3A_819, %parallel_loop3A_785 : vector<16xf32>
        %parallel_loop3A_825 = arith.addf %parallel_loop3A_753, %parallel_loop3A_824 : vector<16xf32>
        %parallel_loop3A_826 = arith.mulf %parallel_loop3A_819, %parallel_loop3A_791 : vector<16xf32>
        %parallel_loop3A_827 = arith.addf %parallel_loop3A_755, %parallel_loop3A_826 : vector<16xf32>
        %parallel_loop3A_828 = arith.constant 7 : i32
        %parallel_loop3A_829 = vector.broadcast %parallel_loop3A_828 : i32 to vector<16x1xi32>
        %parallel_loop3A_830 = vector.shape_cast %parallel_loop3A_829 : vector<16x1xi32> to vector<16xi32>
        %parallel_loop3A_831 = tpu.dynamic_gather %parallel_loop3A_263[%parallel_loop3A_830] in [0] : vector<16xf32>, vector<16xi32> -> vector<16xf32>
        %parallel_loop3A_832 = arith.mulf %parallel_loop3A_831, %parallel_loop3A_773 : vector<16xf32>
        %parallel_loop3A_833 = arith.addf %parallel_loop3A_761, %parallel_loop3A_832 : vector<16xf32>
        %parallel_loop3A_834 = arith.mulf %parallel_loop3A_831, %parallel_loop3A_779 : vector<16xf32>
        %parallel_loop3A_835 = arith.addf %parallel_loop3A_763, %parallel_loop3A_834 : vector<16xf32>
        %parallel_loop3A_836 = arith.mulf %parallel_loop3A_831, %parallel_loop3A_785 : vector<16xf32>
        %parallel_loop3A_837 = arith.addf %parallel_loop3A_765, %parallel_loop3A_836 : vector<16xf32>
        %parallel_loop3A_838 = arith.mulf %parallel_loop3A_831, %parallel_loop3A_791 : vector<16xf32>
        %parallel_loop3A_839 = arith.addf %parallel_loop3A_767, %parallel_loop3A_838 : vector<16xf32>
        %parallel_loop3A_840 = arith.constant 8 : i32
        %parallel_loop3A_841 = arith.addi %parallel_loop3A_243, %parallel_loop3A_840 : i32
        %parallel_loop3A_842 = arith.index_cast %parallel_loop3A_841 : i32 to index
        %parallel_loop3A_843 = arith.constant 0 : index
        %parallel_loop3A_844 = tpu.vector_load %arg5[%parallel_loop3A_842, %parallel_loop3A_843] {strides = array<i32>} : memref<512x64xf32, #tpu.memory_space<vmem>>, vector<1x16xf32>,
        %parallel_loop3A_845 = vector.shape_cast %parallel_loop3A_844 : vector<1x16xf32> to vector<16xf32>
        %parallel_loop3A_846 = arith.constant 8 : i32
        %parallel_loop3A_847 = arith.addi %parallel_loop3A_243, %parallel_loop3A_846 : i32
        %parallel_loop3A_848 = arith.index_cast %parallel_loop3A_847 : i32 to index
        %parallel_loop3A_849 = arith.constant 16 : index
        %parallel_loop3A_850 = tpu.vector_load %arg5[%parallel_loop3A_848, %parallel_loop3A_849] {strides = array<i32>} : memref<512x64xf32, #tpu.memory_space<vmem>>, vector<1x16xf32>,
        %parallel_loop3A_851 = vector.shape_cast %parallel_loop3A_850 : vector<1x16xf32> to vector<16xf32>
        %parallel_loop3A_852 = arith.constant 8 : i32
        %parallel_loop3A_853 = arith.addi %parallel_loop3A_243, %parallel_loop3A_852 : i32
        %parallel_loop3A_854 = arith.index_cast %parallel_loop3A_853 : i32 to index
        %parallel_loop3A_855 = arith.constant 32 : index
        %parallel_loop3A_856 = tpu.vector_load %arg5[%parallel_loop3A_854, %parallel_loop3A_855] {strides = array<i32>} : memref<512x64xf32, #tpu.memory_space<vmem>>, vector<1x16xf32>,
        %parallel_loop3A_857 = vector.shape_cast %parallel_loop3A_856 : vector<1x16xf32> to vector<16xf32>
        %parallel_loop3A_858 = arith.constant 8 : i32
        %parallel_loop3A_859 = arith.addi %parallel_loop3A_243, %parallel_loop3A_858 : i32
        %parallel_loop3A_860 = arith.index_cast %parallel_loop3A_859 : i32 to index
        %parallel_loop3A_861 = arith.constant 48 : index
        %parallel_loop3A_862 = tpu.vector_load %arg5[%parallel_loop3A_860, %parallel_loop3A_861] {strides = array<i32>} : memref<512x64xf32, #tpu.memory_space<vmem>>, vector<1x16xf32>,
        %parallel_loop3A_863 = vector.shape_cast %parallel_loop3A_862 : vector<1x16xf32> to vector<16xf32>
        %parallel_loop3A_864 = arith.constant 8 : i32
        %parallel_loop3A_865 = vector.broadcast %parallel_loop3A_864 : i32 to vector<16x1xi32>
        %parallel_loop3A_866 = vector.shape_cast %parallel_loop3A_865 : vector<16x1xi32> to vector<16xi32>
        %parallel_loop3A_867 = tpu.dynamic_gather %parallel_loop3A_248[%parallel_loop3A_866] in [0] : vector<16xf32>, vector<16xi32> -> vector<16xf32>
        %parallel_loop3A_868 = arith.mulf %parallel_loop3A_867, %parallel_loop3A_845 : vector<16xf32>
        %parallel_loop3A_869 = arith.addf %parallel_loop3A_797, %parallel_loop3A_868 : vector<16xf32>
        %parallel_loop3A_870 = arith.mulf %parallel_loop3A_867, %parallel_loop3A_851 : vector<16xf32>
        %parallel_loop3A_871 = arith.addf %parallel_loop3A_799, %parallel_loop3A_870 : vector<16xf32>
        %parallel_loop3A_872 = arith.mulf %parallel_loop3A_867, %parallel_loop3A_857 : vector<16xf32>
        %parallel_loop3A_873 = arith.addf %parallel_loop3A_801, %parallel_loop3A_872 : vector<16xf32>
        %parallel_loop3A_874 = arith.mulf %parallel_loop3A_867, %parallel_loop3A_863 : vector<16xf32>
        %parallel_loop3A_875 = arith.addf %parallel_loop3A_803, %parallel_loop3A_874 : vector<16xf32>
        %parallel_loop3A_876 = arith.constant 8 : i32
        %parallel_loop3A_877 = vector.broadcast %parallel_loop3A_876 : i32 to vector<16x1xi32>
        %parallel_loop3A_878 = vector.shape_cast %parallel_loop3A_877 : vector<16x1xi32> to vector<16xi32>
        %parallel_loop3A_879 = tpu.dynamic_gather %parallel_loop3A_253[%parallel_loop3A_878] in [0] : vector<16xf32>, vector<16xi32> -> vector<16xf32>
        %parallel_loop3A_880 = arith.mulf %parallel_loop3A_879, %parallel_loop3A_845 : vector<16xf32>
        %parallel_loop3A_881 = arith.addf %parallel_loop3A_809, %parallel_loop3A_880 : vector<16xf32>
        %parallel_loop3A_882 = arith.mulf %parallel_loop3A_879, %parallel_loop3A_851 : vector<16xf32>
        %parallel_loop3A_883 = arith.addf %parallel_loop3A_811, %parallel_loop3A_882 : vector<16xf32>
        %parallel_loop3A_884 = arith.mulf %parallel_loop3A_879, %parallel_loop3A_857 : vector<16xf32>
        %parallel_loop3A_885 = arith.addf %parallel_loop3A_813, %parallel_loop3A_884 : vector<16xf32>
        %parallel_loop3A_886 = arith.mulf %parallel_loop3A_879, %parallel_loop3A_863 : vector<16xf32>
        %parallel_loop3A_887 = arith.addf %parallel_loop3A_815, %parallel_loop3A_886 : vector<16xf32>
        %parallel_loop3A_888 = arith.constant 8 : i32
        %parallel_loop3A_889 = vector.broadcast %parallel_loop3A_888 : i32 to vector<16x1xi32>
        %parallel_loop3A_890 = vector.shape_cast %parallel_loop3A_889 : vector<16x1xi32> to vector<16xi32>
        %parallel_loop3A_891 = tpu.dynamic_gather %parallel_loop3A_258[%parallel_loop3A_890] in [0] : vector<16xf32>, vector<16xi32> -> vector<16xf32>
        %parallel_loop3A_892 = arith.mulf %parallel_loop3A_891, %parallel_loop3A_845 : vector<16xf32>
        %parallel_loop3A_893 = arith.addf %parallel_loop3A_821, %parallel_loop3A_892 : vector<16xf32>
        %parallel_loop3A_894 = arith.mulf %parallel_loop3A_891, %parallel_loop3A_851 : vector<16xf32>
        %parallel_loop3A_895 = arith.addf %parallel_loop3A_823, %parallel_loop3A_894 : vector<16xf32>
        %parallel_loop3A_896 = arith.mulf %parallel_loop3A_891, %parallel_loop3A_857 : vector<16xf32>
        %parallel_loop3A_897 = arith.addf %parallel_loop3A_825, %parallel_loop3A_896 : vector<16xf32>
        %parallel_loop3A_898 = arith.mulf %parallel_loop3A_891, %parallel_loop3A_863 : vector<16xf32>
        %parallel_loop3A_899 = arith.addf %parallel_loop3A_827, %parallel_loop3A_898 : vector<16xf32>
        %parallel_loop3A_900 = arith.constant 8 : i32
        %parallel_loop3A_901 = vector.broadcast %parallel_loop3A_900 : i32 to vector<16x1xi32>
        %parallel_loop3A_902 = vector.shape_cast %parallel_loop3A_901 : vector<16x1xi32> to vector<16xi32>
        %parallel_loop3A_903 = tpu.dynamic_gather %parallel_loop3A_263[%parallel_loop3A_902] in [0] : vector<16xf32>, vector<16xi32> -> vector<16xf32>
        %parallel_loop3A_904 = arith.mulf %parallel_loop3A_903, %parallel_loop3A_845 : vector<16xf32>
        %parallel_loop3A_905 = arith.addf %parallel_loop3A_833, %parallel_loop3A_904 : vector<16xf32>
        %parallel_loop3A_906 = arith.mulf %parallel_loop3A_903, %parallel_loop3A_851 : vector<16xf32>
        %parallel_loop3A_907 = arith.addf %parallel_loop3A_835, %parallel_loop3A_906 : vector<16xf32>
        %parallel_loop3A_908 = arith.mulf %parallel_loop3A_903, %parallel_loop3A_857 : vector<16xf32>
        %parallel_loop3A_909 = arith.addf %parallel_loop3A_837, %parallel_loop3A_908 : vector<16xf32>
        %parallel_loop3A_910 = arith.mulf %parallel_loop3A_903, %parallel_loop3A_863 : vector<16xf32>
        %parallel_loop3A_911 = arith.addf %parallel_loop3A_839, %parallel_loop3A_910 : vector<16xf32>
        %parallel_loop3A_912 = arith.constant 9 : i32
        %parallel_loop3A_913 = arith.addi %parallel_loop3A_243, %parallel_loop3A_912 : i32
        %parallel_loop3A_914 = arith.index_cast %parallel_loop3A_913 : i32 to index
        %parallel_loop3A_915 = arith.constant 0 : index
        %parallel_loop3A_916 = tpu.vector_load %arg5[%parallel_loop3A_914, %parallel_loop3A_915] {strides = array<i32>} : memref<512x64xf32, #tpu.memory_space<vmem>>, vector<1x16xf32>,
        %parallel_loop3A_917 = vector.shape_cast %parallel_loop3A_916 : vector<1x16xf32> to vector<16xf32>
        %parallel_loop3A_918 = arith.constant 9 : i32
        %parallel_loop3A_919 = arith.addi %parallel_loop3A_243, %parallel_loop3A_918 : i32
        %parallel_loop3A_920 = arith.index_cast %parallel_loop3A_919 : i32 to index
        %parallel_loop3A_921 = arith.constant 16 : index
        %parallel_loop3A_922 = tpu.vector_load %arg5[%parallel_loop3A_920, %parallel_loop3A_921] {strides = array<i32>} : memref<512x64xf32, #tpu.memory_space<vmem>>, vector<1x16xf32>,
        %parallel_loop3A_923 = vector.shape_cast %parallel_loop3A_922 : vector<1x16xf32> to vector<16xf32>
        %parallel_loop3A_924 = arith.constant 9 : i32
        %parallel_loop3A_925 = arith.addi %parallel_loop3A_243, %parallel_loop3A_924 : i32
        %parallel_loop3A_926 = arith.index_cast %parallel_loop3A_925 : i32 to index
        %parallel_loop3A_927 = arith.constant 32 : index
        %parallel_loop3A_928 = tpu.vector_load %arg5[%parallel_loop3A_926, %parallel_loop3A_927] {strides = array<i32>} : memref<512x64xf32, #tpu.memory_space<vmem>>, vector<1x16xf32>,
        %parallel_loop3A_929 = vector.shape_cast %parallel_loop3A_928 : vector<1x16xf32> to vector<16xf32>
        %parallel_loop3A_930 = arith.constant 9 : i32
        %parallel_loop3A_931 = arith.addi %parallel_loop3A_243, %parallel_loop3A_930 : i32
        %parallel_loop3A_932 = arith.index_cast %parallel_loop3A_931 : i32 to index
        %parallel_loop3A_933 = arith.constant 48 : index
        %parallel_loop3A_934 = tpu.vector_load %arg5[%parallel_loop3A_932, %parallel_loop3A_933] {strides = array<i32>} : memref<512x64xf32, #tpu.memory_space<vmem>>, vector<1x16xf32>,
        %parallel_loop3A_935 = vector.shape_cast %parallel_loop3A_934 : vector<1x16xf32> to vector<16xf32>
        %parallel_loop3A_936 = arith.constant 9 : i32
        %parallel_loop3A_937 = vector.broadcast %parallel_loop3A_936 : i32 to vector<16x1xi32>
        %parallel_loop3A_938 = vector.shape_cast %parallel_loop3A_937 : vector<16x1xi32> to vector<16xi32>
        %parallel_loop3A_939 = tpu.dynamic_gather %parallel_loop3A_248[%parallel_loop3A_938] in [0] : vector<16xf32>, vector<16xi32> -> vector<16xf32>
        %parallel_loop3A_940 = arith.mulf %parallel_loop3A_939, %parallel_loop3A_917 : vector<16xf32>
        %parallel_loop3A_941 = arith.addf %parallel_loop3A_869, %parallel_loop3A_940 : vector<16xf32>
        %parallel_loop3A_942 = arith.mulf %parallel_loop3A_939, %parallel_loop3A_923 : vector<16xf32>
        %parallel_loop3A_943 = arith.addf %parallel_loop3A_871, %parallel_loop3A_942 : vector<16xf32>
        %parallel_loop3A_944 = arith.mulf %parallel_loop3A_939, %parallel_loop3A_929 : vector<16xf32>
        %parallel_loop3A_945 = arith.addf %parallel_loop3A_873, %parallel_loop3A_944 : vector<16xf32>
        %parallel_loop3A_946 = arith.mulf %parallel_loop3A_939, %parallel_loop3A_935 : vector<16xf32>
        %parallel_loop3A_947 = arith.addf %parallel_loop3A_875, %parallel_loop3A_946 : vector<16xf32>
        %parallel_loop3A_948 = arith.constant 9 : i32
        %parallel_loop3A_949 = vector.broadcast %parallel_loop3A_948 : i32 to vector<16x1xi32>
        %parallel_loop3A_950 = vector.shape_cast %parallel_loop3A_949 : vector<16x1xi32> to vector<16xi32>
        %parallel_loop3A_951 = tpu.dynamic_gather %parallel_loop3A_253[%parallel_loop3A_950] in [0] : vector<16xf32>, vector<16xi32> -> vector<16xf32>
        %parallel_loop3A_952 = arith.mulf %parallel_loop3A_951, %parallel_loop3A_917 : vector<16xf32>
        %parallel_loop3A_953 = arith.addf %parallel_loop3A_881, %parallel_loop3A_952 : vector<16xf32>
        %parallel_loop3A_954 = arith.mulf %parallel_loop3A_951, %parallel_loop3A_923 : vector<16xf32>
        %parallel_loop3A_955 = arith.addf %parallel_loop3A_883, %parallel_loop3A_954 : vector<16xf32>
        %parallel_loop3A_956 = arith.mulf %parallel_loop3A_951, %parallel_loop3A_929 : vector<16xf32>
        %parallel_loop3A_957 = arith.addf %parallel_loop3A_885, %parallel_loop3A_956 : vector<16xf32>
        %parallel_loop3A_958 = arith.mulf %parallel_loop3A_951, %parallel_loop3A_935 : vector<16xf32>
        %parallel_loop3A_959 = arith.addf %parallel_loop3A_887, %parallel_loop3A_958 : vector<16xf32>
        %parallel_loop3A_960 = arith.constant 9 : i32
        %parallel_loop3A_961 = vector.broadcast %parallel_loop3A_960 : i32 to vector<16x1xi32>
        %parallel_loop3A_962 = vector.shape_cast %parallel_loop3A_961 : vector<16x1xi32> to vector<16xi32>
        %parallel_loop3A_963 = tpu.dynamic_gather %parallel_loop3A_258[%parallel_loop3A_962] in [0] : vector<16xf32>, vector<16xi32> -> vector<16xf32>
        %parallel_loop3A_964 = arith.mulf %parallel_loop3A_963, %parallel_loop3A_917 : vector<16xf32>
        %parallel_loop3A_965 = arith.addf %parallel_loop3A_893, %parallel_loop3A_964 : vector<16xf32>
        %parallel_loop3A_966 = arith.mulf %parallel_loop3A_963, %parallel_loop3A_923 : vector<16xf32>
        %parallel_loop3A_967 = arith.addf %parallel_loop3A_895, %parallel_loop3A_966 : vector<16xf32>
        %parallel_loop3A_968 = arith.mulf %parallel_loop3A_963, %parallel_loop3A_929 : vector<16xf32>
        %parallel_loop3A_969 = arith.addf %parallel_loop3A_897, %parallel_loop3A_968 : vector<16xf32>
        %parallel_loop3A_970 = arith.mulf %parallel_loop3A_963, %parallel_loop3A_935 : vector<16xf32>
        %parallel_loop3A_971 = arith.addf %parallel_loop3A_899, %parallel_loop3A_970 : vector<16xf32>
        %parallel_loop3A_972 = arith.constant 9 : i32
        %parallel_loop3A_973 = vector.broadcast %parallel_loop3A_972 : i32 to vector<16x1xi32>
        %parallel_loop3A_974 = vector.shape_cast %parallel_loop3A_973 : vector<16x1xi32> to vector<16xi32>
        %parallel_loop3A_975 = tpu.dynamic_gather %parallel_loop3A_263[%parallel_loop3A_974] in [0] : vector<16xf32>, vector<16xi32> -> vector<16xf32>
        %parallel_loop3A_976 = arith.mulf %parallel_loop3A_975, %parallel_loop3A_917 : vector<16xf32>
        %parallel_loop3A_977 = arith.addf %parallel_loop3A_905, %parallel_loop3A_976 : vector<16xf32>
        %parallel_loop3A_978 = arith.mulf %parallel_loop3A_975, %parallel_loop3A_923 : vector<16xf32>
        %parallel_loop3A_979 = arith.addf %parallel_loop3A_907, %parallel_loop3A_978 : vector<16xf32>
        %parallel_loop3A_980 = arith.mulf %parallel_loop3A_975, %parallel_loop3A_929 : vector<16xf32>
        %parallel_loop3A_981 = arith.addf %parallel_loop3A_909, %parallel_loop3A_980 : vector<16xf32>
        %parallel_loop3A_982 = arith.mulf %parallel_loop3A_975, %parallel_loop3A_935 : vector<16xf32>
        %parallel_loop3A_983 = arith.addf %parallel_loop3A_911, %parallel_loop3A_982 : vector<16xf32>
        %parallel_loop3A_984 = arith.constant 10 : i32
        %parallel_loop3A_985 = arith.addi %parallel_loop3A_243, %parallel_loop3A_984 : i32
        %parallel_loop3A_986 = arith.index_cast %parallel_loop3A_985 : i32 to index
        %parallel_loop3A_987 = arith.constant 0 : index
        %parallel_loop3A_988 = tpu.vector_load %arg5[%parallel_loop3A_986, %parallel_loop3A_987] {strides = array<i32>} : memref<512x64xf32, #tpu.memory_space<vmem>>, vector<1x16xf32>,
        %parallel_loop3A_989 = vector.shape_cast %parallel_loop3A_988 : vector<1x16xf32> to vector<16xf32>
        %parallel_loop3A_990 = arith.constant 10 : i32
        %parallel_loop3A_991 = arith.addi %parallel_loop3A_243, %parallel_loop3A_990 : i32
        %parallel_loop3A_992 = arith.index_cast %parallel_loop3A_991 : i32 to index
        %parallel_loop3A_993 = arith.constant 16 : index
        %parallel_loop3A_994 = tpu.vector_load %arg5[%parallel_loop3A_992, %parallel_loop3A_993] {strides = array<i32>} : memref<512x64xf32, #tpu.memory_space<vmem>>, vector<1x16xf32>,
        %parallel_loop3A_995 = vector.shape_cast %parallel_loop3A_994 : vector<1x16xf32> to vector<16xf32>
        %parallel_loop3A_996 = arith.constant 10 : i32
        %parallel_loop3A_997 = arith.addi %parallel_loop3A_243, %parallel_loop3A_996 : i32
        %parallel_loop3A_998 = arith.index_cast %parallel_loop3A_997 : i32 to index
        %parallel_loop3A_999 = arith.constant 32 : index
        %parallel_loop3A_1000 = tpu.vector_load %arg5[%parallel_loop3A_998, %parallel_loop3A_999] {strides = array<i32>} : memref<512x64xf32, #tpu.memory_space<vmem>>, vector<1x16xf32>,
        %parallel_loop3A_1001 = vector.shape_cast %parallel_loop3A_1000 : vector<1x16xf32> to vector<16xf32>
        %parallel_loop3A_1002 = arith.constant 10 : i32
        %parallel_loop3A_1003 = arith.addi %parallel_loop3A_243, %parallel_loop3A_1002 : i32
        %parallel_loop3A_1004 = arith.index_cast %parallel_loop3A_1003 : i32 to index
        %parallel_loop3A_1005 = arith.constant 48 : index
        %parallel_loop3A_1006 = tpu.vector_load %arg5[%parallel_loop3A_1004, %parallel_loop3A_1005] {strides = array<i32>} : memref<512x64xf32, #tpu.memory_space<vmem>>, vector<1x16xf32>,
        %parallel_loop3A_1007 = vector.shape_cast %parallel_loop3A_1006 : vector<1x16xf32> to vector<16xf32>
        %parallel_loop3A_1008 = arith.constant 10 : i32
        %parallel_loop3A_1009 = vector.broadcast %parallel_loop3A_1008 : i32 to vector<16x1xi32>
        %parallel_loop3A_1010 = vector.shape_cast %parallel_loop3A_1009 : vector<16x1xi32> to vector<16xi32>
        %parallel_loop3A_1011 = tpu.dynamic_gather %parallel_loop3A_248[%parallel_loop3A_1010] in [0] : vector<16xf32>, vector<16xi32> -> vector<16xf32>
        %parallel_loop3A_1012 = arith.mulf %parallel_loop3A_1011, %parallel_loop3A_989 : vector<16xf32>
        %parallel_loop3A_1013 = arith.addf %parallel_loop3A_941, %parallel_loop3A_1012 : vector<16xf32>
        %parallel_loop3A_1014 = arith.mulf %parallel_loop3A_1011, %parallel_loop3A_995 : vector<16xf32>
        %parallel_loop3A_1015 = arith.addf %parallel_loop3A_943, %parallel_loop3A_1014 : vector<16xf32>
        %parallel_loop3A_1016 = arith.mulf %parallel_loop3A_1011, %parallel_loop3A_1001 : vector<16xf32>
        %parallel_loop3A_1017 = arith.addf %parallel_loop3A_945, %parallel_loop3A_1016 : vector<16xf32>
        %parallel_loop3A_1018 = arith.mulf %parallel_loop3A_1011, %parallel_loop3A_1007 : vector<16xf32>
        %parallel_loop3A_1019 = arith.addf %parallel_loop3A_947, %parallel_loop3A_1018 : vector<16xf32>
        %parallel_loop3A_1020 = arith.constant 10 : i32
        %parallel_loop3A_1021 = vector.broadcast %parallel_loop3A_1020 : i32 to vector<16x1xi32>
        %parallel_loop3A_1022 = vector.shape_cast %parallel_loop3A_1021 : vector<16x1xi32> to vector<16xi32>
        %parallel_loop3A_1023 = tpu.dynamic_gather %parallel_loop3A_253[%parallel_loop3A_1022] in [0] : vector<16xf32>, vector<16xi32> -> vector<16xf32>
        %parallel_loop3A_1024 = arith.mulf %parallel_loop3A_1023, %parallel_loop3A_989 : vector<16xf32>
        %parallel_loop3A_1025 = arith.addf %parallel_loop3A_953, %parallel_loop3A_1024 : vector<16xf32>
        %parallel_loop3A_1026 = arith.mulf %parallel_loop3A_1023, %parallel_loop3A_995 : vector<16xf32>
        %parallel_loop3A_1027 = arith.addf %parallel_loop3A_955, %parallel_loop3A_1026 : vector<16xf32>
        %parallel_loop3A_1028 = arith.mulf %parallel_loop3A_1023, %parallel_loop3A_1001 : vector<16xf32>
        %parallel_loop3A_1029 = arith.addf %parallel_loop3A_957, %parallel_loop3A_1028 : vector<16xf32>
        %parallel_loop3A_1030 = arith.mulf %parallel_loop3A_1023, %parallel_loop3A_1007 : vector<16xf32>
        %parallel_loop3A_1031 = arith.addf %parallel_loop3A_959, %parallel_loop3A_1030 : vector<16xf32>
        %parallel_loop3A_1032 = arith.constant 10 : i32
        %parallel_loop3A_1033 = vector.broadcast %parallel_loop3A_1032 : i32 to vector<16x1xi32>
        %parallel_loop3A_1034 = vector.shape_cast %parallel_loop3A_1033 : vector<16x1xi32> to vector<16xi32>
        %parallel_loop3A_1035 = tpu.dynamic_gather %parallel_loop3A_258[%parallel_loop3A_1034] in [0] : vector<16xf32>, vector<16xi32> -> vector<16xf32>
        %parallel_loop3A_1036 = arith.mulf %parallel_loop3A_1035, %parallel_loop3A_989 : vector<16xf32>
        %parallel_loop3A_1037 = arith.addf %parallel_loop3A_965, %parallel_loop3A_1036 : vector<16xf32>
        %parallel_loop3A_1038 = arith.mulf %parallel_loop3A_1035, %parallel_loop3A_995 : vector<16xf32>
        %parallel_loop3A_1039 = arith.addf %parallel_loop3A_967, %parallel_loop3A_1038 : vector<16xf32>
        %parallel_loop3A_1040 = arith.mulf %parallel_loop3A_1035, %parallel_loop3A_1001 : vector<16xf32>
        %parallel_loop3A_1041 = arith.addf %parallel_loop3A_969, %parallel_loop3A_1040 : vector<16xf32>
        %parallel_loop3A_1042 = arith.mulf %parallel_loop3A_1035, %parallel_loop3A_1007 : vector<16xf32>
        %parallel_loop3A_1043 = arith.addf %parallel_loop3A_971, %parallel_loop3A_1042 : vector<16xf32>
        %parallel_loop3A_1044 = arith.constant 10 : i32
        %parallel_loop3A_1045 = vector.broadcast %parallel_loop3A_1044 : i32 to vector<16x1xi32>
        %parallel_loop3A_1046 = vector.shape_cast %parallel_loop3A_1045 : vector<16x1xi32> to vector<16xi32>
        %parallel_loop3A_1047 = tpu.dynamic_gather %parallel_loop3A_263[%parallel_loop3A_1046] in [0] : vector<16xf32>, vector<16xi32> -> vector<16xf32>
        %parallel_loop3A_1048 = arith.mulf %parallel_loop3A_1047, %parallel_loop3A_989 : vector<16xf32>
        %parallel_loop3A_1049 = arith.addf %parallel_loop3A_977, %parallel_loop3A_1048 : vector<16xf32>
        %parallel_loop3A_1050 = arith.mulf %parallel_loop3A_1047, %parallel_loop3A_995 : vector<16xf32>
        %parallel_loop3A_1051 = arith.addf %parallel_loop3A_979, %parallel_loop3A_1050 : vector<16xf32>
        %parallel_loop3A_1052 = arith.mulf %parallel_loop3A_1047, %parallel_loop3A_1001 : vector<16xf32>
        %parallel_loop3A_1053 = arith.addf %parallel_loop3A_981, %parallel_loop3A_1052 : vector<16xf32>
        %parallel_loop3A_1054 = arith.mulf %parallel_loop3A_1047, %parallel_loop3A_1007 : vector<16xf32>
        %parallel_loop3A_1055 = arith.addf %parallel_loop3A_983, %parallel_loop3A_1054 : vector<16xf32>
        %parallel_loop3A_1056 = arith.constant 11 : i32
        %parallel_loop3A_1057 = arith.addi %parallel_loop3A_243, %parallel_loop3A_1056 : i32
        %parallel_loop3A_1058 = arith.index_cast %parallel_loop3A_1057 : i32 to index
        %parallel_loop3A_1059 = arith.constant 0 : index
        %parallel_loop3A_1060 = tpu.vector_load %arg5[%parallel_loop3A_1058, %parallel_loop3A_1059] {strides = array<i32>} : memref<512x64xf32, #tpu.memory_space<vmem>>, vector<1x16xf32>,
        %parallel_loop3A_1061 = vector.shape_cast %parallel_loop3A_1060 : vector<1x16xf32> to vector<16xf32>
        %parallel_loop3A_1062 = arith.constant 11 : i32
        %parallel_loop3A_1063 = arith.addi %parallel_loop3A_243, %parallel_loop3A_1062 : i32
        %parallel_loop3A_1064 = arith.index_cast %parallel_loop3A_1063 : i32 to index
        %parallel_loop3A_1065 = arith.constant 16 : index
        %parallel_loop3A_1066 = tpu.vector_load %arg5[%parallel_loop3A_1064, %parallel_loop3A_1065] {strides = array<i32>} : memref<512x64xf32, #tpu.memory_space<vmem>>, vector<1x16xf32>,
        %parallel_loop3A_1067 = vector.shape_cast %parallel_loop3A_1066 : vector<1x16xf32> to vector<16xf32>
        %parallel_loop3A_1068 = arith.constant 11 : i32
        %parallel_loop3A_1069 = arith.addi %parallel_loop3A_243, %parallel_loop3A_1068 : i32
        %parallel_loop3A_1070 = arith.index_cast %parallel_loop3A_1069 : i32 to index
        %parallel_loop3A_1071 = arith.constant 32 : index
        %parallel_loop3A_1072 = tpu.vector_load %arg5[%parallel_loop3A_1070, %parallel_loop3A_1071] {strides = array<i32>} : memref<512x64xf32, #tpu.memory_space<vmem>>, vector<1x16xf32>,
        %parallel_loop3A_1073 = vector.shape_cast %parallel_loop3A_1072 : vector<1x16xf32> to vector<16xf32>
        %parallel_loop3A_1074 = arith.constant 11 : i32
        %parallel_loop3A_1075 = arith.addi %parallel_loop3A_243, %parallel_loop3A_1074 : i32
        %parallel_loop3A_1076 = arith.index_cast %parallel_loop3A_1075 : i32 to index
        %parallel_loop3A_1077 = arith.constant 48 : index
        %parallel_loop3A_1078 = tpu.vector_load %arg5[%parallel_loop3A_1076, %parallel_loop3A_1077] {strides = array<i32>} : memref<512x64xf32, #tpu.memory_space<vmem>>, vector<1x16xf32>,
        %parallel_loop3A_1079 = vector.shape_cast %parallel_loop3A_1078 : vector<1x16xf32> to vector<16xf32>
        %parallel_loop3A_1080 = arith.constant 11 : i32
        %parallel_loop3A_1081 = vector.broadcast %parallel_loop3A_1080 : i32 to vector<16x1xi32>
        %parallel_loop3A_1082 = vector.shape_cast %parallel_loop3A_1081 : vector<16x1xi32> to vector<16xi32>
        %parallel_loop3A_1083 = tpu.dynamic_gather %parallel_loop3A_248[%parallel_loop3A_1082] in [0] : vector<16xf32>, vector<16xi32> -> vector<16xf32>
        %parallel_loop3A_1084 = arith.mulf %parallel_loop3A_1083, %parallel_loop3A_1061 : vector<16xf32>
        %parallel_loop3A_1085 = arith.addf %parallel_loop3A_1013, %parallel_loop3A_1084 : vector<16xf32>
        %parallel_loop3A_1086 = arith.mulf %parallel_loop3A_1083, %parallel_loop3A_1067 : vector<16xf32>
        %parallel_loop3A_1087 = arith.addf %parallel_loop3A_1015, %parallel_loop3A_1086 : vector<16xf32>
        %parallel_loop3A_1088 = arith.mulf %parallel_loop3A_1083, %parallel_loop3A_1073 : vector<16xf32>
        %parallel_loop3A_1089 = arith.addf %parallel_loop3A_1017, %parallel_loop3A_1088 : vector<16xf32>
        %parallel_loop3A_1090 = arith.mulf %parallel_loop3A_1083, %parallel_loop3A_1079 : vector<16xf32>
        %parallel_loop3A_1091 = arith.addf %parallel_loop3A_1019, %parallel_loop3A_1090 : vector<16xf32>
        %parallel_loop3A_1092 = arith.constant 11 : i32
        %parallel_loop3A_1093 = vector.broadcast %parallel_loop3A_1092 : i32 to vector<16x1xi32>
        %parallel_loop3A_1094 = vector.shape_cast %parallel_loop3A_1093 : vector<16x1xi32> to vector<16xi32>
        %parallel_loop3A_1095 = tpu.dynamic_gather %parallel_loop3A_253[%parallel_loop3A_1094] in [0] : vector<16xf32>, vector<16xi32> -> vector<16xf32>
        %parallel_loop3A_1096 = arith.mulf %parallel_loop3A_1095, %parallel_loop3A_1061 : vector<16xf32>
        %parallel_loop3A_1097 = arith.addf %parallel_loop3A_1025, %parallel_loop3A_1096 : vector<16xf32>
        %parallel_loop3A_1098 = arith.mulf %parallel_loop3A_1095, %parallel_loop3A_1067 : vector<16xf32>
        %parallel_loop3A_1099 = arith.addf %parallel_loop3A_1027, %parallel_loop3A_1098 : vector<16xf32>
        %parallel_loop3A_1100 = arith.mulf %parallel_loop3A_1095, %parallel_loop3A_1073 : vector<16xf32>
        %parallel_loop3A_1101 = arith.addf %parallel_loop3A_1029, %parallel_loop3A_1100 : vector<16xf32>
        %parallel_loop3A_1102 = arith.mulf %parallel_loop3A_1095, %parallel_loop3A_1079 : vector<16xf32>
        %parallel_loop3A_1103 = arith.addf %parallel_loop3A_1031, %parallel_loop3A_1102 : vector<16xf32>
        %parallel_loop3A_1104 = arith.constant 11 : i32
        %parallel_loop3A_1105 = vector.broadcast %parallel_loop3A_1104 : i32 to vector<16x1xi32>
        %parallel_loop3A_1106 = vector.shape_cast %parallel_loop3A_1105 : vector<16x1xi32> to vector<16xi32>
        %parallel_loop3A_1107 = tpu.dynamic_gather %parallel_loop3A_258[%parallel_loop3A_1106] in [0] : vector<16xf32>, vector<16xi32> -> vector<16xf32>
        %parallel_loop3A_1108 = arith.mulf %parallel_loop3A_1107, %parallel_loop3A_1061 : vector<16xf32>
        %parallel_loop3A_1109 = arith.addf %parallel_loop3A_1037, %parallel_loop3A_1108 : vector<16xf32>
        %parallel_loop3A_1110 = arith.mulf %parallel_loop3A_1107, %parallel_loop3A_1067 : vector<16xf32>
        %parallel_loop3A_1111 = arith.addf %parallel_loop3A_1039, %parallel_loop3A_1110 : vector<16xf32>
        %parallel_loop3A_1112 = arith.mulf %parallel_loop3A_1107, %parallel_loop3A_1073 : vector<16xf32>
        %parallel_loop3A_1113 = arith.addf %parallel_loop3A_1041, %parallel_loop3A_1112 : vector<16xf32>
        %parallel_loop3A_1114 = arith.mulf %parallel_loop3A_1107, %parallel_loop3A_1079 : vector<16xf32>
        %parallel_loop3A_1115 = arith.addf %parallel_loop3A_1043, %parallel_loop3A_1114 : vector<16xf32>
        %parallel_loop3A_1116 = arith.constant 11 : i32
        %parallel_loop3A_1117 = vector.broadcast %parallel_loop3A_1116 : i32 to vector<16x1xi32>
        %parallel_loop3A_1118 = vector.shape_cast %parallel_loop3A_1117 : vector<16x1xi32> to vector<16xi32>
        %parallel_loop3A_1119 = tpu.dynamic_gather %parallel_loop3A_263[%parallel_loop3A_1118] in [0] : vector<16xf32>, vector<16xi32> -> vector<16xf32>
        %parallel_loop3A_1120 = arith.mulf %parallel_loop3A_1119, %parallel_loop3A_1061 : vector<16xf32>
        %parallel_loop3A_1121 = arith.addf %parallel_loop3A_1049, %parallel_loop3A_1120 : vector<16xf32>
        %parallel_loop3A_1122 = arith.mulf %parallel_loop3A_1119, %parallel_loop3A_1067 : vector<16xf32>
        %parallel_loop3A_1123 = arith.addf %parallel_loop3A_1051, %parallel_loop3A_1122 : vector<16xf32>
        %parallel_loop3A_1124 = arith.mulf %parallel_loop3A_1119, %parallel_loop3A_1073 : vector<16xf32>
        %parallel_loop3A_1125 = arith.addf %parallel_loop3A_1053, %parallel_loop3A_1124 : vector<16xf32>
        %parallel_loop3A_1126 = arith.mulf %parallel_loop3A_1119, %parallel_loop3A_1079 : vector<16xf32>
        %parallel_loop3A_1127 = arith.addf %parallel_loop3A_1055, %parallel_loop3A_1126 : vector<16xf32>
        %parallel_loop3A_1128 = arith.constant 12 : i32
        %parallel_loop3A_1129 = arith.addi %parallel_loop3A_243, %parallel_loop3A_1128 : i32
        %parallel_loop3A_1130 = arith.index_cast %parallel_loop3A_1129 : i32 to index
        %parallel_loop3A_1131 = arith.constant 0 : index
        %parallel_loop3A_1132 = tpu.vector_load %arg5[%parallel_loop3A_1130, %parallel_loop3A_1131] {strides = array<i32>} : memref<512x64xf32, #tpu.memory_space<vmem>>, vector<1x16xf32>,
        %parallel_loop3A_1133 = vector.shape_cast %parallel_loop3A_1132 : vector<1x16xf32> to vector<16xf32>
        %parallel_loop3A_1134 = arith.constant 12 : i32
        %parallel_loop3A_1135 = arith.addi %parallel_loop3A_243, %parallel_loop3A_1134 : i32
        %parallel_loop3A_1136 = arith.index_cast %parallel_loop3A_1135 : i32 to index
        %parallel_loop3A_1137 = arith.constant 16 : index
        %parallel_loop3A_1138 = tpu.vector_load %arg5[%parallel_loop3A_1136, %parallel_loop3A_1137] {strides = array<i32>} : memref<512x64xf32, #tpu.memory_space<vmem>>, vector<1x16xf32>,
        %parallel_loop3A_1139 = vector.shape_cast %parallel_loop3A_1138 : vector<1x16xf32> to vector<16xf32>
        %parallel_loop3A_1140 = arith.constant 12 : i32
        %parallel_loop3A_1141 = arith.addi %parallel_loop3A_243, %parallel_loop3A_1140 : i32
        %parallel_loop3A_1142 = arith.index_cast %parallel_loop3A_1141 : i32 to index
        %parallel_loop3A_1143 = arith.constant 32 : index
        %parallel_loop3A_1144 = tpu.vector_load %arg5[%parallel_loop3A_1142, %parallel_loop3A_1143] {strides = array<i32>} : memref<512x64xf32, #tpu.memory_space<vmem>>, vector<1x16xf32>,
        %parallel_loop3A_1145 = vector.shape_cast %parallel_loop3A_1144 : vector<1x16xf32> to vector<16xf32>
        %parallel_loop3A_1146 = arith.constant 12 : i32
        %parallel_loop3A_1147 = arith.addi %parallel_loop3A_243, %parallel_loop3A_1146 : i32
        %parallel_loop3A_1148 = arith.index_cast %parallel_loop3A_1147 : i32 to index
        %parallel_loop3A_1149 = arith.constant 48 : index
        %parallel_loop3A_1150 = tpu.vector_load %arg5[%parallel_loop3A_1148, %parallel_loop3A_1149] {strides = array<i32>} : memref<512x64xf32, #tpu.memory_space<vmem>>, vector<1x16xf32>,
        %parallel_loop3A_1151 = vector.shape_cast %parallel_loop3A_1150 : vector<1x16xf32> to vector<16xf32>
        %parallel_loop3A_1152 = arith.constant 12 : i32
        %parallel_loop3A_1153 = vector.broadcast %parallel_loop3A_1152 : i32 to vector<16x1xi32>
        %parallel_loop3A_1154 = vector.shape_cast %parallel_loop3A_1153 : vector<16x1xi32> to vector<16xi32>
        %parallel_loop3A_1155 = tpu.dynamic_gather %parallel_loop3A_248[%parallel_loop3A_1154] in [0] : vector<16xf32>, vector<16xi32> -> vector<16xf32>
        %parallel_loop3A_1156 = arith.mulf %parallel_loop3A_1155, %parallel_loop3A_1133 : vector<16xf32>
        %parallel_loop3A_1157 = arith.addf %parallel_loop3A_1085, %parallel_loop3A_1156 : vector<16xf32>
        %parallel_loop3A_1158 = arith.mulf %parallel_loop3A_1155, %parallel_loop3A_1139 : vector<16xf32>
        %parallel_loop3A_1159 = arith.addf %parallel_loop3A_1087, %parallel_loop3A_1158 : vector<16xf32>
        %parallel_loop3A_1160 = arith.mulf %parallel_loop3A_1155, %parallel_loop3A_1145 : vector<16xf32>
        %parallel_loop3A_1161 = arith.addf %parallel_loop3A_1089, %parallel_loop3A_1160 : vector<16xf32>
        %parallel_loop3A_1162 = arith.mulf %parallel_loop3A_1155, %parallel_loop3A_1151 : vector<16xf32>
        %parallel_loop3A_1163 = arith.addf %parallel_loop3A_1091, %parallel_loop3A_1162 : vector<16xf32>
        %parallel_loop3A_1164 = arith.constant 12 : i32
        %parallel_loop3A_1165 = vector.broadcast %parallel_loop3A_1164 : i32 to vector<16x1xi32>
        %parallel_loop3A_1166 = vector.shape_cast %parallel_loop3A_1165 : vector<16x1xi32> to vector<16xi32>
        %parallel_loop3A_1167 = tpu.dynamic_gather %parallel_loop3A_253[%parallel_loop3A_1166] in [0] : vector<16xf32>, vector<16xi32> -> vector<16xf32>
        %parallel_loop3A_1168 = arith.mulf %parallel_loop3A_1167, %parallel_loop3A_1133 : vector<16xf32>
        %parallel_loop3A_1169 = arith.addf %parallel_loop3A_1097, %parallel_loop3A_1168 : vector<16xf32>
        %parallel_loop3A_1170 = arith.mulf %parallel_loop3A_1167, %parallel_loop3A_1139 : vector<16xf32>
        %parallel_loop3A_1171 = arith.addf %parallel_loop3A_1099, %parallel_loop3A_1170 : vector<16xf32>
        %parallel_loop3A_1172 = arith.mulf %parallel_loop3A_1167, %parallel_loop3A_1145 : vector<16xf32>
        %parallel_loop3A_1173 = arith.addf %parallel_loop3A_1101, %parallel_loop3A_1172 : vector<16xf32>
        %parallel_loop3A_1174 = arith.mulf %parallel_loop3A_1167, %parallel_loop3A_1151 : vector<16xf32>
        %parallel_loop3A_1175 = arith.addf %parallel_loop3A_1103, %parallel_loop3A_1174 : vector<16xf32>
        %parallel_loop3A_1176 = arith.constant 12 : i32
        %parallel_loop3A_1177 = vector.broadcast %parallel_loop3A_1176 : i32 to vector<16x1xi32>
        %parallel_loop3A_1178 = vector.shape_cast %parallel_loop3A_1177 : vector<16x1xi32> to vector<16xi32>
        %parallel_loop3A_1179 = tpu.dynamic_gather %parallel_loop3A_258[%parallel_loop3A_1178] in [0] : vector<16xf32>, vector<16xi32> -> vector<16xf32>
        %parallel_loop3A_1180 = arith.mulf %parallel_loop3A_1179, %parallel_loop3A_1133 : vector<16xf32>
        %parallel_loop3A_1181 = arith.addf %parallel_loop3A_1109, %parallel_loop3A_1180 : vector<16xf32>
        %parallel_loop3A_1182 = arith.mulf %parallel_loop3A_1179, %parallel_loop3A_1139 : vector<16xf32>
        %parallel_loop3A_1183 = arith.addf %parallel_loop3A_1111, %parallel_loop3A_1182 : vector<16xf32>
        %parallel_loop3A_1184 = arith.mulf %parallel_loop3A_1179, %parallel_loop3A_1145 : vector<16xf32>
        %parallel_loop3A_1185 = arith.addf %parallel_loop3A_1113, %parallel_loop3A_1184 : vector<16xf32>
        %parallel_loop3A_1186 = arith.mulf %parallel_loop3A_1179, %parallel_loop3A_1151 : vector<16xf32>
        %parallel_loop3A_1187 = arith.addf %parallel_loop3A_1115, %parallel_loop3A_1186 : vector<16xf32>
        %parallel_loop3A_1188 = arith.constant 12 : i32
        %parallel_loop3A_1189 = vector.broadcast %parallel_loop3A_1188 : i32 to vector<16x1xi32>
        %parallel_loop3A_1190 = vector.shape_cast %parallel_loop3A_1189 : vector<16x1xi32> to vector<16xi32>
        %parallel_loop3A_1191 = tpu.dynamic_gather %parallel_loop3A_263[%parallel_loop3A_1190] in [0] : vector<16xf32>, vector<16xi32> -> vector<16xf32>
        %parallel_loop3A_1192 = arith.mulf %parallel_loop3A_1191, %parallel_loop3A_1133 : vector<16xf32>
        %parallel_loop3A_1193 = arith.addf %parallel_loop3A_1121, %parallel_loop3A_1192 : vector<16xf32>
        %parallel_loop3A_1194 = arith.mulf %parallel_loop3A_1191, %parallel_loop3A_1139 : vector<16xf32>
        %parallel_loop3A_1195 = arith.addf %parallel_loop3A_1123, %parallel_loop3A_1194 : vector<16xf32>
        %parallel_loop3A_1196 = arith.mulf %parallel_loop3A_1191, %parallel_loop3A_1145 : vector<16xf32>
        %parallel_loop3A_1197 = arith.addf %parallel_loop3A_1125, %parallel_loop3A_1196 : vector<16xf32>
        %parallel_loop3A_1198 = arith.mulf %parallel_loop3A_1191, %parallel_loop3A_1151 : vector<16xf32>
        %parallel_loop3A_1199 = arith.addf %parallel_loop3A_1127, %parallel_loop3A_1198 : vector<16xf32>
        %parallel_loop3A_1200 = arith.constant 13 : i32
        %parallel_loop3A_1201 = arith.addi %parallel_loop3A_243, %parallel_loop3A_1200 : i32
        %parallel_loop3A_1202 = arith.index_cast %parallel_loop3A_1201 : i32 to index
        %parallel_loop3A_1203 = arith.constant 0 : index
        %parallel_loop3A_1204 = tpu.vector_load %arg5[%parallel_loop3A_1202, %parallel_loop3A_1203] {strides = array<i32>} : memref<512x64xf32, #tpu.memory_space<vmem>>, vector<1x16xf32>,
        %parallel_loop3A_1205 = vector.shape_cast %parallel_loop3A_1204 : vector<1x16xf32> to vector<16xf32>
        %parallel_loop3A_1206 = arith.constant 13 : i32
        %parallel_loop3A_1207 = arith.addi %parallel_loop3A_243, %parallel_loop3A_1206 : i32
        %parallel_loop3A_1208 = arith.index_cast %parallel_loop3A_1207 : i32 to index
        %parallel_loop3A_1209 = arith.constant 16 : index
        %parallel_loop3A_1210 = tpu.vector_load %arg5[%parallel_loop3A_1208, %parallel_loop3A_1209] {strides = array<i32>} : memref<512x64xf32, #tpu.memory_space<vmem>>, vector<1x16xf32>,
        %parallel_loop3A_1211 = vector.shape_cast %parallel_loop3A_1210 : vector<1x16xf32> to vector<16xf32>
        %parallel_loop3A_1212 = arith.constant 13 : i32
        %parallel_loop3A_1213 = arith.addi %parallel_loop3A_243, %parallel_loop3A_1212 : i32
        %parallel_loop3A_1214 = arith.index_cast %parallel_loop3A_1213 : i32 to index
        %parallel_loop3A_1215 = arith.constant 32 : index
        %parallel_loop3A_1216 = tpu.vector_load %arg5[%parallel_loop3A_1214, %parallel_loop3A_1215] {strides = array<i32>} : memref<512x64xf32, #tpu.memory_space<vmem>>, vector<1x16xf32>,
        %parallel_loop3A_1217 = vector.shape_cast %parallel_loop3A_1216 : vector<1x16xf32> to vector<16xf32>
        %parallel_loop3A_1218 = arith.constant 13 : i32
        %parallel_loop3A_1219 = arith.addi %parallel_loop3A_243, %parallel_loop3A_1218 : i32
        %parallel_loop3A_1220 = arith.index_cast %parallel_loop3A_1219 : i32 to index
        %parallel_loop3A_1221 = arith.constant 48 : index
        %parallel_loop3A_1222 = tpu.vector_load %arg5[%parallel_loop3A_1220, %parallel_loop3A_1221] {strides = array<i32>} : memref<512x64xf32, #tpu.memory_space<vmem>>, vector<1x16xf32>,
        %parallel_loop3A_1223 = vector.shape_cast %parallel_loop3A_1222 : vector<1x16xf32> to vector<16xf32>
        %parallel_loop3A_1224 = arith.constant 13 : i32
        %parallel_loop3A_1225 = vector.broadcast %parallel_loop3A_1224 : i32 to vector<16x1xi32>
        %parallel_loop3A_1226 = vector.shape_cast %parallel_loop3A_1225 : vector<16x1xi32> to vector<16xi32>
        %parallel_loop3A_1227 = tpu.dynamic_gather %parallel_loop3A_248[%parallel_loop3A_1226] in [0] : vector<16xf32>, vector<16xi32> -> vector<16xf32>
        %parallel_loop3A_1228 = arith.mulf %parallel_loop3A_1227, %parallel_loop3A_1205 : vector<16xf32>
        %parallel_loop3A_1229 = arith.addf %parallel_loop3A_1157, %parallel_loop3A_1228 : vector<16xf32>
        %parallel_loop3A_1230 = arith.mulf %parallel_loop3A_1227, %parallel_loop3A_1211 : vector<16xf32>
        %parallel_loop3A_1231 = arith.addf %parallel_loop3A_1159, %parallel_loop3A_1230 : vector<16xf32>
        %parallel_loop3A_1232 = arith.mulf %parallel_loop3A_1227, %parallel_loop3A_1217 : vector<16xf32>
        %parallel_loop3A_1233 = arith.addf %parallel_loop3A_1161, %parallel_loop3A_1232 : vector<16xf32>
        %parallel_loop3A_1234 = arith.mulf %parallel_loop3A_1227, %parallel_loop3A_1223 : vector<16xf32>
        %parallel_loop3A_1235 = arith.addf %parallel_loop3A_1163, %parallel_loop3A_1234 : vector<16xf32>
        %parallel_loop3A_1236 = arith.constant 13 : i32
        %parallel_loop3A_1237 = vector.broadcast %parallel_loop3A_1236 : i32 to vector<16x1xi32>
        %parallel_loop3A_1238 = vector.shape_cast %parallel_loop3A_1237 : vector<16x1xi32> to vector<16xi32>
        %parallel_loop3A_1239 = tpu.dynamic_gather %parallel_loop3A_253[%parallel_loop3A_1238] in [0] : vector<16xf32>, vector<16xi32> -> vector<16xf32>
        %parallel_loop3A_1240 = arith.mulf %parallel_loop3A_1239, %parallel_loop3A_1205 : vector<16xf32>
        %parallel_loop3A_1241 = arith.addf %parallel_loop3A_1169, %parallel_loop3A_1240 : vector<16xf32>
        %parallel_loop3A_1242 = arith.mulf %parallel_loop3A_1239, %parallel_loop3A_1211 : vector<16xf32>
        %parallel_loop3A_1243 = arith.addf %parallel_loop3A_1171, %parallel_loop3A_1242 : vector<16xf32>
        %parallel_loop3A_1244 = arith.mulf %parallel_loop3A_1239, %parallel_loop3A_1217 : vector<16xf32>
        %parallel_loop3A_1245 = arith.addf %parallel_loop3A_1173, %parallel_loop3A_1244 : vector<16xf32>
        %parallel_loop3A_1246 = arith.mulf %parallel_loop3A_1239, %parallel_loop3A_1223 : vector<16xf32>
        %parallel_loop3A_1247 = arith.addf %parallel_loop3A_1175, %parallel_loop3A_1246 : vector<16xf32>
        %parallel_loop3A_1248 = arith.constant 13 : i32
        %parallel_loop3A_1249 = vector.broadcast %parallel_loop3A_1248 : i32 to vector<16x1xi32>
        %parallel_loop3A_1250 = vector.shape_cast %parallel_loop3A_1249 : vector<16x1xi32> to vector<16xi32>
        %parallel_loop3A_1251 = tpu.dynamic_gather %parallel_loop3A_258[%parallel_loop3A_1250] in [0] : vector<16xf32>, vector<16xi32> -> vector<16xf32>
        %parallel_loop3A_1252 = arith.mulf %parallel_loop3A_1251, %parallel_loop3A_1205 : vector<16xf32>
        %parallel_loop3A_1253 = arith.addf %parallel_loop3A_1181, %parallel_loop3A_1252 : vector<16xf32>
        %parallel_loop3A_1254 = arith.mulf %parallel_loop3A_1251, %parallel_loop3A_1211 : vector<16xf32>
        %parallel_loop3A_1255 = arith.addf %parallel_loop3A_1183, %parallel_loop3A_1254 : vector<16xf32>
        %parallel_loop3A_1256 = arith.mulf %parallel_loop3A_1251, %parallel_loop3A_1217 : vector<16xf32>
        %parallel_loop3A_1257 = arith.addf %parallel_loop3A_1185, %parallel_loop3A_1256 : vector<16xf32>
        %parallel_loop3A_1258 = arith.mulf %parallel_loop3A_1251, %parallel_loop3A_1223 : vector<16xf32>
        %parallel_loop3A_1259 = arith.addf %parallel_loop3A_1187, %parallel_loop3A_1258 : vector<16xf32>
        %parallel_loop3A_1260 = arith.constant 13 : i32
        %parallel_loop3A_1261 = vector.broadcast %parallel_loop3A_1260 : i32 to vector<16x1xi32>
        %parallel_loop3A_1262 = vector.shape_cast %parallel_loop3A_1261 : vector<16x1xi32> to vector<16xi32>
        %parallel_loop3A_1263 = tpu.dynamic_gather %parallel_loop3A_263[%parallel_loop3A_1262] in [0] : vector<16xf32>, vector<16xi32> -> vector<16xf32>
        %parallel_loop3A_1264 = arith.mulf %parallel_loop3A_1263, %parallel_loop3A_1205 : vector<16xf32>
        %parallel_loop3A_1265 = arith.addf %parallel_loop3A_1193, %parallel_loop3A_1264 : vector<16xf32>
        %parallel_loop3A_1266 = arith.mulf %parallel_loop3A_1263, %parallel_loop3A_1211 : vector<16xf32>
        %parallel_loop3A_1267 = arith.addf %parallel_loop3A_1195, %parallel_loop3A_1266 : vector<16xf32>
        %parallel_loop3A_1268 = arith.mulf %parallel_loop3A_1263, %parallel_loop3A_1217 : vector<16xf32>
        %parallel_loop3A_1269 = arith.addf %parallel_loop3A_1197, %parallel_loop3A_1268 : vector<16xf32>
        %parallel_loop3A_1270 = arith.mulf %parallel_loop3A_1263, %parallel_loop3A_1223 : vector<16xf32>
        %parallel_loop3A_1271 = arith.addf %parallel_loop3A_1199, %parallel_loop3A_1270 : vector<16xf32>
        %parallel_loop3A_1272 = arith.constant 14 : i32
        %parallel_loop3A_1273 = arith.addi %parallel_loop3A_243, %parallel_loop3A_1272 : i32
        %parallel_loop3A_1274 = arith.index_cast %parallel_loop3A_1273 : i32 to index
        %parallel_loop3A_1275 = arith.constant 0 : index
        %parallel_loop3A_1276 = tpu.vector_load %arg5[%parallel_loop3A_1274, %parallel_loop3A_1275] {strides = array<i32>} : memref<512x64xf32, #tpu.memory_space<vmem>>, vector<1x16xf32>,
        %parallel_loop3A_1277 = vector.shape_cast %parallel_loop3A_1276 : vector<1x16xf32> to vector<16xf32>
        %parallel_loop3A_1278 = arith.constant 14 : i32
        %parallel_loop3A_1279 = arith.addi %parallel_loop3A_243, %parallel_loop3A_1278 : i32
        %parallel_loop3A_1280 = arith.index_cast %parallel_loop3A_1279 : i32 to index
        %parallel_loop3A_1281 = arith.constant 16 : index
        %parallel_loop3A_1282 = tpu.vector_load %arg5[%parallel_loop3A_1280, %parallel_loop3A_1281] {strides = array<i32>} : memref<512x64xf32, #tpu.memory_space<vmem>>, vector<1x16xf32>,
        %parallel_loop3A_1283 = vector.shape_cast %parallel_loop3A_1282 : vector<1x16xf32> to vector<16xf32>
        %parallel_loop3A_1284 = arith.constant 14 : i32
        %parallel_loop3A_1285 = arith.addi %parallel_loop3A_243, %parallel_loop3A_1284 : i32
        %parallel_loop3A_1286 = arith.index_cast %parallel_loop3A_1285 : i32 to index
        %parallel_loop3A_1287 = arith.constant 32 : index
        %parallel_loop3A_1288 = tpu.vector_load %arg5[%parallel_loop3A_1286, %parallel_loop3A_1287] {strides = array<i32>} : memref<512x64xf32, #tpu.memory_space<vmem>>, vector<1x16xf32>,
        %parallel_loop3A_1289 = vector.shape_cast %parallel_loop3A_1288 : vector<1x16xf32> to vector<16xf32>
        %parallel_loop3A_1290 = arith.constant 14 : i32
        %parallel_loop3A_1291 = arith.addi %parallel_loop3A_243, %parallel_loop3A_1290 : i32
        %parallel_loop3A_1292 = arith.index_cast %parallel_loop3A_1291 : i32 to index
        %parallel_loop3A_1293 = arith.constant 48 : index
        %parallel_loop3A_1294 = tpu.vector_load %arg5[%parallel_loop3A_1292, %parallel_loop3A_1293] {strides = array<i32>} : memref<512x64xf32, #tpu.memory_space<vmem>>, vector<1x16xf32>,
        %parallel_loop3A_1295 = vector.shape_cast %parallel_loop3A_1294 : vector<1x16xf32> to vector<16xf32>
        %parallel_loop3A_1296 = arith.constant 14 : i32
        %parallel_loop3A_1297 = vector.broadcast %parallel_loop3A_1296 : i32 to vector<16x1xi32>
        %parallel_loop3A_1298 = vector.shape_cast %parallel_loop3A_1297 : vector<16x1xi32> to vector<16xi32>
        %parallel_loop3A_1299 = tpu.dynamic_gather %parallel_loop3A_248[%parallel_loop3A_1298] in [0] : vector<16xf32>, vector<16xi32> -> vector<16xf32>
        %parallel_loop3A_1300 = arith.mulf %parallel_loop3A_1299, %parallel_loop3A_1277 : vector<16xf32>
        %parallel_loop3A_1301 = arith.addf %parallel_loop3A_1229, %parallel_loop3A_1300 : vector<16xf32>
        %parallel_loop3A_1302 = arith.mulf %parallel_loop3A_1299, %parallel_loop3A_1283 : vector<16xf32>
        %parallel_loop3A_1303 = arith.addf %parallel_loop3A_1231, %parallel_loop3A_1302 : vector<16xf32>
        %parallel_loop3A_1304 = arith.mulf %parallel_loop3A_1299, %parallel_loop3A_1289 : vector<16xf32>
        %parallel_loop3A_1305 = arith.addf %parallel_loop3A_1233, %parallel_loop3A_1304 : vector<16xf32>
        %parallel_loop3A_1306 = arith.mulf %parallel_loop3A_1299, %parallel_loop3A_1295 : vector<16xf32>
        %parallel_loop3A_1307 = arith.addf %parallel_loop3A_1235, %parallel_loop3A_1306 : vector<16xf32>
        %parallel_loop3A_1308 = arith.constant 14 : i32
        %parallel_loop3A_1309 = vector.broadcast %parallel_loop3A_1308 : i32 to vector<16x1xi32>
        %parallel_loop3A_1310 = vector.shape_cast %parallel_loop3A_1309 : vector<16x1xi32> to vector<16xi32>
        %parallel_loop3A_1311 = tpu.dynamic_gather %parallel_loop3A_253[%parallel_loop3A_1310] in [0] : vector<16xf32>, vector<16xi32> -> vector<16xf32>
        %parallel_loop3A_1312 = arith.mulf %parallel_loop3A_1311, %parallel_loop3A_1277 : vector<16xf32>
        %parallel_loop3A_1313 = arith.addf %parallel_loop3A_1241, %parallel_loop3A_1312 : vector<16xf32>
        %parallel_loop3A_1314 = arith.mulf %parallel_loop3A_1311, %parallel_loop3A_1283 : vector<16xf32>
        %parallel_loop3A_1315 = arith.addf %parallel_loop3A_1243, %parallel_loop3A_1314 : vector<16xf32>
        %parallel_loop3A_1316 = arith.mulf %parallel_loop3A_1311, %parallel_loop3A_1289 : vector<16xf32>
        %parallel_loop3A_1317 = arith.addf %parallel_loop3A_1245, %parallel_loop3A_1316 : vector<16xf32>
        %parallel_loop3A_1318 = arith.mulf %parallel_loop3A_1311, %parallel_loop3A_1295 : vector<16xf32>
        %parallel_loop3A_1319 = arith.addf %parallel_loop3A_1247, %parallel_loop3A_1318 : vector<16xf32>
        %parallel_loop3A_1320 = arith.constant 14 : i32
        %parallel_loop3A_1321 = vector.broadcast %parallel_loop3A_1320 : i32 to vector<16x1xi32>
        %parallel_loop3A_1322 = vector.shape_cast %parallel_loop3A_1321 : vector<16x1xi32> to vector<16xi32>
        %parallel_loop3A_1323 = tpu.dynamic_gather %parallel_loop3A_258[%parallel_loop3A_1322] in [0] : vector<16xf32>, vector<16xi32> -> vector<16xf32>
        %parallel_loop3A_1324 = arith.mulf %parallel_loop3A_1323, %parallel_loop3A_1277 : vector<16xf32>
        %parallel_loop3A_1325 = arith.addf %parallel_loop3A_1253, %parallel_loop3A_1324 : vector<16xf32>
        %parallel_loop3A_1326 = arith.mulf %parallel_loop3A_1323, %parallel_loop3A_1283 : vector<16xf32>
        %parallel_loop3A_1327 = arith.addf %parallel_loop3A_1255, %parallel_loop3A_1326 : vector<16xf32>
        %parallel_loop3A_1328 = arith.mulf %parallel_loop3A_1323, %parallel_loop3A_1289 : vector<16xf32>
        %parallel_loop3A_1329 = arith.addf %parallel_loop3A_1257, %parallel_loop3A_1328 : vector<16xf32>
        %parallel_loop3A_1330 = arith.mulf %parallel_loop3A_1323, %parallel_loop3A_1295 : vector<16xf32>
        %parallel_loop3A_1331 = arith.addf %parallel_loop3A_1259, %parallel_loop3A_1330 : vector<16xf32>
        %parallel_loop3A_1332 = arith.constant 14 : i32
        %parallel_loop3A_1333 = vector.broadcast %parallel_loop3A_1332 : i32 to vector<16x1xi32>
        %parallel_loop3A_1334 = vector.shape_cast %parallel_loop3A_1333 : vector<16x1xi32> to vector<16xi32>
        %parallel_loop3A_1335 = tpu.dynamic_gather %parallel_loop3A_263[%parallel_loop3A_1334] in [0] : vector<16xf32>, vector<16xi32> -> vector<16xf32>
        %parallel_loop3A_1336 = arith.mulf %parallel_loop3A_1335, %parallel_loop3A_1277 : vector<16xf32>
        %parallel_loop3A_1337 = arith.addf %parallel_loop3A_1265, %parallel_loop3A_1336 : vector<16xf32>
        %parallel_loop3A_1338 = arith.mulf %parallel_loop3A_1335, %parallel_loop3A_1283 : vector<16xf32>
        %parallel_loop3A_1339 = arith.addf %parallel_loop3A_1267, %parallel_loop3A_1338 : vector<16xf32>
        %parallel_loop3A_1340 = arith.mulf %parallel_loop3A_1335, %parallel_loop3A_1289 : vector<16xf32>
        %parallel_loop3A_1341 = arith.addf %parallel_loop3A_1269, %parallel_loop3A_1340 : vector<16xf32>
        %parallel_loop3A_1342 = arith.mulf %parallel_loop3A_1335, %parallel_loop3A_1295 : vector<16xf32>
        %parallel_loop3A_1343 = arith.addf %parallel_loop3A_1271, %parallel_loop3A_1342 : vector<16xf32>
        %parallel_loop3A_1344 = arith.constant 15 : i32
        %parallel_loop3A_1345 = arith.addi %parallel_loop3A_243, %parallel_loop3A_1344 : i32
        %parallel_loop3A_1346 = arith.index_cast %parallel_loop3A_1345 : i32 to index
        %parallel_loop3A_1347 = arith.constant 0 : index
        %parallel_loop3A_1348 = tpu.vector_load %arg5[%parallel_loop3A_1346, %parallel_loop3A_1347] {strides = array<i32>} : memref<512x64xf32, #tpu.memory_space<vmem>>, vector<1x16xf32>,
        %parallel_loop3A_1349 = vector.shape_cast %parallel_loop3A_1348 : vector<1x16xf32> to vector<16xf32>
        %parallel_loop3A_1350 = arith.constant 15 : i32
        %parallel_loop3A_1351 = arith.addi %parallel_loop3A_243, %parallel_loop3A_1350 : i32
        %parallel_loop3A_1352 = arith.index_cast %parallel_loop3A_1351 : i32 to index
        %parallel_loop3A_1353 = arith.constant 16 : index
        %parallel_loop3A_1354 = tpu.vector_load %arg5[%parallel_loop3A_1352, %parallel_loop3A_1353] {strides = array<i32>} : memref<512x64xf32, #tpu.memory_space<vmem>>, vector<1x16xf32>,
        %parallel_loop3A_1355 = vector.shape_cast %parallel_loop3A_1354 : vector<1x16xf32> to vector<16xf32>
        %parallel_loop3A_1356 = arith.constant 15 : i32
        %parallel_loop3A_1357 = arith.addi %parallel_loop3A_243, %parallel_loop3A_1356 : i32
        %parallel_loop3A_1358 = arith.index_cast %parallel_loop3A_1357 : i32 to index
        %parallel_loop3A_1359 = arith.constant 32 : index
        %parallel_loop3A_1360 = tpu.vector_load %arg5[%parallel_loop3A_1358, %parallel_loop3A_1359] {strides = array<i32>} : memref<512x64xf32, #tpu.memory_space<vmem>>, vector<1x16xf32>,
        %parallel_loop3A_1361 = vector.shape_cast %parallel_loop3A_1360 : vector<1x16xf32> to vector<16xf32>
        %parallel_loop3A_1362 = arith.constant 15 : i32
        %parallel_loop3A_1363 = arith.addi %parallel_loop3A_243, %parallel_loop3A_1362 : i32
        %parallel_loop3A_1364 = arith.index_cast %parallel_loop3A_1363 : i32 to index
        %parallel_loop3A_1365 = arith.constant 48 : index
        %parallel_loop3A_1366 = tpu.vector_load %arg5[%parallel_loop3A_1364, %parallel_loop3A_1365] {strides = array<i32>} : memref<512x64xf32, #tpu.memory_space<vmem>>, vector<1x16xf32>,
        %parallel_loop3A_1367 = vector.shape_cast %parallel_loop3A_1366 : vector<1x16xf32> to vector<16xf32>
        %parallel_loop3A_1368 = arith.constant 15 : i32
        %parallel_loop3A_1369 = vector.broadcast %parallel_loop3A_1368 : i32 to vector<16x1xi32>
        %parallel_loop3A_1370 = vector.shape_cast %parallel_loop3A_1369 : vector<16x1xi32> to vector<16xi32>
        %parallel_loop3A_1371 = tpu.dynamic_gather %parallel_loop3A_248[%parallel_loop3A_1370] in [0] : vector<16xf32>, vector<16xi32> -> vector<16xf32>
        %parallel_loop3A_1372 = arith.mulf %parallel_loop3A_1371, %parallel_loop3A_1349 : vector<16xf32>
        %parallel_loop3A_1373 = arith.addf %parallel_loop3A_1301, %parallel_loop3A_1372 : vector<16xf32>
        %parallel_loop3A_1374 = arith.mulf %parallel_loop3A_1371, %parallel_loop3A_1355 : vector<16xf32>
        %parallel_loop3A_1375 = arith.addf %parallel_loop3A_1303, %parallel_loop3A_1374 : vector<16xf32>
        %parallel_loop3A_1376 = arith.mulf %parallel_loop3A_1371, %parallel_loop3A_1361 : vector<16xf32>
        %parallel_loop3A_1377 = arith.addf %parallel_loop3A_1305, %parallel_loop3A_1376 : vector<16xf32>
        %parallel_loop3A_1378 = arith.mulf %parallel_loop3A_1371, %parallel_loop3A_1367 : vector<16xf32>
        %parallel_loop3A_1379 = arith.addf %parallel_loop3A_1307, %parallel_loop3A_1378 : vector<16xf32>
        %parallel_loop3A_1380 = arith.constant 15 : i32
        %parallel_loop3A_1381 = vector.broadcast %parallel_loop3A_1380 : i32 to vector<16x1xi32>
        %parallel_loop3A_1382 = vector.shape_cast %parallel_loop3A_1381 : vector<16x1xi32> to vector<16xi32>
        %parallel_loop3A_1383 = tpu.dynamic_gather %parallel_loop3A_253[%parallel_loop3A_1382] in [0] : vector<16xf32>, vector<16xi32> -> vector<16xf32>
        %parallel_loop3A_1384 = arith.mulf %parallel_loop3A_1383, %parallel_loop3A_1349 : vector<16xf32>
        %parallel_loop3A_1385 = arith.addf %parallel_loop3A_1313, %parallel_loop3A_1384 : vector<16xf32>
        %parallel_loop3A_1386 = arith.mulf %parallel_loop3A_1383, %parallel_loop3A_1355 : vector<16xf32>
        %parallel_loop3A_1387 = arith.addf %parallel_loop3A_1315, %parallel_loop3A_1386 : vector<16xf32>
        %parallel_loop3A_1388 = arith.mulf %parallel_loop3A_1383, %parallel_loop3A_1361 : vector<16xf32>
        %parallel_loop3A_1389 = arith.addf %parallel_loop3A_1317, %parallel_loop3A_1388 : vector<16xf32>
        %parallel_loop3A_1390 = arith.mulf %parallel_loop3A_1383, %parallel_loop3A_1367 : vector<16xf32>
        %parallel_loop3A_1391 = arith.addf %parallel_loop3A_1319, %parallel_loop3A_1390 : vector<16xf32>
        %parallel_loop3A_1392 = arith.constant 15 : i32
        %parallel_loop3A_1393 = vector.broadcast %parallel_loop3A_1392 : i32 to vector<16x1xi32>
        %parallel_loop3A_1394 = vector.shape_cast %parallel_loop3A_1393 : vector<16x1xi32> to vector<16xi32>
        %parallel_loop3A_1395 = tpu.dynamic_gather %parallel_loop3A_258[%parallel_loop3A_1394] in [0] : vector<16xf32>, vector<16xi32> -> vector<16xf32>
        %parallel_loop3A_1396 = arith.mulf %parallel_loop3A_1395, %parallel_loop3A_1349 : vector<16xf32>
        %parallel_loop3A_1397 = arith.addf %parallel_loop3A_1325, %parallel_loop3A_1396 : vector<16xf32>
        %parallel_loop3A_1398 = arith.mulf %parallel_loop3A_1395, %parallel_loop3A_1355 : vector<16xf32>
        %parallel_loop3A_1399 = arith.addf %parallel_loop3A_1327, %parallel_loop3A_1398 : vector<16xf32>
        %parallel_loop3A_1400 = arith.mulf %parallel_loop3A_1395, %parallel_loop3A_1361 : vector<16xf32>
        %parallel_loop3A_1401 = arith.addf %parallel_loop3A_1329, %parallel_loop3A_1400 : vector<16xf32>
        %parallel_loop3A_1402 = arith.mulf %parallel_loop3A_1395, %parallel_loop3A_1367 : vector<16xf32>
        %parallel_loop3A_1403 = arith.addf %parallel_loop3A_1331, %parallel_loop3A_1402 : vector<16xf32>
        %parallel_loop3A_1404 = arith.constant 15 : i32
        %parallel_loop3A_1405 = vector.broadcast %parallel_loop3A_1404 : i32 to vector<16x1xi32>
        %parallel_loop3A_1406 = vector.shape_cast %parallel_loop3A_1405 : vector<16x1xi32> to vector<16xi32>
        %parallel_loop3A_1407 = tpu.dynamic_gather %parallel_loop3A_263[%parallel_loop3A_1406] in [0] : vector<16xf32>, vector<16xi32> -> vector<16xf32>
        %parallel_loop3A_1408 = arith.mulf %parallel_loop3A_1407, %parallel_loop3A_1349 : vector<16xf32>
        %parallel_loop3A_1409 = arith.addf %parallel_loop3A_1337, %parallel_loop3A_1408 : vector<16xf32>
        %parallel_loop3A_1410 = arith.mulf %parallel_loop3A_1407, %parallel_loop3A_1355 : vector<16xf32>
        %parallel_loop3A_1411 = arith.addf %parallel_loop3A_1339, %parallel_loop3A_1410 : vector<16xf32>
        %parallel_loop3A_1412 = arith.mulf %parallel_loop3A_1407, %parallel_loop3A_1361 : vector<16xf32>
        %parallel_loop3A_1413 = arith.addf %parallel_loop3A_1341, %parallel_loop3A_1412 : vector<16xf32>
        %parallel_loop3A_1414 = arith.mulf %parallel_loop3A_1407, %parallel_loop3A_1367 : vector<16xf32>
        %parallel_loop3A_1415 = arith.addf %parallel_loop3A_1343, %parallel_loop3A_1414 : vector<16xf32>
        scf.yield %parallel_loop3A_1373, %parallel_loop3A_1375, %parallel_loop3A_1377, %parallel_loop3A_1379, %parallel_loop3A_1385, %parallel_loop3A_1387, %parallel_loop3A_1389, %parallel_loop3A_1391, %parallel_loop3A_1397, %parallel_loop3A_1399, %parallel_loop3A_1401, %parallel_loop3A_1403, %parallel_loop3A_1409, %parallel_loop3A_1411, %parallel_loop3A_1413, %parallel_loop3A_1415 : vector<16xf32>, vector<16xf32>, vector<16xf32>, vector<16xf32>, vector<16xf32>, vector<16xf32>, vector<16xf32>, vector<16xf32>, vector<16xf32>, vector<16xf32>, vector<16xf32>, vector<16xf32>, vector<16xf32>, vector<16xf32>, vector<16xf32>, vector<16xf32>
      } {sc.loop_unroll_factor = 2 : i64, sc.parallel_access}
      %mul3A_81 = arith.constant 4 : i32
      %mul3A_82 = arith.muli %scan3A_42, %mul3A_81 : i32
      %add3A_83 = arith.constant 0 : i32
      %add3A_84 = arith.addi %mul3A_82, %add3A_83 : i32
      %swap3A = arith.index_cast %add3A_84 : i32 to index
      %swap3A_85 = arith.constant 0 : index
      %swap3A_86 = tpu.vector_load %arg7[%swap3A, %swap3A_85] {strides = array<i32>} : memref<64x64xf32, #tpu.memory_space<vmem>>, vector<1x16xf32>,
      %swap3A_87 = vector.shape_cast %swap3A_86 : vector<1x16xf32> to vector<16xf32>
      %swap3A_88 = vector.shape_cast %parallel_loop3A_80#0 : vector<16xf32> to vector<1x16xf32>
      tpu.vector_store %arg7[%swap3A, %swap3A_85], %swap3A_88 {strides = array<i32>} : memref<64x64xf32, #tpu.memory_space<vmem>>, vector<1x16xf32>,
      %mul3A_89 = arith.constant 4 : i32
      %mul3A_90 = arith.muli %scan3A_42, %mul3A_89 : i32
      %add3A_91 = arith.constant 0 : i32
      %add3A_92 = arith.addi %mul3A_90, %add3A_91 : i32
      %swap3A_93 = arith.index_cast %add3A_92 : i32 to index
      %swap3A_94 = arith.constant 16 : index
      %swap3A_95 = tpu.vector_load %arg7[%swap3A_93, %swap3A_94] {strides = array<i32>} : memref<64x64xf32, #tpu.memory_space<vmem>>, vector<1x16xf32>,
      %swap3A_96 = vector.shape_cast %swap3A_95 : vector<1x16xf32> to vector<16xf32>
      %swap3A_97 = vector.shape_cast %parallel_loop3A_80#1 : vector<16xf32> to vector<1x16xf32>
      tpu.vector_store %arg7[%swap3A_93, %swap3A_94], %swap3A_97 {strides = array<i32>} : memref<64x64xf32, #tpu.memory_space<vmem>>, vector<1x16xf32>,
      %mul3A_98 = arith.constant 4 : i32
      %mul3A_99 = arith.muli %scan3A_42, %mul3A_98 : i32
      %add3A_100 = arith.constant 0 : i32
      %add3A_101 = arith.addi %mul3A_99, %add3A_100 : i32
      %swap3A_102 = arith.index_cast %add3A_101 : i32 to index
      %swap3A_103 = arith.constant 32 : index
      %swap3A_104 = tpu.vector_load %arg7[%swap3A_102, %swap3A_103] {strides = array<i32>} : memref<64x64xf32, #tpu.memory_space<vmem>>, vector<1x16xf32>,
      %swap3A_105 = vector.shape_cast %swap3A_104 : vector<1x16xf32> to vector<16xf32>
      %swap3A_106 = vector.shape_cast %parallel_loop3A_80#2 : vector<16xf32> to vector<1x16xf32>
      tpu.vector_store %arg7[%swap3A_102, %swap3A_103], %swap3A_106 {strides = array<i32>} : memref<64x64xf32, #tpu.memory_space<vmem>>, vector<1x16xf32>,
      %mul3A_107 = arith.constant 4 : i32
      %mul3A_108 = arith.muli %scan3A_42, %mul3A_107 : i32
      %add3A_109 = arith.constant 0 : i32
      %add3A_110 = arith.addi %mul3A_108, %add3A_109 : i32
      %swap3A_111 = arith.index_cast %add3A_110 : i32 to index
      %swap3A_112 = arith.constant 48 : index
      %swap3A_113 = tpu.vector_load %arg7[%swap3A_111, %swap3A_112] {strides = array<i32>} : memref<64x64xf32, #tpu.memory_space<vmem>>, vector<1x16xf32>,
      %swap3A_114 = vector.shape_cast %swap3A_113 : vector<1x16xf32> to vector<16xf32>
      %swap3A_115 = vector.shape_cast %parallel_loop3A_80#3 : vector<16xf32> to vector<1x16xf32>
      tpu.vector_store %arg7[%swap3A_111, %swap3A_112], %swap3A_115 {strides = array<i32>} : memref<64x64xf32, #tpu.memory_space<vmem>>, vector<1x16xf32>,
      %mul3A_116 = arith.constant 4 : i32
      %mul3A_117 = arith.muli %scan3A_42, %mul3A_116 : i32
      %add3A_118 = arith.constant 1 : i32
      %add3A_119 = arith.addi %mul3A_117, %add3A_118 : i32
      %swap3A_120 = arith.index_cast %add3A_119 : i32 to index
      %swap3A_121 = arith.constant 0 : index
      %swap3A_122 = tpu.vector_load %arg7[%swap3A_120, %swap3A_121] {strides = array<i32>} : memref<64x64xf32, #tpu.memory_space<vmem>>, vector<1x16xf32>,
      %swap3A_123 = vector.shape_cast %swap3A_122 : vector<1x16xf32> to vector<16xf32>
      %swap3A_124 = vector.shape_cast %parallel_loop3A_80#4 : vector<16xf32> to vector<1x16xf32>
      tpu.vector_store %arg7[%swap3A_120, %swap3A_121], %swap3A_124 {strides = array<i32>} : memref<64x64xf32, #tpu.memory_space<vmem>>, vector<1x16xf32>,
      %mul3A_125 = arith.constant 4 : i32
      %mul3A_126 = arith.muli %scan3A_42, %mul3A_125 : i32
      %add3A_127 = arith.constant 1 : i32
      %add3A_128 = arith.addi %mul3A_126, %add3A_127 : i32
      %swap3A_129 = arith.index_cast %add3A_128 : i32 to index
      %swap3A_130 = arith.constant 16 : index
      %swap3A_131 = tpu.vector_load %arg7[%swap3A_129, %swap3A_130] {strides = array<i32>} : memref<64x64xf32, #tpu.memory_space<vmem>>, vector<1x16xf32>,
      %swap3A_132 = vector.shape_cast %swap3A_131 : vector<1x16xf32> to vector<16xf32>
      %swap3A_133 = vector.shape_cast %parallel_loop3A_80#5 : vector<16xf32> to vector<1x16xf32>
      tpu.vector_store %arg7[%swap3A_129, %swap3A_130], %swap3A_133 {strides = array<i32>} : memref<64x64xf32, #tpu.memory_space<vmem>>, vector<1x16xf32>,
      %mul3A_134 = arith.constant 4 : i32
      %mul3A_135 = arith.muli %scan3A_42, %mul3A_134 : i32
      %add3A_136 = arith.constant 1 : i32
      %add3A_137 = arith.addi %mul3A_135, %add3A_136 : i32
      %swap3A_138 = arith.index_cast %add3A_137 : i32 to index
      %swap3A_139 = arith.constant 32 : index
      %swap3A_140 = tpu.vector_load %arg7[%swap3A_138, %swap3A_139] {strides = array<i32>} : memref<64x64xf32, #tpu.memory_space<vmem>>, vector<1x16xf32>,
      %swap3A_141 = vector.shape_cast %swap3A_140 : vector<1x16xf32> to vector<16xf32>
      %swap3A_142 = vector.shape_cast %parallel_loop3A_80#6 : vector<16xf32> to vector<1x16xf32>
      tpu.vector_store %arg7[%swap3A_138, %swap3A_139], %swap3A_142 {strides = array<i32>} : memref<64x64xf32, #tpu.memory_space<vmem>>, vector<1x16xf32>,
      %mul3A_143 = arith.constant 4 : i32
      %mul3A_144 = arith.muli %scan3A_42, %mul3A_143 : i32
      %add3A_145 = arith.constant 1 : i32
      %add3A_146 = arith.addi %mul3A_144, %add3A_145 : i32
      %swap3A_147 = arith.index_cast %add3A_146 : i32 to index
      %swap3A_148 = arith.constant 48 : index
      %swap3A_149 = tpu.vector_load %arg7[%swap3A_147, %swap3A_148] {strides = array<i32>} : memref<64x64xf32, #tpu.memory_space<vmem>>, vector<1x16xf32>,
      %swap3A_150 = vector.shape_cast %swap3A_149 : vector<1x16xf32> to vector<16xf32>
      %swap3A_151 = vector.shape_cast %parallel_loop3A_80#7 : vector<16xf32> to vector<1x16xf32>
      tpu.vector_store %arg7[%swap3A_147, %swap3A_148], %swap3A_151 {strides = array<i32>} : memref<64x64xf32, #tpu.memory_space<vmem>>, vector<1x16xf32>,
      %mul3A_152 = arith.constant 4 : i32
      %mul3A_153 = arith.muli %scan3A_42, %mul3A_152 : i32
      %add3A_154 = arith.constant 2 : i32
      %add3A_155 = arith.addi %mul3A_153, %add3A_154 : i32
      %swap3A_156 = arith.index_cast %add3A_155 : i32 to index
      %swap3A_157 = arith.constant 0 : index
      %swap3A_158 = tpu.vector_load %arg7[%swap3A_156, %swap3A_157] {strides = array<i32>} : memref<64x64xf32, #tpu.memory_space<vmem>>, vector<1x16xf32>,
      %swap3A_159 = vector.shape_cast %swap3A_158 : vector<1x16xf32> to vector<16xf32>
      %swap3A_160 = vector.shape_cast %parallel_loop3A_80#8 : vector<16xf32> to vector<1x16xf32>
      tpu.vector_store %arg7[%swap3A_156, %swap3A_157], %swap3A_160 {strides = array<i32>} : memref<64x64xf32, #tpu.memory_space<vmem>>, vector<1x16xf32>,
      %mul3A_161 = arith.constant 4 : i32
      %mul3A_162 = arith.muli %scan3A_42, %mul3A_161 : i32
      %add3A_163 = arith.constant 2 : i32
      %add3A_164 = arith.addi %mul3A_162, %add3A_163 : i32
      %swap3A_165 = arith.index_cast %add3A_164 : i32 to index
      %swap3A_166 = arith.constant 16 : index
      %swap3A_167 = tpu.vector_load %arg7[%swap3A_165, %swap3A_166] {strides = array<i32>} : memref<64x64xf32, #tpu.memory_space<vmem>>, vector<1x16xf32>,
      %swap3A_168 = vector.shape_cast %swap3A_167 : vector<1x16xf32> to vector<16xf32>
      %swap3A_169 = vector.shape_cast %parallel_loop3A_80#9 : vector<16xf32> to vector<1x16xf32>
      tpu.vector_store %arg7[%swap3A_165, %swap3A_166], %swap3A_169 {strides = array<i32>} : memref<64x64xf32, #tpu.memory_space<vmem>>, vector<1x16xf32>,
      %mul3A_170 = arith.constant 4 : i32
      %mul3A_171 = arith.muli %scan3A_42, %mul3A_170 : i32
      %add3A_172 = arith.constant 2 : i32
      %add3A_173 = arith.addi %mul3A_171, %add3A_172 : i32
      %swap3A_174 = arith.index_cast %add3A_173 : i32 to index
      %swap3A_175 = arith.constant 32 : index
      %swap3A_176 = tpu.vector_load %arg7[%swap3A_174, %swap3A_175] {strides = array<i32>} : memref<64x64xf32, #tpu.memory_space<vmem>>, vector<1x16xf32>,
      %swap3A_177 = vector.shape_cast %swap3A_176 : vector<1x16xf32> to vector<16xf32>
      %swap3A_178 = vector.shape_cast %parallel_loop3A_80#10 : vector<16xf32> to vector<1x16xf32>
      tpu.vector_store %arg7[%swap3A_174, %swap3A_175], %swap3A_178 {strides = array<i32>} : memref<64x64xf32, #tpu.memory_space<vmem>>, vector<1x16xf32>,
      %mul3A_179 = arith.constant 4 : i32
      %mul3A_180 = arith.muli %scan3A_42, %mul3A_179 : i32
      %add3A_181 = arith.constant 2 : i32
      %add3A_182 = arith.addi %mul3A_180, %add3A_181 : i32
      %swap3A_183 = arith.index_cast %add3A_182 : i32 to index
      %swap3A_184 = arith.constant 48 : index
      %swap3A_185 = tpu.vector_load %arg7[%swap3A_183, %swap3A_184] {strides = array<i32>} : memref<64x64xf32, #tpu.memory_space<vmem>>, vector<1x16xf32>,
      %swap3A_186 = vector.shape_cast %swap3A_185 : vector<1x16xf32> to vector<16xf32>
      %swap3A_187 = vector.shape_cast %parallel_loop3A_80#11 : vector<16xf32> to vector<1x16xf32>
      tpu.vector_store %arg7[%swap3A_183, %swap3A_184], %swap3A_187 {strides = array<i32>} : memref<64x64xf32, #tpu.memory_space<vmem>>, vector<1x16xf32>,
      %mul3A_188 = arith.constant 4 : i32
      %mul3A_189 = arith.muli %scan3A_42, %mul3A_188 : i32
      %add3A_190 = arith.constant 3 : i32
      %add3A_191 = arith.addi %mul3A_189, %add3A_190 : i32
      %swap3A_192 = arith.index_cast %add3A_191 : i32 to index
      %swap3A_193 = arith.constant 0 : index
      %swap3A_194 = tpu.vector_load %arg7[%swap3A_192, %swap3A_193] {strides = array<i32>} : memref<64x64xf32, #tpu.memory_space<vmem>>, vector<1x16xf32>,
      %swap3A_195 = vector.shape_cast %swap3A_194 : vector<1x16xf32> to vector<16xf32>
      %swap3A_196 = vector.shape_cast %parallel_loop3A_80#12 : vector<16xf32> to vector<1x16xf32>
      tpu.vector_store %arg7[%swap3A_192, %swap3A_193], %swap3A_196 {strides = array<i32>} : memref<64x64xf32, #tpu.memory_space<vmem>>, vector<1x16xf32>,
      %mul3A_197 = arith.constant 4 : i32
      %mul3A_198 = arith.muli %scan3A_42, %mul3A_197 : i32
      %add3A_199 = arith.constant 3 : i32
      %add3A_200 = arith.addi %mul3A_198, %add3A_199 : i32
      %swap3A_201 = arith.index_cast %add3A_200 : i32 to index
      %swap3A_202 = arith.constant 16 : index
      %swap3A_203 = tpu.vector_load %arg7[%swap3A_201, %swap3A_202] {strides = array<i32>} : memref<64x64xf32, #tpu.memory_space<vmem>>, vector<1x16xf32>,
      %swap3A_204 = vector.shape_cast %swap3A_203 : vector<1x16xf32> to vector<16xf32>
      %swap3A_205 = vector.shape_cast %parallel_loop3A_80#13 : vector<16xf32> to vector<1x16xf32>
      tpu.vector_store %arg7[%swap3A_201, %swap3A_202], %swap3A_205 {strides = array<i32>} : memref<64x64xf32, #tpu.memory_space<vmem>>, vector<1x16xf32>,
      %mul3A_206 = arith.constant 4 : i32
      %mul3A_207 = arith.muli %scan3A_42, %mul3A_206 : i32
      %add3A_208 = arith.constant 3 : i32
      %add3A_209 = arith.addi %mul3A_207, %add3A_208 : i32
      %swap3A_210 = arith.index_cast %add3A_209 : i32 to index
      %swap3A_211 = arith.constant 32 : index
      %swap3A_212 = tpu.vector_load %arg7[%swap3A_210, %swap3A_211] {strides = array<i32>} : memref<64x64xf32, #tpu.memory_space<vmem>>, vector<1x16xf32>,
      %swap3A_213 = vector.shape_cast %swap3A_212 : vector<1x16xf32> to vector<16xf32>
      %swap3A_214 = vector.shape_cast %parallel_loop3A_80#14 : vector<16xf32> to vector<1x16xf32>
      tpu.vector_store %arg7[%swap3A_210, %swap3A_211], %swap3A_214 {strides = array<i32>} : memref<64x64xf32, #tpu.memory_space<vmem>>, vector<1x16xf32>,
      %mul3A_215 = arith.constant 4 : i32
      %mul3A_216 = arith.muli %scan3A_42, %mul3A_215 : i32
      %add3A_217 = arith.constant 3 : i32
      %add3A_218 = arith.addi %mul3A_216, %add3A_217 : i32
      %swap3A_219 = arith.index_cast %add3A_218 : i32 to index
      %swap3A_220 = arith.constant 48 : index
      %swap3A_221 = tpu.vector_load %arg7[%swap3A_219, %swap3A_220] {strides = array<i32>} : memref<64x64xf32, #tpu.memory_space<vmem>>, vector<1x16xf32>,
      %swap3A_222 = vector.shape_cast %swap3A_221 : vector<1x16xf32> to vector<16xf32>
      %swap3A_223 = vector.shape_cast %parallel_loop3A_80#15 : vector<16xf32> to vector<1x16xf32>
      tpu.vector_store %arg7[%swap3A_219, %swap3A_220], %swap3A_223 {strides = array<i32>} : memref<64x64xf32, #tpu.memory_space<vmem>>, vector<1x16xf32>,
      %scan3A_224 = arith.constant 0 : i32
      scf.yield %scan3A_224 : i32
    }
    %scan3A_30 = arith.constant 16 : i32
    %mul3A_31 = arith.constant 1024 : i32
    %mul3A_32 = arith.muli %rem3A_18, %mul3A_31 : i32
    %add3A_33 = arith.constant 512 : i32
    %add3A_34 = arith.addi %mul3A_32, %add3A_33 : i32
    "tpu.region"() ({
      %run_scoped3A = tpu.sem_alloc : memref<!tpu.dma_semaphore, #tpu.memory_space<semaphore_mem>>
      %dma_start3A = arith.constant 0 : i32
      %dma_start3A_42 = tpu.memref_slice %arg3[%add3A_34, %dma_start3A] : memref<4096x64xf32, #tpu.memory_space<hbm>> -> memref<512x64xf32, #tpu.memory_space<hbm>>
      %dma_start3A_43 = arith.constant 0 : i32
      %dma_start3A_44 = tpu.memref_slice %arg3[%add3A_34, %dma_start3A_43] : memref<4096x64xf32, #tpu.memory_space<hbm>> -> memref<512x64xf32, #tpu.memory_space<hbm>>
      tpu.enqueue_dma source(%dma_start3A_44 : memref<512x64xf32, #tpu.memory_space<hbm>>) target(%arg5 : memref<512x64xf32, #tpu.memory_space<vmem>>) target_semaphore(%run_scoped3A : memref<!tpu.dma_semaphore, #tpu.memory_space<semaphore_mem>>)
      %dma_wait3A = arith.constant 0 : i32
      %dma_wait3A_45 = tpu.memref_slice %arg3[%add3A_34, %dma_wait3A] : memref<4096x64xf32, #tpu.memory_space<hbm>> -> memref<512x64xf32, #tpu.memory_space<hbm>>
      %dma_wait3A_46 = arith.constant 0 : i32
      %dma_wait3A_47 = tpu.memref_slice %arg3[%add3A_34, %dma_wait3A_46] : memref<4096x64xf32, #tpu.memory_space<hbm>> -> memref<512x64xf32, #tpu.memory_space<hbm>>
      tpu.wait_dma2 semaphore(%run_scoped3A : memref<!tpu.dma_semaphore, #tpu.memory_space<semaphore_mem>>) src(%dma_wait3A_47 : memref<512x64xf32, #tpu.memory_space<hbm>>) dst(%arg5 : memref<512x64xf32, #tpu.memory_space<vmem>>)
      tpu.yield
    }) : () -> ()
    %scan3A_35 = arith.constant 0 : i32
    %scan3A_36 = arith.constant 0 : i32
    %scan3A_37 = arith.constant 16 : i32
    %scan3A_38 = arith.addi %scan3A_36, %scan3A_37 : i32
    %scan3A_39 = arith.constant 1 : i32
    %scan3A_40 = scf.for %scan3A_42 = %scan3A_36 to %scan3A_38 step %scan3A_39 iter_args(%scan3A_43 = %scan3A_35) -> (i32)  : i32 {
      %mul3A_44 = arith.constant 4 : i32
      %mul3A_45 = arith.muli %scan3A_42, %mul3A_44 : i32
      %add3A_46 = arith.addi %mul3A_20, %mul3A_45 : i32
      "tpu.region"() ({
        %run_scoped3A = tpu.sem_alloc : memref<!tpu.dma_semaphore, #tpu.memory_space<semaphore_mem>>
        %dma_start3A = tpu.memref_slice %arg2[%add3A_46, %add3A_34] : memref<8192x4096xf32, #tpu.memory_space<hbm>> -> memref<4x512xf32, #tpu.memory_space<hbm>>
        %dma_start3A_304 = tpu.memref_slice %arg2[%add3A_46, %add3A_34] : memref<8192x4096xf32, #tpu.memory_space<hbm>> -> memref<4x512xf32, #tpu.memory_space<hbm>>
        tpu.enqueue_dma source(%dma_start3A_304 : memref<4x512xf32, #tpu.memory_space<hbm>>) target(%arg6 : memref<4x512xf32, #tpu.memory_space<vmem>>) target_semaphore(%run_scoped3A : memref<!tpu.dma_semaphore, #tpu.memory_space<semaphore_mem>>)
        %dma_wait3A = tpu.memref_slice %arg2[%add3A_46, %add3A_34] : memref<8192x4096xf32, #tpu.memory_space<hbm>> -> memref<4x512xf32, #tpu.memory_space<hbm>>
        %dma_wait3A_305 = tpu.memref_slice %arg2[%add3A_46, %add3A_34] : memref<8192x4096xf32, #tpu.memory_space<hbm>> -> memref<4x512xf32, #tpu.memory_space<hbm>>
        tpu.wait_dma2 semaphore(%run_scoped3A : memref<!tpu.dma_semaphore, #tpu.memory_space<semaphore_mem>>) src(%dma_wait3A_305 : memref<4x512xf32, #tpu.memory_space<hbm>>) dst(%arg6 : memref<4x512xf32, #tpu.memory_space<vmem>>)
        tpu.yield
      }) : () -> ()
      %broadcast_in_dim3A = arith.constant 0.000000e+00 : f32
      %broadcast_in_dim3A_47 = vector.broadcast %broadcast_in_dim3A : f32 to vector<16xf32>
      %broadcast_in_dim3A_48 = arith.constant 0.000000e+00 : f32
      %broadcast_in_dim3A_49 = vector.broadcast %broadcast_in_dim3A_48 : f32 to vector<16xf32>
      %broadcast_in_dim3A_50 = arith.constant 0.000000e+00 : f32
      %broadcast_in_dim3A_51 = vector.broadcast %broadcast_in_dim3A_50 : f32 to vector<16xf32>
      %broadcast_in_dim3A_52 = arith.constant 0.000000e+00 : f32
      %broadcast_in_dim3A_53 = vector.broadcast %broadcast_in_dim3A_52 : f32 to vector<16xf32>
      %broadcast_in_dim3A_54 = arith.constant 0.000000e+00 : f32
      %broadcast_in_dim3A_55 = vector.broadcast %broadcast_in_dim3A_54 : f32 to vector<16xf32>
      %broadcast_in_dim3A_56 = arith.constant 0.000000e+00 : f32
      %broadcast_in_dim3A_57 = vector.broadcast %broadcast_in_dim3A_56 : f32 to vector<16xf32>
      %broadcast_in_dim3A_58 = arith.constant 0.000000e+00 : f32
      %broadcast_in_dim3A_59 = vector.broadcast %broadcast_in_dim3A_58 : f32 to vector<16xf32>
      %broadcast_in_dim3A_60 = arith.constant 0.000000e+00 : f32
      %broadcast_in_dim3A_61 = vector.broadcast %broadcast_in_dim3A_60 : f32 to vector<16xf32>
      %broadcast_in_dim3A_62 = arith.constant 0.000000e+00 : f32
      %broadcast_in_dim3A_63 = vector.broadcast %broadcast_in_dim3A_62 : f32 to vector<16xf32>
      %broadcast_in_dim3A_64 = arith.constant 0.000000e+00 : f32
      %broadcast_in_dim3A_65 = vector.broadcast %broadcast_in_dim3A_64 : f32 to vector<16xf32>
      %broadcast_in_dim3A_66 = arith.constant 0.000000e+00 : f32
      %broadcast_in_dim3A_67 = vector.broadcast %broadcast_in_dim3A_66 : f32 to vector<16xf32>
      %broadcast_in_dim3A_68 = arith.constant 0.000000e+00 : f32
      %broadcast_in_dim3A_69 = vector.broadcast %broadcast_in_dim3A_68 : f32 to vector<16xf32>
      %broadcast_in_dim3A_70 = arith.constant 0.000000e+00 : f32
      %broadcast_in_dim3A_71 = vector.broadcast %broadcast_in_dim3A_70 : f32 to vector<16xf32>
      %broadcast_in_dim3A_72 = arith.constant 0.000000e+00 : f32
      %broadcast_in_dim3A_73 = vector.broadcast %broadcast_in_dim3A_72 : f32 to vector<16xf32>
      %broadcast_in_dim3A_74 = arith.constant 0.000000e+00 : f32
      %broadcast_in_dim3A_75 = vector.broadcast %broadcast_in_dim3A_74 : f32 to vector<16xf32>
      %broadcast_in_dim3A_76 = arith.constant 0.000000e+00 : f32
      %broadcast_in_dim3A_77 = vector.broadcast %broadcast_in_dim3A_76 : f32 to vector<16xf32>
      %parallel_loop3A = arith.constant 0 : i32
      %parallel_loop3A_78 = arith.constant 32 : i32
      %parallel_loop3A_79 = arith.constant 1 : i32
      %parallel_loop3A_80:16 = scf.for %parallel_loop3A_304 = %parallel_loop3A to %parallel_loop3A_78 step %parallel_loop3A_79 iter_args(%parallel_loop3A_305 = %broadcast_in_dim3A_47, %parallel_loop3A_306 = %broadcast_in_dim3A_49, %parallel_loop3A_307 = %broadcast_in_dim3A_51, %parallel_loop3A_308 = %broadcast_in_dim3A_53, %parallel_loop3A_309 = %broadcast_in_dim3A_55, %parallel_loop3A_310 = %broadcast_in_dim3A_57, %parallel_loop3A_311 = %broadcast_in_dim3A_59, %parallel_loop3A_312 = %broadcast_in_dim3A_61, %parallel_loop3A_313 = %broadcast_in_dim3A_63, %parallel_loop3A_314 = %broadcast_in_dim3A_65, %parallel_loop3A_315 = %broadcast_in_dim3A_67, %parallel_loop3A_316 = %broadcast_in_dim3A_69, %parallel_loop3A_317 = %broadcast_in_dim3A_71, %parallel_loop3A_318 = %broadcast_in_dim3A_73, %parallel_loop3A_319 = %broadcast_in_dim3A_75, %parallel_loop3A_320 = %broadcast_in_dim3A_77) -> (vector<16xf32>, vector<16xf32>, vector<16xf32>, vector<16xf32>, vector<16xf32>, vector<16xf32>, vector<16xf32>, vector<16xf32>, vector<16xf32>, vector<16xf32>, vector<16xf32>, vector<16xf32>, vector<16xf32>, vector<16xf32>, vector<16xf32>, vector<16xf32>)  : i32 {
        %parallel_loop3A_321 = arith.constant 16 : i32
        %parallel_loop3A_322 = arith.muli %parallel_loop3A_304, %parallel_loop3A_321 : i32
        %parallel_loop3A_323 = arith.constant 0 : i32
        %parallel_loop3A_324 = arith.index_cast %parallel_loop3A_323 : i32 to index
        %parallel_loop3A_325 = arith.index_cast %parallel_loop3A_322 : i32 to index
        %parallel_loop3A_326 = tpu.vector_load %arg6[%parallel_loop3A_324, %parallel_loop3A_325] {strides = array<i32>} : memref<4x512xf32, #tpu.memory_space<vmem>>, vector<1x16xf32>,
        %parallel_loop3A_327 = vector.shape_cast %parallel_loop3A_326 : vector<1x16xf32> to vector<16xf32>
        %parallel_loop3A_328 = arith.constant 1 : i32
        %parallel_loop3A_329 = arith.index_cast %parallel_loop3A_328 : i32 to index
        %parallel_loop3A_330 = arith.index_cast %parallel_loop3A_322 : i32 to index
        %parallel_loop3A_331 = tpu.vector_load %arg6[%parallel_loop3A_329, %parallel_loop3A_330] {strides = array<i32>} : memref<4x512xf32, #tpu.memory_space<vmem>>, vector<1x16xf32>,
        %parallel_loop3A_332 = vector.shape_cast %parallel_loop3A_331 : vector<1x16xf32> to vector<16xf32>
        %parallel_loop3A_333 = arith.constant 2 : i32
        %parallel_loop3A_334 = arith.index_cast %parallel_loop3A_333 : i32 to index
        %parallel_loop3A_335 = arith.index_cast %parallel_loop3A_322 : i32 to index
        %parallel_loop3A_336 = tpu.vector_load %arg6[%parallel_loop3A_334, %parallel_loop3A_335] {strides = array<i32>} : memref<4x512xf32, #tpu.memory_space<vmem>>, vector<1x16xf32>,
        %parallel_loop3A_337 = vector.shape_cast %parallel_loop3A_336 : vector<1x16xf32> to vector<16xf32>
        %parallel_loop3A_338 = arith.constant 3 : i32
        %parallel_loop3A_339 = arith.index_cast %parallel_loop3A_338 : i32 to index
        %parallel_loop3A_340 = arith.index_cast %parallel_loop3A_322 : i32 to index
        %parallel_loop3A_341 = tpu.vector_load %arg6[%parallel_loop3A_339, %parallel_loop3A_340] {strides = array<i32>} : memref<4x512xf32, #tpu.memory_space<vmem>>, vector<1x16xf32>,
        %parallel_loop3A_342 = vector.shape_cast %parallel_loop3A_341 : vector<1x16xf32> to vector<16xf32>
        %parallel_loop3A_343 = arith.constant 0 : i32
        %parallel_loop3A_344 = arith.addi %parallel_loop3A_322, %parallel_loop3A_343 : i32
        %parallel_loop3A_345 = arith.index_cast %parallel_loop3A_344 : i32 to index
        %parallel_loop3A_346 = arith.constant 0 : index
        %parallel_loop3A_347 = tpu.vector_load %arg5[%parallel_loop3A_345, %parallel_loop3A_346] {strides = array<i32>} : memref<512x64xf32, #tpu.memory_space<vmem>>, vector<1x16xf32>,
        %parallel_loop3A_348 = vector.shape_cast %parallel_loop3A_347 : vector<1x16xf32> to vector<16xf32>
        %parallel_loop3A_349 = arith.constant 0 : i32
        %parallel_loop3A_350 = arith.addi %parallel_loop3A_322, %parallel_loop3A_349 : i32
        %parallel_loop3A_351 = arith.index_cast %parallel_loop3A_350 : i32 to index
        %parallel_loop3A_352 = arith.constant 16 : index
        %parallel_loop3A_353 = tpu.vector_load %arg5[%parallel_loop3A_351, %parallel_loop3A_352] {strides = array<i32>} : memref<512x64xf32, #tpu.memory_space<vmem>>, vector<1x16xf32>,
        %parallel_loop3A_354 = vector.shape_cast %parallel_loop3A_353 : vector<1x16xf32> to vector<16xf32>
        %parallel_loop3A_355 = arith.constant 0 : i32
        %parallel_loop3A_356 = arith.addi %parallel_loop3A_322, %parallel_loop3A_355 : i32
        %parallel_loop3A_357 = arith.index_cast %parallel_loop3A_356 : i32 to index
        %parallel_loop3A_358 = arith.constant 32 : index
        %parallel_loop3A_359 = tpu.vector_load %arg5[%parallel_loop3A_357, %parallel_loop3A_358] {strides = array<i32>} : memref<512x64xf32, #tpu.memory_space<vmem>>, vector<1x16xf32>,
        %parallel_loop3A_360 = vector.shape_cast %parallel_loop3A_359 : vector<1x16xf32> to vector<16xf32>
        %parallel_loop3A_361 = arith.constant 0 : i32
        %parallel_loop3A_362 = arith.addi %parallel_loop3A_322, %parallel_loop3A_361 : i32
        %parallel_loop3A_363 = arith.index_cast %parallel_loop3A_362 : i32 to index
        %parallel_loop3A_364 = arith.constant 48 : index
        %parallel_loop3A_365 = tpu.vector_load %arg5[%parallel_loop3A_363, %parallel_loop3A_364] {strides = array<i32>} : memref<512x64xf32, #tpu.memory_space<vmem>>, vector<1x16xf32>,
        %parallel_loop3A_366 = vector.shape_cast %parallel_loop3A_365 : vector<1x16xf32> to vector<16xf32>
        %parallel_loop3A_367 = arith.constant 0 : i32
        %parallel_loop3A_368 = vector.broadcast %parallel_loop3A_367 : i32 to vector<16x1xi32>
        %parallel_loop3A_369 = vector.shape_cast %parallel_loop3A_368 : vector<16x1xi32> to vector<16xi32>
        %parallel_loop3A_370 = tpu.dynamic_gather %parallel_loop3A_327[%parallel_loop3A_369] in [0] : vector<16xf32>, vector<16xi32> -> vector<16xf32>
        %parallel_loop3A_371 = arith.mulf %parallel_loop3A_370, %parallel_loop3A_348 : vector<16xf32>
        %parallel_loop3A_372 = arith.addf %parallel_loop3A_305, %parallel_loop3A_371 : vector<16xf32>
        %parallel_loop3A_373 = arith.mulf %parallel_loop3A_370, %parallel_loop3A_354 : vector<16xf32>
        %parallel_loop3A_374 = arith.addf %parallel_loop3A_306, %parallel_loop3A_373 : vector<16xf32>
        %parallel_loop3A_375 = arith.mulf %parallel_loop3A_370, %parallel_loop3A_360 : vector<16xf32>
        %parallel_loop3A_376 = arith.addf %parallel_loop3A_307, %parallel_loop3A_375 : vector<16xf32>
        %parallel_loop3A_377 = arith.mulf %parallel_loop3A_370, %parallel_loop3A_366 : vector<16xf32>
        %parallel_loop3A_378 = arith.addf %parallel_loop3A_308, %parallel_loop3A_377 : vector<16xf32>
        %parallel_loop3A_379 = arith.constant 0 : i32
        %parallel_loop3A_380 = vector.broadcast %parallel_loop3A_379 : i32 to vector<16x1xi32>
        %parallel_loop3A_381 = vector.shape_cast %parallel_loop3A_380 : vector<16x1xi32> to vector<16xi32>
        %parallel_loop3A_382 = tpu.dynamic_gather %parallel_loop3A_332[%parallel_loop3A_381] in [0] : vector<16xf32>, vector<16xi32> -> vector<16xf32>
        %parallel_loop3A_383 = arith.mulf %parallel_loop3A_382, %parallel_loop3A_348 : vector<16xf32>
        %parallel_loop3A_384 = arith.addf %parallel_loop3A_309, %parallel_loop3A_383 : vector<16xf32>
        %parallel_loop3A_385 = arith.mulf %parallel_loop3A_382, %parallel_loop3A_354 : vector<16xf32>
        %parallel_loop3A_386 = arith.addf %parallel_loop3A_310, %parallel_loop3A_385 : vector<16xf32>
        %parallel_loop3A_387 = arith.mulf %parallel_loop3A_382, %parallel_loop3A_360 : vector<16xf32>
        %parallel_loop3A_388 = arith.addf %parallel_loop3A_311, %parallel_loop3A_387 : vector<16xf32>
        %parallel_loop3A_389 = arith.mulf %parallel_loop3A_382, %parallel_loop3A_366 : vector<16xf32>
        %parallel_loop3A_390 = arith.addf %parallel_loop3A_312, %parallel_loop3A_389 : vector<16xf32>
        %parallel_loop3A_391 = arith.constant 0 : i32
        %parallel_loop3A_392 = vector.broadcast %parallel_loop3A_391 : i32 to vector<16x1xi32>
        %parallel_loop3A_393 = vector.shape_cast %parallel_loop3A_392 : vector<16x1xi32> to vector<16xi32>
        %parallel_loop3A_394 = tpu.dynamic_gather %parallel_loop3A_337[%parallel_loop3A_393] in [0] : vector<16xf32>, vector<16xi32> -> vector<16xf32>
        %parallel_loop3A_395 = arith.mulf %parallel_loop3A_394, %parallel_loop3A_348 : vector<16xf32>
        %parallel_loop3A_396 = arith.addf %parallel_loop3A_313, %parallel_loop3A_395 : vector<16xf32>
        %parallel_loop3A_397 = arith.mulf %parallel_loop3A_394, %parallel_loop3A_354 : vector<16xf32>
        %parallel_loop3A_398 = arith.addf %parallel_loop3A_314, %parallel_loop3A_397 : vector<16xf32>
        %parallel_loop3A_399 = arith.mulf %parallel_loop3A_394, %parallel_loop3A_360 : vector<16xf32>
        %parallel_loop3A_400 = arith.addf %parallel_loop3A_315, %parallel_loop3A_399 : vector<16xf32>
        %parallel_loop3A_401 = arith.mulf %parallel_loop3A_394, %parallel_loop3A_366 : vector<16xf32>
        %parallel_loop3A_402 = arith.addf %parallel_loop3A_316, %parallel_loop3A_401 : vector<16xf32>
        %parallel_loop3A_403 = arith.constant 0 : i32
        %parallel_loop3A_404 = vector.broadcast %parallel_loop3A_403 : i32 to vector<16x1xi32>
        %parallel_loop3A_405 = vector.shape_cast %parallel_loop3A_404 : vector<16x1xi32> to vector<16xi32>
        %parallel_loop3A_406 = tpu.dynamic_gather %parallel_loop3A_342[%parallel_loop3A_405] in [0] : vector<16xf32>, vector<16xi32> -> vector<16xf32>
        %parallel_loop3A_407 = arith.mulf %parallel_loop3A_406, %parallel_loop3A_348 : vector<16xf32>
        %parallel_loop3A_408 = arith.addf %parallel_loop3A_317, %parallel_loop3A_407 : vector<16xf32>
        %parallel_loop3A_409 = arith.mulf %parallel_loop3A_406, %parallel_loop3A_354 : vector<16xf32>
        %parallel_loop3A_410 = arith.addf %parallel_loop3A_318, %parallel_loop3A_409 : vector<16xf32>
        %parallel_loop3A_411 = arith.mulf %parallel_loop3A_406, %parallel_loop3A_360 : vector<16xf32>
        %parallel_loop3A_412 = arith.addf %parallel_loop3A_319, %parallel_loop3A_411 : vector<16xf32>
        %parallel_loop3A_413 = arith.mulf %parallel_loop3A_406, %parallel_loop3A_366 : vector<16xf32>
        %parallel_loop3A_414 = arith.addf %parallel_loop3A_320, %parallel_loop3A_413 : vector<16xf32>
        %parallel_loop3A_415 = arith.constant 1 : i32
        %parallel_loop3A_416 = arith.addi %parallel_loop3A_322, %parallel_loop3A_415 : i32
        %parallel_loop3A_417 = arith.index_cast %parallel_loop3A_416 : i32 to index
        %parallel_loop3A_418 = arith.constant 0 : index
        %parallel_loop3A_419 = tpu.vector_load %arg5[%parallel_loop3A_417, %parallel_loop3A_418] {strides = array<i32>} : memref<512x64xf32, #tpu.memory_space<vmem>>, vector<1x16xf32>,
        %parallel_loop3A_420 = vector.shape_cast %parallel_loop3A_419 : vector<1x16xf32> to vector<16xf32>
        %parallel_loop3A_421 = arith.constant 1 : i32
        %parallel_loop3A_422 = arith.addi %parallel_loop3A_322, %parallel_loop3A_421 : i32
        %parallel_loop3A_423 = arith.index_cast %parallel_loop3A_422 : i32 to index
        %parallel_loop3A_424 = arith.constant 16 : index
        %parallel_loop3A_425 = tpu.vector_load %arg5[%parallel_loop3A_423, %parallel_loop3A_424] {strides = array<i32>} : memref<512x64xf32, #tpu.memory_space<vmem>>, vector<1x16xf32>,
        %parallel_loop3A_426 = vector.shape_cast %parallel_loop3A_425 : vector<1x16xf32> to vector<16xf32>
        %parallel_loop3A_427 = arith.constant 1 : i32
        %parallel_loop3A_428 = arith.addi %parallel_loop3A_322, %parallel_loop3A_427 : i32
        %parallel_loop3A_429 = arith.index_cast %parallel_loop3A_428 : i32 to index
        %parallel_loop3A_430 = arith.constant 32 : index
        %parallel_loop3A_431 = tpu.vector_load %arg5[%parallel_loop3A_429, %parallel_loop3A_430] {strides = array<i32>} : memref<512x64xf32, #tpu.memory_space<vmem>>, vector<1x16xf32>,
        %parallel_loop3A_432 = vector.shape_cast %parallel_loop3A_431 : vector<1x16xf32> to vector<16xf32>
        %parallel_loop3A_433 = arith.constant 1 : i32
        %parallel_loop3A_434 = arith.addi %parallel_loop3A_322, %parallel_loop3A_433 : i32
        %parallel_loop3A_435 = arith.index_cast %parallel_loop3A_434 : i32 to index
        %parallel_loop3A_436 = arith.constant 48 : index
        %parallel_loop3A_437 = tpu.vector_load %arg5[%parallel_loop3A_435, %parallel_loop3A_436] {strides = array<i32>} : memref<512x64xf32, #tpu.memory_space<vmem>>, vector<1x16xf32>,
        %parallel_loop3A_438 = vector.shape_cast %parallel_loop3A_437 : vector<1x16xf32> to vector<16xf32>
        %parallel_loop3A_439 = arith.constant 1 : i32
        %parallel_loop3A_440 = vector.broadcast %parallel_loop3A_439 : i32 to vector<16x1xi32>
        %parallel_loop3A_441 = vector.shape_cast %parallel_loop3A_440 : vector<16x1xi32> to vector<16xi32>
        %parallel_loop3A_442 = tpu.dynamic_gather %parallel_loop3A_327[%parallel_loop3A_441] in [0] : vector<16xf32>, vector<16xi32> -> vector<16xf32>
        %parallel_loop3A_443 = arith.mulf %parallel_loop3A_442, %parallel_loop3A_420 : vector<16xf32>
        %parallel_loop3A_444 = arith.addf %parallel_loop3A_372, %parallel_loop3A_443 : vector<16xf32>
        %parallel_loop3A_445 = arith.mulf %parallel_loop3A_442, %parallel_loop3A_426 : vector<16xf32>
        %parallel_loop3A_446 = arith.addf %parallel_loop3A_374, %parallel_loop3A_445 : vector<16xf32>
        %parallel_loop3A_447 = arith.mulf %parallel_loop3A_442, %parallel_loop3A_432 : vector<16xf32>
        %parallel_loop3A_448 = arith.addf %parallel_loop3A_376, %parallel_loop3A_447 : vector<16xf32>
        %parallel_loop3A_449 = arith.mulf %parallel_loop3A_442, %parallel_loop3A_438 : vector<16xf32>
        %parallel_loop3A_450 = arith.addf %parallel_loop3A_378, %parallel_loop3A_449 : vector<16xf32>
        %parallel_loop3A_451 = arith.constant 1 : i32
        %parallel_loop3A_452 = vector.broadcast %parallel_loop3A_451 : i32 to vector<16x1xi32>
        %parallel_loop3A_453 = vector.shape_cast %parallel_loop3A_452 : vector<16x1xi32> to vector<16xi32>
        %parallel_loop3A_454 = tpu.dynamic_gather %parallel_loop3A_332[%parallel_loop3A_453] in [0] : vector<16xf32>, vector<16xi32> -> vector<16xf32>
        %parallel_loop3A_455 = arith.mulf %parallel_loop3A_454, %parallel_loop3A_420 : vector<16xf32>
        %parallel_loop3A_456 = arith.addf %parallel_loop3A_384, %parallel_loop3A_455 : vector<16xf32>
        %parallel_loop3A_457 = arith.mulf %parallel_loop3A_454, %parallel_loop3A_426 : vector<16xf32>
        %parallel_loop3A_458 = arith.addf %parallel_loop3A_386, %parallel_loop3A_457 : vector<16xf32>
        %parallel_loop3A_459 = arith.mulf %parallel_loop3A_454, %parallel_loop3A_432 : vector<16xf32>
        %parallel_loop3A_460 = arith.addf %parallel_loop3A_388, %parallel_loop3A_459 : vector<16xf32>
        %parallel_loop3A_461 = arith.mulf %parallel_loop3A_454, %parallel_loop3A_438 : vector<16xf32>
        %parallel_loop3A_462 = arith.addf %parallel_loop3A_390, %parallel_loop3A_461 : vector<16xf32>
        %parallel_loop3A_463 = arith.constant 1 : i32
        %parallel_loop3A_464 = vector.broadcast %parallel_loop3A_463 : i32 to vector<16x1xi32>
        %parallel_loop3A_465 = vector.shape_cast %parallel_loop3A_464 : vector<16x1xi32> to vector<16xi32>
        %parallel_loop3A_466 = tpu.dynamic_gather %parallel_loop3A_337[%parallel_loop3A_465] in [0] : vector<16xf32>, vector<16xi32> -> vector<16xf32>
        %parallel_loop3A_467 = arith.mulf %parallel_loop3A_466, %parallel_loop3A_420 : vector<16xf32>
        %parallel_loop3A_468 = arith.addf %parallel_loop3A_396, %parallel_loop3A_467 : vector<16xf32>
        %parallel_loop3A_469 = arith.mulf %parallel_loop3A_466, %parallel_loop3A_426 : vector<16xf32>
        %parallel_loop3A_470 = arith.addf %parallel_loop3A_398, %parallel_loop3A_469 : vector<16xf32>
        %parallel_loop3A_471 = arith.mulf %parallel_loop3A_466, %parallel_loop3A_432 : vector<16xf32>
        %parallel_loop3A_472 = arith.addf %parallel_loop3A_400, %parallel_loop3A_471 : vector<16xf32>
        %parallel_loop3A_473 = arith.mulf %parallel_loop3A_466, %parallel_loop3A_438 : vector<16xf32>
        %parallel_loop3A_474 = arith.addf %parallel_loop3A_402, %parallel_loop3A_473 : vector<16xf32>
        %parallel_loop3A_475 = arith.constant 1 : i32
        %parallel_loop3A_476 = vector.broadcast %parallel_loop3A_475 : i32 to vector<16x1xi32>
        %parallel_loop3A_477 = vector.shape_cast %parallel_loop3A_476 : vector<16x1xi32> to vector<16xi32>
        %parallel_loop3A_478 = tpu.dynamic_gather %parallel_loop3A_342[%parallel_loop3A_477] in [0] : vector<16xf32>, vector<16xi32> -> vector<16xf32>
        %parallel_loop3A_479 = arith.mulf %parallel_loop3A_478, %parallel_loop3A_420 : vector<16xf32>
        %parallel_loop3A_480 = arith.addf %parallel_loop3A_408, %parallel_loop3A_479 : vector<16xf32>
        %parallel_loop3A_481 = arith.mulf %parallel_loop3A_478, %parallel_loop3A_426 : vector<16xf32>
        %parallel_loop3A_482 = arith.addf %parallel_loop3A_410, %parallel_loop3A_481 : vector<16xf32>
        %parallel_loop3A_483 = arith.mulf %parallel_loop3A_478, %parallel_loop3A_432 : vector<16xf32>
        %parallel_loop3A_484 = arith.addf %parallel_loop3A_412, %parallel_loop3A_483 : vector<16xf32>
        %parallel_loop3A_485 = arith.mulf %parallel_loop3A_478, %parallel_loop3A_438 : vector<16xf32>
        %parallel_loop3A_486 = arith.addf %parallel_loop3A_414, %parallel_loop3A_485 : vector<16xf32>
        %parallel_loop3A_487 = arith.constant 2 : i32
        %parallel_loop3A_488 = arith.addi %parallel_loop3A_322, %parallel_loop3A_487 : i32
        %parallel_loop3A_489 = arith.index_cast %parallel_loop3A_488 : i32 to index
        %parallel_loop3A_490 = arith.constant 0 : index
        %parallel_loop3A_491 = tpu.vector_load %arg5[%parallel_loop3A_489, %parallel_loop3A_490] {strides = array<i32>} : memref<512x64xf32, #tpu.memory_space<vmem>>, vector<1x16xf32>,
        %parallel_loop3A_492 = vector.shape_cast %parallel_loop3A_491 : vector<1x16xf32> to vector<16xf32>
        %parallel_loop3A_493 = arith.constant 2 : i32
        %parallel_loop3A_494 = arith.addi %parallel_loop3A_322, %parallel_loop3A_493 : i32
        %parallel_loop3A_495 = arith.index_cast %parallel_loop3A_494 : i32 to index
        %parallel_loop3A_496 = arith.constant 16 : index
        %parallel_loop3A_497 = tpu.vector_load %arg5[%parallel_loop3A_495, %parallel_loop3A_496] {strides = array<i32>} : memref<512x64xf32, #tpu.memory_space<vmem>>, vector<1x16xf32>,
        %parallel_loop3A_498 = vector.shape_cast %parallel_loop3A_497 : vector<1x16xf32> to vector<16xf32>
        %parallel_loop3A_499 = arith.constant 2 : i32
        %parallel_loop3A_500 = arith.addi %parallel_loop3A_322, %parallel_loop3A_499 : i32
        %parallel_loop3A_501 = arith.index_cast %parallel_loop3A_500 : i32 to index
        %parallel_loop3A_502 = arith.constant 32 : index
        %parallel_loop3A_503 = tpu.vector_load %arg5[%parallel_loop3A_501, %parallel_loop3A_502] {strides = array<i32>} : memref<512x64xf32, #tpu.memory_space<vmem>>, vector<1x16xf32>,
        %parallel_loop3A_504 = vector.shape_cast %parallel_loop3A_503 : vector<1x16xf32> to vector<16xf32>
        %parallel_loop3A_505 = arith.constant 2 : i32
        %parallel_loop3A_506 = arith.addi %parallel_loop3A_322, %parallel_loop3A_505 : i32
        %parallel_loop3A_507 = arith.index_cast %parallel_loop3A_506 : i32 to index
        %parallel_loop3A_508 = arith.constant 48 : index
        %parallel_loop3A_509 = tpu.vector_load %arg5[%parallel_loop3A_507, %parallel_loop3A_508] {strides = array<i32>} : memref<512x64xf32, #tpu.memory_space<vmem>>, vector<1x16xf32>,
        %parallel_loop3A_510 = vector.shape_cast %parallel_loop3A_509 : vector<1x16xf32> to vector<16xf32>
        %parallel_loop3A_511 = arith.constant 2 : i32
        %parallel_loop3A_512 = vector.broadcast %parallel_loop3A_511 : i32 to vector<16x1xi32>
        %parallel_loop3A_513 = vector.shape_cast %parallel_loop3A_512 : vector<16x1xi32> to vector<16xi32>
        %parallel_loop3A_514 = tpu.dynamic_gather %parallel_loop3A_327[%parallel_loop3A_513] in [0] : vector<16xf32>, vector<16xi32> -> vector<16xf32>
        %parallel_loop3A_515 = arith.mulf %parallel_loop3A_514, %parallel_loop3A_492 : vector<16xf32>
        %parallel_loop3A_516 = arith.addf %parallel_loop3A_444, %parallel_loop3A_515 : vector<16xf32>
        %parallel_loop3A_517 = arith.mulf %parallel_loop3A_514, %parallel_loop3A_498 : vector<16xf32>
        %parallel_loop3A_518 = arith.addf %parallel_loop3A_446, %parallel_loop3A_517 : vector<16xf32>
        %parallel_loop3A_519 = arith.mulf %parallel_loop3A_514, %parallel_loop3A_504 : vector<16xf32>
        %parallel_loop3A_520 = arith.addf %parallel_loop3A_448, %parallel_loop3A_519 : vector<16xf32>
        %parallel_loop3A_521 = arith.mulf %parallel_loop3A_514, %parallel_loop3A_510 : vector<16xf32>
        %parallel_loop3A_522 = arith.addf %parallel_loop3A_450, %parallel_loop3A_521 : vector<16xf32>
        %parallel_loop3A_523 = arith.constant 2 : i32
        %parallel_loop3A_524 = vector.broadcast %parallel_loop3A_523 : i32 to vector<16x1xi32>
        %parallel_loop3A_525 = vector.shape_cast %parallel_loop3A_524 : vector<16x1xi32> to vector<16xi32>
        %parallel_loop3A_526 = tpu.dynamic_gather %parallel_loop3A_332[%parallel_loop3A_525] in [0] : vector<16xf32>, vector<16xi32> -> vector<16xf32>
        %parallel_loop3A_527 = arith.mulf %parallel_loop3A_526, %parallel_loop3A_492 : vector<16xf32>
        %parallel_loop3A_528 = arith.addf %parallel_loop3A_456, %parallel_loop3A_527 : vector<16xf32>
        %parallel_loop3A_529 = arith.mulf %parallel_loop3A_526, %parallel_loop3A_498 : vector<16xf32>
        %parallel_loop3A_530 = arith.addf %parallel_loop3A_458, %parallel_loop3A_529 : vector<16xf32>
        %parallel_loop3A_531 = arith.mulf %parallel_loop3A_526, %parallel_loop3A_504 : vector<16xf32>
        %parallel_loop3A_532 = arith.addf %parallel_loop3A_460, %parallel_loop3A_531 : vector<16xf32>
        %parallel_loop3A_533 = arith.mulf %parallel_loop3A_526, %parallel_loop3A_510 : vector<16xf32>
        %parallel_loop3A_534 = arith.addf %parallel_loop3A_462, %parallel_loop3A_533 : vector<16xf32>
        %parallel_loop3A_535 = arith.constant 2 : i32
        %parallel_loop3A_536 = vector.broadcast %parallel_loop3A_535 : i32 to vector<16x1xi32>
        %parallel_loop3A_537 = vector.shape_cast %parallel_loop3A_536 : vector<16x1xi32> to vector<16xi32>
        %parallel_loop3A_538 = tpu.dynamic_gather %parallel_loop3A_337[%parallel_loop3A_537] in [0] : vector<16xf32>, vector<16xi32> -> vector<16xf32>
        %parallel_loop3A_539 = arith.mulf %parallel_loop3A_538, %parallel_loop3A_492 : vector<16xf32>
        %parallel_loop3A_540 = arith.addf %parallel_loop3A_468, %parallel_loop3A_539 : vector<16xf32>
        %parallel_loop3A_541 = arith.mulf %parallel_loop3A_538, %parallel_loop3A_498 : vector<16xf32>
        %parallel_loop3A_542 = arith.addf %parallel_loop3A_470, %parallel_loop3A_541 : vector<16xf32>
        %parallel_loop3A_543 = arith.mulf %parallel_loop3A_538, %parallel_loop3A_504 : vector<16xf32>
        %parallel_loop3A_544 = arith.addf %parallel_loop3A_472, %parallel_loop3A_543 : vector<16xf32>
        %parallel_loop3A_545 = arith.mulf %parallel_loop3A_538, %parallel_loop3A_510 : vector<16xf32>
        %parallel_loop3A_546 = arith.addf %parallel_loop3A_474, %parallel_loop3A_545 : vector<16xf32>
        %parallel_loop3A_547 = arith.constant 2 : i32
        %parallel_loop3A_548 = vector.broadcast %parallel_loop3A_547 : i32 to vector<16x1xi32>
        %parallel_loop3A_549 = vector.shape_cast %parallel_loop3A_548 : vector<16x1xi32> to vector<16xi32>
        %parallel_loop3A_550 = tpu.dynamic_gather %parallel_loop3A_342[%parallel_loop3A_549] in [0] : vector<16xf32>, vector<16xi32> -> vector<16xf32>
        %parallel_loop3A_551 = arith.mulf %parallel_loop3A_550, %parallel_loop3A_492 : vector<16xf32>
        %parallel_loop3A_552 = arith.addf %parallel_loop3A_480, %parallel_loop3A_551 : vector<16xf32>
        %parallel_loop3A_553 = arith.mulf %parallel_loop3A_550, %parallel_loop3A_498 : vector<16xf32>
        %parallel_loop3A_554 = arith.addf %parallel_loop3A_482, %parallel_loop3A_553 : vector<16xf32>
        %parallel_loop3A_555 = arith.mulf %parallel_loop3A_550, %parallel_loop3A_504 : vector<16xf32>
        %parallel_loop3A_556 = arith.addf %parallel_loop3A_484, %parallel_loop3A_555 : vector<16xf32>
        %parallel_loop3A_557 = arith.mulf %parallel_loop3A_550, %parallel_loop3A_510 : vector<16xf32>
        %parallel_loop3A_558 = arith.addf %parallel_loop3A_486, %parallel_loop3A_557 : vector<16xf32>
        %parallel_loop3A_559 = arith.constant 3 : i32
        %parallel_loop3A_560 = arith.addi %parallel_loop3A_322, %parallel_loop3A_559 : i32
        %parallel_loop3A_561 = arith.index_cast %parallel_loop3A_560 : i32 to index
        %parallel_loop3A_562 = arith.constant 0 : index
        %parallel_loop3A_563 = tpu.vector_load %arg5[%parallel_loop3A_561, %parallel_loop3A_562] {strides = array<i32>} : memref<512x64xf32, #tpu.memory_space<vmem>>, vector<1x16xf32>,
        %parallel_loop3A_564 = vector.shape_cast %parallel_loop3A_563 : vector<1x16xf32> to vector<16xf32>
        %parallel_loop3A_565 = arith.constant 3 : i32
        %parallel_loop3A_566 = arith.addi %parallel_loop3A_322, %parallel_loop3A_565 : i32
        %parallel_loop3A_567 = arith.index_cast %parallel_loop3A_566 : i32 to index
        %parallel_loop3A_568 = arith.constant 16 : index
        %parallel_loop3A_569 = tpu.vector_load %arg5[%parallel_loop3A_567, %parallel_loop3A_568] {strides = array<i32>} : memref<512x64xf32, #tpu.memory_space<vmem>>, vector<1x16xf32>,
        %parallel_loop3A_570 = vector.shape_cast %parallel_loop3A_569 : vector<1x16xf32> to vector<16xf32>
        %parallel_loop3A_571 = arith.constant 3 : i32
        %parallel_loop3A_572 = arith.addi %parallel_loop3A_322, %parallel_loop3A_571 : i32
        %parallel_loop3A_573 = arith.index_cast %parallel_loop3A_572 : i32 to index
        %parallel_loop3A_574 = arith.constant 32 : index
        %parallel_loop3A_575 = tpu.vector_load %arg5[%parallel_loop3A_573, %parallel_loop3A_574] {strides = array<i32>} : memref<512x64xf32, #tpu.memory_space<vmem>>, vector<1x16xf32>,
        %parallel_loop3A_576 = vector.shape_cast %parallel_loop3A_575 : vector<1x16xf32> to vector<16xf32>
        %parallel_loop3A_577 = arith.constant 3 : i32
        %parallel_loop3A_578 = arith.addi %parallel_loop3A_322, %parallel_loop3A_577 : i32
        %parallel_loop3A_579 = arith.index_cast %parallel_loop3A_578 : i32 to index
        %parallel_loop3A_580 = arith.constant 48 : index
        %parallel_loop3A_581 = tpu.vector_load %arg5[%parallel_loop3A_579, %parallel_loop3A_580] {strides = array<i32>} : memref<512x64xf32, #tpu.memory_space<vmem>>, vector<1x16xf32>,
        %parallel_loop3A_582 = vector.shape_cast %parallel_loop3A_581 : vector<1x16xf32> to vector<16xf32>
        %parallel_loop3A_583 = arith.constant 3 : i32
        %parallel_loop3A_584 = vector.broadcast %parallel_loop3A_583 : i32 to vector<16x1xi32>
        %parallel_loop3A_585 = vector.shape_cast %parallel_loop3A_584 : vector<16x1xi32> to vector<16xi32>
        %parallel_loop3A_586 = tpu.dynamic_gather %parallel_loop3A_327[%parallel_loop3A_585] in [0] : vector<16xf32>, vector<16xi32> -> vector<16xf32>
        %parallel_loop3A_587 = arith.mulf %parallel_loop3A_586, %parallel_loop3A_564 : vector<16xf32>
        %parallel_loop3A_588 = arith.addf %parallel_loop3A_516, %parallel_loop3A_587 : vector<16xf32>
        %parallel_loop3A_589 = arith.mulf %parallel_loop3A_586, %parallel_loop3A_570 : vector<16xf32>
        %parallel_loop3A_590 = arith.addf %parallel_loop3A_518, %parallel_loop3A_589 : vector<16xf32>
        %parallel_loop3A_591 = arith.mulf %parallel_loop3A_586, %parallel_loop3A_576 : vector<16xf32>
        %parallel_loop3A_592 = arith.addf %parallel_loop3A_520, %parallel_loop3A_591 : vector<16xf32>
        %parallel_loop3A_593 = arith.mulf %parallel_loop3A_586, %parallel_loop3A_582 : vector<16xf32>
        %parallel_loop3A_594 = arith.addf %parallel_loop3A_522, %parallel_loop3A_593 : vector<16xf32>
        %parallel_loop3A_595 = arith.constant 3 : i32
        %parallel_loop3A_596 = vector.broadcast %parallel_loop3A_595 : i32 to vector<16x1xi32>
        %parallel_loop3A_597 = vector.shape_cast %parallel_loop3A_596 : vector<16x1xi32> to vector<16xi32>
        %parallel_loop3A_598 = tpu.dynamic_gather %parallel_loop3A_332[%parallel_loop3A_597] in [0] : vector<16xf32>, vector<16xi32> -> vector<16xf32>
        %parallel_loop3A_599 = arith.mulf %parallel_loop3A_598, %parallel_loop3A_564 : vector<16xf32>
        %parallel_loop3A_600 = arith.addf %parallel_loop3A_528, %parallel_loop3A_599 : vector<16xf32>
        %parallel_loop3A_601 = arith.mulf %parallel_loop3A_598, %parallel_loop3A_570 : vector<16xf32>
        %parallel_loop3A_602 = arith.addf %parallel_loop3A_530, %parallel_loop3A_601 : vector<16xf32>
        %parallel_loop3A_603 = arith.mulf %parallel_loop3A_598, %parallel_loop3A_576 : vector<16xf32>
        %parallel_loop3A_604 = arith.addf %parallel_loop3A_532, %parallel_loop3A_603 : vector<16xf32>
        %parallel_loop3A_605 = arith.mulf %parallel_loop3A_598, %parallel_loop3A_582 : vector<16xf32>
        %parallel_loop3A_606 = arith.addf %parallel_loop3A_534, %parallel_loop3A_605 : vector<16xf32>
        %parallel_loop3A_607 = arith.constant 3 : i32
        %parallel_loop3A_608 = vector.broadcast %parallel_loop3A_607 : i32 to vector<16x1xi32>
        %parallel_loop3A_609 = vector.shape_cast %parallel_loop3A_608 : vector<16x1xi32> to vector<16xi32>
        %parallel_loop3A_610 = tpu.dynamic_gather %parallel_loop3A_337[%parallel_loop3A_609] in [0] : vector<16xf32>, vector<16xi32> -> vector<16xf32>
        %parallel_loop3A_611 = arith.mulf %parallel_loop3A_610, %parallel_loop3A_564 : vector<16xf32>
        %parallel_loop3A_612 = arith.addf %parallel_loop3A_540, %parallel_loop3A_611 : vector<16xf32>
        %parallel_loop3A_613 = arith.mulf %parallel_loop3A_610, %parallel_loop3A_570 : vector<16xf32>
        %parallel_loop3A_614 = arith.addf %parallel_loop3A_542, %parallel_loop3A_613 : vector<16xf32>
        %parallel_loop3A_615 = arith.mulf %parallel_loop3A_610, %parallel_loop3A_576 : vector<16xf32>
        %parallel_loop3A_616 = arith.addf %parallel_loop3A_544, %parallel_loop3A_615 : vector<16xf32>
        %parallel_loop3A_617 = arith.mulf %parallel_loop3A_610, %parallel_loop3A_582 : vector<16xf32>
        %parallel_loop3A_618 = arith.addf %parallel_loop3A_546, %parallel_loop3A_617 : vector<16xf32>
        %parallel_loop3A_619 = arith.constant 3 : i32
        %parallel_loop3A_620 = vector.broadcast %parallel_loop3A_619 : i32 to vector<16x1xi32>
        %parallel_loop3A_621 = vector.shape_cast %parallel_loop3A_620 : vector<16x1xi32> to vector<16xi32>
        %parallel_loop3A_622 = tpu.dynamic_gather %parallel_loop3A_342[%parallel_loop3A_621] in [0] : vector<16xf32>, vector<16xi32> -> vector<16xf32>
        %parallel_loop3A_623 = arith.mulf %parallel_loop3A_622, %parallel_loop3A_564 : vector<16xf32>
        %parallel_loop3A_624 = arith.addf %parallel_loop3A_552, %parallel_loop3A_623 : vector<16xf32>
        %parallel_loop3A_625 = arith.mulf %parallel_loop3A_622, %parallel_loop3A_570 : vector<16xf32>
        %parallel_loop3A_626 = arith.addf %parallel_loop3A_554, %parallel_loop3A_625 : vector<16xf32>
        %parallel_loop3A_627 = arith.mulf %parallel_loop3A_622, %parallel_loop3A_576 : vector<16xf32>
        %parallel_loop3A_628 = arith.addf %parallel_loop3A_556, %parallel_loop3A_627 : vector<16xf32>
        %parallel_loop3A_629 = arith.mulf %parallel_loop3A_622, %parallel_loop3A_582 : vector<16xf32>
        %parallel_loop3A_630 = arith.addf %parallel_loop3A_558, %parallel_loop3A_629 : vector<16xf32>
        %parallel_loop3A_631 = arith.constant 4 : i32
        %parallel_loop3A_632 = arith.addi %parallel_loop3A_322, %parallel_loop3A_631 : i32
        %parallel_loop3A_633 = arith.index_cast %parallel_loop3A_632 : i32 to index
        %parallel_loop3A_634 = arith.constant 0 : index
        %parallel_loop3A_635 = tpu.vector_load %arg5[%parallel_loop3A_633, %parallel_loop3A_634] {strides = array<i32>} : memref<512x64xf32, #tpu.memory_space<vmem>>, vector<1x16xf32>,
        %parallel_loop3A_636 = vector.shape_cast %parallel_loop3A_635 : vector<1x16xf32> to vector<16xf32>
        %parallel_loop3A_637 = arith.constant 4 : i32
        %parallel_loop3A_638 = arith.addi %parallel_loop3A_322, %parallel_loop3A_637 : i32
        %parallel_loop3A_639 = arith.index_cast %parallel_loop3A_638 : i32 to index
        %parallel_loop3A_640 = arith.constant 16 : index
        %parallel_loop3A_641 = tpu.vector_load %arg5[%parallel_loop3A_639, %parallel_loop3A_640] {strides = array<i32>} : memref<512x64xf32, #tpu.memory_space<vmem>>, vector<1x16xf32>,
        %parallel_loop3A_642 = vector.shape_cast %parallel_loop3A_641 : vector<1x16xf32> to vector<16xf32>
        %parallel_loop3A_643 = arith.constant 4 : i32
        %parallel_loop3A_644 = arith.addi %parallel_loop3A_322, %parallel_loop3A_643 : i32
        %parallel_loop3A_645 = arith.index_cast %parallel_loop3A_644 : i32 to index
        %parallel_loop3A_646 = arith.constant 32 : index
        %parallel_loop3A_647 = tpu.vector_load %arg5[%parallel_loop3A_645, %parallel_loop3A_646] {strides = array<i32>} : memref<512x64xf32, #tpu.memory_space<vmem>>, vector<1x16xf32>,
        %parallel_loop3A_648 = vector.shape_cast %parallel_loop3A_647 : vector<1x16xf32> to vector<16xf32>
        %parallel_loop3A_649 = arith.constant 4 : i32
        %parallel_loop3A_650 = arith.addi %parallel_loop3A_322, %parallel_loop3A_649 : i32
        %parallel_loop3A_651 = arith.index_cast %parallel_loop3A_650 : i32 to index
        %parallel_loop3A_652 = arith.constant 48 : index
        %parallel_loop3A_653 = tpu.vector_load %arg5[%parallel_loop3A_651, %parallel_loop3A_652] {strides = array<i32>} : memref<512x64xf32, #tpu.memory_space<vmem>>, vector<1x16xf32>,
        %parallel_loop3A_654 = vector.shape_cast %parallel_loop3A_653 : vector<1x16xf32> to vector<16xf32>
        %parallel_loop3A_655 = arith.constant 4 : i32
        %parallel_loop3A_656 = vector.broadcast %parallel_loop3A_655 : i32 to vector<16x1xi32>
        %parallel_loop3A_657 = vector.shape_cast %parallel_loop3A_656 : vector<16x1xi32> to vector<16xi32>
        %parallel_loop3A_658 = tpu.dynamic_gather %parallel_loop3A_327[%parallel_loop3A_657] in [0] : vector<16xf32>, vector<16xi32> -> vector<16xf32>
        %parallel_loop3A_659 = arith.mulf %parallel_loop3A_658, %parallel_loop3A_636 : vector<16xf32>
        %parallel_loop3A_660 = arith.addf %parallel_loop3A_588, %parallel_loop3A_659 : vector<16xf32>
        %parallel_loop3A_661 = arith.mulf %parallel_loop3A_658, %parallel_loop3A_642 : vector<16xf32>
        %parallel_loop3A_662 = arith.addf %parallel_loop3A_590, %parallel_loop3A_661 : vector<16xf32>
        %parallel_loop3A_663 = arith.mulf %parallel_loop3A_658, %parallel_loop3A_648 : vector<16xf32>
        %parallel_loop3A_664 = arith.addf %parallel_loop3A_592, %parallel_loop3A_663 : vector<16xf32>
        %parallel_loop3A_665 = arith.mulf %parallel_loop3A_658, %parallel_loop3A_654 : vector<16xf32>
        %parallel_loop3A_666 = arith.addf %parallel_loop3A_594, %parallel_loop3A_665 : vector<16xf32>
        %parallel_loop3A_667 = arith.constant 4 : i32
        %parallel_loop3A_668 = vector.broadcast %parallel_loop3A_667 : i32 to vector<16x1xi32>
        %parallel_loop3A_669 = vector.shape_cast %parallel_loop3A_668 : vector<16x1xi32> to vector<16xi32>
        %parallel_loop3A_670 = tpu.dynamic_gather %parallel_loop3A_332[%parallel_loop3A_669] in [0] : vector<16xf32>, vector<16xi32> -> vector<16xf32>
        %parallel_loop3A_671 = arith.mulf %parallel_loop3A_670, %parallel_loop3A_636 : vector<16xf32>
        %parallel_loop3A_672 = arith.addf %parallel_loop3A_600, %parallel_loop3A_671 : vector<16xf32>
        %parallel_loop3A_673 = arith.mulf %parallel_loop3A_670, %parallel_loop3A_642 : vector<16xf32>
        %parallel_loop3A_674 = arith.addf %parallel_loop3A_602, %parallel_loop3A_673 : vector<16xf32>
        %parallel_loop3A_675 = arith.mulf %parallel_loop3A_670, %parallel_loop3A_648 : vector<16xf32>
        %parallel_loop3A_676 = arith.addf %parallel_loop3A_604, %parallel_loop3A_675 : vector<16xf32>
        %parallel_loop3A_677 = arith.mulf %parallel_loop3A_670, %parallel_loop3A_654 : vector<16xf32>
        %parallel_loop3A_678 = arith.addf %parallel_loop3A_606, %parallel_loop3A_677 : vector<16xf32>
        %parallel_loop3A_679 = arith.constant 4 : i32
        %parallel_loop3A_680 = vector.broadcast %parallel_loop3A_679 : i32 to vector<16x1xi32>
        %parallel_loop3A_681 = vector.shape_cast %parallel_loop3A_680 : vector<16x1xi32> to vector<16xi32>
        %parallel_loop3A_682 = tpu.dynamic_gather %parallel_loop3A_337[%parallel_loop3A_681] in [0] : vector<16xf32>, vector<16xi32> -> vector<16xf32>
        %parallel_loop3A_683 = arith.mulf %parallel_loop3A_682, %parallel_loop3A_636 : vector<16xf32>
        %parallel_loop3A_684 = arith.addf %parallel_loop3A_612, %parallel_loop3A_683 : vector<16xf32>
        %parallel_loop3A_685 = arith.mulf %parallel_loop3A_682, %parallel_loop3A_642 : vector<16xf32>
        %parallel_loop3A_686 = arith.addf %parallel_loop3A_614, %parallel_loop3A_685 : vector<16xf32>
        %parallel_loop3A_687 = arith.mulf %parallel_loop3A_682, %parallel_loop3A_648 : vector<16xf32>
        %parallel_loop3A_688 = arith.addf %parallel_loop3A_616, %parallel_loop3A_687 : vector<16xf32>
        %parallel_loop3A_689 = arith.mulf %parallel_loop3A_682, %parallel_loop3A_654 : vector<16xf32>
        %parallel_loop3A_690 = arith.addf %parallel_loop3A_618, %parallel_loop3A_689 : vector<16xf32>
        %parallel_loop3A_691 = arith.constant 4 : i32
        %parallel_loop3A_692 = vector.broadcast %parallel_loop3A_691 : i32 to vector<16x1xi32>
        %parallel_loop3A_693 = vector.shape_cast %parallel_loop3A_692 : vector<16x1xi32> to vector<16xi32>
        %parallel_loop3A_694 = tpu.dynamic_gather %parallel_loop3A_342[%parallel_loop3A_693] in [0] : vector<16xf32>, vector<16xi32> -> vector<16xf32>
        %parallel_loop3A_695 = arith.mulf %parallel_loop3A_694, %parallel_loop3A_636 : vector<16xf32>
        %parallel_loop3A_696 = arith.addf %parallel_loop3A_624, %parallel_loop3A_695 : vector<16xf32>
        %parallel_loop3A_697 = arith.mulf %parallel_loop3A_694, %parallel_loop3A_642 : vector<16xf32>
        %parallel_loop3A_698 = arith.addf %parallel_loop3A_626, %parallel_loop3A_697 : vector<16xf32>
        %parallel_loop3A_699 = arith.mulf %parallel_loop3A_694, %parallel_loop3A_648 : vector<16xf32>
        %parallel_loop3A_700 = arith.addf %parallel_loop3A_628, %parallel_loop3A_699 : vector<16xf32>
        %parallel_loop3A_701 = arith.mulf %parallel_loop3A_694, %parallel_loop3A_654 : vector<16xf32>
        %parallel_loop3A_702 = arith.addf %parallel_loop3A_630, %parallel_loop3A_701 : vector<16xf32>
        %parallel_loop3A_703 = arith.constant 5 : i32
        %parallel_loop3A_704 = arith.addi %parallel_loop3A_322, %parallel_loop3A_703 : i32
        %parallel_loop3A_705 = arith.index_cast %parallel_loop3A_704 : i32 to index
        %parallel_loop3A_706 = arith.constant 0 : index
        %parallel_loop3A_707 = tpu.vector_load %arg5[%parallel_loop3A_705, %parallel_loop3A_706] {strides = array<i32>} : memref<512x64xf32, #tpu.memory_space<vmem>>, vector<1x16xf32>,
        %parallel_loop3A_708 = vector.shape_cast %parallel_loop3A_707 : vector<1x16xf32> to vector<16xf32>
        %parallel_loop3A_709 = arith.constant 5 : i32
        %parallel_loop3A_710 = arith.addi %parallel_loop3A_322, %parallel_loop3A_709 : i32
        %parallel_loop3A_711 = arith.index_cast %parallel_loop3A_710 : i32 to index
        %parallel_loop3A_712 = arith.constant 16 : index
        %parallel_loop3A_713 = tpu.vector_load %arg5[%parallel_loop3A_711, %parallel_loop3A_712] {strides = array<i32>} : memref<512x64xf32, #tpu.memory_space<vmem>>, vector<1x16xf32>,
        %parallel_loop3A_714 = vector.shape_cast %parallel_loop3A_713 : vector<1x16xf32> to vector<16xf32>
        %parallel_loop3A_715 = arith.constant 5 : i32
        %parallel_loop3A_716 = arith.addi %parallel_loop3A_322, %parallel_loop3A_715 : i32
        %parallel_loop3A_717 = arith.index_cast %parallel_loop3A_716 : i32 to index
        %parallel_loop3A_718 = arith.constant 32 : index
        %parallel_loop3A_719 = tpu.vector_load %arg5[%parallel_loop3A_717, %parallel_loop3A_718] {strides = array<i32>} : memref<512x64xf32, #tpu.memory_space<vmem>>, vector<1x16xf32>,
        %parallel_loop3A_720 = vector.shape_cast %parallel_loop3A_719 : vector<1x16xf32> to vector<16xf32>
        %parallel_loop3A_721 = arith.constant 5 : i32
        %parallel_loop3A_722 = arith.addi %parallel_loop3A_322, %parallel_loop3A_721 : i32
        %parallel_loop3A_723 = arith.index_cast %parallel_loop3A_722 : i32 to index
        %parallel_loop3A_724 = arith.constant 48 : index
        %parallel_loop3A_725 = tpu.vector_load %arg5[%parallel_loop3A_723, %parallel_loop3A_724] {strides = array<i32>} : memref<512x64xf32, #tpu.memory_space<vmem>>, vector<1x16xf32>,
        %parallel_loop3A_726 = vector.shape_cast %parallel_loop3A_725 : vector<1x16xf32> to vector<16xf32>
        %parallel_loop3A_727 = arith.constant 5 : i32
        %parallel_loop3A_728 = vector.broadcast %parallel_loop3A_727 : i32 to vector<16x1xi32>
        %parallel_loop3A_729 = vector.shape_cast %parallel_loop3A_728 : vector<16x1xi32> to vector<16xi32>
        %parallel_loop3A_730 = tpu.dynamic_gather %parallel_loop3A_327[%parallel_loop3A_729] in [0] : vector<16xf32>, vector<16xi32> -> vector<16xf32>
        %parallel_loop3A_731 = arith.mulf %parallel_loop3A_730, %parallel_loop3A_708 : vector<16xf32>
        %parallel_loop3A_732 = arith.addf %parallel_loop3A_660, %parallel_loop3A_731 : vector<16xf32>
        %parallel_loop3A_733 = arith.mulf %parallel_loop3A_730, %parallel_loop3A_714 : vector<16xf32>
        %parallel_loop3A_734 = arith.addf %parallel_loop3A_662, %parallel_loop3A_733 : vector<16xf32>
        %parallel_loop3A_735 = arith.mulf %parallel_loop3A_730, %parallel_loop3A_720 : vector<16xf32>
        %parallel_loop3A_736 = arith.addf %parallel_loop3A_664, %parallel_loop3A_735 : vector<16xf32>
        %parallel_loop3A_737 = arith.mulf %parallel_loop3A_730, %parallel_loop3A_726 : vector<16xf32>
        %parallel_loop3A_738 = arith.addf %parallel_loop3A_666, %parallel_loop3A_737 : vector<16xf32>
        %parallel_loop3A_739 = arith.constant 5 : i32
        %parallel_loop3A_740 = vector.broadcast %parallel_loop3A_739 : i32 to vector<16x1xi32>
        %parallel_loop3A_741 = vector.shape_cast %parallel_loop3A_740 : vector<16x1xi32> to vector<16xi32>
        %parallel_loop3A_742 = tpu.dynamic_gather %parallel_loop3A_332[%parallel_loop3A_741] in [0] : vector<16xf32>, vector<16xi32> -> vector<16xf32>
        %parallel_loop3A_743 = arith.mulf %parallel_loop3A_742, %parallel_loop3A_708 : vector<16xf32>
        %parallel_loop3A_744 = arith.addf %parallel_loop3A_672, %parallel_loop3A_743 : vector<16xf32>
        %parallel_loop3A_745 = arith.mulf %parallel_loop3A_742, %parallel_loop3A_714 : vector<16xf32>
        %parallel_loop3A_746 = arith.addf %parallel_loop3A_674, %parallel_loop3A_745 : vector<16xf32>
        %parallel_loop3A_747 = arith.mulf %parallel_loop3A_742, %parallel_loop3A_720 : vector<16xf32>
        %parallel_loop3A_748 = arith.addf %parallel_loop3A_676, %parallel_loop3A_747 : vector<16xf32>
        %parallel_loop3A_749 = arith.mulf %parallel_loop3A_742, %parallel_loop3A_726 : vector<16xf32>
        %parallel_loop3A_750 = arith.addf %parallel_loop3A_678, %parallel_loop3A_749 : vector<16xf32>
        %parallel_loop3A_751 = arith.constant 5 : i32
        %parallel_loop3A_752 = vector.broadcast %parallel_loop3A_751 : i32 to vector<16x1xi32>
        %parallel_loop3A_753 = vector.shape_cast %parallel_loop3A_752 : vector<16x1xi32> to vector<16xi32>
        %parallel_loop3A_754 = tpu.dynamic_gather %parallel_loop3A_337[%parallel_loop3A_753] in [0] : vector<16xf32>, vector<16xi32> -> vector<16xf32>
        %parallel_loop3A_755 = arith.mulf %parallel_loop3A_754, %parallel_loop3A_708 : vector<16xf32>
        %parallel_loop3A_756 = arith.addf %parallel_loop3A_684, %parallel_loop3A_755 : vector<16xf32>
        %parallel_loop3A_757 = arith.mulf %parallel_loop3A_754, %parallel_loop3A_714 : vector<16xf32>
        %parallel_loop3A_758 = arith.addf %parallel_loop3A_686, %parallel_loop3A_757 : vector<16xf32>
        %parallel_loop3A_759 = arith.mulf %parallel_loop3A_754, %parallel_loop3A_720 : vector<16xf32>
        %parallel_loop3A_760 = arith.addf %parallel_loop3A_688, %parallel_loop3A_759 : vector<16xf32>
        %parallel_loop3A_761 = arith.mulf %parallel_loop3A_754, %parallel_loop3A_726 : vector<16xf32>
        %parallel_loop3A_762 = arith.addf %parallel_loop3A_690, %parallel_loop3A_761 : vector<16xf32>
        %parallel_loop3A_763 = arith.constant 5 : i32
        %parallel_loop3A_764 = vector.broadcast %parallel_loop3A_763 : i32 to vector<16x1xi32>
        %parallel_loop3A_765 = vector.shape_cast %parallel_loop3A_764 : vector<16x1xi32> to vector<16xi32>
        %parallel_loop3A_766 = tpu.dynamic_gather %parallel_loop3A_342[%parallel_loop3A_765] in [0] : vector<16xf32>, vector<16xi32> -> vector<16xf32>
        %parallel_loop3A_767 = arith.mulf %parallel_loop3A_766, %parallel_loop3A_708 : vector<16xf32>
        %parallel_loop3A_768 = arith.addf %parallel_loop3A_696, %parallel_loop3A_767 : vector<16xf32>
        %parallel_loop3A_769 = arith.mulf %parallel_loop3A_766, %parallel_loop3A_714 : vector<16xf32>
        %parallel_loop3A_770 = arith.addf %parallel_loop3A_698, %parallel_loop3A_769 : vector<16xf32>
        %parallel_loop3A_771 = arith.mulf %parallel_loop3A_766, %parallel_loop3A_720 : vector<16xf32>
        %parallel_loop3A_772 = arith.addf %parallel_loop3A_700, %parallel_loop3A_771 : vector<16xf32>
        %parallel_loop3A_773 = arith.mulf %parallel_loop3A_766, %parallel_loop3A_726 : vector<16xf32>
        %parallel_loop3A_774 = arith.addf %parallel_loop3A_702, %parallel_loop3A_773 : vector<16xf32>
        %parallel_loop3A_775 = arith.constant 6 : i32
        %parallel_loop3A_776 = arith.addi %parallel_loop3A_322, %parallel_loop3A_775 : i32
        %parallel_loop3A_777 = arith.index_cast %parallel_loop3A_776 : i32 to index
        %parallel_loop3A_778 = arith.constant 0 : index
        %parallel_loop3A_779 = tpu.vector_load %arg5[%parallel_loop3A_777, %parallel_loop3A_778] {strides = array<i32>} : memref<512x64xf32, #tpu.memory_space<vmem>>, vector<1x16xf32>,
        %parallel_loop3A_780 = vector.shape_cast %parallel_loop3A_779 : vector<1x16xf32> to vector<16xf32>
        %parallel_loop3A_781 = arith.constant 6 : i32
        %parallel_loop3A_782 = arith.addi %parallel_loop3A_322, %parallel_loop3A_781 : i32
        %parallel_loop3A_783 = arith.index_cast %parallel_loop3A_782 : i32 to index
        %parallel_loop3A_784 = arith.constant 16 : index
        %parallel_loop3A_785 = tpu.vector_load %arg5[%parallel_loop3A_783, %parallel_loop3A_784] {strides = array<i32>} : memref<512x64xf32, #tpu.memory_space<vmem>>, vector<1x16xf32>,
        %parallel_loop3A_786 = vector.shape_cast %parallel_loop3A_785 : vector<1x16xf32> to vector<16xf32>
        %parallel_loop3A_787 = arith.constant 6 : i32
        %parallel_loop3A_788 = arith.addi %parallel_loop3A_322, %parallel_loop3A_787 : i32
        %parallel_loop3A_789 = arith.index_cast %parallel_loop3A_788 : i32 to index
        %parallel_loop3A_790 = arith.constant 32 : index
        %parallel_loop3A_791 = tpu.vector_load %arg5[%parallel_loop3A_789, %parallel_loop3A_790] {strides = array<i32>} : memref<512x64xf32, #tpu.memory_space<vmem>>, vector<1x16xf32>,
        %parallel_loop3A_792 = vector.shape_cast %parallel_loop3A_791 : vector<1x16xf32> to vector<16xf32>
        %parallel_loop3A_793 = arith.constant 6 : i32
        %parallel_loop3A_794 = arith.addi %parallel_loop3A_322, %parallel_loop3A_793 : i32
        %parallel_loop3A_795 = arith.index_cast %parallel_loop3A_794 : i32 to index
        %parallel_loop3A_796 = arith.constant 48 : index
        %parallel_loop3A_797 = tpu.vector_load %arg5[%parallel_loop3A_795, %parallel_loop3A_796] {strides = array<i32>} : memref<512x64xf32, #tpu.memory_space<vmem>>, vector<1x16xf32>,
        %parallel_loop3A_798 = vector.shape_cast %parallel_loop3A_797 : vector<1x16xf32> to vector<16xf32>
        %parallel_loop3A_799 = arith.constant 6 : i32
        %parallel_loop3A_800 = vector.broadcast %parallel_loop3A_799 : i32 to vector<16x1xi32>
        %parallel_loop3A_801 = vector.shape_cast %parallel_loop3A_800 : vector<16x1xi32> to vector<16xi32>
        %parallel_loop3A_802 = tpu.dynamic_gather %parallel_loop3A_327[%parallel_loop3A_801] in [0] : vector<16xf32>, vector<16xi32> -> vector<16xf32>
        %parallel_loop3A_803 = arith.mulf %parallel_loop3A_802, %parallel_loop3A_780 : vector<16xf32>
        %parallel_loop3A_804 = arith.addf %parallel_loop3A_732, %parallel_loop3A_803 : vector<16xf32>
        %parallel_loop3A_805 = arith.mulf %parallel_loop3A_802, %parallel_loop3A_786 : vector<16xf32>
        %parallel_loop3A_806 = arith.addf %parallel_loop3A_734, %parallel_loop3A_805 : vector<16xf32>
        %parallel_loop3A_807 = arith.mulf %parallel_loop3A_802, %parallel_loop3A_792 : vector<16xf32>
        %parallel_loop3A_808 = arith.addf %parallel_loop3A_736, %parallel_loop3A_807 : vector<16xf32>
        %parallel_loop3A_809 = arith.mulf %parallel_loop3A_802, %parallel_loop3A_798 : vector<16xf32>
        %parallel_loop3A_810 = arith.addf %parallel_loop3A_738, %parallel_loop3A_809 : vector<16xf32>
        %parallel_loop3A_811 = arith.constant 6 : i32
        %parallel_loop3A_812 = vector.broadcast %parallel_loop3A_811 : i32 to vector<16x1xi32>
        %parallel_loop3A_813 = vector.shape_cast %parallel_loop3A_812 : vector<16x1xi32> to vector<16xi32>
        %parallel_loop3A_814 = tpu.dynamic_gather %parallel_loop3A_332[%parallel_loop3A_813] in [0] : vector<16xf32>, vector<16xi32> -> vector<16xf32>
        %parallel_loop3A_815 = arith.mulf %parallel_loop3A_814, %parallel_loop3A_780 : vector<16xf32>
        %parallel_loop3A_816 = arith.addf %parallel_loop3A_744, %parallel_loop3A_815 : vector<16xf32>
        %parallel_loop3A_817 = arith.mulf %parallel_loop3A_814, %parallel_loop3A_786 : vector<16xf32>
        %parallel_loop3A_818 = arith.addf %parallel_loop3A_746, %parallel_loop3A_817 : vector<16xf32>
        %parallel_loop3A_819 = arith.mulf %parallel_loop3A_814, %parallel_loop3A_792 : vector<16xf32>
        %parallel_loop3A_820 = arith.addf %parallel_loop3A_748, %parallel_loop3A_819 : vector<16xf32>
        %parallel_loop3A_821 = arith.mulf %parallel_loop3A_814, %parallel_loop3A_798 : vector<16xf32>
        %parallel_loop3A_822 = arith.addf %parallel_loop3A_750, %parallel_loop3A_821 : vector<16xf32>
        %parallel_loop3A_823 = arith.constant 6 : i32
        %parallel_loop3A_824 = vector.broadcast %parallel_loop3A_823 : i32 to vector<16x1xi32>
        %parallel_loop3A_825 = vector.shape_cast %parallel_loop3A_824 : vector<16x1xi32> to vector<16xi32>
        %parallel_loop3A_826 = tpu.dynamic_gather %parallel_loop3A_337[%parallel_loop3A_825] in [0] : vector<16xf32>, vector<16xi32> -> vector<16xf32>
        %parallel_loop3A_827 = arith.mulf %parallel_loop3A_826, %parallel_loop3A_780 : vector<16xf32>
        %parallel_loop3A_828 = arith.addf %parallel_loop3A_756, %parallel_loop3A_827 : vector<16xf32>
        %parallel_loop3A_829 = arith.mulf %parallel_loop3A_826, %parallel_loop3A_786 : vector<16xf32>
        %parallel_loop3A_830 = arith.addf %parallel_loop3A_758, %parallel_loop3A_829 : vector<16xf32>
        %parallel_loop3A_831 = arith.mulf %parallel_loop3A_826, %parallel_loop3A_792 : vector<16xf32>
        %parallel_loop3A_832 = arith.addf %parallel_loop3A_760, %parallel_loop3A_831 : vector<16xf32>
        %parallel_loop3A_833 = arith.mulf %parallel_loop3A_826, %parallel_loop3A_798 : vector<16xf32>
        %parallel_loop3A_834 = arith.addf %parallel_loop3A_762, %parallel_loop3A_833 : vector<16xf32>
        %parallel_loop3A_835 = arith.constant 6 : i32
        %parallel_loop3A_836 = vector.broadcast %parallel_loop3A_835 : i32 to vector<16x1xi32>
        %parallel_loop3A_837 = vector.shape_cast %parallel_loop3A_836 : vector<16x1xi32> to vector<16xi32>
        %parallel_loop3A_838 = tpu.dynamic_gather %parallel_loop3A_342[%parallel_loop3A_837] in [0] : vector<16xf32>, vector<16xi32> -> vector<16xf32>
        %parallel_loop3A_839 = arith.mulf %parallel_loop3A_838, %parallel_loop3A_780 : vector<16xf32>
        %parallel_loop3A_840 = arith.addf %parallel_loop3A_768, %parallel_loop3A_839 : vector<16xf32>
        %parallel_loop3A_841 = arith.mulf %parallel_loop3A_838, %parallel_loop3A_786 : vector<16xf32>
        %parallel_loop3A_842 = arith.addf %parallel_loop3A_770, %parallel_loop3A_841 : vector<16xf32>
        %parallel_loop3A_843 = arith.mulf %parallel_loop3A_838, %parallel_loop3A_792 : vector<16xf32>
        %parallel_loop3A_844 = arith.addf %parallel_loop3A_772, %parallel_loop3A_843 : vector<16xf32>
        %parallel_loop3A_845 = arith.mulf %parallel_loop3A_838, %parallel_loop3A_798 : vector<16xf32>
        %parallel_loop3A_846 = arith.addf %parallel_loop3A_774, %parallel_loop3A_845 : vector<16xf32>
        %parallel_loop3A_847 = arith.constant 7 : i32
        %parallel_loop3A_848 = arith.addi %parallel_loop3A_322, %parallel_loop3A_847 : i32
        %parallel_loop3A_849 = arith.index_cast %parallel_loop3A_848 : i32 to index
        %parallel_loop3A_850 = arith.constant 0 : index
        %parallel_loop3A_851 = tpu.vector_load %arg5[%parallel_loop3A_849, %parallel_loop3A_850] {strides = array<i32>} : memref<512x64xf32, #tpu.memory_space<vmem>>, vector<1x16xf32>,
        %parallel_loop3A_852 = vector.shape_cast %parallel_loop3A_851 : vector<1x16xf32> to vector<16xf32>
        %parallel_loop3A_853 = arith.constant 7 : i32
        %parallel_loop3A_854 = arith.addi %parallel_loop3A_322, %parallel_loop3A_853 : i32
        %parallel_loop3A_855 = arith.index_cast %parallel_loop3A_854 : i32 to index
        %parallel_loop3A_856 = arith.constant 16 : index
        %parallel_loop3A_857 = tpu.vector_load %arg5[%parallel_loop3A_855, %parallel_loop3A_856] {strides = array<i32>} : memref<512x64xf32, #tpu.memory_space<vmem>>, vector<1x16xf32>,
        %parallel_loop3A_858 = vector.shape_cast %parallel_loop3A_857 : vector<1x16xf32> to vector<16xf32>
        %parallel_loop3A_859 = arith.constant 7 : i32
        %parallel_loop3A_860 = arith.addi %parallel_loop3A_322, %parallel_loop3A_859 : i32
        %parallel_loop3A_861 = arith.index_cast %parallel_loop3A_860 : i32 to index
        %parallel_loop3A_862 = arith.constant 32 : index
        %parallel_loop3A_863 = tpu.vector_load %arg5[%parallel_loop3A_861, %parallel_loop3A_862] {strides = array<i32>} : memref<512x64xf32, #tpu.memory_space<vmem>>, vector<1x16xf32>,
        %parallel_loop3A_864 = vector.shape_cast %parallel_loop3A_863 : vector<1x16xf32> to vector<16xf32>
        %parallel_loop3A_865 = arith.constant 7 : i32
        %parallel_loop3A_866 = arith.addi %parallel_loop3A_322, %parallel_loop3A_865 : i32
        %parallel_loop3A_867 = arith.index_cast %parallel_loop3A_866 : i32 to index
        %parallel_loop3A_868 = arith.constant 48 : index
        %parallel_loop3A_869 = tpu.vector_load %arg5[%parallel_loop3A_867, %parallel_loop3A_868] {strides = array<i32>} : memref<512x64xf32, #tpu.memory_space<vmem>>, vector<1x16xf32>,
        %parallel_loop3A_870 = vector.shape_cast %parallel_loop3A_869 : vector<1x16xf32> to vector<16xf32>
        %parallel_loop3A_871 = arith.constant 7 : i32
        %parallel_loop3A_872 = vector.broadcast %parallel_loop3A_871 : i32 to vector<16x1xi32>
        %parallel_loop3A_873 = vector.shape_cast %parallel_loop3A_872 : vector<16x1xi32> to vector<16xi32>
        %parallel_loop3A_874 = tpu.dynamic_gather %parallel_loop3A_327[%parallel_loop3A_873] in [0] : vector<16xf32>, vector<16xi32> -> vector<16xf32>
        %parallel_loop3A_875 = arith.mulf %parallel_loop3A_874, %parallel_loop3A_852 : vector<16xf32>
        %parallel_loop3A_876 = arith.addf %parallel_loop3A_804, %parallel_loop3A_875 : vector<16xf32>
        %parallel_loop3A_877 = arith.mulf %parallel_loop3A_874, %parallel_loop3A_858 : vector<16xf32>
        %parallel_loop3A_878 = arith.addf %parallel_loop3A_806, %parallel_loop3A_877 : vector<16xf32>
        %parallel_loop3A_879 = arith.mulf %parallel_loop3A_874, %parallel_loop3A_864 : vector<16xf32>
        %parallel_loop3A_880 = arith.addf %parallel_loop3A_808, %parallel_loop3A_879 : vector<16xf32>
        %parallel_loop3A_881 = arith.mulf %parallel_loop3A_874, %parallel_loop3A_870 : vector<16xf32>
        %parallel_loop3A_882 = arith.addf %parallel_loop3A_810, %parallel_loop3A_881 : vector<16xf32>
        %parallel_loop3A_883 = arith.constant 7 : i32
        %parallel_loop3A_884 = vector.broadcast %parallel_loop3A_883 : i32 to vector<16x1xi32>
        %parallel_loop3A_885 = vector.shape_cast %parallel_loop3A_884 : vector<16x1xi32> to vector<16xi32>
        %parallel_loop3A_886 = tpu.dynamic_gather %parallel_loop3A_332[%parallel_loop3A_885] in [0] : vector<16xf32>, vector<16xi32> -> vector<16xf32>
        %parallel_loop3A_887 = arith.mulf %parallel_loop3A_886, %parallel_loop3A_852 : vector<16xf32>
        %parallel_loop3A_888 = arith.addf %parallel_loop3A_816, %parallel_loop3A_887 : vector<16xf32>
        %parallel_loop3A_889 = arith.mulf %parallel_loop3A_886, %parallel_loop3A_858 : vector<16xf32>
        %parallel_loop3A_890 = arith.addf %parallel_loop3A_818, %parallel_loop3A_889 : vector<16xf32>
        %parallel_loop3A_891 = arith.mulf %parallel_loop3A_886, %parallel_loop3A_864 : vector<16xf32>
        %parallel_loop3A_892 = arith.addf %parallel_loop3A_820, %parallel_loop3A_891 : vector<16xf32>
        %parallel_loop3A_893 = arith.mulf %parallel_loop3A_886, %parallel_loop3A_870 : vector<16xf32>
        %parallel_loop3A_894 = arith.addf %parallel_loop3A_822, %parallel_loop3A_893 : vector<16xf32>
        %parallel_loop3A_895 = arith.constant 7 : i32
        %parallel_loop3A_896 = vector.broadcast %parallel_loop3A_895 : i32 to vector<16x1xi32>
        %parallel_loop3A_897 = vector.shape_cast %parallel_loop3A_896 : vector<16x1xi32> to vector<16xi32>
        %parallel_loop3A_898 = tpu.dynamic_gather %parallel_loop3A_337[%parallel_loop3A_897] in [0] : vector<16xf32>, vector<16xi32> -> vector<16xf32>
        %parallel_loop3A_899 = arith.mulf %parallel_loop3A_898, %parallel_loop3A_852 : vector<16xf32>
        %parallel_loop3A_900 = arith.addf %parallel_loop3A_828, %parallel_loop3A_899 : vector<16xf32>
        %parallel_loop3A_901 = arith.mulf %parallel_loop3A_898, %parallel_loop3A_858 : vector<16xf32>
        %parallel_loop3A_902 = arith.addf %parallel_loop3A_830, %parallel_loop3A_901 : vector<16xf32>
        %parallel_loop3A_903 = arith.mulf %parallel_loop3A_898, %parallel_loop3A_864 : vector<16xf32>
        %parallel_loop3A_904 = arith.addf %parallel_loop3A_832, %parallel_loop3A_903 : vector<16xf32>
        %parallel_loop3A_905 = arith.mulf %parallel_loop3A_898, %parallel_loop3A_870 : vector<16xf32>
        %parallel_loop3A_906 = arith.addf %parallel_loop3A_834, %parallel_loop3A_905 : vector<16xf32>
        %parallel_loop3A_907 = arith.constant 7 : i32
        %parallel_loop3A_908 = vector.broadcast %parallel_loop3A_907 : i32 to vector<16x1xi32>
        %parallel_loop3A_909 = vector.shape_cast %parallel_loop3A_908 : vector<16x1xi32> to vector<16xi32>
        %parallel_loop3A_910 = tpu.dynamic_gather %parallel_loop3A_342[%parallel_loop3A_909] in [0] : vector<16xf32>, vector<16xi32> -> vector<16xf32>
        %parallel_loop3A_911 = arith.mulf %parallel_loop3A_910, %parallel_loop3A_852 : vector<16xf32>
        %parallel_loop3A_912 = arith.addf %parallel_loop3A_840, %parallel_loop3A_911 : vector<16xf32>
        %parallel_loop3A_913 = arith.mulf %parallel_loop3A_910, %parallel_loop3A_858 : vector<16xf32>
        %parallel_loop3A_914 = arith.addf %parallel_loop3A_842, %parallel_loop3A_913 : vector<16xf32>
        %parallel_loop3A_915 = arith.mulf %parallel_loop3A_910, %parallel_loop3A_864 : vector<16xf32>
        %parallel_loop3A_916 = arith.addf %parallel_loop3A_844, %parallel_loop3A_915 : vector<16xf32>
        %parallel_loop3A_917 = arith.mulf %parallel_loop3A_910, %parallel_loop3A_870 : vector<16xf32>
        %parallel_loop3A_918 = arith.addf %parallel_loop3A_846, %parallel_loop3A_917 : vector<16xf32>
        %parallel_loop3A_919 = arith.constant 8 : i32
        %parallel_loop3A_920 = arith.addi %parallel_loop3A_322, %parallel_loop3A_919 : i32
        %parallel_loop3A_921 = arith.index_cast %parallel_loop3A_920 : i32 to index
        %parallel_loop3A_922 = arith.constant 0 : index
        %parallel_loop3A_923 = tpu.vector_load %arg5[%parallel_loop3A_921, %parallel_loop3A_922] {strides = array<i32>} : memref<512x64xf32, #tpu.memory_space<vmem>>, vector<1x16xf32>,
        %parallel_loop3A_924 = vector.shape_cast %parallel_loop3A_923 : vector<1x16xf32> to vector<16xf32>
        %parallel_loop3A_925 = arith.constant 8 : i32
        %parallel_loop3A_926 = arith.addi %parallel_loop3A_322, %parallel_loop3A_925 : i32
        %parallel_loop3A_927 = arith.index_cast %parallel_loop3A_926 : i32 to index
        %parallel_loop3A_928 = arith.constant 16 : index
        %parallel_loop3A_929 = tpu.vector_load %arg5[%parallel_loop3A_927, %parallel_loop3A_928] {strides = array<i32>} : memref<512x64xf32, #tpu.memory_space<vmem>>, vector<1x16xf32>,
        %parallel_loop3A_930 = vector.shape_cast %parallel_loop3A_929 : vector<1x16xf32> to vector<16xf32>
        %parallel_loop3A_931 = arith.constant 8 : i32
        %parallel_loop3A_932 = arith.addi %parallel_loop3A_322, %parallel_loop3A_931 : i32
        %parallel_loop3A_933 = arith.index_cast %parallel_loop3A_932 : i32 to index
        %parallel_loop3A_934 = arith.constant 32 : index
        %parallel_loop3A_935 = tpu.vector_load %arg5[%parallel_loop3A_933, %parallel_loop3A_934] {strides = array<i32>} : memref<512x64xf32, #tpu.memory_space<vmem>>, vector<1x16xf32>,
        %parallel_loop3A_936 = vector.shape_cast %parallel_loop3A_935 : vector<1x16xf32> to vector<16xf32>
        %parallel_loop3A_937 = arith.constant 8 : i32
        %parallel_loop3A_938 = arith.addi %parallel_loop3A_322, %parallel_loop3A_937 : i32
        %parallel_loop3A_939 = arith.index_cast %parallel_loop3A_938 : i32 to index
        %parallel_loop3A_940 = arith.constant 48 : index
        %parallel_loop3A_941 = tpu.vector_load %arg5[%parallel_loop3A_939, %parallel_loop3A_940] {strides = array<i32>} : memref<512x64xf32, #tpu.memory_space<vmem>>, vector<1x16xf32>,
        %parallel_loop3A_942 = vector.shape_cast %parallel_loop3A_941 : vector<1x16xf32> to vector<16xf32>
        %parallel_loop3A_943 = arith.constant 8 : i32
        %parallel_loop3A_944 = vector.broadcast %parallel_loop3A_943 : i32 to vector<16x1xi32>
        %parallel_loop3A_945 = vector.shape_cast %parallel_loop3A_944 : vector<16x1xi32> to vector<16xi32>
        %parallel_loop3A_946 = tpu.dynamic_gather %parallel_loop3A_327[%parallel_loop3A_945] in [0] : vector<16xf32>, vector<16xi32> -> vector<16xf32>
        %parallel_loop3A_947 = arith.mulf %parallel_loop3A_946, %parallel_loop3A_924 : vector<16xf32>
        %parallel_loop3A_948 = arith.addf %parallel_loop3A_876, %parallel_loop3A_947 : vector<16xf32>
        %parallel_loop3A_949 = arith.mulf %parallel_loop3A_946, %parallel_loop3A_930 : vector<16xf32>
        %parallel_loop3A_950 = arith.addf %parallel_loop3A_878, %parallel_loop3A_949 : vector<16xf32>
        %parallel_loop3A_951 = arith.mulf %parallel_loop3A_946, %parallel_loop3A_936 : vector<16xf32>
        %parallel_loop3A_952 = arith.addf %parallel_loop3A_880, %parallel_loop3A_951 : vector<16xf32>
        %parallel_loop3A_953 = arith.mulf %parallel_loop3A_946, %parallel_loop3A_942 : vector<16xf32>
        %parallel_loop3A_954 = arith.addf %parallel_loop3A_882, %parallel_loop3A_953 : vector<16xf32>
        %parallel_loop3A_955 = arith.constant 8 : i32
        %parallel_loop3A_956 = vector.broadcast %parallel_loop3A_955 : i32 to vector<16x1xi32>
        %parallel_loop3A_957 = vector.shape_cast %parallel_loop3A_956 : vector<16x1xi32> to vector<16xi32>
        %parallel_loop3A_958 = tpu.dynamic_gather %parallel_loop3A_332[%parallel_loop3A_957] in [0] : vector<16xf32>, vector<16xi32> -> vector<16xf32>
        %parallel_loop3A_959 = arith.mulf %parallel_loop3A_958, %parallel_loop3A_924 : vector<16xf32>
        %parallel_loop3A_960 = arith.addf %parallel_loop3A_888, %parallel_loop3A_959 : vector<16xf32>
        %parallel_loop3A_961 = arith.mulf %parallel_loop3A_958, %parallel_loop3A_930 : vector<16xf32>
        %parallel_loop3A_962 = arith.addf %parallel_loop3A_890, %parallel_loop3A_961 : vector<16xf32>
        %parallel_loop3A_963 = arith.mulf %parallel_loop3A_958, %parallel_loop3A_936 : vector<16xf32>
        %parallel_loop3A_964 = arith.addf %parallel_loop3A_892, %parallel_loop3A_963 : vector<16xf32>
        %parallel_loop3A_965 = arith.mulf %parallel_loop3A_958, %parallel_loop3A_942 : vector<16xf32>
        %parallel_loop3A_966 = arith.addf %parallel_loop3A_894, %parallel_loop3A_965 : vector<16xf32>
        %parallel_loop3A_967 = arith.constant 8 : i32
        %parallel_loop3A_968 = vector.broadcast %parallel_loop3A_967 : i32 to vector<16x1xi32>
        %parallel_loop3A_969 = vector.shape_cast %parallel_loop3A_968 : vector<16x1xi32> to vector<16xi32>
        %parallel_loop3A_970 = tpu.dynamic_gather %parallel_loop3A_337[%parallel_loop3A_969] in [0] : vector<16xf32>, vector<16xi32> -> vector<16xf32>
        %parallel_loop3A_971 = arith.mulf %parallel_loop3A_970, %parallel_loop3A_924 : vector<16xf32>
        %parallel_loop3A_972 = arith.addf %parallel_loop3A_900, %parallel_loop3A_971 : vector<16xf32>
        %parallel_loop3A_973 = arith.mulf %parallel_loop3A_970, %parallel_loop3A_930 : vector<16xf32>
        %parallel_loop3A_974 = arith.addf %parallel_loop3A_902, %parallel_loop3A_973 : vector<16xf32>
        %parallel_loop3A_975 = arith.mulf %parallel_loop3A_970, %parallel_loop3A_936 : vector<16xf32>
        %parallel_loop3A_976 = arith.addf %parallel_loop3A_904, %parallel_loop3A_975 : vector<16xf32>
        %parallel_loop3A_977 = arith.mulf %parallel_loop3A_970, %parallel_loop3A_942 : vector<16xf32>
        %parallel_loop3A_978 = arith.addf %parallel_loop3A_906, %parallel_loop3A_977 : vector<16xf32>
        %parallel_loop3A_979 = arith.constant 8 : i32
        %parallel_loop3A_980 = vector.broadcast %parallel_loop3A_979 : i32 to vector<16x1xi32>
        %parallel_loop3A_981 = vector.shape_cast %parallel_loop3A_980 : vector<16x1xi32> to vector<16xi32>
        %parallel_loop3A_982 = tpu.dynamic_gather %parallel_loop3A_342[%parallel_loop3A_981] in [0] : vector<16xf32>, vector<16xi32> -> vector<16xf32>
        %parallel_loop3A_983 = arith.mulf %parallel_loop3A_982, %parallel_loop3A_924 : vector<16xf32>
        %parallel_loop3A_984 = arith.addf %parallel_loop3A_912, %parallel_loop3A_983 : vector<16xf32>
        %parallel_loop3A_985 = arith.mulf %parallel_loop3A_982, %parallel_loop3A_930 : vector<16xf32>
        %parallel_loop3A_986 = arith.addf %parallel_loop3A_914, %parallel_loop3A_985 : vector<16xf32>
        %parallel_loop3A_987 = arith.mulf %parallel_loop3A_982, %parallel_loop3A_936 : vector<16xf32>
        %parallel_loop3A_988 = arith.addf %parallel_loop3A_916, %parallel_loop3A_987 : vector<16xf32>
        %parallel_loop3A_989 = arith.mulf %parallel_loop3A_982, %parallel_loop3A_942 : vector<16xf32>
        %parallel_loop3A_990 = arith.addf %parallel_loop3A_918, %parallel_loop3A_989 : vector<16xf32>
        %parallel_loop3A_991 = arith.constant 9 : i32
        %parallel_loop3A_992 = arith.addi %parallel_loop3A_322, %parallel_loop3A_991 : i32
        %parallel_loop3A_993 = arith.index_cast %parallel_loop3A_992 : i32 to index
        %parallel_loop3A_994 = arith.constant 0 : index
        %parallel_loop3A_995 = tpu.vector_load %arg5[%parallel_loop3A_993, %parallel_loop3A_994] {strides = array<i32>} : memref<512x64xf32, #tpu.memory_space<vmem>>, vector<1x16xf32>,
        %parallel_loop3A_996 = vector.shape_cast %parallel_loop3A_995 : vector<1x16xf32> to vector<16xf32>
        %parallel_loop3A_997 = arith.constant 9 : i32
        %parallel_loop3A_998 = arith.addi %parallel_loop3A_322, %parallel_loop3A_997 : i32
        %parallel_loop3A_999 = arith.index_cast %parallel_loop3A_998 : i32 to index
        %parallel_loop3A_1000 = arith.constant 16 : index
        %parallel_loop3A_1001 = tpu.vector_load %arg5[%parallel_loop3A_999, %parallel_loop3A_1000] {strides = array<i32>} : memref<512x64xf32, #tpu.memory_space<vmem>>, vector<1x16xf32>,
        %parallel_loop3A_1002 = vector.shape_cast %parallel_loop3A_1001 : vector<1x16xf32> to vector<16xf32>
        %parallel_loop3A_1003 = arith.constant 9 : i32
        %parallel_loop3A_1004 = arith.addi %parallel_loop3A_322, %parallel_loop3A_1003 : i32
        %parallel_loop3A_1005 = arith.index_cast %parallel_loop3A_1004 : i32 to index
        %parallel_loop3A_1006 = arith.constant 32 : index
        %parallel_loop3A_1007 = tpu.vector_load %arg5[%parallel_loop3A_1005, %parallel_loop3A_1006] {strides = array<i32>} : memref<512x64xf32, #tpu.memory_space<vmem>>, vector<1x16xf32>,
        %parallel_loop3A_1008 = vector.shape_cast %parallel_loop3A_1007 : vector<1x16xf32> to vector<16xf32>
        %parallel_loop3A_1009 = arith.constant 9 : i32
        %parallel_loop3A_1010 = arith.addi %parallel_loop3A_322, %parallel_loop3A_1009 : i32
        %parallel_loop3A_1011 = arith.index_cast %parallel_loop3A_1010 : i32 to index
        %parallel_loop3A_1012 = arith.constant 48 : index
        %parallel_loop3A_1013 = tpu.vector_load %arg5[%parallel_loop3A_1011, %parallel_loop3A_1012] {strides = array<i32>} : memref<512x64xf32, #tpu.memory_space<vmem>>, vector<1x16xf32>,
        %parallel_loop3A_1014 = vector.shape_cast %parallel_loop3A_1013 : vector<1x16xf32> to vector<16xf32>
        %parallel_loop3A_1015 = arith.constant 9 : i32
        %parallel_loop3A_1016 = vector.broadcast %parallel_loop3A_1015 : i32 to vector<16x1xi32>
        %parallel_loop3A_1017 = vector.shape_cast %parallel_loop3A_1016 : vector<16x1xi32> to vector<16xi32>
        %parallel_loop3A_1018 = tpu.dynamic_gather %parallel_loop3A_327[%parallel_loop3A_1017] in [0] : vector<16xf32>, vector<16xi32> -> vector<16xf32>
        %parallel_loop3A_1019 = arith.mulf %parallel_loop3A_1018, %parallel_loop3A_996 : vector<16xf32>
        %parallel_loop3A_1020 = arith.addf %parallel_loop3A_948, %parallel_loop3A_1019 : vector<16xf32>
        %parallel_loop3A_1021 = arith.mulf %parallel_loop3A_1018, %parallel_loop3A_1002 : vector<16xf32>
        %parallel_loop3A_1022 = arith.addf %parallel_loop3A_950, %parallel_loop3A_1021 : vector<16xf32>
        %parallel_loop3A_1023 = arith.mulf %parallel_loop3A_1018, %parallel_loop3A_1008 : vector<16xf32>
        %parallel_loop3A_1024 = arith.addf %parallel_loop3A_952, %parallel_loop3A_1023 : vector<16xf32>
        %parallel_loop3A_1025 = arith.mulf %parallel_loop3A_1018, %parallel_loop3A_1014 : vector<16xf32>
        %parallel_loop3A_1026 = arith.addf %parallel_loop3A_954, %parallel_loop3A_1025 : vector<16xf32>
        %parallel_loop3A_1027 = arith.constant 9 : i32
        %parallel_loop3A_1028 = vector.broadcast %parallel_loop3A_1027 : i32 to vector<16x1xi32>
        %parallel_loop3A_1029 = vector.shape_cast %parallel_loop3A_1028 : vector<16x1xi32> to vector<16xi32>
        %parallel_loop3A_1030 = tpu.dynamic_gather %parallel_loop3A_332[%parallel_loop3A_1029] in [0] : vector<16xf32>, vector<16xi32> -> vector<16xf32>
        %parallel_loop3A_1031 = arith.mulf %parallel_loop3A_1030, %parallel_loop3A_996 : vector<16xf32>
        %parallel_loop3A_1032 = arith.addf %parallel_loop3A_960, %parallel_loop3A_1031 : vector<16xf32>
        %parallel_loop3A_1033 = arith.mulf %parallel_loop3A_1030, %parallel_loop3A_1002 : vector<16xf32>
        %parallel_loop3A_1034 = arith.addf %parallel_loop3A_962, %parallel_loop3A_1033 : vector<16xf32>
        %parallel_loop3A_1035 = arith.mulf %parallel_loop3A_1030, %parallel_loop3A_1008 : vector<16xf32>
        %parallel_loop3A_1036 = arith.addf %parallel_loop3A_964, %parallel_loop3A_1035 : vector<16xf32>
        %parallel_loop3A_1037 = arith.mulf %parallel_loop3A_1030, %parallel_loop3A_1014 : vector<16xf32>
        %parallel_loop3A_1038 = arith.addf %parallel_loop3A_966, %parallel_loop3A_1037 : vector<16xf32>
        %parallel_loop3A_1039 = arith.constant 9 : i32
        %parallel_loop3A_1040 = vector.broadcast %parallel_loop3A_1039 : i32 to vector<16x1xi32>
        %parallel_loop3A_1041 = vector.shape_cast %parallel_loop3A_1040 : vector<16x1xi32> to vector<16xi32>
        %parallel_loop3A_1042 = tpu.dynamic_gather %parallel_loop3A_337[%parallel_loop3A_1041] in [0] : vector<16xf32>, vector<16xi32> -> vector<16xf32>
        %parallel_loop3A_1043 = arith.mulf %parallel_loop3A_1042, %parallel_loop3A_996 : vector<16xf32>
        %parallel_loop3A_1044 = arith.addf %parallel_loop3A_972, %parallel_loop3A_1043 : vector<16xf32>
        %parallel_loop3A_1045 = arith.mulf %parallel_loop3A_1042, %parallel_loop3A_1002 : vector<16xf32>
        %parallel_loop3A_1046 = arith.addf %parallel_loop3A_974, %parallel_loop3A_1045 : vector<16xf32>
        %parallel_loop3A_1047 = arith.mulf %parallel_loop3A_1042, %parallel_loop3A_1008 : vector<16xf32>
        %parallel_loop3A_1048 = arith.addf %parallel_loop3A_976, %parallel_loop3A_1047 : vector<16xf32>
        %parallel_loop3A_1049 = arith.mulf %parallel_loop3A_1042, %parallel_loop3A_1014 : vector<16xf32>
        %parallel_loop3A_1050 = arith.addf %parallel_loop3A_978, %parallel_loop3A_1049 : vector<16xf32>
        %parallel_loop3A_1051 = arith.constant 9 : i32
        %parallel_loop3A_1052 = vector.broadcast %parallel_loop3A_1051 : i32 to vector<16x1xi32>
        %parallel_loop3A_1053 = vector.shape_cast %parallel_loop3A_1052 : vector<16x1xi32> to vector<16xi32>
        %parallel_loop3A_1054 = tpu.dynamic_gather %parallel_loop3A_342[%parallel_loop3A_1053] in [0] : vector<16xf32>, vector<16xi32> -> vector<16xf32>
        %parallel_loop3A_1055 = arith.mulf %parallel_loop3A_1054, %parallel_loop3A_996 : vector<16xf32>
        %parallel_loop3A_1056 = arith.addf %parallel_loop3A_984, %parallel_loop3A_1055 : vector<16xf32>
        %parallel_loop3A_1057 = arith.mulf %parallel_loop3A_1054, %parallel_loop3A_1002 : vector<16xf32>
        %parallel_loop3A_1058 = arith.addf %parallel_loop3A_986, %parallel_loop3A_1057 : vector<16xf32>
        %parallel_loop3A_1059 = arith.mulf %parallel_loop3A_1054, %parallel_loop3A_1008 : vector<16xf32>
        %parallel_loop3A_1060 = arith.addf %parallel_loop3A_988, %parallel_loop3A_1059 : vector<16xf32>
        %parallel_loop3A_1061 = arith.mulf %parallel_loop3A_1054, %parallel_loop3A_1014 : vector<16xf32>
        %parallel_loop3A_1062 = arith.addf %parallel_loop3A_990, %parallel_loop3A_1061 : vector<16xf32>
        %parallel_loop3A_1063 = arith.constant 10 : i32
        %parallel_loop3A_1064 = arith.addi %parallel_loop3A_322, %parallel_loop3A_1063 : i32
        %parallel_loop3A_1065 = arith.index_cast %parallel_loop3A_1064 : i32 to index
        %parallel_loop3A_1066 = arith.constant 0 : index
        %parallel_loop3A_1067 = tpu.vector_load %arg5[%parallel_loop3A_1065, %parallel_loop3A_1066] {strides = array<i32>} : memref<512x64xf32, #tpu.memory_space<vmem>>, vector<1x16xf32>,
        %parallel_loop3A_1068 = vector.shape_cast %parallel_loop3A_1067 : vector<1x16xf32> to vector<16xf32>
        %parallel_loop3A_1069 = arith.constant 10 : i32
        %parallel_loop3A_1070 = arith.addi %parallel_loop3A_322, %parallel_loop3A_1069 : i32
        %parallel_loop3A_1071 = arith.index_cast %parallel_loop3A_1070 : i32 to index
        %parallel_loop3A_1072 = arith.constant 16 : index
        %parallel_loop3A_1073 = tpu.vector_load %arg5[%parallel_loop3A_1071, %parallel_loop3A_1072] {strides = array<i32>} : memref<512x64xf32, #tpu.memory_space<vmem>>, vector<1x16xf32>,
        %parallel_loop3A_1074 = vector.shape_cast %parallel_loop3A_1073 : vector<1x16xf32> to vector<16xf32>
        %parallel_loop3A_1075 = arith.constant 10 : i32
        %parallel_loop3A_1076 = arith.addi %parallel_loop3A_322, %parallel_loop3A_1075 : i32
        %parallel_loop3A_1077 = arith.index_cast %parallel_loop3A_1076 : i32 to index
        %parallel_loop3A_1078 = arith.constant 32 : index
        %parallel_loop3A_1079 = tpu.vector_load %arg5[%parallel_loop3A_1077, %parallel_loop3A_1078] {strides = array<i32>} : memref<512x64xf32, #tpu.memory_space<vmem>>, vector<1x16xf32>,
        %parallel_loop3A_1080 = vector.shape_cast %parallel_loop3A_1079 : vector<1x16xf32> to vector<16xf32>
        %parallel_loop3A_1081 = arith.constant 10 : i32
        %parallel_loop3A_1082 = arith.addi %parallel_loop3A_322, %parallel_loop3A_1081 : i32
        %parallel_loop3A_1083 = arith.index_cast %parallel_loop3A_1082 : i32 to index
        %parallel_loop3A_1084 = arith.constant 48 : index
        %parallel_loop3A_1085 = tpu.vector_load %arg5[%parallel_loop3A_1083, %parallel_loop3A_1084] {strides = array<i32>} : memref<512x64xf32, #tpu.memory_space<vmem>>, vector<1x16xf32>,
        %parallel_loop3A_1086 = vector.shape_cast %parallel_loop3A_1085 : vector<1x16xf32> to vector<16xf32>
        %parallel_loop3A_1087 = arith.constant 10 : i32
        %parallel_loop3A_1088 = vector.broadcast %parallel_loop3A_1087 : i32 to vector<16x1xi32>
        %parallel_loop3A_1089 = vector.shape_cast %parallel_loop3A_1088 : vector<16x1xi32> to vector<16xi32>
        %parallel_loop3A_1090 = tpu.dynamic_gather %parallel_loop3A_327[%parallel_loop3A_1089] in [0] : vector<16xf32>, vector<16xi32> -> vector<16xf32>
        %parallel_loop3A_1091 = arith.mulf %parallel_loop3A_1090, %parallel_loop3A_1068 : vector<16xf32>
        %parallel_loop3A_1092 = arith.addf %parallel_loop3A_1020, %parallel_loop3A_1091 : vector<16xf32>
        %parallel_loop3A_1093 = arith.mulf %parallel_loop3A_1090, %parallel_loop3A_1074 : vector<16xf32>
        %parallel_loop3A_1094 = arith.addf %parallel_loop3A_1022, %parallel_loop3A_1093 : vector<16xf32>
        %parallel_loop3A_1095 = arith.mulf %parallel_loop3A_1090, %parallel_loop3A_1080 : vector<16xf32>
        %parallel_loop3A_1096 = arith.addf %parallel_loop3A_1024, %parallel_loop3A_1095 : vector<16xf32>
        %parallel_loop3A_1097 = arith.mulf %parallel_loop3A_1090, %parallel_loop3A_1086 : vector<16xf32>
        %parallel_loop3A_1098 = arith.addf %parallel_loop3A_1026, %parallel_loop3A_1097 : vector<16xf32>
        %parallel_loop3A_1099 = arith.constant 10 : i32
        %parallel_loop3A_1100 = vector.broadcast %parallel_loop3A_1099 : i32 to vector<16x1xi32>
        %parallel_loop3A_1101 = vector.shape_cast %parallel_loop3A_1100 : vector<16x1xi32> to vector<16xi32>
        %parallel_loop3A_1102 = tpu.dynamic_gather %parallel_loop3A_332[%parallel_loop3A_1101] in [0] : vector<16xf32>, vector<16xi32> -> vector<16xf32>
        %parallel_loop3A_1103 = arith.mulf %parallel_loop3A_1102, %parallel_loop3A_1068 : vector<16xf32>
        %parallel_loop3A_1104 = arith.addf %parallel_loop3A_1032, %parallel_loop3A_1103 : vector<16xf32>
        %parallel_loop3A_1105 = arith.mulf %parallel_loop3A_1102, %parallel_loop3A_1074 : vector<16xf32>
        %parallel_loop3A_1106 = arith.addf %parallel_loop3A_1034, %parallel_loop3A_1105 : vector<16xf32>
        %parallel_loop3A_1107 = arith.mulf %parallel_loop3A_1102, %parallel_loop3A_1080 : vector<16xf32>
        %parallel_loop3A_1108 = arith.addf %parallel_loop3A_1036, %parallel_loop3A_1107 : vector<16xf32>
        %parallel_loop3A_1109 = arith.mulf %parallel_loop3A_1102, %parallel_loop3A_1086 : vector<16xf32>
        %parallel_loop3A_1110 = arith.addf %parallel_loop3A_1038, %parallel_loop3A_1109 : vector<16xf32>
        %parallel_loop3A_1111 = arith.constant 10 : i32
        %parallel_loop3A_1112 = vector.broadcast %parallel_loop3A_1111 : i32 to vector<16x1xi32>
        %parallel_loop3A_1113 = vector.shape_cast %parallel_loop3A_1112 : vector<16x1xi32> to vector<16xi32>
        %parallel_loop3A_1114 = tpu.dynamic_gather %parallel_loop3A_337[%parallel_loop3A_1113] in [0] : vector<16xf32>, vector<16xi32> -> vector<16xf32>
        %parallel_loop3A_1115 = arith.mulf %parallel_loop3A_1114, %parallel_loop3A_1068 : vector<16xf32>
        %parallel_loop3A_1116 = arith.addf %parallel_loop3A_1044, %parallel_loop3A_1115 : vector<16xf32>
        %parallel_loop3A_1117 = arith.mulf %parallel_loop3A_1114, %parallel_loop3A_1074 : vector<16xf32>
        %parallel_loop3A_1118 = arith.addf %parallel_loop3A_1046, %parallel_loop3A_1117 : vector<16xf32>
        %parallel_loop3A_1119 = arith.mulf %parallel_loop3A_1114, %parallel_loop3A_1080 : vector<16xf32>
        %parallel_loop3A_1120 = arith.addf %parallel_loop3A_1048, %parallel_loop3A_1119 : vector<16xf32>
        %parallel_loop3A_1121 = arith.mulf %parallel_loop3A_1114, %parallel_loop3A_1086 : vector<16xf32>
        %parallel_loop3A_1122 = arith.addf %parallel_loop3A_1050, %parallel_loop3A_1121 : vector<16xf32>
        %parallel_loop3A_1123 = arith.constant 10 : i32
        %parallel_loop3A_1124 = vector.broadcast %parallel_loop3A_1123 : i32 to vector<16x1xi32>
        %parallel_loop3A_1125 = vector.shape_cast %parallel_loop3A_1124 : vector<16x1xi32> to vector<16xi32>
        %parallel_loop3A_1126 = tpu.dynamic_gather %parallel_loop3A_342[%parallel_loop3A_1125] in [0] : vector<16xf32>, vector<16xi32> -> vector<16xf32>
        %parallel_loop3A_1127 = arith.mulf %parallel_loop3A_1126, %parallel_loop3A_1068 : vector<16xf32>
        %parallel_loop3A_1128 = arith.addf %parallel_loop3A_1056, %parallel_loop3A_1127 : vector<16xf32>
        %parallel_loop3A_1129 = arith.mulf %parallel_loop3A_1126, %parallel_loop3A_1074 : vector<16xf32>
        %parallel_loop3A_1130 = arith.addf %parallel_loop3A_1058, %parallel_loop3A_1129 : vector<16xf32>
        %parallel_loop3A_1131 = arith.mulf %parallel_loop3A_1126, %parallel_loop3A_1080 : vector<16xf32>
        %parallel_loop3A_1132 = arith.addf %parallel_loop3A_1060, %parallel_loop3A_1131 : vector<16xf32>
        %parallel_loop3A_1133 = arith.mulf %parallel_loop3A_1126, %parallel_loop3A_1086 : vector<16xf32>
        %parallel_loop3A_1134 = arith.addf %parallel_loop3A_1062, %parallel_loop3A_1133 : vector<16xf32>
        %parallel_loop3A_1135 = arith.constant 11 : i32
        %parallel_loop3A_1136 = arith.addi %parallel_loop3A_322, %parallel_loop3A_1135 : i32
        %parallel_loop3A_1137 = arith.index_cast %parallel_loop3A_1136 : i32 to index
        %parallel_loop3A_1138 = arith.constant 0 : index
        %parallel_loop3A_1139 = tpu.vector_load %arg5[%parallel_loop3A_1137, %parallel_loop3A_1138] {strides = array<i32>} : memref<512x64xf32, #tpu.memory_space<vmem>>, vector<1x16xf32>,
        %parallel_loop3A_1140 = vector.shape_cast %parallel_loop3A_1139 : vector<1x16xf32> to vector<16xf32>
        %parallel_loop3A_1141 = arith.constant 11 : i32
        %parallel_loop3A_1142 = arith.addi %parallel_loop3A_322, %parallel_loop3A_1141 : i32
        %parallel_loop3A_1143 = arith.index_cast %parallel_loop3A_1142 : i32 to index
        %parallel_loop3A_1144 = arith.constant 16 : index
        %parallel_loop3A_1145 = tpu.vector_load %arg5[%parallel_loop3A_1143, %parallel_loop3A_1144] {strides = array<i32>} : memref<512x64xf32, #tpu.memory_space<vmem>>, vector<1x16xf32>,
        %parallel_loop3A_1146 = vector.shape_cast %parallel_loop3A_1145 : vector<1x16xf32> to vector<16xf32>
        %parallel_loop3A_1147 = arith.constant 11 : i32
        %parallel_loop3A_1148 = arith.addi %parallel_loop3A_322, %parallel_loop3A_1147 : i32
        %parallel_loop3A_1149 = arith.index_cast %parallel_loop3A_1148 : i32 to index
        %parallel_loop3A_1150 = arith.constant 32 : index
        %parallel_loop3A_1151 = tpu.vector_load %arg5[%parallel_loop3A_1149, %parallel_loop3A_1150] {strides = array<i32>} : memref<512x64xf32, #tpu.memory_space<vmem>>, vector<1x16xf32>,
        %parallel_loop3A_1152 = vector.shape_cast %parallel_loop3A_1151 : vector<1x16xf32> to vector<16xf32>
        %parallel_loop3A_1153 = arith.constant 11 : i32
        %parallel_loop3A_1154 = arith.addi %parallel_loop3A_322, %parallel_loop3A_1153 : i32
        %parallel_loop3A_1155 = arith.index_cast %parallel_loop3A_1154 : i32 to index
        %parallel_loop3A_1156 = arith.constant 48 : index
        %parallel_loop3A_1157 = tpu.vector_load %arg5[%parallel_loop3A_1155, %parallel_loop3A_1156] {strides = array<i32>} : memref<512x64xf32, #tpu.memory_space<vmem>>, vector<1x16xf32>,
        %parallel_loop3A_1158 = vector.shape_cast %parallel_loop3A_1157 : vector<1x16xf32> to vector<16xf32>
        %parallel_loop3A_1159 = arith.constant 11 : i32
        %parallel_loop3A_1160 = vector.broadcast %parallel_loop3A_1159 : i32 to vector<16x1xi32>
        %parallel_loop3A_1161 = vector.shape_cast %parallel_loop3A_1160 : vector<16x1xi32> to vector<16xi32>
        %parallel_loop3A_1162 = tpu.dynamic_gather %parallel_loop3A_327[%parallel_loop3A_1161] in [0] : vector<16xf32>, vector<16xi32> -> vector<16xf32>
        %parallel_loop3A_1163 = arith.mulf %parallel_loop3A_1162, %parallel_loop3A_1140 : vector<16xf32>
        %parallel_loop3A_1164 = arith.addf %parallel_loop3A_1092, %parallel_loop3A_1163 : vector<16xf32>
        %parallel_loop3A_1165 = arith.mulf %parallel_loop3A_1162, %parallel_loop3A_1146 : vector<16xf32>
        %parallel_loop3A_1166 = arith.addf %parallel_loop3A_1094, %parallel_loop3A_1165 : vector<16xf32>
        %parallel_loop3A_1167 = arith.mulf %parallel_loop3A_1162, %parallel_loop3A_1152 : vector<16xf32>
        %parallel_loop3A_1168 = arith.addf %parallel_loop3A_1096, %parallel_loop3A_1167 : vector<16xf32>
        %parallel_loop3A_1169 = arith.mulf %parallel_loop3A_1162, %parallel_loop3A_1158 : vector<16xf32>
        %parallel_loop3A_1170 = arith.addf %parallel_loop3A_1098, %parallel_loop3A_1169 : vector<16xf32>
        %parallel_loop3A_1171 = arith.constant 11 : i32
        %parallel_loop3A_1172 = vector.broadcast %parallel_loop3A_1171 : i32 to vector<16x1xi32>
        %parallel_loop3A_1173 = vector.shape_cast %parallel_loop3A_1172 : vector<16x1xi32> to vector<16xi32>
        %parallel_loop3A_1174 = tpu.dynamic_gather %parallel_loop3A_332[%parallel_loop3A_1173] in [0] : vector<16xf32>, vector<16xi32> -> vector<16xf32>
        %parallel_loop3A_1175 = arith.mulf %parallel_loop3A_1174, %parallel_loop3A_1140 : vector<16xf32>
        %parallel_loop3A_1176 = arith.addf %parallel_loop3A_1104, %parallel_loop3A_1175 : vector<16xf32>
        %parallel_loop3A_1177 = arith.mulf %parallel_loop3A_1174, %parallel_loop3A_1146 : vector<16xf32>
        %parallel_loop3A_1178 = arith.addf %parallel_loop3A_1106, %parallel_loop3A_1177 : vector<16xf32>
        %parallel_loop3A_1179 = arith.mulf %parallel_loop3A_1174, %parallel_loop3A_1152 : vector<16xf32>
        %parallel_loop3A_1180 = arith.addf %parallel_loop3A_1108, %parallel_loop3A_1179 : vector<16xf32>
        %parallel_loop3A_1181 = arith.mulf %parallel_loop3A_1174, %parallel_loop3A_1158 : vector<16xf32>
        %parallel_loop3A_1182 = arith.addf %parallel_loop3A_1110, %parallel_loop3A_1181 : vector<16xf32>
        %parallel_loop3A_1183 = arith.constant 11 : i32
        %parallel_loop3A_1184 = vector.broadcast %parallel_loop3A_1183 : i32 to vector<16x1xi32>
        %parallel_loop3A_1185 = vector.shape_cast %parallel_loop3A_1184 : vector<16x1xi32> to vector<16xi32>
        %parallel_loop3A_1186 = tpu.dynamic_gather %parallel_loop3A_337[%parallel_loop3A_1185] in [0] : vector<16xf32>, vector<16xi32> -> vector<16xf32>
        %parallel_loop3A_1187 = arith.mulf %parallel_loop3A_1186, %parallel_loop3A_1140 : vector<16xf32>
        %parallel_loop3A_1188 = arith.addf %parallel_loop3A_1116, %parallel_loop3A_1187 : vector<16xf32>
        %parallel_loop3A_1189 = arith.mulf %parallel_loop3A_1186, %parallel_loop3A_1146 : vector<16xf32>
        %parallel_loop3A_1190 = arith.addf %parallel_loop3A_1118, %parallel_loop3A_1189 : vector<16xf32>
        %parallel_loop3A_1191 = arith.mulf %parallel_loop3A_1186, %parallel_loop3A_1152 : vector<16xf32>
        %parallel_loop3A_1192 = arith.addf %parallel_loop3A_1120, %parallel_loop3A_1191 : vector<16xf32>
        %parallel_loop3A_1193 = arith.mulf %parallel_loop3A_1186, %parallel_loop3A_1158 : vector<16xf32>
        %parallel_loop3A_1194 = arith.addf %parallel_loop3A_1122, %parallel_loop3A_1193 : vector<16xf32>
        %parallel_loop3A_1195 = arith.constant 11 : i32
        %parallel_loop3A_1196 = vector.broadcast %parallel_loop3A_1195 : i32 to vector<16x1xi32>
        %parallel_loop3A_1197 = vector.shape_cast %parallel_loop3A_1196 : vector<16x1xi32> to vector<16xi32>
        %parallel_loop3A_1198 = tpu.dynamic_gather %parallel_loop3A_342[%parallel_loop3A_1197] in [0] : vector<16xf32>, vector<16xi32> -> vector<16xf32>
        %parallel_loop3A_1199 = arith.mulf %parallel_loop3A_1198, %parallel_loop3A_1140 : vector<16xf32>
        %parallel_loop3A_1200 = arith.addf %parallel_loop3A_1128, %parallel_loop3A_1199 : vector<16xf32>
        %parallel_loop3A_1201 = arith.mulf %parallel_loop3A_1198, %parallel_loop3A_1146 : vector<16xf32>
        %parallel_loop3A_1202 = arith.addf %parallel_loop3A_1130, %parallel_loop3A_1201 : vector<16xf32>
        %parallel_loop3A_1203 = arith.mulf %parallel_loop3A_1198, %parallel_loop3A_1152 : vector<16xf32>
        %parallel_loop3A_1204 = arith.addf %parallel_loop3A_1132, %parallel_loop3A_1203 : vector<16xf32>
        %parallel_loop3A_1205 = arith.mulf %parallel_loop3A_1198, %parallel_loop3A_1158 : vector<16xf32>
        %parallel_loop3A_1206 = arith.addf %parallel_loop3A_1134, %parallel_loop3A_1205 : vector<16xf32>
        %parallel_loop3A_1207 = arith.constant 12 : i32
        %parallel_loop3A_1208 = arith.addi %parallel_loop3A_322, %parallel_loop3A_1207 : i32
        %parallel_loop3A_1209 = arith.index_cast %parallel_loop3A_1208 : i32 to index
        %parallel_loop3A_1210 = arith.constant 0 : index
        %parallel_loop3A_1211 = tpu.vector_load %arg5[%parallel_loop3A_1209, %parallel_loop3A_1210] {strides = array<i32>} : memref<512x64xf32, #tpu.memory_space<vmem>>, vector<1x16xf32>,
        %parallel_loop3A_1212 = vector.shape_cast %parallel_loop3A_1211 : vector<1x16xf32> to vector<16xf32>
        %parallel_loop3A_1213 = arith.constant 12 : i32
        %parallel_loop3A_1214 = arith.addi %parallel_loop3A_322, %parallel_loop3A_1213 : i32
        %parallel_loop3A_1215 = arith.index_cast %parallel_loop3A_1214 : i32 to index
        %parallel_loop3A_1216 = arith.constant 16 : index
        %parallel_loop3A_1217 = tpu.vector_load %arg5[%parallel_loop3A_1215, %parallel_loop3A_1216] {strides = array<i32>} : memref<512x64xf32, #tpu.memory_space<vmem>>, vector<1x16xf32>,
        %parallel_loop3A_1218 = vector.shape_cast %parallel_loop3A_1217 : vector<1x16xf32> to vector<16xf32>
        %parallel_loop3A_1219 = arith.constant 12 : i32
        %parallel_loop3A_1220 = arith.addi %parallel_loop3A_322, %parallel_loop3A_1219 : i32
        %parallel_loop3A_1221 = arith.index_cast %parallel_loop3A_1220 : i32 to index
        %parallel_loop3A_1222 = arith.constant 32 : index
        %parallel_loop3A_1223 = tpu.vector_load %arg5[%parallel_loop3A_1221, %parallel_loop3A_1222] {strides = array<i32>} : memref<512x64xf32, #tpu.memory_space<vmem>>, vector<1x16xf32>,
        %parallel_loop3A_1224 = vector.shape_cast %parallel_loop3A_1223 : vector<1x16xf32> to vector<16xf32>
        %parallel_loop3A_1225 = arith.constant 12 : i32
        %parallel_loop3A_1226 = arith.addi %parallel_loop3A_322, %parallel_loop3A_1225 : i32
        %parallel_loop3A_1227 = arith.index_cast %parallel_loop3A_1226 : i32 to index
        %parallel_loop3A_1228 = arith.constant 48 : index
        %parallel_loop3A_1229 = tpu.vector_load %arg5[%parallel_loop3A_1227, %parallel_loop3A_1228] {strides = array<i32>} : memref<512x64xf32, #tpu.memory_space<vmem>>, vector<1x16xf32>,
        %parallel_loop3A_1230 = vector.shape_cast %parallel_loop3A_1229 : vector<1x16xf32> to vector<16xf32>
        %parallel_loop3A_1231 = arith.constant 12 : i32
        %parallel_loop3A_1232 = vector.broadcast %parallel_loop3A_1231 : i32 to vector<16x1xi32>
        %parallel_loop3A_1233 = vector.shape_cast %parallel_loop3A_1232 : vector<16x1xi32> to vector<16xi32>
        %parallel_loop3A_1234 = tpu.dynamic_gather %parallel_loop3A_327[%parallel_loop3A_1233] in [0] : vector<16xf32>, vector<16xi32> -> vector<16xf32>
        %parallel_loop3A_1235 = arith.mulf %parallel_loop3A_1234, %parallel_loop3A_1212 : vector<16xf32>
        %parallel_loop3A_1236 = arith.addf %parallel_loop3A_1164, %parallel_loop3A_1235 : vector<16xf32>
        %parallel_loop3A_1237 = arith.mulf %parallel_loop3A_1234, %parallel_loop3A_1218 : vector<16xf32>
        %parallel_loop3A_1238 = arith.addf %parallel_loop3A_1166, %parallel_loop3A_1237 : vector<16xf32>
        %parallel_loop3A_1239 = arith.mulf %parallel_loop3A_1234, %parallel_loop3A_1224 : vector<16xf32>
        %parallel_loop3A_1240 = arith.addf %parallel_loop3A_1168, %parallel_loop3A_1239 : vector<16xf32>
        %parallel_loop3A_1241 = arith.mulf %parallel_loop3A_1234, %parallel_loop3A_1230 : vector<16xf32>
        %parallel_loop3A_1242 = arith.addf %parallel_loop3A_1170, %parallel_loop3A_1241 : vector<16xf32>
        %parallel_loop3A_1243 = arith.constant 12 : i32
        %parallel_loop3A_1244 = vector.broadcast %parallel_loop3A_1243 : i32 to vector<16x1xi32>
        %parallel_loop3A_1245 = vector.shape_cast %parallel_loop3A_1244 : vector<16x1xi32> to vector<16xi32>
        %parallel_loop3A_1246 = tpu.dynamic_gather %parallel_loop3A_332[%parallel_loop3A_1245] in [0] : vector<16xf32>, vector<16xi32> -> vector<16xf32>
        %parallel_loop3A_1247 = arith.mulf %parallel_loop3A_1246, %parallel_loop3A_1212 : vector<16xf32>
        %parallel_loop3A_1248 = arith.addf %parallel_loop3A_1176, %parallel_loop3A_1247 : vector<16xf32>
        %parallel_loop3A_1249 = arith.mulf %parallel_loop3A_1246, %parallel_loop3A_1218 : vector<16xf32>
        %parallel_loop3A_1250 = arith.addf %parallel_loop3A_1178, %parallel_loop3A_1249 : vector<16xf32>
        %parallel_loop3A_1251 = arith.mulf %parallel_loop3A_1246, %parallel_loop3A_1224 : vector<16xf32>
        %parallel_loop3A_1252 = arith.addf %parallel_loop3A_1180, %parallel_loop3A_1251 : vector<16xf32>
        %parallel_loop3A_1253 = arith.mulf %parallel_loop3A_1246, %parallel_loop3A_1230 : vector<16xf32>
        %parallel_loop3A_1254 = arith.addf %parallel_loop3A_1182, %parallel_loop3A_1253 : vector<16xf32>
        %parallel_loop3A_1255 = arith.constant 12 : i32
        %parallel_loop3A_1256 = vector.broadcast %parallel_loop3A_1255 : i32 to vector<16x1xi32>
        %parallel_loop3A_1257 = vector.shape_cast %parallel_loop3A_1256 : vector<16x1xi32> to vector<16xi32>
        %parallel_loop3A_1258 = tpu.dynamic_gather %parallel_loop3A_337[%parallel_loop3A_1257] in [0] : vector<16xf32>, vector<16xi32> -> vector<16xf32>
        %parallel_loop3A_1259 = arith.mulf %parallel_loop3A_1258, %parallel_loop3A_1212 : vector<16xf32>
        %parallel_loop3A_1260 = arith.addf %parallel_loop3A_1188, %parallel_loop3A_1259 : vector<16xf32>
        %parallel_loop3A_1261 = arith.mulf %parallel_loop3A_1258, %parallel_loop3A_1218 : vector<16xf32>
        %parallel_loop3A_1262 = arith.addf %parallel_loop3A_1190, %parallel_loop3A_1261 : vector<16xf32>
        %parallel_loop3A_1263 = arith.mulf %parallel_loop3A_1258, %parallel_loop3A_1224 : vector<16xf32>
        %parallel_loop3A_1264 = arith.addf %parallel_loop3A_1192, %parallel_loop3A_1263 : vector<16xf32>
        %parallel_loop3A_1265 = arith.mulf %parallel_loop3A_1258, %parallel_loop3A_1230 : vector<16xf32>
        %parallel_loop3A_1266 = arith.addf %parallel_loop3A_1194, %parallel_loop3A_1265 : vector<16xf32>
        %parallel_loop3A_1267 = arith.constant 12 : i32
        %parallel_loop3A_1268 = vector.broadcast %parallel_loop3A_1267 : i32 to vector<16x1xi32>
        %parallel_loop3A_1269 = vector.shape_cast %parallel_loop3A_1268 : vector<16x1xi32> to vector<16xi32>
        %parallel_loop3A_1270 = tpu.dynamic_gather %parallel_loop3A_342[%parallel_loop3A_1269] in [0] : vector<16xf32>, vector<16xi32> -> vector<16xf32>
        %parallel_loop3A_1271 = arith.mulf %parallel_loop3A_1270, %parallel_loop3A_1212 : vector<16xf32>
        %parallel_loop3A_1272 = arith.addf %parallel_loop3A_1200, %parallel_loop3A_1271 : vector<16xf32>
        %parallel_loop3A_1273 = arith.mulf %parallel_loop3A_1270, %parallel_loop3A_1218 : vector<16xf32>
        %parallel_loop3A_1274 = arith.addf %parallel_loop3A_1202, %parallel_loop3A_1273 : vector<16xf32>
        %parallel_loop3A_1275 = arith.mulf %parallel_loop3A_1270, %parallel_loop3A_1224 : vector<16xf32>
        %parallel_loop3A_1276 = arith.addf %parallel_loop3A_1204, %parallel_loop3A_1275 : vector<16xf32>
        %parallel_loop3A_1277 = arith.mulf %parallel_loop3A_1270, %parallel_loop3A_1230 : vector<16xf32>
        %parallel_loop3A_1278 = arith.addf %parallel_loop3A_1206, %parallel_loop3A_1277 : vector<16xf32>
        %parallel_loop3A_1279 = arith.constant 13 : i32
        %parallel_loop3A_1280 = arith.addi %parallel_loop3A_322, %parallel_loop3A_1279 : i32
        %parallel_loop3A_1281 = arith.index_cast %parallel_loop3A_1280 : i32 to index
        %parallel_loop3A_1282 = arith.constant 0 : index
        %parallel_loop3A_1283 = tpu.vector_load %arg5[%parallel_loop3A_1281, %parallel_loop3A_1282] {strides = array<i32>} : memref<512x64xf32, #tpu.memory_space<vmem>>, vector<1x16xf32>,
        %parallel_loop3A_1284 = vector.shape_cast %parallel_loop3A_1283 : vector<1x16xf32> to vector<16xf32>
        %parallel_loop3A_1285 = arith.constant 13 : i32
        %parallel_loop3A_1286 = arith.addi %parallel_loop3A_322, %parallel_loop3A_1285 : i32
        %parallel_loop3A_1287 = arith.index_cast %parallel_loop3A_1286 : i32 to index
        %parallel_loop3A_1288 = arith.constant 16 : index
        %parallel_loop3A_1289 = tpu.vector_load %arg5[%parallel_loop3A_1287, %parallel_loop3A_1288] {strides = array<i32>} : memref<512x64xf32, #tpu.memory_space<vmem>>, vector<1x16xf32>,
        %parallel_loop3A_1290 = vector.shape_cast %parallel_loop3A_1289 : vector<1x16xf32> to vector<16xf32>
        %parallel_loop3A_1291 = arith.constant 13 : i32
        %parallel_loop3A_1292 = arith.addi %parallel_loop3A_322, %parallel_loop3A_1291 : i32
        %parallel_loop3A_1293 = arith.index_cast %parallel_loop3A_1292 : i32 to index
        %parallel_loop3A_1294 = arith.constant 32 : index
        %parallel_loop3A_1295 = tpu.vector_load %arg5[%parallel_loop3A_1293, %parallel_loop3A_1294] {strides = array<i32>} : memref<512x64xf32, #tpu.memory_space<vmem>>, vector<1x16xf32>,
        %parallel_loop3A_1296 = vector.shape_cast %parallel_loop3A_1295 : vector<1x16xf32> to vector<16xf32>
        %parallel_loop3A_1297 = arith.constant 13 : i32
        %parallel_loop3A_1298 = arith.addi %parallel_loop3A_322, %parallel_loop3A_1297 : i32
        %parallel_loop3A_1299 = arith.index_cast %parallel_loop3A_1298 : i32 to index
        %parallel_loop3A_1300 = arith.constant 48 : index
        %parallel_loop3A_1301 = tpu.vector_load %arg5[%parallel_loop3A_1299, %parallel_loop3A_1300] {strides = array<i32>} : memref<512x64xf32, #tpu.memory_space<vmem>>, vector<1x16xf32>,
        %parallel_loop3A_1302 = vector.shape_cast %parallel_loop3A_1301 : vector<1x16xf32> to vector<16xf32>
        %parallel_loop3A_1303 = arith.constant 13 : i32
        %parallel_loop3A_1304 = vector.broadcast %parallel_loop3A_1303 : i32 to vector<16x1xi32>
        %parallel_loop3A_1305 = vector.shape_cast %parallel_loop3A_1304 : vector<16x1xi32> to vector<16xi32>
        %parallel_loop3A_1306 = tpu.dynamic_gather %parallel_loop3A_327[%parallel_loop3A_1305] in [0] : vector<16xf32>, vector<16xi32> -> vector<16xf32>
        %parallel_loop3A_1307 = arith.mulf %parallel_loop3A_1306, %parallel_loop3A_1284 : vector<16xf32>
        %parallel_loop3A_1308 = arith.addf %parallel_loop3A_1236, %parallel_loop3A_1307 : vector<16xf32>
        %parallel_loop3A_1309 = arith.mulf %parallel_loop3A_1306, %parallel_loop3A_1290 : vector<16xf32>
        %parallel_loop3A_1310 = arith.addf %parallel_loop3A_1238, %parallel_loop3A_1309 : vector<16xf32>
        %parallel_loop3A_1311 = arith.mulf %parallel_loop3A_1306, %parallel_loop3A_1296 : vector<16xf32>
        %parallel_loop3A_1312 = arith.addf %parallel_loop3A_1240, %parallel_loop3A_1311 : vector<16xf32>
        %parallel_loop3A_1313 = arith.mulf %parallel_loop3A_1306, %parallel_loop3A_1302 : vector<16xf32>
        %parallel_loop3A_1314 = arith.addf %parallel_loop3A_1242, %parallel_loop3A_1313 : vector<16xf32>
        %parallel_loop3A_1315 = arith.constant 13 : i32
        %parallel_loop3A_1316 = vector.broadcast %parallel_loop3A_1315 : i32 to vector<16x1xi32>
        %parallel_loop3A_1317 = vector.shape_cast %parallel_loop3A_1316 : vector<16x1xi32> to vector<16xi32>
        %parallel_loop3A_1318 = tpu.dynamic_gather %parallel_loop3A_332[%parallel_loop3A_1317] in [0] : vector<16xf32>, vector<16xi32> -> vector<16xf32>
        %parallel_loop3A_1319 = arith.mulf %parallel_loop3A_1318, %parallel_loop3A_1284 : vector<16xf32>
        %parallel_loop3A_1320 = arith.addf %parallel_loop3A_1248, %parallel_loop3A_1319 : vector<16xf32>
        %parallel_loop3A_1321 = arith.mulf %parallel_loop3A_1318, %parallel_loop3A_1290 : vector<16xf32>
        %parallel_loop3A_1322 = arith.addf %parallel_loop3A_1250, %parallel_loop3A_1321 : vector<16xf32>
        %parallel_loop3A_1323 = arith.mulf %parallel_loop3A_1318, %parallel_loop3A_1296 : vector<16xf32>
        %parallel_loop3A_1324 = arith.addf %parallel_loop3A_1252, %parallel_loop3A_1323 : vector<16xf32>
        %parallel_loop3A_1325 = arith.mulf %parallel_loop3A_1318, %parallel_loop3A_1302 : vector<16xf32>
        %parallel_loop3A_1326 = arith.addf %parallel_loop3A_1254, %parallel_loop3A_1325 : vector<16xf32>
        %parallel_loop3A_1327 = arith.constant 13 : i32
        %parallel_loop3A_1328 = vector.broadcast %parallel_loop3A_1327 : i32 to vector<16x1xi32>
        %parallel_loop3A_1329 = vector.shape_cast %parallel_loop3A_1328 : vector<16x1xi32> to vector<16xi32>
        %parallel_loop3A_1330 = tpu.dynamic_gather %parallel_loop3A_337[%parallel_loop3A_1329] in [0] : vector<16xf32>, vector<16xi32> -> vector<16xf32>
        %parallel_loop3A_1331 = arith.mulf %parallel_loop3A_1330, %parallel_loop3A_1284 : vector<16xf32>
        %parallel_loop3A_1332 = arith.addf %parallel_loop3A_1260, %parallel_loop3A_1331 : vector<16xf32>
        %parallel_loop3A_1333 = arith.mulf %parallel_loop3A_1330, %parallel_loop3A_1290 : vector<16xf32>
        %parallel_loop3A_1334 = arith.addf %parallel_loop3A_1262, %parallel_loop3A_1333 : vector<16xf32>
        %parallel_loop3A_1335 = arith.mulf %parallel_loop3A_1330, %parallel_loop3A_1296 : vector<16xf32>
        %parallel_loop3A_1336 = arith.addf %parallel_loop3A_1264, %parallel_loop3A_1335 : vector<16xf32>
        %parallel_loop3A_1337 = arith.mulf %parallel_loop3A_1330, %parallel_loop3A_1302 : vector<16xf32>
        %parallel_loop3A_1338 = arith.addf %parallel_loop3A_1266, %parallel_loop3A_1337 : vector<16xf32>
        %parallel_loop3A_1339 = arith.constant 13 : i32
        %parallel_loop3A_1340 = vector.broadcast %parallel_loop3A_1339 : i32 to vector<16x1xi32>
        %parallel_loop3A_1341 = vector.shape_cast %parallel_loop3A_1340 : vector<16x1xi32> to vector<16xi32>
        %parallel_loop3A_1342 = tpu.dynamic_gather %parallel_loop3A_342[%parallel_loop3A_1341] in [0] : vector<16xf32>, vector<16xi32> -> vector<16xf32>
        %parallel_loop3A_1343 = arith.mulf %parallel_loop3A_1342, %parallel_loop3A_1284 : vector<16xf32>
        %parallel_loop3A_1344 = arith.addf %parallel_loop3A_1272, %parallel_loop3A_1343 : vector<16xf32>
        %parallel_loop3A_1345 = arith.mulf %parallel_loop3A_1342, %parallel_loop3A_1290 : vector<16xf32>
        %parallel_loop3A_1346 = arith.addf %parallel_loop3A_1274, %parallel_loop3A_1345 : vector<16xf32>
        %parallel_loop3A_1347 = arith.mulf %parallel_loop3A_1342, %parallel_loop3A_1296 : vector<16xf32>
        %parallel_loop3A_1348 = arith.addf %parallel_loop3A_1276, %parallel_loop3A_1347 : vector<16xf32>
        %parallel_loop3A_1349 = arith.mulf %parallel_loop3A_1342, %parallel_loop3A_1302 : vector<16xf32>
        %parallel_loop3A_1350 = arith.addf %parallel_loop3A_1278, %parallel_loop3A_1349 : vector<16xf32>
        %parallel_loop3A_1351 = arith.constant 14 : i32
        %parallel_loop3A_1352 = arith.addi %parallel_loop3A_322, %parallel_loop3A_1351 : i32
        %parallel_loop3A_1353 = arith.index_cast %parallel_loop3A_1352 : i32 to index
        %parallel_loop3A_1354 = arith.constant 0 : index
        %parallel_loop3A_1355 = tpu.vector_load %arg5[%parallel_loop3A_1353, %parallel_loop3A_1354] {strides = array<i32>} : memref<512x64xf32, #tpu.memory_space<vmem>>, vector<1x16xf32>,
        %parallel_loop3A_1356 = vector.shape_cast %parallel_loop3A_1355 : vector<1x16xf32> to vector<16xf32>
        %parallel_loop3A_1357 = arith.constant 14 : i32
        %parallel_loop3A_1358 = arith.addi %parallel_loop3A_322, %parallel_loop3A_1357 : i32
        %parallel_loop3A_1359 = arith.index_cast %parallel_loop3A_1358 : i32 to index
        %parallel_loop3A_1360 = arith.constant 16 : index
        %parallel_loop3A_1361 = tpu.vector_load %arg5[%parallel_loop3A_1359, %parallel_loop3A_1360] {strides = array<i32>} : memref<512x64xf32, #tpu.memory_space<vmem>>, vector<1x16xf32>,
        %parallel_loop3A_1362 = vector.shape_cast %parallel_loop3A_1361 : vector<1x16xf32> to vector<16xf32>
        %parallel_loop3A_1363 = arith.constant 14 : i32
        %parallel_loop3A_1364 = arith.addi %parallel_loop3A_322, %parallel_loop3A_1363 : i32
        %parallel_loop3A_1365 = arith.index_cast %parallel_loop3A_1364 : i32 to index
        %parallel_loop3A_1366 = arith.constant 32 : index
        %parallel_loop3A_1367 = tpu.vector_load %arg5[%parallel_loop3A_1365, %parallel_loop3A_1366] {strides = array<i32>} : memref<512x64xf32, #tpu.memory_space<vmem>>, vector<1x16xf32>,
        %parallel_loop3A_1368 = vector.shape_cast %parallel_loop3A_1367 : vector<1x16xf32> to vector<16xf32>
        %parallel_loop3A_1369 = arith.constant 14 : i32
        %parallel_loop3A_1370 = arith.addi %parallel_loop3A_322, %parallel_loop3A_1369 : i32
        %parallel_loop3A_1371 = arith.index_cast %parallel_loop3A_1370 : i32 to index
        %parallel_loop3A_1372 = arith.constant 48 : index
        %parallel_loop3A_1373 = tpu.vector_load %arg5[%parallel_loop3A_1371, %parallel_loop3A_1372] {strides = array<i32>} : memref<512x64xf32, #tpu.memory_space<vmem>>, vector<1x16xf32>,
        %parallel_loop3A_1374 = vector.shape_cast %parallel_loop3A_1373 : vector<1x16xf32> to vector<16xf32>
        %parallel_loop3A_1375 = arith.constant 14 : i32
        %parallel_loop3A_1376 = vector.broadcast %parallel_loop3A_1375 : i32 to vector<16x1xi32>
        %parallel_loop3A_1377 = vector.shape_cast %parallel_loop3A_1376 : vector<16x1xi32> to vector<16xi32>
        %parallel_loop3A_1378 = tpu.dynamic_gather %parallel_loop3A_327[%parallel_loop3A_1377] in [0] : vector<16xf32>, vector<16xi32> -> vector<16xf32>
        %parallel_loop3A_1379 = arith.mulf %parallel_loop3A_1378, %parallel_loop3A_1356 : vector<16xf32>
        %parallel_loop3A_1380 = arith.addf %parallel_loop3A_1308, %parallel_loop3A_1379 : vector<16xf32>
        %parallel_loop3A_1381 = arith.mulf %parallel_loop3A_1378, %parallel_loop3A_1362 : vector<16xf32>
        %parallel_loop3A_1382 = arith.addf %parallel_loop3A_1310, %parallel_loop3A_1381 : vector<16xf32>
        %parallel_loop3A_1383 = arith.mulf %parallel_loop3A_1378, %parallel_loop3A_1368 : vector<16xf32>
        %parallel_loop3A_1384 = arith.addf %parallel_loop3A_1312, %parallel_loop3A_1383 : vector<16xf32>
        %parallel_loop3A_1385 = arith.mulf %parallel_loop3A_1378, %parallel_loop3A_1374 : vector<16xf32>
        %parallel_loop3A_1386 = arith.addf %parallel_loop3A_1314, %parallel_loop3A_1385 : vector<16xf32>
        %parallel_loop3A_1387 = arith.constant 14 : i32
        %parallel_loop3A_1388 = vector.broadcast %parallel_loop3A_1387 : i32 to vector<16x1xi32>
        %parallel_loop3A_1389 = vector.shape_cast %parallel_loop3A_1388 : vector<16x1xi32> to vector<16xi32>
        %parallel_loop3A_1390 = tpu.dynamic_gather %parallel_loop3A_332[%parallel_loop3A_1389] in [0] : vector<16xf32>, vector<16xi32> -> vector<16xf32>
        %parallel_loop3A_1391 = arith.mulf %parallel_loop3A_1390, %parallel_loop3A_1356 : vector<16xf32>
        %parallel_loop3A_1392 = arith.addf %parallel_loop3A_1320, %parallel_loop3A_1391 : vector<16xf32>
        %parallel_loop3A_1393 = arith.mulf %parallel_loop3A_1390, %parallel_loop3A_1362 : vector<16xf32>
        %parallel_loop3A_1394 = arith.addf %parallel_loop3A_1322, %parallel_loop3A_1393 : vector<16xf32>
        %parallel_loop3A_1395 = arith.mulf %parallel_loop3A_1390, %parallel_loop3A_1368 : vector<16xf32>
        %parallel_loop3A_1396 = arith.addf %parallel_loop3A_1324, %parallel_loop3A_1395 : vector<16xf32>
        %parallel_loop3A_1397 = arith.mulf %parallel_loop3A_1390, %parallel_loop3A_1374 : vector<16xf32>
        %parallel_loop3A_1398 = arith.addf %parallel_loop3A_1326, %parallel_loop3A_1397 : vector<16xf32>
        %parallel_loop3A_1399 = arith.constant 14 : i32
        %parallel_loop3A_1400 = vector.broadcast %parallel_loop3A_1399 : i32 to vector<16x1xi32>
        %parallel_loop3A_1401 = vector.shape_cast %parallel_loop3A_1400 : vector<16x1xi32> to vector<16xi32>
        %parallel_loop3A_1402 = tpu.dynamic_gather %parallel_loop3A_337[%parallel_loop3A_1401] in [0] : vector<16xf32>, vector<16xi32> -> vector<16xf32>
        %parallel_loop3A_1403 = arith.mulf %parallel_loop3A_1402, %parallel_loop3A_1356 : vector<16xf32>
        %parallel_loop3A_1404 = arith.addf %parallel_loop3A_1332, %parallel_loop3A_1403 : vector<16xf32>
        %parallel_loop3A_1405 = arith.mulf %parallel_loop3A_1402, %parallel_loop3A_1362 : vector<16xf32>
        %parallel_loop3A_1406 = arith.addf %parallel_loop3A_1334, %parallel_loop3A_1405 : vector<16xf32>
        %parallel_loop3A_1407 = arith.mulf %parallel_loop3A_1402, %parallel_loop3A_1368 : vector<16xf32>
        %parallel_loop3A_1408 = arith.addf %parallel_loop3A_1336, %parallel_loop3A_1407 : vector<16xf32>
        %parallel_loop3A_1409 = arith.mulf %parallel_loop3A_1402, %parallel_loop3A_1374 : vector<16xf32>
        %parallel_loop3A_1410 = arith.addf %parallel_loop3A_1338, %parallel_loop3A_1409 : vector<16xf32>
        %parallel_loop3A_1411 = arith.constant 14 : i32
        %parallel_loop3A_1412 = vector.broadcast %parallel_loop3A_1411 : i32 to vector<16x1xi32>
        %parallel_loop3A_1413 = vector.shape_cast %parallel_loop3A_1412 : vector<16x1xi32> to vector<16xi32>
        %parallel_loop3A_1414 = tpu.dynamic_gather %parallel_loop3A_342[%parallel_loop3A_1413] in [0] : vector<16xf32>, vector<16xi32> -> vector<16xf32>
        %parallel_loop3A_1415 = arith.mulf %parallel_loop3A_1414, %parallel_loop3A_1356 : vector<16xf32>
        %parallel_loop3A_1416 = arith.addf %parallel_loop3A_1344, %parallel_loop3A_1415 : vector<16xf32>
        %parallel_loop3A_1417 = arith.mulf %parallel_loop3A_1414, %parallel_loop3A_1362 : vector<16xf32>
        %parallel_loop3A_1418 = arith.addf %parallel_loop3A_1346, %parallel_loop3A_1417 : vector<16xf32>
        %parallel_loop3A_1419 = arith.mulf %parallel_loop3A_1414, %parallel_loop3A_1368 : vector<16xf32>
        %parallel_loop3A_1420 = arith.addf %parallel_loop3A_1348, %parallel_loop3A_1419 : vector<16xf32>
        %parallel_loop3A_1421 = arith.mulf %parallel_loop3A_1414, %parallel_loop3A_1374 : vector<16xf32>
        %parallel_loop3A_1422 = arith.addf %parallel_loop3A_1350, %parallel_loop3A_1421 : vector<16xf32>
        %parallel_loop3A_1423 = arith.constant 15 : i32
        %parallel_loop3A_1424 = arith.addi %parallel_loop3A_322, %parallel_loop3A_1423 : i32
        %parallel_loop3A_1425 = arith.index_cast %parallel_loop3A_1424 : i32 to index
        %parallel_loop3A_1426 = arith.constant 0 : index
        %parallel_loop3A_1427 = tpu.vector_load %arg5[%parallel_loop3A_1425, %parallel_loop3A_1426] {strides = array<i32>} : memref<512x64xf32, #tpu.memory_space<vmem>>, vector<1x16xf32>,
        %parallel_loop3A_1428 = vector.shape_cast %parallel_loop3A_1427 : vector<1x16xf32> to vector<16xf32>
        %parallel_loop3A_1429 = arith.constant 15 : i32
        %parallel_loop3A_1430 = arith.addi %parallel_loop3A_322, %parallel_loop3A_1429 : i32
        %parallel_loop3A_1431 = arith.index_cast %parallel_loop3A_1430 : i32 to index
        %parallel_loop3A_1432 = arith.constant 16 : index
        %parallel_loop3A_1433 = tpu.vector_load %arg5[%parallel_loop3A_1431, %parallel_loop3A_1432] {strides = array<i32>} : memref<512x64xf32, #tpu.memory_space<vmem>>, vector<1x16xf32>,
        %parallel_loop3A_1434 = vector.shape_cast %parallel_loop3A_1433 : vector<1x16xf32> to vector<16xf32>
        %parallel_loop3A_1435 = arith.constant 15 : i32
        %parallel_loop3A_1436 = arith.addi %parallel_loop3A_322, %parallel_loop3A_1435 : i32
        %parallel_loop3A_1437 = arith.index_cast %parallel_loop3A_1436 : i32 to index
        %parallel_loop3A_1438 = arith.constant 32 : index
        %parallel_loop3A_1439 = tpu.vector_load %arg5[%parallel_loop3A_1437, %parallel_loop3A_1438] {strides = array<i32>} : memref<512x64xf32, #tpu.memory_space<vmem>>, vector<1x16xf32>,
        %parallel_loop3A_1440 = vector.shape_cast %parallel_loop3A_1439 : vector<1x16xf32> to vector<16xf32>
        %parallel_loop3A_1441 = arith.constant 15 : i32
        %parallel_loop3A_1442 = arith.addi %parallel_loop3A_322, %parallel_loop3A_1441 : i32
        %parallel_loop3A_1443 = arith.index_cast %parallel_loop3A_1442 : i32 to index
        %parallel_loop3A_1444 = arith.constant 48 : index
        %parallel_loop3A_1445 = tpu.vector_load %arg5[%parallel_loop3A_1443, %parallel_loop3A_1444] {strides = array<i32>} : memref<512x64xf32, #tpu.memory_space<vmem>>, vector<1x16xf32>,
        %parallel_loop3A_1446 = vector.shape_cast %parallel_loop3A_1445 : vector<1x16xf32> to vector<16xf32>
        %parallel_loop3A_1447 = arith.constant 15 : i32
        %parallel_loop3A_1448 = vector.broadcast %parallel_loop3A_1447 : i32 to vector<16x1xi32>
        %parallel_loop3A_1449 = vector.shape_cast %parallel_loop3A_1448 : vector<16x1xi32> to vector<16xi32>
        %parallel_loop3A_1450 = tpu.dynamic_gather %parallel_loop3A_327[%parallel_loop3A_1449] in [0] : vector<16xf32>, vector<16xi32> -> vector<16xf32>
        %parallel_loop3A_1451 = arith.mulf %parallel_loop3A_1450, %parallel_loop3A_1428 : vector<16xf32>
        %parallel_loop3A_1452 = arith.addf %parallel_loop3A_1380, %parallel_loop3A_1451 : vector<16xf32>
        %parallel_loop3A_1453 = arith.mulf %parallel_loop3A_1450, %parallel_loop3A_1434 : vector<16xf32>
        %parallel_loop3A_1454 = arith.addf %parallel_loop3A_1382, %parallel_loop3A_1453 : vector<16xf32>
        %parallel_loop3A_1455 = arith.mulf %parallel_loop3A_1450, %parallel_loop3A_1440 : vector<16xf32>
        %parallel_loop3A_1456 = arith.addf %parallel_loop3A_1384, %parallel_loop3A_1455 : vector<16xf32>
        %parallel_loop3A_1457 = arith.mulf %parallel_loop3A_1450, %parallel_loop3A_1446 : vector<16xf32>
        %parallel_loop3A_1458 = arith.addf %parallel_loop3A_1386, %parallel_loop3A_1457 : vector<16xf32>
        %parallel_loop3A_1459 = arith.constant 15 : i32
        %parallel_loop3A_1460 = vector.broadcast %parallel_loop3A_1459 : i32 to vector<16x1xi32>
        %parallel_loop3A_1461 = vector.shape_cast %parallel_loop3A_1460 : vector<16x1xi32> to vector<16xi32>
        %parallel_loop3A_1462 = tpu.dynamic_gather %parallel_loop3A_332[%parallel_loop3A_1461] in [0] : vector<16xf32>, vector<16xi32> -> vector<16xf32>
        %parallel_loop3A_1463 = arith.mulf %parallel_loop3A_1462, %parallel_loop3A_1428 : vector<16xf32>
        %parallel_loop3A_1464 = arith.addf %parallel_loop3A_1392, %parallel_loop3A_1463 : vector<16xf32>
        %parallel_loop3A_1465 = arith.mulf %parallel_loop3A_1462, %parallel_loop3A_1434 : vector<16xf32>
        %parallel_loop3A_1466 = arith.addf %parallel_loop3A_1394, %parallel_loop3A_1465 : vector<16xf32>
        %parallel_loop3A_1467 = arith.mulf %parallel_loop3A_1462, %parallel_loop3A_1440 : vector<16xf32>
        %parallel_loop3A_1468 = arith.addf %parallel_loop3A_1396, %parallel_loop3A_1467 : vector<16xf32>
        %parallel_loop3A_1469 = arith.mulf %parallel_loop3A_1462, %parallel_loop3A_1446 : vector<16xf32>
        %parallel_loop3A_1470 = arith.addf %parallel_loop3A_1398, %parallel_loop3A_1469 : vector<16xf32>
        %parallel_loop3A_1471 = arith.constant 15 : i32
        %parallel_loop3A_1472 = vector.broadcast %parallel_loop3A_1471 : i32 to vector<16x1xi32>
        %parallel_loop3A_1473 = vector.shape_cast %parallel_loop3A_1472 : vector<16x1xi32> to vector<16xi32>
        %parallel_loop3A_1474 = tpu.dynamic_gather %parallel_loop3A_337[%parallel_loop3A_1473] in [0] : vector<16xf32>, vector<16xi32> -> vector<16xf32>
        %parallel_loop3A_1475 = arith.mulf %parallel_loop3A_1474, %parallel_loop3A_1428 : vector<16xf32>
        %parallel_loop3A_1476 = arith.addf %parallel_loop3A_1404, %parallel_loop3A_1475 : vector<16xf32>
        %parallel_loop3A_1477 = arith.mulf %parallel_loop3A_1474, %parallel_loop3A_1434 : vector<16xf32>
        %parallel_loop3A_1478 = arith.addf %parallel_loop3A_1406, %parallel_loop3A_1477 : vector<16xf32>
        %parallel_loop3A_1479 = arith.mulf %parallel_loop3A_1474, %parallel_loop3A_1440 : vector<16xf32>
        %parallel_loop3A_1480 = arith.addf %parallel_loop3A_1408, %parallel_loop3A_1479 : vector<16xf32>
        %parallel_loop3A_1481 = arith.mulf %parallel_loop3A_1474, %parallel_loop3A_1446 : vector<16xf32>
        %parallel_loop3A_1482 = arith.addf %parallel_loop3A_1410, %parallel_loop3A_1481 : vector<16xf32>
        %parallel_loop3A_1483 = arith.constant 15 : i32
        %parallel_loop3A_1484 = vector.broadcast %parallel_loop3A_1483 : i32 to vector<16x1xi32>
        %parallel_loop3A_1485 = vector.shape_cast %parallel_loop3A_1484 : vector<16x1xi32> to vector<16xi32>
        %parallel_loop3A_1486 = tpu.dynamic_gather %parallel_loop3A_342[%parallel_loop3A_1485] in [0] : vector<16xf32>, vector<16xi32> -> vector<16xf32>
        %parallel_loop3A_1487 = arith.mulf %parallel_loop3A_1486, %parallel_loop3A_1428 : vector<16xf32>
        %parallel_loop3A_1488 = arith.addf %parallel_loop3A_1416, %parallel_loop3A_1487 : vector<16xf32>
        %parallel_loop3A_1489 = arith.mulf %parallel_loop3A_1486, %parallel_loop3A_1434 : vector<16xf32>
        %parallel_loop3A_1490 = arith.addf %parallel_loop3A_1418, %parallel_loop3A_1489 : vector<16xf32>
        %parallel_loop3A_1491 = arith.mulf %parallel_loop3A_1486, %parallel_loop3A_1440 : vector<16xf32>
        %parallel_loop3A_1492 = arith.addf %parallel_loop3A_1420, %parallel_loop3A_1491 : vector<16xf32>
        %parallel_loop3A_1493 = arith.mulf %parallel_loop3A_1486, %parallel_loop3A_1446 : vector<16xf32>
        %parallel_loop3A_1494 = arith.addf %parallel_loop3A_1422, %parallel_loop3A_1493 : vector<16xf32>
        scf.yield %parallel_loop3A_1452, %parallel_loop3A_1454, %parallel_loop3A_1456, %parallel_loop3A_1458, %parallel_loop3A_1464, %parallel_loop3A_1466, %parallel_loop3A_1468, %parallel_loop3A_1470, %parallel_loop3A_1476, %parallel_loop3A_1478, %parallel_loop3A_1480, %parallel_loop3A_1482, %parallel_loop3A_1488, %parallel_loop3A_1490, %parallel_loop3A_1492, %parallel_loop3A_1494 : vector<16xf32>, vector<16xf32>, vector<16xf32>, vector<16xf32>, vector<16xf32>, vector<16xf32>, vector<16xf32>, vector<16xf32>, vector<16xf32>, vector<16xf32>, vector<16xf32>, vector<16xf32>, vector<16xf32>, vector<16xf32>, vector<16xf32>, vector<16xf32>
      } {sc.loop_unroll_factor = 2 : i64, sc.parallel_access}
      %mul3A_81 = arith.constant 4 : i32
      %mul3A_82 = arith.muli %scan3A_42, %mul3A_81 : i32
      %add3A_83 = arith.constant 0 : i32
      %add3A_84 = arith.addi %mul3A_82, %add3A_83 : i32
      %get3A = arith.index_cast %add3A_84 : i32 to index
      %get3A_85 = arith.constant 0 : index
      %get3A_86 = tpu.vector_load %arg7[%get3A, %get3A_85] {strides = array<i32>} : memref<64x64xf32, #tpu.memory_space<vmem>>, vector<1x16xf32>,
      %get3A_87 = vector.shape_cast %get3A_86 : vector<1x16xf32> to vector<16xf32>
      %add3A_88 = arith.addf %get3A_87, %parallel_loop3A_80#0 : vector<16xf32>
      %swap3A = arith.index_cast %add3A_84 : i32 to index
      %swap3A_89 = arith.constant 0 : index
      %swap3A_90 = tpu.vector_load %arg7[%swap3A, %swap3A_89] {strides = array<i32>} : memref<64x64xf32, #tpu.memory_space<vmem>>, vector<1x16xf32>,
      %swap3A_91 = vector.shape_cast %swap3A_90 : vector<1x16xf32> to vector<16xf32>
      %swap3A_92 = vector.shape_cast %add3A_88 : vector<16xf32> to vector<1x16xf32>
      tpu.vector_store %arg7[%swap3A, %swap3A_89], %swap3A_92 {strides = array<i32>} : memref<64x64xf32, #tpu.memory_space<vmem>>, vector<1x16xf32>,
      %mul3A_93 = arith.constant 4 : i32
      %mul3A_94 = arith.muli %scan3A_42, %mul3A_93 : i32
      %add3A_95 = arith.constant 0 : i32
      %add3A_96 = arith.addi %mul3A_94, %add3A_95 : i32
      %get3A_97 = arith.index_cast %add3A_96 : i32 to index
      %get3A_98 = arith.constant 16 : index
      %get3A_99 = tpu.vector_load %arg7[%get3A_97, %get3A_98] {strides = array<i32>} : memref<64x64xf32, #tpu.memory_space<vmem>>, vector<1x16xf32>,
      %get3A_100 = vector.shape_cast %get3A_99 : vector<1x16xf32> to vector<16xf32>
      %add3A_101 = arith.addf %get3A_100, %parallel_loop3A_80#1 : vector<16xf32>
      %swap3A_102 = arith.index_cast %add3A_96 : i32 to index
      %swap3A_103 = arith.constant 16 : index
      %swap3A_104 = tpu.vector_load %arg7[%swap3A_102, %swap3A_103] {strides = array<i32>} : memref<64x64xf32, #tpu.memory_space<vmem>>, vector<1x16xf32>,
      %swap3A_105 = vector.shape_cast %swap3A_104 : vector<1x16xf32> to vector<16xf32>
      %swap3A_106 = vector.shape_cast %add3A_101 : vector<16xf32> to vector<1x16xf32>
      tpu.vector_store %arg7[%swap3A_102, %swap3A_103], %swap3A_106 {strides = array<i32>} : memref<64x64xf32, #tpu.memory_space<vmem>>, vector<1x16xf32>,
      %mul3A_107 = arith.constant 4 : i32
      %mul3A_108 = arith.muli %scan3A_42, %mul3A_107 : i32
      %add3A_109 = arith.constant 0 : i32
      %add3A_110 = arith.addi %mul3A_108, %add3A_109 : i32
      %get3A_111 = arith.index_cast %add3A_110 : i32 to index
      %get3A_112 = arith.constant 32 : index
      %get3A_113 = tpu.vector_load %arg7[%get3A_111, %get3A_112] {strides = array<i32>} : memref<64x64xf32, #tpu.memory_space<vmem>>, vector<1x16xf32>,
      %get3A_114 = vector.shape_cast %get3A_113 : vector<1x16xf32> to vector<16xf32>
      %add3A_115 = arith.addf %get3A_114, %parallel_loop3A_80#2 : vector<16xf32>
      %swap3A_116 = arith.index_cast %add3A_110 : i32 to index
      %swap3A_117 = arith.constant 32 : index
      %swap3A_118 = tpu.vector_load %arg7[%swap3A_116, %swap3A_117] {strides = array<i32>} : memref<64x64xf32, #tpu.memory_space<vmem>>, vector<1x16xf32>,
      %swap3A_119 = vector.shape_cast %swap3A_118 : vector<1x16xf32> to vector<16xf32>
      %swap3A_120 = vector.shape_cast %add3A_115 : vector<16xf32> to vector<1x16xf32>
      tpu.vector_store %arg7[%swap3A_116, %swap3A_117], %swap3A_120 {strides = array<i32>} : memref<64x64xf32, #tpu.memory_space<vmem>>, vector<1x16xf32>,
      %mul3A_121 = arith.constant 4 : i32
      %mul3A_122 = arith.muli %scan3A_42, %mul3A_121 : i32
      %add3A_123 = arith.constant 0 : i32
      %add3A_124 = arith.addi %mul3A_122, %add3A_123 : i32
      %get3A_125 = arith.index_cast %add3A_124 : i32 to index
      %get3A_126 = arith.constant 48 : index
      %get3A_127 = tpu.vector_load %arg7[%get3A_125, %get3A_126] {strides = array<i32>} : memref<64x64xf32, #tpu.memory_space<vmem>>, vector<1x16xf32>,
      %get3A_128 = vector.shape_cast %get3A_127 : vector<1x16xf32> to vector<16xf32>
      %add3A_129 = arith.addf %get3A_128, %parallel_loop3A_80#3 : vector<16xf32>
      %swap3A_130 = arith.index_cast %add3A_124 : i32 to index
      %swap3A_131 = arith.constant 48 : index
      %swap3A_132 = tpu.vector_load %arg7[%swap3A_130, %swap3A_131] {strides = array<i32>} : memref<64x64xf32, #tpu.memory_space<vmem>>, vector<1x16xf32>,
      %swap3A_133 = vector.shape_cast %swap3A_132 : vector<1x16xf32> to vector<16xf32>
      %swap3A_134 = vector.shape_cast %add3A_129 : vector<16xf32> to vector<1x16xf32>
      tpu.vector_store %arg7[%swap3A_130, %swap3A_131], %swap3A_134 {strides = array<i32>} : memref<64x64xf32, #tpu.memory_space<vmem>>, vector<1x16xf32>,
      %mul3A_135 = arith.constant 4 : i32
      %mul3A_136 = arith.muli %scan3A_42, %mul3A_135 : i32
      %add3A_137 = arith.constant 1 : i32
      %add3A_138 = arith.addi %mul3A_136, %add3A_137 : i32
      %get3A_139 = arith.index_cast %add3A_138 : i32 to index
      %get3A_140 = arith.constant 0 : index
      %get3A_141 = tpu.vector_load %arg7[%get3A_139, %get3A_140] {strides = array<i32>} : memref<64x64xf32, #tpu.memory_space<vmem>>, vector<1x16xf32>,
      %get3A_142 = vector.shape_cast %get3A_141 : vector<1x16xf32> to vector<16xf32>
      %add3A_143 = arith.addf %get3A_142, %parallel_loop3A_80#4 : vector<16xf32>
      %swap3A_144 = arith.index_cast %add3A_138 : i32 to index
      %swap3A_145 = arith.constant 0 : index
      %swap3A_146 = tpu.vector_load %arg7[%swap3A_144, %swap3A_145] {strides = array<i32>} : memref<64x64xf32, #tpu.memory_space<vmem>>, vector<1x16xf32>,
      %swap3A_147 = vector.shape_cast %swap3A_146 : vector<1x16xf32> to vector<16xf32>
      %swap3A_148 = vector.shape_cast %add3A_143 : vector<16xf32> to vector<1x16xf32>
      tpu.vector_store %arg7[%swap3A_144, %swap3A_145], %swap3A_148 {strides = array<i32>} : memref<64x64xf32, #tpu.memory_space<vmem>>, vector<1x16xf32>,
      %mul3A_149 = arith.constant 4 : i32
      %mul3A_150 = arith.muli %scan3A_42, %mul3A_149 : i32
      %add3A_151 = arith.constant 1 : i32
      %add3A_152 = arith.addi %mul3A_150, %add3A_151 : i32
      %get3A_153 = arith.index_cast %add3A_152 : i32 to index
      %get3A_154 = arith.constant 16 : index
      %get3A_155 = tpu.vector_load %arg7[%get3A_153, %get3A_154] {strides = array<i32>} : memref<64x64xf32, #tpu.memory_space<vmem>>, vector<1x16xf32>,
      %get3A_156 = vector.shape_cast %get3A_155 : vector<1x16xf32> to vector<16xf32>
      %add3A_157 = arith.addf %get3A_156, %parallel_loop3A_80#5 : vector<16xf32>
      %swap3A_158 = arith.index_cast %add3A_152 : i32 to index
      %swap3A_159 = arith.constant 16 : index
      %swap3A_160 = tpu.vector_load %arg7[%swap3A_158, %swap3A_159] {strides = array<i32>} : memref<64x64xf32, #tpu.memory_space<vmem>>, vector<1x16xf32>,
      %swap3A_161 = vector.shape_cast %swap3A_160 : vector<1x16xf32> to vector<16xf32>
      %swap3A_162 = vector.shape_cast %add3A_157 : vector<16xf32> to vector<1x16xf32>
      tpu.vector_store %arg7[%swap3A_158, %swap3A_159], %swap3A_162 {strides = array<i32>} : memref<64x64xf32, #tpu.memory_space<vmem>>, vector<1x16xf32>,
      %mul3A_163 = arith.constant 4 : i32
      %mul3A_164 = arith.muli %scan3A_42, %mul3A_163 : i32
      %add3A_165 = arith.constant 1 : i32
      %add3A_166 = arith.addi %mul3A_164, %add3A_165 : i32
      %get3A_167 = arith.index_cast %add3A_166 : i32 to index
      %get3A_168 = arith.constant 32 : index
      %get3A_169 = tpu.vector_load %arg7[%get3A_167, %get3A_168] {strides = array<i32>} : memref<64x64xf32, #tpu.memory_space<vmem>>, vector<1x16xf32>,
      %get3A_170 = vector.shape_cast %get3A_169 : vector<1x16xf32> to vector<16xf32>
      %add3A_171 = arith.addf %get3A_170, %parallel_loop3A_80#6 : vector<16xf32>
      %swap3A_172 = arith.index_cast %add3A_166 : i32 to index
      %swap3A_173 = arith.constant 32 : index
      %swap3A_174 = tpu.vector_load %arg7[%swap3A_172, %swap3A_173] {strides = array<i32>} : memref<64x64xf32, #tpu.memory_space<vmem>>, vector<1x16xf32>,
      %swap3A_175 = vector.shape_cast %swap3A_174 : vector<1x16xf32> to vector<16xf32>
      %swap3A_176 = vector.shape_cast %add3A_171 : vector<16xf32> to vector<1x16xf32>
      tpu.vector_store %arg7[%swap3A_172, %swap3A_173], %swap3A_176 {strides = array<i32>} : memref<64x64xf32, #tpu.memory_space<vmem>>, vector<1x16xf32>,
      %mul3A_177 = arith.constant 4 : i32
      %mul3A_178 = arith.muli %scan3A_42, %mul3A_177 : i32
      %add3A_179 = arith.constant 1 : i32
      %add3A_180 = arith.addi %mul3A_178, %add3A_179 : i32
      %get3A_181 = arith.index_cast %add3A_180 : i32 to index
      %get3A_182 = arith.constant 48 : index
      %get3A_183 = tpu.vector_load %arg7[%get3A_181, %get3A_182] {strides = array<i32>} : memref<64x64xf32, #tpu.memory_space<vmem>>, vector<1x16xf32>,
      %get3A_184 = vector.shape_cast %get3A_183 : vector<1x16xf32> to vector<16xf32>
      %add3A_185 = arith.addf %get3A_184, %parallel_loop3A_80#7 : vector<16xf32>
      %swap3A_186 = arith.index_cast %add3A_180 : i32 to index
      %swap3A_187 = arith.constant 48 : index
      %swap3A_188 = tpu.vector_load %arg7[%swap3A_186, %swap3A_187] {strides = array<i32>} : memref<64x64xf32, #tpu.memory_space<vmem>>, vector<1x16xf32>,
      %swap3A_189 = vector.shape_cast %swap3A_188 : vector<1x16xf32> to vector<16xf32>
      %swap3A_190 = vector.shape_cast %add3A_185 : vector<16xf32> to vector<1x16xf32>
      tpu.vector_store %arg7[%swap3A_186, %swap3A_187], %swap3A_190 {strides = array<i32>} : memref<64x64xf32, #tpu.memory_space<vmem>>, vector<1x16xf32>,
      %mul3A_191 = arith.constant 4 : i32
      %mul3A_192 = arith.muli %scan3A_42, %mul3A_191 : i32
      %add3A_193 = arith.constant 2 : i32
      %add3A_194 = arith.addi %mul3A_192, %add3A_193 : i32
      %get3A_195 = arith.index_cast %add3A_194 : i32 to index
      %get3A_196 = arith.constant 0 : index
      %get3A_197 = tpu.vector_load %arg7[%get3A_195, %get3A_196] {strides = array<i32>} : memref<64x64xf32, #tpu.memory_space<vmem>>, vector<1x16xf32>,
      %get3A_198 = vector.shape_cast %get3A_197 : vector<1x16xf32> to vector<16xf32>
      %add3A_199 = arith.addf %get3A_198, %parallel_loop3A_80#8 : vector<16xf32>
      %swap3A_200 = arith.index_cast %add3A_194 : i32 to index
      %swap3A_201 = arith.constant 0 : index
      %swap3A_202 = tpu.vector_load %arg7[%swap3A_200, %swap3A_201] {strides = array<i32>} : memref<64x64xf32, #tpu.memory_space<vmem>>, vector<1x16xf32>,
      %swap3A_203 = vector.shape_cast %swap3A_202 : vector<1x16xf32> to vector<16xf32>
      %swap3A_204 = vector.shape_cast %add3A_199 : vector<16xf32> to vector<1x16xf32>
      tpu.vector_store %arg7[%swap3A_200, %swap3A_201], %swap3A_204 {strides = array<i32>} : memref<64x64xf32, #tpu.memory_space<vmem>>, vector<1x16xf32>,
      %mul3A_205 = arith.constant 4 : i32
      %mul3A_206 = arith.muli %scan3A_42, %mul3A_205 : i32
      %add3A_207 = arith.constant 2 : i32
      %add3A_208 = arith.addi %mul3A_206, %add3A_207 : i32
      %get3A_209 = arith.index_cast %add3A_208 : i32 to index
      %get3A_210 = arith.constant 16 : index
      %get3A_211 = tpu.vector_load %arg7[%get3A_209, %get3A_210] {strides = array<i32>} : memref<64x64xf32, #tpu.memory_space<vmem>>, vector<1x16xf32>,
      %get3A_212 = vector.shape_cast %get3A_211 : vector<1x16xf32> to vector<16xf32>
      %add3A_213 = arith.addf %get3A_212, %parallel_loop3A_80#9 : vector<16xf32>
      %swap3A_214 = arith.index_cast %add3A_208 : i32 to index
      %swap3A_215 = arith.constant 16 : index
      %swap3A_216 = tpu.vector_load %arg7[%swap3A_214, %swap3A_215] {strides = array<i32>} : memref<64x64xf32, #tpu.memory_space<vmem>>, vector<1x16xf32>,
      %swap3A_217 = vector.shape_cast %swap3A_216 : vector<1x16xf32> to vector<16xf32>
      %swap3A_218 = vector.shape_cast %add3A_213 : vector<16xf32> to vector<1x16xf32>
      tpu.vector_store %arg7[%swap3A_214, %swap3A_215], %swap3A_218 {strides = array<i32>} : memref<64x64xf32, #tpu.memory_space<vmem>>, vector<1x16xf32>,
      %mul3A_219 = arith.constant 4 : i32
      %mul3A_220 = arith.muli %scan3A_42, %mul3A_219 : i32
      %add3A_221 = arith.constant 2 : i32
      %add3A_222 = arith.addi %mul3A_220, %add3A_221 : i32
      %get3A_223 = arith.index_cast %add3A_222 : i32 to index
      %get3A_224 = arith.constant 32 : index
      %get3A_225 = tpu.vector_load %arg7[%get3A_223, %get3A_224] {strides = array<i32>} : memref<64x64xf32, #tpu.memory_space<vmem>>, vector<1x16xf32>,
      %get3A_226 = vector.shape_cast %get3A_225 : vector<1x16xf32> to vector<16xf32>
      %add3A_227 = arith.addf %get3A_226, %parallel_loop3A_80#10 : vector<16xf32>
      %swap3A_228 = arith.index_cast %add3A_222 : i32 to index
      %swap3A_229 = arith.constant 32 : index
      %swap3A_230 = tpu.vector_load %arg7[%swap3A_228, %swap3A_229] {strides = array<i32>} : memref<64x64xf32, #tpu.memory_space<vmem>>, vector<1x16xf32>,
      %swap3A_231 = vector.shape_cast %swap3A_230 : vector<1x16xf32> to vector<16xf32>
      %swap3A_232 = vector.shape_cast %add3A_227 : vector<16xf32> to vector<1x16xf32>
      tpu.vector_store %arg7[%swap3A_228, %swap3A_229], %swap3A_232 {strides = array<i32>} : memref<64x64xf32, #tpu.memory_space<vmem>>, vector<1x16xf32>,
      %mul3A_233 = arith.constant 4 : i32
      %mul3A_234 = arith.muli %scan3A_42, %mul3A_233 : i32
      %add3A_235 = arith.constant 2 : i32
      %add3A_236 = arith.addi %mul3A_234, %add3A_235 : i32
      %get3A_237 = arith.index_cast %add3A_236 : i32 to index
      %get3A_238 = arith.constant 48 : index
      %get3A_239 = tpu.vector_load %arg7[%get3A_237, %get3A_238] {strides = array<i32>} : memref<64x64xf32, #tpu.memory_space<vmem>>, vector<1x16xf32>,
      %get3A_240 = vector.shape_cast %get3A_239 : vector<1x16xf32> to vector<16xf32>
      %add3A_241 = arith.addf %get3A_240, %parallel_loop3A_80#11 : vector<16xf32>
      %swap3A_242 = arith.index_cast %add3A_236 : i32 to index
      %swap3A_243 = arith.constant 48 : index
      %swap3A_244 = tpu.vector_load %arg7[%swap3A_242, %swap3A_243] {strides = array<i32>} : memref<64x64xf32, #tpu.memory_space<vmem>>, vector<1x16xf32>,
      %swap3A_245 = vector.shape_cast %swap3A_244 : vector<1x16xf32> to vector<16xf32>
      %swap3A_246 = vector.shape_cast %add3A_241 : vector<16xf32> to vector<1x16xf32>
      tpu.vector_store %arg7[%swap3A_242, %swap3A_243], %swap3A_246 {strides = array<i32>} : memref<64x64xf32, #tpu.memory_space<vmem>>, vector<1x16xf32>,
      %mul3A_247 = arith.constant 4 : i32
      %mul3A_248 = arith.muli %scan3A_42, %mul3A_247 : i32
      %add3A_249 = arith.constant 3 : i32
      %add3A_250 = arith.addi %mul3A_248, %add3A_249 : i32
      %get3A_251 = arith.index_cast %add3A_250 : i32 to index
      %get3A_252 = arith.constant 0 : index
      %get3A_253 = tpu.vector_load %arg7[%get3A_251, %get3A_252] {strides = array<i32>} : memref<64x64xf32, #tpu.memory_space<vmem>>, vector<1x16xf32>,
      %get3A_254 = vector.shape_cast %get3A_253 : vector<1x16xf32> to vector<16xf32>
      %add3A_255 = arith.addf %get3A_254, %parallel_loop3A_80#12 : vector<16xf32>
      %swap3A_256 = arith.index_cast %add3A_250 : i32 to index
      %swap3A_257 = arith.constant 0 : index
      %swap3A_258 = tpu.vector_load %arg7[%swap3A_256, %swap3A_257] {strides = array<i32>} : memref<64x64xf32, #tpu.memory_space<vmem>>, vector<1x16xf32>,
      %swap3A_259 = vector.shape_cast %swap3A_258 : vector<1x16xf32> to vector<16xf32>
      %swap3A_260 = vector.shape_cast %add3A_255 : vector<16xf32> to vector<1x16xf32>
      tpu.vector_store %arg7[%swap3A_256, %swap3A_257], %swap3A_260 {strides = array<i32>} : memref<64x64xf32, #tpu.memory_space<vmem>>, vector<1x16xf32>,
      %mul3A_261 = arith.constant 4 : i32
      %mul3A_262 = arith.muli %scan3A_42, %mul3A_261 : i32
      %add3A_263 = arith.constant 3 : i32
      %add3A_264 = arith.addi %mul3A_262, %add3A_263 : i32
      %get3A_265 = arith.index_cast %add3A_264 : i32 to index
      %get3A_266 = arith.constant 16 : index
      %get3A_267 = tpu.vector_load %arg7[%get3A_265, %get3A_266] {strides = array<i32>} : memref<64x64xf32, #tpu.memory_space<vmem>>, vector<1x16xf32>,
      %get3A_268 = vector.shape_cast %get3A_267 : vector<1x16xf32> to vector<16xf32>
      %add3A_269 = arith.addf %get3A_268, %parallel_loop3A_80#13 : vector<16xf32>
      %swap3A_270 = arith.index_cast %add3A_264 : i32 to index
      %swap3A_271 = arith.constant 16 : index
      %swap3A_272 = tpu.vector_load %arg7[%swap3A_270, %swap3A_271] {strides = array<i32>} : memref<64x64xf32, #tpu.memory_space<vmem>>, vector<1x16xf32>,
      %swap3A_273 = vector.shape_cast %swap3A_272 : vector<1x16xf32> to vector<16xf32>
      %swap3A_274 = vector.shape_cast %add3A_269 : vector<16xf32> to vector<1x16xf32>
      tpu.vector_store %arg7[%swap3A_270, %swap3A_271], %swap3A_274 {strides = array<i32>} : memref<64x64xf32, #tpu.memory_space<vmem>>, vector<1x16xf32>,
      %mul3A_275 = arith.constant 4 : i32
      %mul3A_276 = arith.muli %scan3A_42, %mul3A_275 : i32
      %add3A_277 = arith.constant 3 : i32
      %add3A_278 = arith.addi %mul3A_276, %add3A_277 : i32
      %get3A_279 = arith.index_cast %add3A_278 : i32 to index
      %get3A_280 = arith.constant 32 : index
      %get3A_281 = tpu.vector_load %arg7[%get3A_279, %get3A_280] {strides = array<i32>} : memref<64x64xf32, #tpu.memory_space<vmem>>, vector<1x16xf32>,
      %get3A_282 = vector.shape_cast %get3A_281 : vector<1x16xf32> to vector<16xf32>
      %add3A_283 = arith.addf %get3A_282, %parallel_loop3A_80#14 : vector<16xf32>
      %swap3A_284 = arith.index_cast %add3A_278 : i32 to index
      %swap3A_285 = arith.constant 32 : index
      %swap3A_286 = tpu.vector_load %arg7[%swap3A_284, %swap3A_285] {strides = array<i32>} : memref<64x64xf32, #tpu.memory_space<vmem>>, vector<1x16xf32>,
      %swap3A_287 = vector.shape_cast %swap3A_286 : vector<1x16xf32> to vector<16xf32>
      %swap3A_288 = vector.shape_cast %add3A_283 : vector<16xf32> to vector<1x16xf32>
      tpu.vector_store %arg7[%swap3A_284, %swap3A_285], %swap3A_288 {strides = array<i32>} : memref<64x64xf32, #tpu.memory_space<vmem>>, vector<1x16xf32>,
      %mul3A_289 = arith.constant 4 : i32
      %mul3A_290 = arith.muli %scan3A_42, %mul3A_289 : i32
      %add3A_291 = arith.constant 3 : i32
      %add3A_292 = arith.addi %mul3A_290, %add3A_291 : i32
      %get3A_293 = arith.index_cast %add3A_292 : i32 to index
      %get3A_294 = arith.constant 48 : index
      %get3A_295 = tpu.vector_load %arg7[%get3A_293, %get3A_294] {strides = array<i32>} : memref<64x64xf32, #tpu.memory_space<vmem>>, vector<1x16xf32>,
      %get3A_296 = vector.shape_cast %get3A_295 : vector<1x16xf32> to vector<16xf32>
      %add3A_297 = arith.addf %get3A_296, %parallel_loop3A_80#15 : vector<16xf32>
      %swap3A_298 = arith.index_cast %add3A_292 : i32 to index
      %swap3A_299 = arith.constant 48 : index
      %swap3A_300 = tpu.vector_load %arg7[%swap3A_298, %swap3A_299] {strides = array<i32>} : memref<64x64xf32, #tpu.memory_space<vmem>>, vector<1x16xf32>,
      %swap3A_301 = vector.shape_cast %swap3A_300 : vector<1x16xf32> to vector<16xf32>
      %swap3A_302 = vector.shape_cast %add3A_297 : vector<16xf32> to vector<1x16xf32>
      tpu.vector_store %arg7[%swap3A_298, %swap3A_299], %swap3A_302 {strides = array<i32>} : memref<64x64xf32, #tpu.memory_space<vmem>>, vector<1x16xf32>,
      %scan3A_303 = arith.constant 0 : i32
      scf.yield %scan3A_303 : i32
    }
    %scan3A_41 = arith.constant 16 : i32
    "tpu.region"() ({
      %run_scoped3A = tpu.sem_alloc : memref<!tpu.dma_semaphore, #tpu.memory_space<semaphore_mem>>
      %dma_start3A = arith.constant 0 : i32
      %dma_start3A_42 = tpu.memref_slice %arg4[%rem3A_18, %mul3A_20, %dma_start3A] : memref<4x512x64xf32, #tpu.memory_space<hbm>> -> memref<1x64x64xf32, #tpu.memory_space<hbm>>
      %dma_start3A_43 = tpu.memref_squeeze %dma_start3A_42 : memref<1x64x64xf32, #tpu.memory_space<hbm>> -> memref<64x64xf32, #tpu.memory_space<hbm>>
      %dma_start3A_44 = arith.constant 0 : i32
      %dma_start3A_45 = tpu.memref_slice %arg4[%rem3A_18, %mul3A_20, %dma_start3A_44] : memref<4x512x64xf32, #tpu.memory_space<hbm>> -> memref<1x64x64xf32, #tpu.memory_space<hbm>>
      %dma_start3A_46 = tpu.memref_squeeze %dma_start3A_45 : memref<1x64x64xf32, #tpu.memory_space<hbm>> -> memref<64x64xf32, #tpu.memory_space<hbm>>
      tpu.enqueue_dma source(%arg7 : memref<64x64xf32, #tpu.memory_space<vmem>>) target(%dma_start3A_46 : memref<64x64xf32, #tpu.memory_space<hbm>>) target_semaphore(%run_scoped3A : memref<!tpu.dma_semaphore, #tpu.memory_space<semaphore_mem>>)
      %dma_wait3A = arith.constant 0 : i32
      %dma_wait3A_47 = tpu.memref_slice %arg4[%rem3A_18, %mul3A_20, %dma_wait3A] : memref<4x512x64xf32, #tpu.memory_space<hbm>> -> memref<1x64x64xf32, #tpu.memory_space<hbm>>
      %dma_wait3A_48 = tpu.memref_squeeze %dma_wait3A_47 : memref<1x64x64xf32, #tpu.memory_space<hbm>> -> memref<64x64xf32, #tpu.memory_space<hbm>>
      %dma_wait3A_49 = arith.constant 0 : i32
      %dma_wait3A_50 = tpu.memref_slice %arg4[%rem3A_18, %mul3A_20, %dma_wait3A_49] : memref<4x512x64xf32, #tpu.memory_space<hbm>> -> memref<1x64x64xf32, #tpu.memory_space<hbm>>
      %dma_wait3A_51 = tpu.memref_squeeze %dma_wait3A_50 : memref<1x64x64xf32, #tpu.memory_space<hbm>> -> memref<64x64xf32, #tpu.memory_space<hbm>>
      tpu.wait_dma2 semaphore(%run_scoped3A : memref<!tpu.dma_semaphore, #tpu.memory_space<semaphore_mem>>) src(%arg7 : memref<64x64xf32, #tpu.memory_space<vmem>>) dst(%dma_wait3A_51 : memref<64x64xf32, #tpu.memory_space<hbm>>)
      tpu.yield
    }) : () -> ()
    return
  }
}

</mosaic_0001>

<sc_bundles>
// kernel: kernel.3.cloned.1.call-start
scs
__scs_entry_jumppad:
0x0: {  	(pc) =	sbr.rel $0x88, $3  }
0x1: {  	(tag) =	ssettag $0x0;
	lr =	simm.s32 $0x1  }
0x2: {  	[smem:$0x3F9E] =	sst lr;
	_ =	strace $0xD0000000  }
0x3: {  	_ = 	snop  }
0x4: {  	_ = 	snop  }
0x5: {  	_ = 	snop  }
0x6: {  	_ = 	snop  }
0x7: {  	_ = 	snop  }
__scs_overlays_trampoline_lowered:
0x8: {  	[smem:$0x3FAD] =	sst s0  }
0x9: {  	[smem:$0x3FAE] =	sst s1  }
0xa: {  	[smem:$0x3FAF] =	sst s2  }
0xb: {  	[smem:$0x3FB0] =	sst s3  }
0xc: {  	[smem:$0x3FB1] =	sst s4  }
0xd: {  	[smem:$0x3FB2] =	sst s5  }
0xe: {  	[smem:$0x3FB3] =	sst s6  }
0xf: {  	[smem:$0x3FB4] =	sst s7  }
0x10: {  	[smem:$0x3FB5] =	sst s8  }
0x11: {  	[smem:$0x3FB6] =	sst s9;
	s0 =	simm.s32 @!p0 $0x0  }
0x12: {  	s1 =	sld [smem:$0x3F9C];
	s0 =	simm.s32 @p0 $0x1  }
0x13: {  	[smem:$0x3FB7] =	sst s0;
	s0 =	simm.s32 @!p1 $0x0  }
0x14: {  	s2 =	sld [smem:$0x3F9B];
	s0 =	simm.s32 @p1 $0x1  }
0x15: {  	[smem:$0x3FB8] =	sst s0;
	s0 =	simm.s32 @!p2 $0x0  }
0x16: {  	s3 =	sld [smem:$0x3FDB];
	s0 =	simm.s32 @p2 $0x1  }
0x17: {  	s4 =	simm.s32 $0x1BF5;
	[smem:$0x3FBA] =	sst s0  }
0x18: {  	s0 =	sld [smem:$0x3F9D];
	_ =	swait.ge [sflag:s4], $0x0  }
0x19: {  	s7 =	sld [smem:$0x3F9E]  }
0x1a: {  	s8 =	sadd.s32 $0xFFFFE003, lr  }
0x1b: {  	s9 =	sadd.s32 $0xFFFFFEF7, lr;
	s5 =	simm.s32 $0xFFFFFFFF;
	p2 =	slt.u32 s8, $0xFFFFF086  }
0x1c: {  	p1 =	slt.u32 s9, $0xF7A;
	s5 =	simm.s32 @!p2 $0x0  }
0x1d: {  	s5 =	simm.s32 @p1 $0x1;
	p0 =	seq.s32 s7, s2  }
0x1e: {  	s7 =	smul.u32 @!p0 $0xF7A, s2;
	p2 =	seq.s32 @!p0 s5, $0x0  }
0x1f: {  	s9 =	smul.u32 $0xF7A, s1;
	s8 =	simm.s32 @!p0 $0x1BF5;
	p2 =	por !p2, p0  }
0x20: {  	[sflag:s8] =	ssyncset.s32 @!p0 $0xFFFFF086;
	s6 =	sadd.s32 @!p0 s3, s7;
	s7 =	simm.s32 @!p0 $0x108  }
0x21: {  	s3 =	sadd.s32 s3, s9;
	s6 =	sadd.s32 @!p0 $0x88, s6;
	s7 =	simm.s32 @p2 $0x1082  }
0x22: {  	[simem:s7], [sflag:s8] =	dma.local @!p0 [hbm:s6], $0xF7A  }
0x23: {  	s9 =	sor.u32 $0xD0000000, s2;
	s6 =	simm.s32 $0x108;
	_ =	swait.ge @!p0 [sflag:s8], $0x0  }
0x24: {  	s3 =	sadd.s32 $0x88, s3;
	s6 =	simm.s32 @!p1 $0x1082;
	[sflag:s4] =	ssyncset.s32 $0xFFFFF086  }
0x25: {  	[simem:s6], [sflag:s4] =	dma.local [hbm:s3], $0xF7A  }
0x26: {  	[smem:$0x3F9E] =	sst s1;
	(tag) =	ssettag s2;
	_ =	strace s9  }
0x27: {  	s1 =	sld [smem:$0x3FAE]  }
0x28: {  	s2 =	sld [smem:$0x3FAF]  }
0x29: {  	s4 =	sld [smem:$0x3FB1]  }
0x2a: {  	p0 =	seq.s32 s5, $0x0;
	s5 =	sld [smem:$0x3FB2]  }
0x2b: {  	s6 =	sld [smem:$0x3FB3]  }
0x2c: {  	s7 =	sld [smem:$0x3FB4]  }
0x2d: {  	s3 =	simm.s32 $0x108;
	s8 =	sld [smem:$0x3FB5]  }
0x2e: {  	s3 =	simm.s32 @!p0 $0x1082;
	s9 =	sld [smem:$0x3FB6]  }
0x2f: {  	lr =	sadd.s32 s0, s3;
	s0 =	sld [smem:$0x3FAD]  }
0x30: {  	s3 =	sld [smem:$0x3FB0]  }
0x31: {  	[smem:$0x3FB9] =	sst s10  }
0x32: {  	s10 =	sld [smem:$0x3FB7];
	_ =	sdelay $0x3  }
0x33: {  	p0 =	seq.s32 s10, $0x1;
	s10 =	sld [smem:$0x3FB9];
	_ =	sdelay $0x3  }
0x34: {  	[smem:$0x3FB9] =	sst s10  }
0x35: {  	s10 =	sld [smem:$0x3FB8];
	_ =	sdelay $0x3  }
0x36: {  	p1 =	seq.s32 s10, $0x1;
	s10 =	sld [smem:$0x3FB9];
	_ =	sdelay $0x3  }
0x37: {  	[smem:$0x3FB9] =	sst s10  }
0x38: {  	s10 =	sld [smem:$0x3FBA]  }
0x39: {  	_ = 	snop;
	(pc) =	sbr.ind lr, $3  }
0x3a: {  	_ = 	snop  }
0x3b: {  	_ = 	snop  }
0x3c: {  	p2 =	seq.s32 s10, $0x1;
	s10 =	sld [smem:$0x3FB9]  }
0x3d: {  	_ =	shalt  }
0x3e: {  	_ =	shalt  }
0x3f: {  	_ =	shalt  }
0x40: {  	_ =	shalt  }
0x41: {  	_ =	shalt  }
0x42: {  	_ =	shalt  }
0x43: {  	_ =	shalt  }
0x44: {  	_ =	shalt  }
0x45: {  	_ =	shalt  }
0x46: {  	_ =	shalt  }
0x47: {  	_ =	shalt  }
0x48: {  	_ =	shalt  }
0x49: {  	_ =	shalt  }
0x4a: {  	_ =	shalt  }
0x4b: {  	_ =	shalt  }
0x4c: {  	_ =	shalt  }
0x4d: {  	_ =	shalt  }
0x4e: {  	_ =	shalt  }
0x4f: {  	_ =	shalt  }
0x50: {  	_ =	shalt  }
0x51: {  	_ =	shalt  }
0x52: {  	_ =	shalt  }
0x53: {  	_ =	shalt  }
0x54: {  	_ =	shalt  }
0x55: {  	_ =	shalt  }
0x56: {  	_ =	shalt  }
0x57: {  	_ =	shalt  }
0x58: {  	_ =	shalt  }
0x59: {  	_ =	shalt  }
0x5a: {  	_ =	shalt  }
0x5b: {  	_ =	shalt  }
0x5c: {  	_ =	shalt  }
0x5d: {  	_ =	shalt  }
0x5e: {  	_ =	shalt  }
0x5f: {  	_ =	shalt  }
0x60: {  	_ =	shalt  }
0x61: {  	_ =	shalt  }
0x62: {  	_ =	shalt  }
0x63: {  	_ =	shalt  }
0x64: {  	_ =	shalt  }
0x65: {  	_ =	shalt  }
0x66: {  	_ =	shalt  }
0x67: {  	_ =	shalt  }
0x68: {  	_ =	shalt  }
0x69: {  	_ =	shalt  }
0x6a: {  	_ =	shalt  }
0x6b: {  	_ =	shalt  }
0x6c: {  	_ =	shalt  }
0x6d: {  	_ =	shalt  }
0x6e: {  	_ =	shalt  }
0x6f: {  	_ =	shalt  }
0x70: {  	_ =	shalt  }
0x71: {  	_ =	shalt  }
0x72: {  	_ =	shalt  }
0x73: {  	_ =	shalt  }
0x74: {  	_ =	shalt  }
0x75: {  	_ =	shalt  }
0x76: {  	_ =	shalt  }
0x77: {  	_ =	shalt  }
0x78: {  	_ =	shalt  }
0x79: {  	_ =	shalt  }
0x7a: {  	_ =	shalt  }
0x7b: {  	_ =	shalt  }
0x7c: {  	_ =	shalt  }
0x7d: {  	_ =	shalt  }
0x7e: {  	_ =	shalt  }
0x7f: {  	_ =	shalt  }
0x80: {  	_ =	shalt  }
0x81: {  	_ =	shalt  }
0x82: {  	_ =	shalt  }
0x83: {  	_ =	shalt  }
0x84: {  	_ =	shalt  }
0x85: {  	_ =	shalt  }
0x86: {  	_ =	shalt  }
0x87: {  	_ =	shalt  }
.Lfunc_end0:
.L_simem_size_0:
called_computation_lowered:
.L_overlay_start_0:
0x88: {  	s2 =	sld [smem:$0x3FD9]  }
0x89: {  	s3 =	sld [smem:$0x3FFE];
	_ =	sdelay $0x1  }
0x8a: {  	s1 =	srdreg.scid  }
0x8b: {  	s0 =	sand.u32 $0x1, s1  }
0x8c: {  	s17 =	sshll.u32 s0, $0xA;
	s2 =	sadd.s32 s3, s2  }
0x8d: {  	s2 =	sadd.s32 s2, s17  }
0x8e: {  	[smem:$0x3FC5] =	sst s2  }
0x8f: {  	_ = 	snop  }
0x90: {  	s2 =	sld [smem:$0x3FC9];
	(tm) =	ssettm $0x1  }
0x91: {  	s18 =	sld [smem:$0x3FFB];
	_ =	sdelay $0x3  }
0x92: {  	_ =	strace s18  }
0x93: {  	s3 =	sld [smem:$0x3FFC];
	_ =	sdelay $0x3  }
0x94: {  	_ =	strace s3  }
0x95: {  	s3 =	sld [smem:$0x3FFD];
	_ =	sdelay $0x3  }
0x96: {  	_ =	strace s3  }
0x97: {  	_ =	strace $0x8FFFFFFF  }
0x98: {  	s19 =	sld [smem:$0x3FDB];
	_ =	sdelay $0x1  }
0x99: {  	s4 =	simm.s32 $_scs_section_size  }
0x9a: {  	s5 =	simm.s32 $_size__tile_overlayer_lowered;
	s6 =	simm.s32 $_tile_overlayer_lowered  }
0x9b: {  	s22 =	simm.s32 $0x1BFF;
	s21 =	sshll.u32 s6, $0x1;
	s3 =	sadd.s32 s4, s19  }
0x9c: {  	s7 =	simm.s32 $0x0;
	s20 =	sshll.u32 s5, $0x1;
	s5 =	sadd.s32 s21, s3  }
0x9d: {  	[timem:s7], [sflag:s22] =	dma.local [hbm:s5], s20  }
0x9e: {  	_ =	swait.ge [sflag:s22], s20  }
0x9f: {  	s4 =	ssub.s32 $0x0, s20;
	[sflag:s22] =	ssyncset.done $0x0  }
0xa0: {  	[sflag:s22] =	ssyncadd.s32 s4;
	_ =	sdelay $0x1  }
0xa1: {  	s23 =	simm.s32 $0x1B8B  }
0xa2: {  	_ =	swait.ge [sflag:s23], $0x1  }
0xa3: {  	[sflag:s23] =	ssyncset.done $0x0  }
0xa4: {  	s25 =	simm.s32 $0x1B8E;
	s24 =	sld [smem:$0x3FFE];
	[sflag:s23] =	ssyncadd.s32 $0xFFFFFFFF  }
0xa5: {  	s26 =	simm.s32 $execute0_lowered;
	[smem:$0x3FD2] =	sst s25  }
0xa6: {  	s5 =	sshll.u32 s26, $0x1;
	_ =	strace $0x80000046;
	[dreg:$0x1] =	wrdreg $0xFFFFFFFF  }
0xa7: {  	s28 =	simm.s32 $_size_execute0_lowered;
	s3 =	sadd.s32 s3, s5;
	[dreg:$0x0] =	wrdreg $0x0  }
0xa8: {  	s5 =	sshll.u32 s28, $0x1;
	[dreg:$0x2] =	wrdreg s3  }
0xa9: {  	[dreg:$0x3] =	wrdreg s5  }
0xaa: {  	[dreg:$0x4] =	wrdreg $0xC0  }
0xab: {  	_ =	task [dreg:s7], $0x5FFFF  }
0xac: {  	[dreg:$0x1] =	wrdreg $0xFFFFFFFF  }
0xad: {  	[dreg:$0x0] =	wrdreg $0x60  }
0xae: {  	[dreg:$0x2] =	wrdreg s2  }
0xaf: {  	[dreg:$0x3] =	wrdreg s24  }
0xb0: {  	[dreg:$0x4] =	wrdreg $0x9  }
0xb1: {  	_ =	task.clear_ibuf [dreg:s7], $0x5FFFF;
	_ =	strace $0x90000046  }
0xb2: {  	s29 =	simm.s32 $0x9;
	_ =	strace $0x80000048  }
0xb3: {  	_ =	swait.ge [sflag:s29], $0x1  }
0xb4: {  	[sflag:s29] =	ssyncadd.s32 $0xFFFFFFFF  }
0xb5: {  	_ =	strace $0x90000048  }
0xb6: {  	_ =	sfence  }
0xb7: {  	s30 =	sld [smem:$0x0];
	_ =	sdelay $0x2  }
0xb8: {  	s31 =	sshll.u32 s1, $0xD;
	s1 =	sshrl.u32 s1, $0x2  }
0xb9: {  	s3 =	sand.u32 $0x4000, s31;
	s1 =	sadd.s32 s1, s30  }
0xba: {  	s0 =	sor.u32 s3, s0;
	s1 =	sshll.u32 s1, $0x11  }
0xbb: {  	s0 =	sor.u32 s1, s0  }
0xbc: {  	s0 =	sadd.s32 $0x8F2B, s0  }
0xbd: {  	[sflag:s0] =	ssyncadd.remote.s32 $0x1  }
0xbe: {  	_ =	sfence.sel $0xFFFF  }
0xbf: {  	[dreg:$0x0] =	wrdreg $0xFFFFFFFF;
	(pc) =	sbr.abs _section_cstart, $3  }
0xc0: {  	[dreg:$0x1] =	wrdreg $0xFFFFFFFF  }
0xc1: {  	_ =	task.clear_ibuf [dreg:s7], $0x2FFFF;
	_ =	strace $0x9FFFFFFF  }
0xc2: {  	(tm) =	ssettm $0x7FFFFFFF  }
0xc3: {  	_ =	shalt  }
tec
execute0_lowered:
.L_overlay_start_1:
0x0: {  	(tag) =	ssettag $0x1  }
0x1: {  	s4 =	rddreg [dreg:$0x0]  }
0x2: {  	s3 =	rddreg [dreg:$0x1]  }
0x3: {  	s0 =	rddreg [dreg:$0x2];
	s2 =	simm.s32 $0x0;
	s1 =	stileid.u32  }
0x4: {  	s5 =	srdreg.scid;
	s12 =	simm.s32 $0x10800;
	s13 =	simm.s32 $0x0  }
0x5: {  	[smem:$0x7FF] =	sst s2;
	s6 =	sadd.s32 $0x600, s3;
	s5 =	sand.u32 $0x1, s5  }
0x6: {  	s7 =	sshll.u32 s1, $0x1;
	s8 =	sshrl.u32 s1, $0x1;
	_ =	strace $0x80000047  }
0x7: {  	s9 =	ssub.s32 $0x2, s5;
	s7 =	sand.u32 $0x2, s7;
	s10 =	sshll.u32 s8, $0xA  }
0x8: {  	s8 =	sshll.u32 s8, $0xF;
	s11 =	sshrl.u32 s9, $0x1;
	s5 =	sor.u32 s5, s7  }
0x9: {  	s26 =	sadd.s32 s10, s3;
	s8 =	sadd.s32 s4, s8;
	s10 =	simm.s32 $0x200  }
0xa: {  	s9 =	ssub.s32 s9, s11;
	s28 =	sshll.u32 s5, $0xE;
	s29 =	sshll.u32 s5, $0xA  }
0xb: {  	v1 =	vimm.s32 $0x1;
	v2 =	vimm.s32 $0x2;
	s5 =	sshll.u32 s5, $0xD;
	s11 =	simm.s32 $0x10000;
	s30 =	sor.u32 $0x200, s29  }
0xc: {  	v3 =	vimm.s32 $0x3;
	v45 =	vimm.s32 $0x6;
	v13 =	vimm.s32 $0x7;
	s3 =	sadd.s32 s6, s28;
	s7 =	sadd.s32 s5, s26;
	s31 =	sshll.u32 s30, $0x4  }
0xd: {  	v11 =	vimm.s32 $0x8;
	v8 =	vimm.s32 $0x9;
	v5 =	vimm.s32 $0xA;
	s4 =	sadd.s32 s29, s8;
	s7 =	sadd.s32 $0x10600, s7;
	s5 =	sadd.s32 s6, s31  }
0xe: {  	v54 =	vimm.s32 $0xC;
	v18 =	vimm.s32 $0xD;
	v59 =	vimm.s32 $0xF;
	s6 =	sadd.s32 s30, s8;
	s8 =	smax.u32 s9, $0x1;
	s9 =	simm.s32 $0x1  }
.LBB2_1:
0xf: {  	[tilespmem:s2], [sflag:$0x1] =	stream.linear.gather [hbm4b:s3+s2], $0x10000, $0x38;
	[tilespmem:$0x12800] =	vst v63  }
0x10: {  	_ =	swait.ge [sflag:s9], $0x10000  }
0x11: {  	[sflag:s9] =	ssyncset.done $0x0  }
0x12: {  	s14 =	simm.s32 $0x0;
	[sflag:s9] =	ssyncadd.s32 $0xFFFF0000  }
.LBB2_2:
0x13: {  	s16 =	sshll.u32 s14, $0x6  }
0x14: {  	s15 =	sshll.u32 s14, $0xB;
	s16 =	sand.u32 $0x40, s16  }
0x15: {  	s17 =	sand.u32 $0x7000, s15;
	s16 =	sadd.s32 s16, s4  }
0x16: {  	s17 =	sadd.s32 s17, s16;
	s16 =	simm.s32 $0x400  }
0x17: {  	[tilespmem:s11], [sflag:$0x1] =	stream.strided.gather [hbm4b:s17+s10], $0x800, s16, s10, $0x38;
	[tilespmem:$0x12800] =	vst v63  }
0x18: {  	s17 =	simm.s32 $0x0;
	_ =	swait.ge [sflag:s9], $0x800  }
0x19: {  	s18 =	sand.u32 $0x70, s17;
	s19 =	sand.u32 $0x600, s17;
	[sflag:s9] =	ssyncset.done $0x0  }
0x1a: {  	s18 =	sor.u32 s18, s19;
	[sflag:s9] =	ssyncadd.s32 $0xFFFFF800  }
0x1b: {  	v15 =	vld [tilespmem:s18+$0x10000]  }
0x1c: {  	v0 =	vld [tilespmem:s16+$0x300]  }
0x1d: {  	v55 =	vld [tilespmem:s16+$0x200]  }
0x1e: {  	v61 =	vld [tilespmem:s16+$0x180]  }
0x1f: {  	v53 =	vld [tilespmem:s16+$0x100]  }
0x20: {  	v23 =	vld [tilespmem:s16+$0x80]  }
0x21: {  	v29 =	vld [tilespmem:s16+$0x90]  }
0x22: {  	v22 =	vld [tilespmem:s16+$0x0]  }
0x23: {  	v14 =	vld [tilespmem:s16+$0xFFFFFF80]  }
0x24: {  	v10 =	vld [tilespmem:s16+$0xFFFFFF90]  }
0x25: {  	v12 =	vld [tilespmem:s16+$0xFFFFFF00]  }
0x26: {  	v46 =	vld [tilespmem:s16+$0xFFFFFF10]  }
0x27: {  	v7 =	vld [tilespmem:s16+$0xFFFFFE80]  }
0x28: {  	v4 =	vld [tilespmem:s16+$0xFFFFFE90]  }
0x29: {  	v6 =	vld [tilespmem:s16+$0xFFFFFE00]  }
0x2a: {  	v19 =	vld [tilespmem:s16+$0xFFFFFE10]  }
0x2b: {  	v20 =	vld [tilespmem:s16+$0xFFFFFD80]  }
0x2c: {  	v24 =	vld [tilespmem:s16+$0xFFFFFD00];
	v27 =	vperm.xlane v15, v5  }
0x2d: {  	v16 =	vld [tilespmem:s16+$0xFFFFFD10];
	v28 =	vperm.xlane v15, v8;
	v30 =	vperm.xlane v15, v11  }
0x2e: {  	[tilespmem:$0x1F920] =	vst v0;
	v0 =	vld [tilespmem:s16+$0x280];
	v21 =	vperm.xlane v15, v13;
	v31 =	vperm.xlane v15, v45  }
0x2f: {  	v49 =	vld [tilespmem:s16+$0xFFFFFC80];
	[tilespmem:$0x1FEB0] =	vst v23;
	v11 =	vperm.xlane v15, v3;
	v8 =	vperm.xlane v15, v2  }
0x30: {  	v40 =	vld [tilespmem:s16+$0xFFFFFC90];
	[tilespmem:$0x1FE30] =	vst v22;
	v5 =	vperm.xlane v15, v1;
	v33 =	vmul.f32 v28, v23  }
0x31: {  	v58 =	vld [tilespmem:s16+$0xFFFFFCA0];
	[tilespmem:$0x1FDE0] =	vst v10;
	v34 =	vmul.f32 v30, v22;
	v35 =	vmul.f32 v21, v14  }
0x32: {  	v52 =	vld [tilespmem:s16+$0xFFFFFC00];
	[tilespmem:$0x1FD00] =	vst v12;
	v36 =	vmul.f32 v21, v10;
	v37 =	vmul.f32 v31, v12  }
0x33: {  	v17 =	vld [tilespmem:s16+$0xFFFFFC30];
	v12 =	vmul.f32 v11, v20;
	v10 =	vmul.f32 v8, v24;
	[tilespmem:$0x1F910] =	vst v0;
	v0 =	vimm.s32 $0xB  }
0x34: {  	[tilespmem:$0x1FFC0] =	vst v20;
	v22 =	vld [tilespmem:s16+$0xFFFFFC10];
	v20 =	vmul.f32 v8, v16;
	v26 =	vperm.xlane v15, v0;
	v0 =	vimm.s32 $0x5  }
0x35: {  	[tilespmem:$0x1F9A0] =	vst v40;
	v23 =	vld [tilespmem:s16+$0xFFFFFC20];
	v40 =	vmul.f32 v5, v40;
	v32 =	vperm.xlane v15, v0;
	v0 =	vimm.s32 $0x4  }
0x36: {  	v63 =	vld [tilespmem:s16+$0xFFFFFCB0];
	v47 =	vmul.f32 v5, v58;
	v13 =	vperm.xlane v15, v0;
	v0 =	vimm.s32 $0x0  }
0x37: {  	v57 =	vld [tilespmem:s16+$0xFFFFFD20];
	[tilespmem:$0x1FDC0] =	vst v14;
	v0 =	vperm.xlane v15, v0;
	v38 =	vmul.f32 v32, v7  }
0x38: {  	[tilespmem:$0x1FC90] =	vst v4;
	v39 =	vmul.f32 v32, v4;
	v4 =	vld [tilespmem:s16+$0xFFFFFD90];
	v14 =	vmul.f32 v13, v6  }
0x39: {  	[tilespmem:$0x1FF80] =	vst v6;
	v6 =	vld [tilespmem:s16+$0xFFFFFD30];
	v3 =	vmul.f32 v0, v52;
	v41 =	vmul.f32 v0, v22  }
0x3a: {  	v56 =	vimm.f32 $0.0e+00;
	[tilespmem:$0x1F990] =	vst v17;
	v42 =	vmul.f32 v0, v23;
	v44 =	vmul.f32 v0, v17;
	v17 =	vld [tilespmem:s16+$0xFFFFFDB0]  }
0x3b: {  	v43 =	vld [tilespmem:s16+$0xFFFFFDA0];
	[tilespmem:$0x1FC60] =	vst v7;
	v7 =	vmul.f32 v5, v49;
	v0 =	vadd.f32 v3, v56;
	v41 =	vadd.f32 v41, v56  }
0x3c: {  	v60 =	vld [tilespmem:s16+$0xFFFFFE20];
	v50 =	vmul.f32 v5, v63;
	v42 =	vadd.f32 v42, v56;
	v44 =	vadd.f32 v44, v56  }
0x3d: {  	v51 =	vld [tilespmem:s16+$0xFFFFFF30];
	v0 =	vadd.f32 v7, v0;
	v40 =	vadd.f32 v40, v41;
	v41 =	vmul.f32 v8, v57  }
0x3e: {  	[tilespmem:$0x1FB40] =	vst v16;
	v16 =	vld [tilespmem:s16+$0xFFFFFE30];
	v42 =	vadd.f32 v47, v42;
	v44 =	vadd.f32 v50, v44;
	v62 =	vmul.f32 v8, v6  }
0x3f: {  	[tilespmem:$0x1FB10] =	vst v24;
	v24 =	vld [tilespmem:s16+$0xFFFFFEA0];
	v50 =	vmul.f32 v11, v4;
	v47 =	vmul.f32 v11, v17;
	v0 =	vadd.f32 v10, v0  }
0x40: {  	v5 =	vld [tilespmem:s16+$0xFFFFFEB0];
	v20 =	vadd.f32 v20, v40;
	v40 =	vmul.f32 v11, v43;
	v41 =	vadd.f32 v41, v42  }
0x41: {  	v48 =	vld [tilespmem:s16+$0xFFFFFFB0];
	[tilespmem:$0x1FD10] =	vst v46;
	v42 =	vadd.f32 v62, v44;
	v44 =	vmul.f32 v13, v19;
	v0 =	vadd.f32 v12, v0  }
0x42: {  	[tilespmem:$0x1FEF0] =	vst v53;
	v62 =	vld [tilespmem:s16+$0xFFFFFF20];
	v20 =	vadd.f32 v50, v20;
	v50 =	vmul.f32 v13, v60;
	v40 =	vadd.f32 v40, v41  }
0x43: {  	[tilespmem:$0x1FE10] =	vst v61;
	v41 =	vadd.f32 v47, v42;
	v42 =	vmul.f32 v13, v16;
	v12 =	vld [tilespmem:s16+$0xFFFFFFA0];
	v0 =	vadd.f32 v14, v0  }
0x44: {  	v25 =	vld [tilespmem:s16+$0x220];
	[tilespmem:$0x1F960] =	vst v22;
	v47 =	vmul.f32 v32, v24;
	v44 =	vadd.f32 v44, v20;
	v40 =	vadd.f32 v50, v40  }
0x45: {  	[tilespmem:$0x1F980] =	vst v23;
	v3 =	vld [tilespmem:s16+$0x10];
	v32 =	vmul.f32 v32, v5;
	v41 =	vadd.f32 v42, v41;
	v38 =	vadd.f32 v38, v0  }
0x46: {  	[tilespmem:$0x1F9D0] =	vst v16;
	v11 =	vld [tilespmem:s16+$0x20];
	v42 =	vmul.f32 v31, v46;
	v39 =	vadd.f32 v39, v44;
	v40 =	vadd.f32 v47, v40  }
0x47: {  	[tilespmem:$0x1FFA0] =	vst v4;
	v10 =	vld [tilespmem:s16+$0x30];
	v44 =	vmul.f32 v31, v62;
	v32 =	vadd.f32 v32, v41;
	v31 =	vmul.f32 v31, v51  }
0x48: {  	[tilespmem:$0x1FCD0] =	vst v5;
	v47 =	vld [tilespmem:s16+$0xA0];
	v37 =	vadd.f32 v37, v38;
	v38 =	vadd.f32 v42, v39;
	v39 =	vmul.f32 v21, v12  }
0x49: {  	[tilespmem:$0x1F9B0] =	vst v6;
	v6 =	vld [tilespmem:s16+$0xB0];
	v40 =	vadd.f32 v44, v40;
	v31 =	vadd.f32 v31, v32;
	v32 =	vmul.f32 v21, v48  }
0x4a: {  	v23 =	vld [tilespmem:s16+$0x110];
	v14 =	vmovc v46;
	v41 =	vmul.f32 v30, v3;
	v35 =	vadd.f32 v35, v37;
	v36 =	vadd.f32 v36, v38  }
0x4b: {  	v22 =	vld [tilespmem:s16+$0x120];
	[tilespmem:$0x1FCC0] =	vst v11;
	v37 =	vmul.f32 v30, v11;
	v38 =	vadd.f32 v39, v40;
	v31 =	vadd.f32 v32, v31  }
0x4c: {  	v16 =	vld [tilespmem:s16+$0x130];
	v46 =	vmovc v12;
	v32 =	vmul.f32 v28, v29;
	v39 =	vmul.f32 v30, v10;
	v34 =	vadd.f32 v34, v35  }
0x4d: {  	[tilespmem:$0x1FB90] =	vst v12;
	v12 =	vld [tilespmem:s16+$0x1A0];
	v40 =	vadd.f32 v41, v36;
	v36 =	vmul.f32 v28, v47;
	v37 =	vadd.f32 v37, v38  }
0x4e: {  	v42 =	vmovc v11;
	v11 =	vld [tilespmem:s16+$0x190];
	v28 =	vmul.f32 v28, v6;
	v41 =	vadd.f32 v39, v31;
	v33 =	vadd.f32 v33, v34  }
0x4f: {  	[tilespmem:$0x1F9E0] =	vst v10;
	v10 =	vld [tilespmem:s16+$0x1B0];
	v34 =	vmul.f32 v27, v53;
	v32 =	vadd.f32 v32, v40;
	v40 =	vmul.f32 v27, v23  }
0x50: {  	v7 =	vmovc v4;
	v4 =	vld [tilespmem:s16+$0x2B0];
	v36 =	vadd.f32 v36, v37;
	v28 =	vadd.f32 v28, v41;
	v41 =	vmul.f32 v27, v22  }
0x51: {  	[tilespmem:$0x1FE50] =	vst v3;
	v44 =	vmovc v3;
	v3 =	vmov v53;
	v53 =	vld [tilespmem:s16+$0x210];
	v27 =	vmul.f32 v27, v16;
	v33 =	vadd.f32 v34, v33  }
0x52: {  	[tilespmem:$0x1F9C0] =	vst v17;
	v17 =	vld [tilespmem:s16+$0x230];
	v34 =	vadd.f32 v40, v32;
	v35 =	vadd.f32 v41, v36;
	v40 =	vmul.f32 v26, v61  }
0x53: {  	[tilespmem:$0x1F9F0] =	vst v6;
	v0 =	vld [tilespmem:s16+$0x2A0];
	v41 =	vmul.f32 v26, v11;
	v27 =	vadd.f32 v27, v28;
	v28 =	vperm.xlane v15, v54  }
0x54: {  	v50 =	vmovc v5;
	v5 =	vmovc v61;
	v30 =	vld [tilespmem:$0x1F910];
	v6 =	vmov v11;
	v61 =	vmul.f32 v26, v12;
	v26 =	vmul.f32 v26, v10  }
0x55: {  	[tilespmem:$0x1FE20] =	vst v11;
	v11 =	vld [tilespmem:s16+$0x290];
	v36 =	vadd.f32 v40, v33;
	v34 =	vadd.f32 v41, v34;
	v37 =	vmul.f32 v28, v55  }
0x56: {  	v21 =	vld [tilespmem:$0x1F920];
	[tilespmem:$0x1FE00] =	vst v12;
	v26 =	vadd.f32 v26, v27;
	v27 =	vperm.xlane v15, v18;
	v38 =	vmul.f32 v28, v53  }
0x57: {  	v54 =	vmovc v12;
	v12 =	vld [tilespmem:s16+$0x320];
	v35 =	vadd.f32 v61, v35;
	v32 =	vmul.f32 v28, v25;
	v28 =	vmul.f32 v28, v17  }
0x58: {  	v33 =	vld [tilespmem:s16+$0x310];
	v36 =	vadd.f32 v37, v36;
	v40 =	vmul.f32 v27, v0;
	v37 =	vadd.f32 v38, v34  }
0x59: {  	v8 =	vld [tilespmem:s16+$0x330];
	v38 =	vadd.f32 v32, v35;
	v35 =	vmul.f32 v27, v30;
	v32 =	vimm.s32 $0xE  }
0x5a: {  	v39 =	vmul.f32 v27, v11;
	v26 =	vadd.f32 v28, v26;
	v34 =	vld [tilespmem:s16+$0x380];
	v28 =	vperm.xlane v15, v32  }
0x5b: {  	v9 =	vld [tilespmem:s18+$0x10080];
	v27 =	vmul.f32 v27, v4;
	v15 =	vperm.xlane v15, v59;
	v36 =	vadd.f32 v35, v36  }
0x5c: {  	v37 =	vadd.f32 v39, v37;
	v35 =	vld [tilespmem:s16+$0x390];
	v38 =	vadd.f32 v40, v38;
	v39 =	vmul.f32 v28, v21  }
0x5d: {  	v26 =	vadd.f32 v27, v26;
	v27 =	vmul.f32 v28, v33;
	v40 =	vmul.f32 v28, v12  }
0x5e: {  	[tilespmem:$0x1FA10] =	vst v4;
	v4 =	vld [tilespmem:s16+$0x3A0];
	v36 =	vadd.f32 v39, v36  }
0x5f: {  	[tilespmem:$0x1FA30] =	vst v8;
	v27 =	vadd.f32 v27, v37;
	v37 =	vadd.f32 v40, v38;
	v38 =	vmul.f32 v15, v34  }
0x60: {  	[tilespmem:$0x1FA00] =	vst v11;
	v11 =	vld [tilespmem:s16+$0x3B0];
	v28 =	vmul.f32 v28, v8;
	v8 =	vimm.s32 $0x0  }
0x61: {  	v39 =	vperm.xlane v9, v8;
	v8 =	vadd.f32 v38, v36;
	v36 =	vmul.f32 v15, v35  }
0x62: {  	[tilespmem:$0x1FA40] =	vst v52  }
0x63: {  	v40 =	vmul.f32 v39, v52;
	v52 =	vmul.f32 v15, v4;
	[tilespmem:$0x1F930] =	vst v8;
	v8 =	vadd.f32 v36, v27;
	_ =	sdelay $0x1  }
0x64: {  	v26 =	vadd.f32 v28, v26;
	v15 =	vmul.f32 v15, v11;
	[tilespmem:$0x1F940] =	vst v8;
	v8 =	vadd.f32 v52, v37;
	_ =	sdelay $0x1  }
0x65: {  	v18 =	vld [tilespmem:$0x1F960];
	[tilespmem:$0x1F950] =	vst v8;
	v8 =	vadd.f32 v15, v26  }
0x66: {  	[tilespmem:$0x1FA20] =	vst v12;
	v12 =	vld [tilespmem:$0x1F980]  }
0x67: {  	[tilespmem:$0x1F970] =	vst v8;
	v8 =	vld [tilespmem:$0x1F990];
	_ =	sdelay $0x1  }
0x68: {  	v28 =	vperm.xlane v9, v1;
	v1 =	vld [tilespmem:$0x1FB10];
	_ =	sdelay $0x1  }
0x69: {  	v38 =	vperm.xlane v9, v2;
	v27 =	vmul.f32 v39, v18  }
0x6a: {  	v20 =	vld [tilespmem:$0x1F9A0];
	v26 =	vmul.f32 v39, v12;
	v36 =	vmul.f32 v39, v8  }
0x6b: {  	v40 =	vadd.f32 v40, v56;
	v27 =	vadd.f32 v27, v56  }
0x6c: {  	v26 =	vadd.f32 v26, v56;
	v36 =	vadd.f32 v36, v56;
	v56 =	vmul.f32 v38, v1;
	v1 =	vld [tilespmem:$0x1FB40];
	_ =	sdelay $0x1  }
0x6d: {  	[tilespmem:$0x1FA90] =	vst v49;
	v49 =	vmul.f32 v28, v49  }
0x6e: {  	[tilespmem:$0x1FAA0] =	vst v58;
	v37 =	vmul.f32 v28, v20  }
0x6f: {  	[tilespmem:$0x1FAB0] =	vst v63;
	v15 =	vadd.f32 v49, v40;
	v49 =	vmul.f32 v28, v58;
	v28 =	vmul.f32 v28, v63  }
0x70: {  	[tilespmem:$0x1FB70] =	vst v57;
	v63 =	vmul.f32 v38, v57;
	v57 =	vld [tilespmem:$0x1F9B0];
	v58 =	vmul.f32 v38, v1;
	v1 =	vimm.s32 $0x3  }
0x71: {  	v28 =	vadd.f32 v28, v36;
	v36 =	vperm.xlane v9, v1;
	v1 =	vld [tilespmem:$0x1FFC0];
	_ =	sdelay $0x3  }
0x72: {  	v26 =	vadd.f32 v49, v26  }
0x73: {  	v49 =	vmul.f32 v38, v57;
	v15 =	vadd.f32 v56, v15;
	v56 =	vmul.f32 v36, v1;
	v1 =	vld [tilespmem:$0x1FF80]  }
0x74: {  	v13 =	vld [tilespmem:$0x1F9C0]  }
0x75: {  	v28 =	vadd.f32 v49, v28;
	v49 =	vimm.s32 $0x4  }
0x76: {  	v27 =	vadd.f32 v37, v27;
	v37 =	vperm.xlane v9, v49  }
0x77: {  	v26 =	vadd.f32 v63, v26  }
0x78: {  	v63 =	vmul.f32 v36, v43;
	v15 =	vadd.f32 v56, v15;
	v56 =	vmul.f32 v37, v1;
	v1 =	vld [tilespmem:$0x1FC60]  }
0x79: {  	v27 =	vadd.f32 v58, v27;
	v58 =	vmul.f32 v36, v7;
	v36 =	vmul.f32 v36, v13  }
0x7a: {  	v26 =	vadd.f32 v63, v26;
	v63 =	vimm.s32 $0x5  }
0x7b: {  	v28 =	vadd.f32 v36, v28;
	v36 =	vperm.xlane v9, v63;
	_ =	sdelay $0x1  }
0x7c: {  	v38 =	vmul.f32 v36, v1;
	v1 =	vld [tilespmem:$0x1FC90]  }
0x7d: {  	v15 =	vadd.f32 v56, v15;
	v56 =	vld [tilespmem:$0x1F9D0];
	_ =	sdelay $0x1  }
0x7e: {  	[tilespmem:$0x1FC20] =	vst v60;
	v60 =	vmul.f32 v37, v60;
	_ =	sdelay $0x1  }
0x7f: {  	v26 =	vadd.f32 v60, v26;
	v60 =	vmul.f32 v36, v1;
	v1 =	vld [tilespmem:$0x1FD00]  }
0x80: {  	v27 =	vadd.f32 v58, v27;
	v58 =	vmul.f32 v37, v19;
	v37 =	vmul.f32 v37, v56;
	_ =	sdelay $0x1  }
0x81: {  	v27 =	vadd.f32 v58, v27;
	v28 =	vadd.f32 v37, v28;
	v37 =	vperm.xlane v9, v45  }
0x82: {  	v58 =	vmul.f32 v36, v24;
	v36 =	vmul.f32 v36, v50  }
0x83: {  	v27 =	vadd.f32 v60, v27;
	v60 =	vmul.f32 v37, v1;
	v1 =	vimm.s32 $0x7  }
0x84: {  	v28 =	vadd.f32 v36, v28;
	v36 =	vperm.xlane v9, v1;
	v1 =	vld [tilespmem:$0x1FDC0];
	_ =	sdelay $0x4  }
0x85: {  	v26 =	vadd.f32 v58, v26;
	v58 =	vmul.f32 v36, v1;
	v1 =	vld [tilespmem:$0x1FDE0];
	_ =	sdelay $0x1  }
0x86: {  	[tilespmem:$0x1FD50] =	vst v55;
	v61 =	vmovc v55;
	v2 =	vimm.s32 $0xD;
	v52 =	vimm.s32 $0xD;
	v50 =	vmul.f32 v37, v62  }
0x87: {  	[tilespmem:$0x1FD40] =	vst v25;
	v55 =	vmovc v25;
	v25 =	vmovc v0;
	v0 =	vperm.xlane v9, v52;
	v7 =	vimm.s32 $0xA;
	v15 =	vadd.f32 v38, v15  }
0x88: {  	v45 =	vmul.f32 v37, v14;
	v26 =	vadd.f32 v50, v26;
	v37 =	vmul.f32 v37, v51  }
0x89: {  	v31 =	vld [tilespmem:$0x1F9E0];
	v15 =	vadd.f32 v60, v15;
	v60 =	vmul.f32 v36, v1;
	v1 =	vimm.s32 $0x8  }
0x8a: {  	[tilespmem:$0x1FD20] =	vst v62;
	v27 =	vadd.f32 v45, v27;
	v45 =	vmul.f32 v36, v46;
	v62 =	vperm.xlane v9, v1;
	v1 =	vld [tilespmem:$0x1FE30]  }
0x8b: {  	[tilespmem:$0x1FFB0] =	vst v19;
	v19 =	vimm.s32 $0x8;
	v14 =	vimm.s32 $0xB;
	v28 =	vadd.f32 v37, v28  }
0x8c: {  	v26 =	vadd.f32 v45, v26;
	v15 =	vadd.f32 v58, v15;
	v36 =	vmul.f32 v36, v48  }
0x8d: {  	[tilespmem:$0x1FD30] =	vst v51;
	v27 =	vadd.f32 v60, v27;
	v50 =	vmul.f32 v62, v44;
	v51 =	vmul.f32 v62, v42  }
0x8e: {  	v45 =	vld [tilespmem:$0x1F9F0];
	v28 =	vadd.f32 v36, v28;
	v37 =	vmul.f32 v62, v31;
	v42 =	vperm.xlane v9, v59  }
0x8f: {  	v44 =	vperm.xlane v9, v32;
	v46 =	vmul.f32 v62, v1;
	v1 =	vimm.s32 $0x9  }
0x90: {  	v27 =	vadd.f32 v50, v27;
	v58 =	vperm.xlane v9, v1;
	v1 =	vimm.s32 $0xC  }
0x91: {  	[tilespmem:$0x1FBD0] =	vst v43;
	v28 =	vadd.f32 v37, v28;
	v37 =	vperm.xlane v9, v14;
	v50 =	vld [tilespmem:s18+$0x10100];
	v60 =	vperm.xlane v9, v1  }
0x92: {  	[tilespmem:$0x1FB80] =	vst v24;
	v24 =	vimm.s32 $0x7;
	v1 =	vld [tilespmem:$0x1FEB0];
	v32 =	vmul.f32 v58, v29;
	v43 =	vmul.f32 v58, v47  }
0x93: {  	[tilespmem:$0x1FE90] =	vst v47;
	v36 =	vimm.s32 $0x0;
	v38 =	vmul.f32 v58, v45;
	v47 =	vmul.f32 v60, v61  }
0x94: {  	v26 =	vadd.f32 v51, v26;
	v51 =	vmul.f32 v60, v53;
	v52 =	vmul.f32 v60, v55  }
0x95: {  	[tilespmem:$0x1FD70] =	vst v53;
	v15 =	vadd.f32 v46, v15;
	v53 =	vmul.f32 v60, v17;
	v61 =	vmul.f32 v37, v5  }
0x96: {  	[tilespmem:$0x1FEC0] =	vst v29;
	v29 =	vperm.xlane v50, v2;
	v39 =	vperm.xlane v50, v19;
	v27 =	vadd.f32 v32, v27  }
0x97: {  	v32 =	vmul.f32 v37, v54;
	v62 =	vmul.f32 v58, v1;
	v1 =	vimm.s32 $0xA  }
0x98: {  	v26 =	vadd.f32 v43, v26;
	v54 =	vperm.xlane v50, v59;
	v9 =	vperm.xlane v9, v1  }
0x99: {  	v28 =	vadd.f32 v38, v28;
	v38 =	vperm.xlane v50, v14;
	v43 =	vperm.xlane v50, v24  }
0x9a: {  	[tilespmem:$0x1FDA0] =	vst v17;
	v17 =	vimm.s32 $0x2;
	v59 =	vperm.xlane v50, v63;
	v58 =	vmul.f32 v9, v23  }
0x9b: {  	[tilespmem:$0x1FEE0] =	vst v22;
	v1 =	vimm.s32 $0xE;
	v15 =	vadd.f32 v62, v15;
	v60 =	vmul.f32 v9, v22;
	v22 =	vld [tilespmem:$0x1FA00]  }
0x9c: {  	v62 =	vmul.f32 v37, v6;
	v55 =	vperm.xlane v50, v1;
	v27 =	vadd.f32 v58, v27  }
0x9d: {  	v6 =	vimm.s32 $0xC;
	v46 =	vmul.f32 v9, v3;
	v9 =	vmul.f32 v9, v16  }
0x9e: {  	[tilespmem:$0x1FED0] =	vst v16;
	v16 =	vimm.s32 $0x1;
	v5 =	vperm.xlane v50, v6;
	v27 =	vadd.f32 v62, v27  }
0x9f: {  	v3 =	vperm.xlane v50, v7;
	v15 =	vadd.f32 v46, v15;
	v9 =	vadd.f32 v9, v28  }
0xa0: {  	v28 =	vmul.f32 v37, v10;
	v40 =	vmul.f32 v0, v22;
	v27 =	vadd.f32 v51, v27  }
0xa1: {  	[tilespmem:$0x1FE60] =	vst v10;
	v26 =	vadd.f32 v60, v26;
	v10 =	vimm.s32 $0x6;
	v15 =	vadd.f32 v61, v15  }
0xa2: {  	v58 =	vimm.s32 $0x9;
	v9 =	vadd.f32 v28, v9;
	v27 =	vadd.f32 v40, v27;
	v40 =	vld [tilespmem:$0x1FA10]  }
0xa3: {  	[tilespmem:$0x1FF00] =	vst v3;
	v3 =	vimm.s32 $0x3;
	v28 =	vmul.f32 v0, v30;
	v15 =	vadd.f32 v47, v15  }
0xa4: {  	v46 =	vmul.f32 v0, v25;
	v51 =	vperm.xlane v50, v49;
	v9 =	vadd.f32 v53, v9  }
0xa5: {  	v14 =	vld [tilespmem:$0x1FA40];
	v53 =	vperm.xlane v50, v16;
	v49 =	vmul.f32 v44, v21;
	v16 =	vadd.f32 v28, v15  }
0xa6: {  	v37 =	vperm.xlane v50, v58;
	v60 =	vperm.xlane v50, v3;
	v26 =	vadd.f32 v32, v26;
	v61 =	vld [tilespmem:$0x1FA20]  }
0xa7: {  	v47 =	vperm.xlane v50, v10;
	v16 =	vadd.f32 v49, v16;
	v49 =	vld [tilespmem:$0x1FA30];
	v0 =	vmul.f32 v0, v40  }
0xa8: {  	v26 =	vadd.f32 v52, v26;
	v52 =	vperm.xlane v50, v17;
	v28 =	vperm.xlane v50, v36;
	v50 =	vld [tilespmem:s18+$0x10180]  }
0xa9: {  	v15 =	vadd.f32 v0, v9;
	v9 =	vmul.f32 v44, v33;
	_ =	sdelay $0x1  }
0xaa: {  	v62 =	vmul.f32 v42, v35;
	v9 =	vadd.f32 v9, v27  }
0xab: {  	v26 =	vadd.f32 v46, v26;
	v63 =	vmul.f32 v44, v61;
	v27 =	vmul.f32 v44, v49  }
0xac: {  	v44 =	vmul.f32 v28, v14;
	v14 =	vperm.xlane v50, v2;
	v2 =	vadd.f32 v62, v9  }
0xad: {  	[tilespmem:$0x1FF10] =	vst v23;
	v3 =	vmul.f32 v42, v34  }
0xae: {  	v23 =	vimm.s32 $0xF;
	v17 =	vmul.f32 v28, v12;
	v26 =	vadd.f32 v63, v26;
	[tilespmem:$0x1FA60] =	vst v2;
	v2 =	vld [tilespmem:$0x1FA90]  }
0xaf: {  	v63 =	vmul.f32 v28, v18;
	v18 =	vmul.f32 v28, v8;
	v3 =	vadd.f32 v3, v16  }
0xb0: {  	v8 =	vperm.xlane v50, v23;
	v23 =	vimm.s32 $0x4;
	v0 =	vmul.f32 v42, v4  }
0xb1: {  	v32 =	vmovc v30;
	v1 =	vperm.xlane v50, v1;
	v30 =	vperm.xlane v50, v24;
	v28 =	vimm.s32 $0x5  }
0xb2: {  	v46 =	vmovc v12;
	v42 =	vmul.f32 v42, v11;
	v0 =	vadd.f32 v0, v26;
	v12 =	vperm.xlane v50, v28  }
0xb3: {  	v28 =	vmul.f32 v53, v20;
	v15 =	vadd.f32 v27, v15;
	v16 =	vmul.f32 v53, v2  }
0xb4: {  	v26 =	vmovc v4;
	v9 =	vimm.f32 $0.0e+00;
	v2 =	vperm.xlane v50, v23;
	v23 =	vmovc v1;
	v1 =	vmul.f32 v54, v34  }
0xb5: {  	[tilespmem:$0x1FA70] =	vst v0;
	v0 =	vperm.xlane v50, v7;
	v4 =	vadd.f32 v42, v15;
	v15 =	vadd.f32 v44, v9  }
0xb6: {  	v7 =	vperm.xlane v50, v10;
	[tilespmem:$0x1FAF0] =	vst v1;
	v1 =	vmul.f32 v54, v35  }
0xb7: {  	v10 =	vld [tilespmem:$0x1FB40];
	v27 =	vadd.f32 v63, v9;
	v16 =	vadd.f32 v16, v15;
	[tilespmem:$0x1FF90] =	vst v2;
	v2 =	vimm.s32 $0x3  }
0xb8: {  	v15 =	vld [tilespmem:$0x1FAA0];
	v24 =	vperm.xlane v50, v2;
	v2 =	vimm.s32 $0x2;
	[tilespmem:$0x1FB00] =	vst v1;
	v1 =	vmul.f32 v54, v26  }
0xb9: {  	v63 =	vmov v13;
	v42 =	vadd.f32 v28, v27;
	v28 =	vld [tilespmem:$0x1FAB0];
	v13 =	vperm.xlane v50, v2  }
0xba: {  	v27 =	vld [tilespmem:$0x1FB10];
	v2 =	vimm.s32 $0x1;
	[tilespmem:$0x1FB30] =	vst v1;
	v1 =	vmul.f32 v54, v11  }
0xbb: {  	[tilespmem:$0x1FAC0] =	vst v13;
	v13 =	vperm.xlane v50, v2  }
0xbc: {  	[tilespmem:$0x1FB60] =	vst v1;
	v1 =	vld [tilespmem:$0x1FB70]  }
0xbd: {  	v17 =	vadd.f32 v17, v9;
	[tilespmem:$0x1FAD0] =	vst v13;
	v13 =	vperm.xlane v50, v36;
	v36 =	vmul.f32 v53, v15  }
0xbe: {  	v41 =	vimm.s32 $0xB;
	v62 =	vmul.f32 v53, v28;
	v53 =	vmovc v57;
	v57 =	vmul.f32 v52, v10  }
0xbf: {  	[tilespmem:$0x1FA50] =	vst v3;
	v3 =	vperm.xlane v50, v41;
	v17 =	vadd.f32 v36, v17;
	v36 =	vmul.f32 v52, v27  }
0xc0: {  	v41 =	vperm.xlane v50, v19;
	v19 =	vadd.f32 v57, v42;
	v42 =	vmul.f32 v52, v53  }
0xc1: {  	v16 =	vadd.f32 v36, v16;
	v36 =	vmul.f32 v52, v1;
	v52 =	vmovc v0;
	v0 =	vmul.f32 v8, v35;
	_ =	sdelay $0x1  }
0xc2: {  	[tilespmem:$0x1FBC0] =	vst v0;
	v0 =	vld [tilespmem:$0x1FFC0];
	_ =	sdelay $0x4  }
0xc3: {  	v17 =	vadd.f32 v36, v17;
	v36 =	vmul.f32 v60, v0;
	v0 =	vld [tilespmem:$0x1FFA0];
	_ =	sdelay $0x2  }
0xc4: {  	v18 =	vadd.f32 v18, v9;
	_ =	sdelay $0x1  }
0xc5: {  	v18 =	vadd.f32 v62, v18;
	v62 =	vmovc v1;
	v1 =	vmul.f32 v8, v34;
	v34 =	vmul.f32 v60, v0;
	v0 =	vld [tilespmem:$0x1FBD0];
	_ =	sdelay $0x4  }
0xc6: {  	v18 =	vadd.f32 v42, v18;
	v42 =	vmovc v0;
	v44 =	vmul.f32 v60, v0;
	v0 =	vmul.f32 v55, v21;
	_ =	sdelay $0x1  }
0xc7: {  	[tilespmem:$0x1FBE0] =	vst v0;
	v0 =	vmul.f32 v55, v33;
	_ =	sdelay $0x1  }
0xc8: {  	[tilespmem:$0x1FBF0] =	vst v0;
	v0 =	vmul.f32 v55, v61;
	_ =	sdelay $0x1  }
0xc9: {  	[tilespmem:$0x1FC00] =	vst v0;
	v0 =	vmul.f32 v55, v49;
	_ =	sdelay $0x1  }
0xca: {  	[tilespmem:$0x1FC10] =	vst v0;
	v0 =	vld [tilespmem:$0x1FF80];
	_ =	sdelay $0x4  }
0xcb: {  	[tilespmem:$0x1FBA0] =	vst v1;
	v1 =	vmul.f32 v51, v0;
	v0 =	vmul.f32 v23, v21;
	_ =	sdelay $0x1  }
0xcc: {  	[tilespmem:$0x1FC30] =	vst v0;
	v0 =	vld [tilespmem:$0x1FFB0];
	_ =	sdelay $0x4  }
0xcd: {  	v34 =	vadd.f32 v34, v19;
	v19 =	vmul.f32 v51, v0;
	v0 =	vmul.f32 v29, v22;
	_ =	sdelay $0x1  }
0xce: {  	[tilespmem:$0x1FC50] =	vst v0;
	v0 =	vmul.f32 v29, v25;
	_ =	sdelay $0x1  }
0xcf: {  	[tilespmem:$0x1FC80] =	vst v0;
	v0 =	vmul.f32 v29, v40;
	_ =	sdelay $0x1  }
0xd0: {  	[tilespmem:$0x1FCA0] =	vst v0;
	v0 =	vmul.f32 v14, v32  }
0xd1: {  	v55 =	vld [tilespmem:$0x1FC20]  }
0xd2: {  	[tilespmem:$0x1FCB0] =	vst v0;
	v0 =	vld [tilespmem:$0x1FCD0];
	_ =	sdelay $0x2  }
0xd3: {  	v16 =	vadd.f32 v36, v16;
	v36 =	vmul.f32 v60, v63  }
0xd4: {  	v2 =	vmovc v22;
	v61 =	vmul.f32 v51, v56;
	v60 =	vmul.f32 v51, v55;
	v51 =	vmovc v3;
	v3 =	vmov v14  }
0xd5: {  	[tilespmem:$0x1FA80] =	vst v4;
	v4 =	vld [tilespmem:$0x1FC90];
	v14 =	vmov v0;
	v22 =	vmul.f32 v59, v0;
	v0 =	vmul.f32 v3, v2;
	_ =	sdelay $0x1  }
0xd6: {  	[tilespmem:$0x1FCF0] =	vst v0;
	v0 =	vld [tilespmem:$0x1FD20]  }
0xd7: {  	v18 =	vadd.f32 v36, v18;
	_ =	sdelay $0x1  }
0xd8: {  	v18 =	vadd.f32 v61, v18;
	v61 =	vmul.f32 v59, v4;
	v19 =	vadd.f32 v19, v34;
	_ =	sdelay $0x1  }
0xd9: {  	v54 =	vmovc v27;
	v19 =	vadd.f32 v61, v19;
	v27 =	vmov v0;
	v61 =	vmul.f32 v47, v0;
	v0 =	vld [tilespmem:$0x1FD30];
	_ =	sdelay $0x4  }
0xda: {  	[tilespmem:$0x1FB20] =	vst v26;
	v26 =	vmov v0;
	v40 =	vmul.f32 v47, v0;
	v0 =	vld [tilespmem:$0x1FD40];
	_ =	sdelay $0x4  }
0xdb: {  	v0 =	vmul.f32 v5, v0;
	_ =	sdelay $0x1  }
0xdc: {  	[tilespmem:$0x1FD90] =	vst v0;
	v0 =	vld [tilespmem:$0x1FDA0];
	_ =	sdelay $0x1  }
0xdd: {  	v21 =	vld [tilespmem:$0x1FD50];
	_ =	sdelay $0x1  }
0xde: {  	v6 =	vperm.xlane v50, v6;
	v2 =	vld [tilespmem:$0x1FD70]  }
0xdf: {  	v0 =	vmul.f32 v5, v0  }
0xe0: {  	v17 =	vadd.f32 v44, v17;
	v44 =	vmov v6  }
0xe1: {  	[tilespmem:$0x1FDB0] =	vst v0;
	v0 =	vmul.f32 v44, v21;
	_ =	sdelay $0x1  }
0xe2: {  	[tilespmem:$0x1FDD0] =	vst v0;
	v0 =	vmul.f32 v44, v2;
	_ =	sdelay $0x1  }
0xe3: {  	v16 =	vadd.f32 v1, v16;
	v1 =	vmul.f32 v5, v21;
	[tilespmem:$0x1FDF0] =	vst v0;
	v0 =	vld [tilespmem:$0x1FE00]  }
0xe4: {  	v20 =	vld [tilespmem:$0x1FD10]  }
0xe5: {  	[tilespmem:$0x1FD60] =	vst v1;
	v1 =	vmul.f32 v5, v2;
	v21 =	vld [tilespmem:$0x1FE60]  }
0xe6: {  	v57 =	vld [tilespmem:$0x1FB80]  }
0xe7: {  	[tilespmem:$0x1FD80] =	vst v1;
	v1 =	vld [tilespmem:$0x1FE10]  }
0xe8: {  	[tilespmem:$0x1FC70] =	vst v25;
	v36 =	vld [tilespmem:$0x1FC60];
	v0 =	vmul.f32 v38, v0  }
0xe9: {  	[tilespmem:$0x1FBB0] =	vst v8;
	v5 =	vld [tilespmem:$0x1FE20]  }
0xea: {  	v8 =	vld [tilespmem:$0x1FF00];
	[tilespmem:$0x1FE40] =	vst v0;
	v0 =	vmul.f32 v38, v21  }
0xeb: {  	v58 =	vperm.xlane v50, v58;
	[tilespmem:$0x1FCE0] =	vst v3;
	v25 =	vld [tilespmem:$0x1FD00]  }
0xec: {  	v50 =	vmovc v31;
	v31 =	vmul.f32 v43, v48;
	v3 =	vmov v24;
	v24 =	vld [tilespmem:$0x1FDE0];
	[tilespmem:$0x1FE70] =	vst v0;
	v0 =	vmul.f32 v51, v1  }
0xed: {  	[tilespmem:$0x1FB50] =	vst v11;
	v6 =	vmul.f32 v29, v32;
	v32 =	vmul.f32 v38, v1;
	v1 =	vld [tilespmem:$0x1FE90]  }
0xee: {  	v17 =	vadd.f32 v60, v17;
	v60 =	vmul.f32 v59, v36;
	v2 =	vld [tilespmem:$0x1FE50];
	[tilespmem:$0x1FE80] =	vst v0;
	v0 =	vmul.f32 v51, v5  }
0xef: {  	[tilespmem:$0x1FAE0] =	vst v13;
	v13 =	vmov v12;
	v29 =	vld [tilespmem:$0x1FDC0];
	v18 =	vadd.f32 v22, v18;
	v22 =	vmul.f32 v47, v20  }
0xf0: {  	v49 =	vmul.f32 v59, v57;
	v16 =	vadd.f32 v60, v16;
	v60 =	vmul.f32 v47, v25;
	[tilespmem:$0x1FEA0] =	vst v0;
	v0 =	vld [tilespmem:$0x1FEF0]  }
0xf1: {  	v12 =	vld [tilespmem:$0x1FB90];
	v19 =	vadd.f32 v22, v19;
	v47 =	vmovc v46;
	v46 =	vmul.f32 v43, v24;
	v18 =	vadd.f32 v40, v18  }
0xf2: {  	v11 =	vmul.f32 v23, v33;
	v17 =	vadd.f32 v49, v17;
	v59 =	vmovc v30;
	v30 =	vmul.f32 v37, v1;
	v1 =	vld [tilespmem:$0x1FF10]  }
0xf3: {  	v49 =	vld [tilespmem:$0x1FE30];
	v19 =	vadd.f32 v46, v19;
	v18 =	vadd.f32 v31, v18;
	v31 =	vmul.f32 v39, v2  }
0xf4: {  	v16 =	vadd.f32 v60, v16;
	v22 =	vmul.f32 v43, v29;
	v33 =	vmul.f32 v38, v5;
	v38 =	vmovc v21;
	v21 =	vld [tilespmem:$0x1FEB0]  }
0xf5: {  	[tilespmem:$0x1FC40] =	vst v23;
	v23 =	vld [tilespmem:$0x1FCC0];
	v19 =	vadd.f32 v31, v19;
	v31 =	vmul.f32 v8, v0;
	v0 =	vmul.f32 v52, v0  }
0xf6: {  	v16 =	vadd.f32 v22, v16;
	v5 =	vld [tilespmem:$0x1FEC0]  }
0xf7: {  	v22 =	vmul.f32 v43, v12;
	v17 =	vadd.f32 v61, v17;
	[tilespmem:$0x1FF20] =	vst v0;
	v0 =	vmul.f32 v52, v1;
	_ =	sdelay $0x1  }
0xf8: {  	v17 =	vadd.f32 v22, v17;
	v22 =	vmul.f32 v39, v49;
	[tilespmem:$0x1FF30] =	vst v0;
	v0 =	vmul.f32 v58, v21;
	_ =	sdelay $0x1  }
0xf9: {  	v16 =	vadd.f32 v22, v16;
	v22 =	vmul.f32 v39, v23;
	[tilespmem:$0x1FF40] =	vst v0;
	v0 =	vmul.f32 v58, v5  }
0xfa: {  	v23 =	vmul.f32 v39, v50  }
0xfb: {  	v17 =	vadd.f32 v22, v17;
	v22 =	vmul.f32 v37, v21;
	[tilespmem:$0x1FF50] =	vst v0;
	v0 =	vmul.f32 v41, v49  }
0xfc: {  	v18 =	vadd.f32 v23, v18;
	v23 =	vmul.f32 v37, v5  }
0xfd: {  	v16 =	vadd.f32 v22, v16;
	v22 =	vmul.f32 v37, v45;
	v37 =	vld [tilespmem:$0x1FED0];
	[tilespmem:$0x1FF60] =	vst v0;
	v0 =	vmul.f32 v41, v2  }
0xfe: {  	v19 =	vadd.f32 v23, v19;
	v23 =	vmul.f32 v8, v1;
	v1 =	vld [tilespmem:$0x1FF90]  }
0xff: {  	[tilespmem:$0x1FF70] =	vst v0;
	v0 =	vld [tilespmem:$0x1FF80];
	_ =	sdelay $0x2  }
0x100: {  	v22 =	vadd.f32 v22, v18;
	v61 =	vmul.f32 v8, v37  }
0x101: {  	v21 =	vadd.f32 v31, v16  }
0x102: {  	v16 =	vmul.f32 v59, v29;
	v29 =	vadd.f32 v61, v22;
	v22 =	vmul.f32 v1, v0;
	v0 =	vld [tilespmem:$0x1FFB0];
	_ =	sdelay $0x2  }
0x103: {  	v23 =	vadd.f32 v23, v19  }
0x104: {  	v43 =	vld [tilespmem:$0x1FEE0]  }
0x105: {  	v31 =	vadd.f32 v33, v23;
	v23 =	vmul.f32 v1, v0;
	v0 =	vld [tilespmem:$0x1FFC0];
	_ =	sdelay $0x3  }
0x106: {  	v60 =	vmul.f32 v8, v43;
	v17 =	vadd.f32 v30, v17  }
0x107: {  	v18 =	vmul.f32 v59, v24;
	v24 =	vmul.f32 v3, v0;
	v0 =	vimm.f32 $0.0e+00  }
0x108: {  	v20 =	vmul.f32 v7, v20;
	v30 =	vadd.f32 v60, v17;
	[tilespmem:$0x1FFD0] =	vst v0;
	v0 =	vimm.f32 $0.0e+00  }
0x109: {  	v17 =	vmul.f32 v13, v36;
	v19 =	vmul.f32 v7, v25;
	[tilespmem:$0x1FFE0] =	vst v0;
	v0 =	vimm.f32 $0.0e+00  }
0x10a: {  	s18 =	simm.s32 $0x10;
	v46 =	vmovc v41;
	v33 =	vld [tilespmem:$0x1FFA0];
	v25 =	vadd.f32 v32, v21;
	v21 =	vmul.f32 v13, v4;
	v5 =	vmov v1;
	[tilespmem:$0x1FFF0] =	vst v0  }
.LBB2_3:
0x10b: {  	v1 =	vld [tilespmem:$0x1FD60];
	_ =	sdelay $0x4  }
0x10c: {  	v25 =	vadd.f32 v1, v25;
	v1 =	vld [tilespmem:$0x1FD80];
	_ =	sdelay $0x2  }
0x10d: {  	v0 =	vld [tilespmem:$0x1FE40];
	_ =	sdelay $0x1  }
0x10e: {  	v31 =	vadd.f32 v1, v31;
	v1 =	vld [tilespmem:$0x1FD90];
	_ =	sdelay $0x2  }
0x10f: {  	v30 =	vadd.f32 v0, v30;
	v0 =	vld [tilespmem:$0x1FE70];
	_ =	sdelay $0x1  }
0x110: {  	v30 =	vadd.f32 v1, v30;
	v1 =	vld [tilespmem:$0x1FDB0];
	_ =	sdelay $0x2  }
0x111: {  	v29 =	vadd.f32 v0, v29  }
0x112: {  	v8 =	vld [tilespmem:$0x1FAD0]  }
0x113: {  	v29 =	vadd.f32 v1, v29;
	v1 =	vld [tilespmem:$0x1FA90];
	_ =	sdelay $0x4  }
0x114: {  	v35 =	vmul.f32 v8, v1;
	v1 =	vld [tilespmem:$0x1FC50];
	_ =	sdelay $0x2  }
0x115: {  	v2 =	vld [tilespmem:$0x1FBE0]  }
0x116: {  	v41 =	vld [tilespmem:$0x1FAF0]  }
0x117: {  	v31 =	vadd.f32 v1, v31;
	v1 =	vld [tilespmem:$0x1F9A0]  }
0x118: {  	v25 =	vadd.f32 v6, v25;
	_ =	sdelay $0x1  }
0x119: {  	v25 =	vadd.f32 v2, v25  }
0x11a: {  	v2 =	vld [tilespmem:$0x1FBF0]  }
0x11b: {  	v25 =	vadd.f32 v41, v25;
	v36 =	vmul.f32 v8, v1;
	v1 =	vld [tilespmem:$0x1FC80];
	_ =	sdelay $0x1  }
0x11c: {  	[tilespmem:$0x1F720] =	vst v25;
	v25 =	vld [tilespmem:$0x1FB00];
	_ =	sdelay $0x2  }
0x11d: {  	v31 =	vadd.f32 v2, v31;
	v30 =	vadd.f32 v1, v30;
	v1 =	vld [tilespmem:$0x1FCA0]  }
0x11e: {  	v4 =	vld [tilespmem:$0x1FC00]  }
0x11f: {  	v6 =	vld [tilespmem:$0x1FAE0];
	v25 =	vadd.f32 v25, v31  }
0x120: {  	v2 =	vld [tilespmem:$0x1F960]  }
0x121: {  	[tilespmem:$0x1F730] =	vst v25;
	v25 =	vld [tilespmem:$0x1F990]  }
0x122: {  	v29 =	vadd.f32 v1, v29;
	v1 =	vld [tilespmem:$0x1FA40]  }
0x123: {  	v30 =	vadd.f32 v4, v30;
	v4 =	vld [tilespmem:$0x1FC10];
	_ =	sdelay $0x3  }
0x124: {  	v2 =	vmul.f32 v6, v2;
	v1 =	vmul.f32 v6, v1  }
0x125: {  	v29 =	vadd.f32 v4, v29;
	v4 =	vmul.f32 v6, v47;
	v6 =	vmul.f32 v6, v25;
	v25 =	vld [tilespmem:$0x1FB30]  }
0x126: {  	v1 =	vadd.f32 v1, v9;
	v9 =	vld [tilespmem:$0x1FFD0];
	_ =	sdelay $0x3  }
0x127: {  	v25 =	vadd.f32 v25, v30  }
0x128: {  	v2 =	vadd.f32 v2, v9;
	v9 =	vld [tilespmem:$0x1FFE0]  }
0x129: {  	[tilespmem:$0x1F740] =	vst v25;
	v25 =	vld [tilespmem:$0x1FB60];
	_ =	sdelay $0x2  }
0x12a: {  	v0 =	vld [tilespmem:$0x1FAC0]  }
0x12b: {  	v4 =	vadd.f32 v4, v9;
	v9 =	vld [tilespmem:$0x1FFF0]  }
0x12c: {  	v25 =	vadd.f32 v25, v29;
	_ =	sdelay $0x1  }
0x12d: {  	[tilespmem:$0x1F750] =	vst v25;
	v25 =	vmul.f32 v8, v15  }
0x12e: {  	v28 =	vmul.f32 v8, v28;
	v54 =	vmul.f32 v0, v54  }
0x12f: {  	v29 =	vmul.f32 v0, v62;
	v4 =	vadd.f32 v25, v4;
	v6 =	vadd.f32 v6, v9  }
0x130: {  	v34 =	vmul.f32 v0, v10;
	v25 =	vmul.f32 v0, v53  }
0x131: {  	v0 =	vmul.f32 v3, v42;
	v4 =	vadd.f32 v29, v4;
	v6 =	vadd.f32 v28, v6  }
0x132: {  	v32 =	vmul.f32 v3, v33;
	v1 =	vadd.f32 v35, v1;
	v8 =	vmovc v5;
	v5 =	vmul.f32 v5, v55  }
0x133: {  	v3 =	vmul.f32 v3, v63;
	v0 =	vadd.f32 v0, v4;
	v6 =	vadd.f32 v25, v6  }
0x134: {  	v1 =	vadd.f32 v54, v1  }
0x135: {  	v0 =	vadd.f32 v5, v0;
	v3 =	vadd.f32 v3, v6;
	v6 =	vmul.f32 v13, v57  }
0x136: {  	v1 =	vadd.f32 v24, v1  }
0x137: {  	v2 =	vadd.f32 v36, v2;
	v5 =	vmul.f32 v7, v27;
	v0 =	vadd.f32 v6, v0  }
0x138: {  	v1 =	vadd.f32 v22, v1  }
0x139: {  	v2 =	vadd.f32 v34, v2;
	v6 =	vmul.f32 v59, v12;
	v0 =	vadd.f32 v5, v0  }
0x13a: {  	v1 =	vadd.f32 v17, v1  }
0x13b: {  	v2 =	vadd.f32 v32, v2;
	v0 =	vadd.f32 v6, v0;
	v6 =	vld [tilespmem:$0x1FF60]  }
0x13c: {  	v1 =	vadd.f32 v19, v1  }
0x13d: {  	v2 =	vadd.f32 v23, v2;
	v5 =	vld [tilespmem:$0x1FCC0]  }
0x13e: {  	v1 =	vadd.f32 v16, v1  }
0x13f: {  	v2 =	vadd.f32 v21, v2  }
0x140: {  	v1 =	vadd.f32 v6, v1;
	v6 =	vld [tilespmem:$0x1FF70]  }
0x141: {  	v2 =	vadd.f32 v20, v2  }
0x142: {  	v5 =	vmul.f32 v46, v5  }
0x143: {  	v2 =	vadd.f32 v18, v2  }
0x144: {  	v0 =	vadd.f32 v5, v0;
	v5 =	vld [tilespmem:$0x1FF40]  }
0x145: {  	v2 =	vadd.f32 v6, v2;
	v6 =	vld [tilespmem:$0x1FE90];
	_ =	sdelay $0x3  }
0x146: {  	v1 =	vadd.f32 v5, v1;
	v5 =	vld [tilespmem:$0x1FF50]  }
0x147: {  	v6 =	vmul.f32 v58, v6  }
0x148: {  	v4 =	vmul.f32 v8, v56  }
0x149: {  	v0 =	vadd.f32 v6, v0;
	v6 =	vld [tilespmem:$0x1FF20]  }
0x14a: {  	v3 =	vadd.f32 v4, v3  }
0x14b: {  	v4 =	vmul.f32 v13, v14;
	v2 =	vadd.f32 v5, v2;
	v5 =	vmul.f32 v52, v43;
	_ =	sdelay $0x1  }
0x14c: {  	v3 =	vadd.f32 v4, v3;
	v4 =	vmul.f32 v7, v26;
	v0 =	vadd.f32 v5, v0;
	v5 =	vld [tilespmem:$0x1FE80]  }
0x14d: {  	v1 =	vadd.f32 v6, v1;
	v6 =	vld [tilespmem:$0x1FF30]  }
0x14e: {  	v3 =	vadd.f32 v4, v3;
	v4 =	vmul.f32 v59, v48;
	_ =	sdelay $0x1  }
0x14f: {  	v3 =	vadd.f32 v4, v3;
	v4 =	vmul.f32 v46, v50  }
0x150: {  	v1 =	vadd.f32 v5, v1;
	v5 =	vld [tilespmem:$0x1FEA0]  }
0x151: {  	v3 =	vadd.f32 v4, v3;
	v4 =	vmul.f32 v58, v45;
	v2 =	vadd.f32 v6, v2;
	v6 =	vld [tilespmem:$0x1FE00];
	_ =	sdelay $0x1  }
0x152: {  	v3 =	vadd.f32 v4, v3;
	v4 =	vmul.f32 v52, v37;
	_ =	sdelay $0x1  }
0x153: {  	v3 =	vadd.f32 v4, v3;
	v4 =	vmul.f32 v51, v38;
	v2 =	vadd.f32 v5, v2;
	v5 =	vld [tilespmem:$0x1FD40]  }
0x154: {  	v6 =	vmul.f32 v51, v6  }
0x155: {  	v3 =	vadd.f32 v4, v3;
	v4 =	vld [tilespmem:$0x1FDA0]  }
0x156: {  	v0 =	vadd.f32 v6, v0;
	v6 =	vld [tilespmem:$0x1FDD0];
	_ =	sdelay $0x1  }
0x157: {  	v5 =	vmul.f32 v44, v5;
	_ =	sdelay $0x1  }
0x158: {  	v0 =	vadd.f32 v5, v0;
	v5 =	vld [tilespmem:$0x1FCB0]  }
0x159: {  	v4 =	vmul.f32 v44, v4;
	v1 =	vadd.f32 v6, v1;
	v6 =	vld [tilespmem:$0x1FDF0]  }
0x15a: {  	v7 =	vld [tilespmem:$0x1FCE0]  }
0x15b: {  	v3 =	vadd.f32 v4, v3;
	v4 =	vld [tilespmem:$0x1FA10];
	_ =	sdelay $0x1  }
0x15c: {  	v1 =	vadd.f32 v5, v1;
	v5 =	vld [tilespmem:$0x1FCF0]  }
0x15d: {  	v2 =	vadd.f32 v6, v2;
	v6 =	vld [tilespmem:$0x1FC70];
	_ =	sdelay $0x1  }
0x15e: {  	v4 =	vmul.f32 v7, v4;
	_ =	sdelay $0x1  }
0x15f: {  	v3 =	vadd.f32 v4, v3;
	v4 =	vld [tilespmem:$0x1FA30]  }
0x160: {  	v2 =	vadd.f32 v5, v2;
	v5 =	vld [tilespmem:$0x1FA20];
	v6 =	vmul.f32 v7, v6  }
0x161: {  	v7 =	vld [tilespmem:$0x1FC40]  }
0x162: {  	v0 =	vadd.f32 v6, v0;
	v6 =	vld [tilespmem:$0x1FC30];
	_ =	sdelay $0x3  }
0x163: {  	v5 =	vmul.f32 v7, v5;
	v4 =	vmul.f32 v7, v4;
	v7 =	vld [tilespmem:$0x1FBB0]  }
0x164: {  	v1 =	vadd.f32 v6, v1;
	v6 =	vld [tilespmem:$0x1FB20];
	_ =	sdelay $0x1  }
0x165: {  	s17 =	sadd.s32 $0x40, s17;
	v3 =	vadd.f32 v4, v3;
	v4 =	vld [tilespmem:$0x1FB50]  }
0x166: {  	s19 =	sand.u32 $0x70, s18;
	s20 =	sand.u32 $0x600, s17  }
0x167: {  	s19 =	sor.u32 s19, s20  }
0x168: {  	v47 =	vld [tilespmem:s19+$0x10180];
	v0 =	vadd.f32 v5, v0;
	v6 =	vmul.f32 v7, v6  }
0x169: {  	v21 =	vld [tilespmem:s19+$0x10000]  }
0x16a: {  	v59 =	vld [tilespmem:s19+$0x10080];
	v4 =	vmul.f32 v7, v4;
	v0 =	vadd.f32 v6, v0  }
0x16b: {  	v46 =	vld [tilespmem:s19+$0x10100]  }
0x16c: {  	v7 =	vld [tilespmem:$0x1FBA0];
	[tilespmem:$0x1FFE0] =	vst v0;
	v0 =	vadd.f32 v4, v3;
	_ =	sdelay $0x1  }
0x16d: {  	[tilespmem:$0x1FFF0] =	vst v0;
	v0 =	vimm.s32 $0xE  }
0x16e: {  	v53 =	vperm.xlane v21, v0;
	v44 =	vperm.xlane v59, v0  }
0x16f: {  	v43 =	vperm.xlane v46, v0;
	v29 =	vperm.xlane v47, v0;
	v0 =	vimm.s32 $0xD  }
0x170: {  	v1 =	vadd.f32 v7, v1;
	v42 =	vperm.xlane v21, v0;
	v38 =	vperm.xlane v59, v0  }
0x171: {  	v37 =	vperm.xlane v46, v0;
	v30 =	vperm.xlane v47, v0;
	v0 =	vimm.s32 $0xC  }
0x172: {  	v36 =	vperm.xlane v21, v0;
	v35 =	vperm.xlane v59, v0  }
0x173: {  	[tilespmem:$0x1F770] =	vst v1;
	v1 =	vld [tilespmem:$0x1FBC0];
	v34 =	vperm.xlane v46, v0;
	v23 =	vperm.xlane v47, v0;
	v0 =	vimm.s32 $0xB  }
0x174: {  	v20 =	vperm.xlane v21, v0;
	v19 =	vperm.xlane v59, v0  }
0x175: {  	v17 =	vperm.xlane v46, v0;
	v24 =	vperm.xlane v47, v0;
	v0 =	vimm.s32 $0xA  }
0x176: {  	v2 =	vadd.f32 v11, v2;
	v14 =	vperm.xlane v21, v0;
	v12 =	vperm.xlane v59, v0  }
0x177: {  	v10 =	vperm.xlane v46, v0;
	v25 =	vperm.xlane v47, v0;
	v0 =	vimm.s32 $0x9  }
0x178: {  	v1 =	vadd.f32 v1, v2;
	v7 =	vperm.xlane v21, v0;
	v6 =	vperm.xlane v59, v0  }
0x179: {  	v4 =	vperm.xlane v46, v0;
	v26 =	vperm.xlane v47, v0;
	v2 =	vimm.s32 $0x8  }
0x17a: {  	v11 =	vperm.xlane v21, v2;
	v0 =	vperm.xlane v46, v2  }
0x17b: {  	v27 =	vperm.xlane v47, v2;
	[tilespmem:$0x1FFD0] =	vst v1;
	v1 =	vperm.xlane v59, v2;
	v2 =	vimm.s32 $0x7  }
0x17c: {  	v3 =	vperm.xlane v59, v2  }
0x17d: {  	v31 =	vperm.xlane v21, v2  }
0x17e: {  	[tilespmem:$0x1F260] =	vst v3;
	v3 =	vperm.xlane v46, v2;
	v2 =	vperm.xlane v47, v2;
	_ =	sdelay $0x1  }
0x17f: {  	[tilespmem:$0x1F490] =	vst v2;
	v2 =	vimm.s32 $0x6  }
0x180: {  	[tilespmem:$0x1F4A0] =	vst v3;
	v3 =	vperm.xlane v59, v2  }
0x181: {  	v61 =	vperm.xlane v21, v2  }
0x182: {  	[tilespmem:$0x1F270] =	vst v3;
	v3 =	vperm.xlane v46, v2;
	v2 =	vperm.xlane v47, v2;
	_ =	sdelay $0x1  }
0x183: {  	[tilespmem:$0x1F790] =	vst v2;
	v2 =	vimm.s32 $0x5  }
0x184: {  	[tilespmem:$0x1F4B0] =	vst v3;
	v3 =	vperm.xlane v59, v2  }
0x185: {  	v41 =	vperm.xlane v21, v2  }
0x186: {  	[tilespmem:$0x1F280] =	vst v3;
	v3 =	vperm.xlane v46, v2;
	v2 =	vperm.xlane v47, v2;
	_ =	sdelay $0x1  }
0x187: {  	[tilespmem:$0x1F760] =	vst v2;
	v2 =	vimm.s32 $0x4  }
0x188: {  	[tilespmem:$0x1F500] =	vst v3;
	v3 =	vperm.xlane v59, v2  }
0x189: {  	v48 =	vperm.xlane v21, v2  }
0x18a: {  	[tilespmem:$0x1F2D0] =	vst v3;
	v3 =	vperm.xlane v46, v2;
	v2 =	vperm.xlane v47, v2;
	_ =	sdelay $0x1  }
0x18b: {  	[tilespmem:$0x1FF90] =	vst v2;
	v2 =	vimm.s32 $0x3  }
0x18c: {  	[tilespmem:$0x1F550] =	vst v3;
	v3 =	vperm.xlane v59, v2  }
0x18d: {  	v16 =	vperm.xlane v21, v2  }
0x18e: {  	[tilespmem:$0x1F320] =	vst v3;
	v3 =	vperm.xlane v46, v2;
	v2 =	vperm.xlane v47, v2;
	_ =	sdelay $0x1  }
0x18f: {  	[tilespmem:$0x1F8C0] =	vst v2;
	v2 =	vimm.s32 $0x2  }
0x190: {  	[tilespmem:$0x1F5A0] =	vst v3;
	v3 =	vperm.xlane v59, v2  }
0x191: {  	v13 =	vperm.xlane v21, v2  }
0x192: {  	[tilespmem:$0x1F370] =	vst v3;
	v3 =	vperm.xlane v46, v2;
	v2 =	vperm.xlane v47, v2  }
0x193: {  	v5 =	vimm.s32 $0xF  }
0x194: {  	v50 =	vperm.xlane v21, v5;
	v51 =	vperm.xlane v59, v5;
	[tilespmem:$0x1FAC0] =	vst v2;
	v2 =	vimm.s32 $0x1  }
0x195: {  	v52 =	vperm.xlane v46, v5;
	[tilespmem:$0x1F5F0] =	vst v3;
	v3 =	vperm.xlane v59, v2  }
0x196: {  	v28 =	vperm.xlane v47, v5;
	v5 =	vperm.xlane v21, v2  }
0x197: {  	s16 =	sadd.s32 $0x800, s16;
	[tilespmem:$0x1F3C0] =	vst v3;
	v3 =	vperm.xlane v46, v2;
	v2 =	vperm.xlane v47, v2  }
0x198: {  	v60 =	vld [tilespmem:s16+$0x380];
	v9 =	vimm.s32 $0x0  }
0x199: {  	[tilespmem:$0x1FAD0] =	vst v2;
	v2 =	vperm.xlane v46, v9  }
0x19a: {  	v62 =	vld [tilespmem:s16+$0x390]  }
0x19b: {  	[tilespmem:$0x1F690] =	vst v2;
	v2 =	vperm.xlane v47, v9  }
0x19c: {  	v15 =	vld [tilespmem:s16+$0x3A0]  }
0x19d: {  	[tilespmem:$0x1FAE0] =	vst v2;
	v2 =	vmul.f32 v50, v60  }
0x19e: {  	v18 =	vld [tilespmem:s16+$0x3B0]  }
0x19f: {  	[tilespmem:$0x1F450] =	vst v2;
	v2 =	vmul.f32 v50, v62;
	_ =	sdelay $0x1  }
0x1a0: {  	[tilespmem:$0x1F460] =	vst v2;
	v2 =	vmul.f32 v50, v15;
	_ =	sdelay $0x1  }
0x1a1: {  	[tilespmem:$0x1F470] =	vst v2;
	v2 =	vmul.f32 v50, v18;
	_ =	sdelay $0x1  }
0x1a2: {  	[tilespmem:$0x1F480] =	vst v2;
	v2 =	vmul.f32 v51, v60;
	_ =	sdelay $0x1  }
0x1a3: {  	v8 =	vld [tilespmem:s16+$0x330];
	[tilespmem:$0x1F6E0] =	vst v2;
	v2 =	vmul.f32 v51, v62;
	_ =	sdelay $0x1  }
0x1a4: {  	[tilespmem:$0x1F6F0] =	vst v2;
	v2 =	vmul.f32 v51, v15;
	_ =	sdelay $0x1  }
0x1a5: {  	[tilespmem:$0x1F700] =	vst v2;
	v2 =	vmul.f32 v51, v18  }
0x1a6: {  	[tilespmem:$0x1FA30] =	vst v8  }
0x1a7: {  	[tilespmem:$0x1F710] =	vst v2;
	v2 =	vmul.f32 v52, v60  }
0x1a8: {  	[tilespmem:$0x1FB20] =	vst v15  }
0x1a9: {  	[tilespmem:$0x1FAF0] =	vst v2;
	v2 =	vmul.f32 v52, v62  }
0x1aa: {  	v63 =	vld [tilespmem:s16+$0x300];
	v59 =	vperm.xlane v59, v9;
	[tilespmem:$0x1F640] =	vst v3  }
0x1ab: {  	v3 =	vperm.xlane v21, v9;
	v9 =	vld [tilespmem:s16+$0x320];
	[tilespmem:$0x1FB00] =	vst v2;
	v2 =	vmul.f32 v52, v15  }
0x1ac: {  	[tilespmem:$0x1FB50] =	vst v18  }
0x1ad: {  	v32 =	vld [tilespmem:s16+$0x310];
	[tilespmem:$0x1FB30] =	vst v2;
	v2 =	vmul.f32 v52, v18  }
0x1ae: {  	[tilespmem:$0x1FC40] =	vst v29  }
0x1af: {  	[tilespmem:$0x1FB60] =	vst v2;
	v2 =	vmul.f32 v28, v60  }
0x1b0: {  	[tilespmem:$0x1FA20] =	vst v9;
	v15 =	vmul.f32 v44, v63  }
0x1b1: {  	[tilespmem:$0x1FBA0] =	vst v2;
	v2 =	vmul.f32 v28, v62  }
0x1b2: {  	[tilespmem:$0x1F6A0] =	vst v15;
	v15 =	vmul.f32 v44, v32  }
0x1b3: {  	[tilespmem:$0x1FBC0] =	vst v2;
	v2 =	vmul.f32 v53, v63  }
0x1b4: {  	v18 =	vmul.f32 v44, v9;
	[tilespmem:$0x1F6B0] =	vst v15  }
0x1b5: {  	[tilespmem:$0x1F410] =	vst v2;
	v2 =	vmul.f32 v53, v32  }
0x1b6: {  	[tilespmem:$0x1F6C0] =	vst v18;
	v18 =	vmul.f32 v44, v8  }
0x1b7: {  	[tilespmem:$0x1F420] =	vst v2;
	v2 =	vmul.f32 v53, v9  }
0x1b8: {  	[tilespmem:$0x1F6D0] =	vst v18;
	v18 =	vmul.f32 v43, v63  }
0x1b9: {  	v15 =	vld [tilespmem:s16+$0x2B0];
	[tilespmem:$0x1F430] =	vst v2;
	v2 =	vmul.f32 v53, v8;
	v8 =	vmul.f32 v43, v8  }
0x1ba: {  	v33 =	vld [tilespmem:s16+$0x280];
	[tilespmem:$0x1FBE0] =	vst v18  }
0x1bb: {  	[tilespmem:$0x1FC10] =	vst v8;
	v8 =	vmul.f32 v29, v63  }
0x1bc: {  	v39 =	vld [tilespmem:s16+$0x290];
	[tilespmem:$0x1F440] =	vst v2  }
0x1bd: {  	v2 =	vld [tilespmem:s16+$0x2A0];
	[tilespmem:$0x1FC30] =	vst v8;
	v8 =	vmul.f32 v29, v32  }
0x1be: {  	v18 =	vmul.f32 v43, v32;
	[tilespmem:$0x1FA10] =	vst v15  }
0x1bf: {  	[tilespmem:$0x1F830] =	vst v8;
	v8 =	vmul.f32 v42, v33  }
0x1c0: {  	[tilespmem:$0x1FBF0] =	vst v18  }
0x1c1: {  	[tilespmem:$0x1F3D0] =	vst v8;
	v8 =	vmul.f32 v42, v39  }
0x1c2: {  	v9 =	vmul.f32 v43, v9;
	[tilespmem:$0x1FC70] =	vst v2;
	v18 =	vmul.f32 v38, v2  }
0x1c3: {  	[tilespmem:$0x1F3E0] =	vst v8;
	v8 =	vmul.f32 v42, v2;
	v2 =	vmul.f32 v37, v2  }
0x1c4: {  	[tilespmem:$0x1FC00] =	vst v9;
	v9 =	vmul.f32 v38, v33  }
0x1c5: {  	[tilespmem:$0x1FC80] =	vst v2;
	v2 =	vmul.f32 v37, v15  }
0x1c6: {  	v54 =	vld [tilespmem:s16+$0x200];
	[tilespmem:$0x1F650] =	vst v9  }
0x1c7: {  	[tilespmem:$0x1FCA0] =	vst v2;
	v2 =	vmul.f32 v30, v33  }
0x1c8: {  	v55 =	vld [tilespmem:s16+$0x210];
	[tilespmem:$0x1F3F0] =	vst v8;
	v8 =	vmul.f32 v42, v15  }
0x1c9: {  	[tilespmem:$0x1FCB0] =	vst v2;
	v2 =	vmul.f32 v30, v39  }
0x1ca: {  	v9 =	vmul.f32 v38, v39;
	[tilespmem:$0x1F400] =	vst v8;
	v8 =	vld [tilespmem:s16+$0x220]  }
0x1cb: {  	[tilespmem:$0x1FCF0] =	vst v2;
	v2 =	vmul.f32 v36, v54  }
0x1cc: {  	[tilespmem:$0x1F660] =	vst v9;
	v9 =	vld [tilespmem:s16+$0x230]  }
0x1cd: {  	[tilespmem:$0x1F380] =	vst v2;
	v2 =	vmul.f32 v36, v55  }
0x1ce: {  	[tilespmem:$0x1F670] =	vst v18;
	v18 =	vmul.f32 v38, v15  }
0x1cf: {  	[tilespmem:$0x1F390] =	vst v2;
	v2 =	vmul.f32 v36, v8  }
0x1d0: {  	[tilespmem:$0x1F680] =	vst v18;
	v18 =	vmul.f32 v37, v33  }
0x1d1: {  	[tilespmem:$0x1F3A0] =	vst v2;
	v2 =	vmul.f32 v36, v9  }
0x1d2: {  	v15 =	vmul.f32 v35, v54;
	[tilespmem:$0x1F780] =	vst v18  }
0x1d3: {  	v18 =	vmul.f32 v37, v39;
	[tilespmem:$0x1F3B0] =	vst v2;
	v2 =	vld [tilespmem:s16+$0x1A0]  }
0x1d4: {  	[tilespmem:$0x1F600] =	vst v15;
	v15 =	vmul.f32 v35, v55  }
0x1d5: {  	[tilespmem:$0x1FC50] =	vst v18;
	v18 =	vld [tilespmem:s16+$0x1B0]  }
0x1d6: {  	[tilespmem:$0x1F610] =	vst v15;
	v15 =	vmul.f32 v35, v8  }
0x1d7: {  	v56 =	vld [tilespmem:s16+$0x180];
	[tilespmem:$0x1FDA0] =	vst v9;
	v29 =	vmul.f32 v34, v9  }
0x1d8: {  	[tilespmem:$0x1F620] =	vst v15;
	v15 =	vmul.f32 v35, v9;
	v9 =	vmul.f32 v20, v2  }
0x1d9: {  	v57 =	vld [tilespmem:s16+$0x190];
	[tilespmem:$0x1FCE0] =	vst v30;
	v22 =	vmul.f32 v23, v55  }
0x1da: {  	[tilespmem:$0x1F350] =	vst v9;
	v9 =	vmul.f32 v20, v18  }
0x1db: {  	[tilespmem:$0x1FDF0] =	vst v22  }
0x1dc: {  	[tilespmem:$0x1F360] =	vst v9;
	v9 =	vmul.f32 v19, v56  }
0x1dd: {  	[tilespmem:$0x1FD40] =	vst v8  }
0x1de: {  	[tilespmem:$0x1F5B0] =	vst v9;
	v9 =	vmul.f32 v19, v57  }
0x1df: {  	[tilespmem:$0x1F630] =	vst v15;
	v15 =	vmul.f32 v34, v54  }
0x1e0: {  	[tilespmem:$0x1F5C0] =	vst v9;
	v9 =	vmul.f32 v19, v2  }
0x1e1: {  	v30 =	vmul.f32 v34, v8;
	v8 =	vmov v18;
	[tilespmem:$0x1FD60] =	vst v15;
	v15 =	vmul.f32 v34, v55  }
0x1e2: {  	[tilespmem:$0x1F5D0] =	vst v9;
	v9 =	vmul.f32 v19, v8  }
0x1e3: {  	v60 =	vld [tilespmem:s16+$0x110];
	[tilespmem:$0x1FD80] =	vst v15;
	v15 =	vmul.f32 v20, v57  }
0x1e4: {  	[tilespmem:$0x1F5E0] =	vst v9;
	v9 =	vmul.f32 v17, v56  }
0x1e5: {  	[tilespmem:$0x1F340] =	vst v15;
	v15 =	vld [tilespmem:s16+$0x120]  }
0x1e6: {  	v58 =	vld [tilespmem:s16+$0x100];
	[tilespmem:$0x1F8F0] =	vst v9;
	v9 =	vmul.f32 v17, v57  }
0x1e7: {  	v21 =	vmul.f32 v20, v56;
	[tilespmem:$0x1FE60] =	vst v18;
	v18 =	vld [tilespmem:s16+$0x130]  }
0x1e8: {  	[tilespmem:$0x1F900] =	vst v9;
	v9 =	vmul.f32 v14, v60  }
0x1e9: {  	[tilespmem:$0x1F330] =	vst v21  }
0x1ea: {  	v21 =	vmul.f32 v17, v8;
	[tilespmem:$0x1F2F0] =	vst v9;
	v9 =	vmul.f32 v14, v15  }
0x1eb: {  	[tilespmem:$0x1FE00] =	vst v2;
	v22 =	vmul.f32 v17, v2;
	v17 =	vmul.f32 v14, v58  }
0x1ec: {  	[tilespmem:$0x1F300] =	vst v9;
	v9 =	vmul.f32 v14, v18  }
0x1ed: {  	[tilespmem:$0x1F2E0] =	vst v17;
	v17 =	vmul.f32 v10, v58  }
0x1ee: {  	[tilespmem:$0x1F310] =	vst v9;
	v9 =	vmul.f32 v12, v58  }
0x1ef: {  	[tilespmem:$0x1F870] =	vst v17;
	v17 =	vmul.f32 v10, v60  }
0x1f0: {  	v2 =	vmov v15;
	[tilespmem:$0x1F560] =	vst v9;
	v9 =	vmul.f32 v12, v60  }
0x1f1: {  	[tilespmem:$0x1F880] =	vst v17;
	v17 =	vmul.f32 v10, v2  }
0x1f2: {  	[tilespmem:$0x1F570] =	vst v9;
	v9 =	vmul.f32 v12, v2;
	v2 =	vmul.f32 v10, v18  }
0x1f3: {  	v62 =	vld [tilespmem:s16+$0x80]  }
0x1f4: {  	[tilespmem:$0x1F8D0] =	vst v2;
	v2 =	vmul.f32 v25, v58  }
0x1f5: {  	v63 =	vld [tilespmem:s16+$0x90]  }
0x1f6: {  	[tilespmem:$0x1FF20] =	vst v2;
	v2 =	vmul.f32 v25, v60  }
0x1f7: {  	v8 =	vld [tilespmem:s16+$0xA0]  }
0x1f8: {  	[tilespmem:$0x1FF30] =	vst v2;
	v2 =	vmul.f32 v7, v62  }
0x1f9: {  	[tilespmem:$0x1FEE0] =	vst v15;
	v15 =	vld [tilespmem:s16+$0xB0]  }
0x1fa: {  	[tilespmem:$0x1F290] =	vst v2;
	v2 =	vmul.f32 v7, v63;
	_ =	sdelay $0x1  }
0x1fb: {  	[tilespmem:$0x1F2A0] =	vst v2;
	v2 =	vmul.f32 v7, v8;
	_ =	sdelay $0x1  }
0x1fc: {  	[tilespmem:$0x1F2B0] =	vst v2;
	v2 =	vmul.f32 v7, v15;
	_ =	sdelay $0x1  }
0x1fd: {  	[tilespmem:$0x1F2C0] =	vst v2;
	v2 =	vmul.f32 v6, v62;
	_ =	sdelay $0x1  }
0x1fe: {  	[tilespmem:$0x1F510] =	vst v2;
	v2 =	vmul.f32 v6, v63;
	_ =	sdelay $0x1  }
0x1ff: {  	[tilespmem:$0x1F520] =	vst v2;
	v2 =	vmul.f32 v6, v8;
	_ =	sdelay $0x1  }
0x200: {  	[tilespmem:$0x1F530] =	vst v2;
	v2 =	vmul.f32 v6, v15;
	_ =	sdelay $0x1  }
0x201: {  	[tilespmem:$0x1F540] =	vst v2;
	v2 =	vmul.f32 v4, v62;
	_ =	sdelay $0x1  }
0x202: {  	[tilespmem:$0x1F7E0] =	vst v2;
	v2 =	vmul.f32 v4, v63;
	_ =	sdelay $0x1  }
0x203: {  	[tilespmem:$0x1F7F0] =	vst v2;
	v2 =	vmul.f32 v4, v8  }
0x204: {  	v19 =	vmul.f32 v24, v57  }
0x205: {  	[tilespmem:$0x1F810] =	vst v2;
	v2 =	vmul.f32 v4, v15  }
0x206: {  	[tilespmem:$0x1FEA0] =	vst v19;
	v14 =	vld [tilespmem:s16+$0x0]  }
0x207: {  	[tilespmem:$0x1F820] =	vst v2;
	v2 =	vmul.f32 v26, v62  }
0x208: {  	[tilespmem:$0x1F580] =	vst v9;
	v9 =	vmul.f32 v12, v18;
	v12 =	vld [tilespmem:s16+$0x10]  }
0x209: {  	v19 =	vld [tilespmem:s16+$0x20];
	[tilespmem:$0x1FF40] =	vst v2;
	v2 =	vmul.f32 v26, v63  }
0x20a: {  	[tilespmem:$0x1F590] =	vst v9;
	v9 =	vld [tilespmem:s16+$0x30]  }
0x20b: {  	[tilespmem:$0x1FF50] =	vst v2;
	v2 =	vmul.f32 v1, v14  }
0x20c: {  	v40 =	vld [tilespmem:s16+$0xFFFFFE00]  }
0x20d: {  	v46 =	vld [tilespmem:s16+$0xFFFFFCA0];
	[tilespmem:$0x1F4C0] =	vst v2;
	v2 =	vmul.f32 v1, v12  }
0x20e: {  	v47 =	vld [tilespmem:s16+$0xFFFFFC10]  }
0x20f: {  	v51 =	vld [tilespmem:s16+$0xFFFFFE10];
	[tilespmem:$0x1F4D0] =	vst v2;
	v2 =	vmul.f32 v1, v19;
	v1 =	vmul.f32 v1, v9  }
0x210: {  	[tilespmem:$0x1FBB0] =	vst v28;
	v43 =	vld [tilespmem:s16+$0xFFFFFCB0]  }
0x211: {  	v53 =	vld [tilespmem:s16+$0xFFFFFD30];
	[tilespmem:$0x1F4F0] =	vst v1;
	v1 =	vmul.f32 v0, v14  }
0x212: {  	v28 =	vmul.f32 v23, v54;
	[tilespmem:$0x1FDB0] =	vst v29;
	v29 =	vld [tilespmem:s16+$0xFFFFFC00]  }
0x213: {  	v39 =	vld [tilespmem:$0x1F970];
	[tilespmem:$0x1F7A0] =	vst v1;
	v1 =	vmul.f32 v0, v12  }
0x214: {  	[tilespmem:$0x1FDD0] =	vst v28;
	v36 =	vld [tilespmem:s16+$0xFFFFFC30]  }
0x215: {  	v34 =	vld [tilespmem:$0x1F950];
	[tilespmem:$0x1F7B0] =	vst v1;
	v1 =	vmul.f32 v0, v19  }
0x216: {  	[tilespmem:$0x1FE40] =	vst v22;
	v22 =	vld [tilespmem:s16+$0xFFFFFC20]  }
0x217: {  	v28 =	vmul.f32 v3, v29;
	[tilespmem:$0x1F7C0] =	vst v1;
	v1 =	vld [tilespmem:$0x1F930]  }
0x218: {  	[tilespmem:$0x1F8A0] =	vst v25;
	v54 =	vmul.f32 v11, v19;
	v10 =	vld [tilespmem:s16+$0xFFFFFF80];
	v0 =	vmul.f32 v0, v9  }
0x219: {  	[tilespmem:$0x1FD90] =	vst v30;
	v30 =	vmul.f32 v11, v14;
	v25 =	vld [tilespmem:s16+$0xFFFFFC80];
	v49 =	vmul.f32 v11, v12  }
0x21a: {  	v37 =	vmul.f32 v11, v9;
	v11 =	vld [tilespmem:s16+$0xFFFFFD00];
	[tilespmem:$0x1F7D0] =	vst v0;
	v0 =	vmul.f32 v27, v14  }
0x21b: {  	[tilespmem:$0x1F840] =	vst v24;
	v62 =	vld [tilespmem:s16+$0xFFFFFC90]  }
0x21c: {  	[tilespmem:$0x1FF60] =	vst v0;
	v0 =	vmul.f32 v27, v12;
	v28 =	vadd.f32 v28, v1;
	v1 =	vld [tilespmem:$0x1F940]  }
0x21d: {  	[tilespmem:$0x1F800] =	vst v26;
	v32 =	vmul.f32 v3, v47;
	v20 =	vmul.f32 v24, v56;
	v60 =	vld [tilespmem:s16+$0xFFFFFD10]  }
0x21e: {  	v38 =	vld [tilespmem:s16+$0xFFFFFD80];
	[tilespmem:$0x1FF70] =	vst v0;
	v0 =	vmul.f32 v3, v22;
	v3 =	vmul.f32 v3, v36  }
0x21f: {  	v33 =	vld [tilespmem:s16+$0xFFFFFD90];
	[tilespmem:$0x1F9F0] =	vst v15;
	v57 =	vmul.f32 v5, v25;
	v15 =	vmul.f32 v13, v11  }
0x220: {  	[tilespmem:$0x1F850] =	vst v27;
	v24 =	vld [tilespmem:s16+$0xFFFFFDB0];
	v27 =	vmul.f32 v5, v62;
	v0 =	vadd.f32 v0, v34;
	v3 =	vadd.f32 v3, v39  }
0x221: {  	v55 =	vld [tilespmem:s16+$0xFFFFFE20];
	[tilespmem:$0x1FE90] =	vst v8;
	v45 =	vadd.f32 v32, v1;
	v1 =	vmul.f32 v5, v46;
	v5 =	vmul.f32 v5, v43  }
0x222: {  	v56 =	vld [tilespmem:s16+$0xFFFFFE30];
	[tilespmem:$0x1FCC0] =	vst v19;
	v26 =	vmul.f32 v13, v60;
	v19 =	vmul.f32 v31, v10  }
0x223: {  	[tilespmem:$0x1F9E0] =	vst v9;
	v63 =	vld [tilespmem:s16+$0xFFFFFDA0];
	v0 =	vadd.f32 v1, v0;
	v1 =	vadd.f32 v5, v3;
	v3 =	vmul.f32 v13, v53  }
0x224: {  	v8 =	vmovc v10;
	v9 =	vmul.f32 v48, v51;
	v10 =	vmul.f32 v16, v33;
	v34 =	vld [tilespmem:s16+$0xFFFFFEB0];
	v28 =	vadd.f32 v57, v28  }
0x225: {  	[tilespmem:$0x1F860] =	vst v23;
	v23 =	vld [tilespmem:s16+$0xFFFFFE80];
	v27 =	vadd.f32 v27, v45;
	v1 =	vadd.f32 v3, v1;
	v3 =	vmul.f32 v16, v24  }
0x226: {  	v14 =	vmul.f32 v48, v40;
	v12 =	vmul.f32 v16, v38;
	v32 =	vld [tilespmem:s16+$0xFFFFFF30];
	v5 =	vadd.f32 v15, v28  }
0x227: {  	v44 =	vld [tilespmem:s16+$0xFFFFFF00];
	v15 =	vadd.f32 v26, v27;
	v1 =	vadd.f32 v3, v1;
	v3 =	vmul.f32 v48, v56  }
0x228: {  	v26 =	vmul.f32 v16, v63;
	v5 =	vadd.f32 v12, v5;
	v16 =	vmul.f32 v48, v55;
	v48 =	vld [tilespmem:s16+$0xFFFFFFB0]  }
0x229: {  	v35 =	vld [tilespmem:s16+$0xFFFFFD20];
	v1 =	vadd.f32 v3, v1;
	v3 =	vmul.f32 v41, v34  }
0x22a: {  	[tilespmem:$0x1FE80] =	vst v20;
	v20 =	vld [tilespmem:s16+$0xFFFFFE90];
	v6 =	vmul.f32 v41, v23;
	v5 =	vadd.f32 v14, v5  }
0x22b: {  	v1 =	vadd.f32 v3, v1;
	v3 =	vmul.f32 v61, v32  }
0x22c: {  	v50 =	vld [tilespmem:s16+$0xFFFFFF10];
	[tilespmem:$0x1F4E0] =	vst v2;
	v2 =	vmul.f32 v61, v44;
	v5 =	vadd.f32 v6, v5  }
0x22d: {  	[tilespmem:$0x1F8B0] =	vst v17;
	v17 =	vld [tilespmem:s16+$0xFFFFFF90];
	v15 =	vadd.f32 v10, v15;
	v1 =	vadd.f32 v3, v1;
	v3 =	vmul.f32 v31, v48  }
0x22e: {  	v52 =	vmul.f32 v13, v35;
	v57 =	vld [tilespmem:s16+$0xFFFFFEA0];
	v2 =	vadd.f32 v2, v5  }
0x22f: {  	v7 =	vmul.f32 v41, v20;
	v9 =	vadd.f32 v9, v15;
	v1 =	vadd.f32 v3, v1;
	v3 =	vld [tilespmem:$0x1F290]  }
0x230: {  	v0 =	vadd.f32 v52, v0;
	v2 =	vadd.f32 v19, v2  }
0x231: {  	v4 =	vmul.f32 v61, v50;
	v45 =	vld [tilespmem:s16+$0xFFFFFF20];
	v6 =	vadd.f32 v7, v9  }
0x232: {  	v0 =	vadd.f32 v26, v0;
	v2 =	vadd.f32 v30, v2  }
0x233: {  	[tilespmem:$0x1FED0] =	vst v18;
	v18 =	vmul.f32 v31, v17;
	v52 =	vld [tilespmem:s16+$0xFFFFFFA0];
	v4 =	vadd.f32 v4, v6  }
0x234: {  	v15 =	vmul.f32 v41, v57;
	v0 =	vadd.f32 v16, v0;
	v2 =	vadd.f32 v3, v2;
	v3 =	vld [tilespmem:$0x1F2A0]  }
0x235: {  	v4 =	vadd.f32 v18, v4  }
0x236: {  	v14 =	vld [tilespmem:$0x1F260];
	v7 =	vmul.f32 v61, v45;
	v0 =	vadd.f32 v15, v0  }
0x237: {  	v4 =	vadd.f32 v49, v4  }
0x238: {  	v5 =	vmul.f32 v31, v52;
	v0 =	vadd.f32 v7, v0  }
0x239: {  	v4 =	vadd.f32 v3, v4;
	v3 =	vld [tilespmem:$0x1F2B0]  }
0x23a: {  	v0 =	vadd.f32 v5, v0  }
0x23b: {  	v58 =	vmul.f32 v14, v8;
	v19 =	vmov v8;
	v8 =	vld [tilespmem:$0x1F300]  }
0x23c: {  	v0 =	vadd.f32 v54, v0;
	_ =	sdelay $0x1  }
0x23d: {  	v0 =	vadd.f32 v3, v0;
	v3 =	vld [tilespmem:$0x1F2C0];
	_ =	sdelay $0x1  }
0x23e: {  	v0 =	vadd.f32 v8, v0;
	v8 =	vld [tilespmem:$0x1F310]  }
0x23f: {  	v1 =	vadd.f32 v37, v1;
	_ =	sdelay $0x1  }
0x240: {  	v1 =	vadd.f32 v3, v1;
	_ =	sdelay $0x1  }
0x241: {  	v1 =	vadd.f32 v8, v1;
	v8 =	vld [tilespmem:$0x1F350];
	_ =	sdelay $0x4  }
0x242: {  	v0 =	vadd.f32 v8, v0;
	v8 =	vld [tilespmem:$0x1F360]  }
0x243: {  	v12 =	vld [tilespmem:$0x1F2E0];
	_ =	sdelay $0x1  }
0x244: {  	v18 =	vld [tilespmem:$0x1F330];
	_ =	sdelay $0x1  }
0x245: {  	v1 =	vadd.f32 v8, v1;
	v8 =	vld [tilespmem:$0x1F380]  }
0x246: {  	v2 =	vadd.f32 v12, v2;
	v12 =	vld [tilespmem:$0x1F2F0];
	_ =	sdelay $0x1  }
0x247: {  	v2 =	vadd.f32 v18, v2;
	v18 =	vld [tilespmem:$0x1F340];
	_ =	sdelay $0x1  }
0x248: {  	v2 =	vadd.f32 v8, v2;
	v8 =	vld [tilespmem:$0x1F390]  }
0x249: {  	v4 =	vadd.f32 v12, v4;
	_ =	sdelay $0x1  }
0x24a: {  	v4 =	vadd.f32 v18, v4;
	_ =	sdelay $0x1  }
0x24b: {  	v4 =	vadd.f32 v8, v4;
	v8 =	vld [tilespmem:$0x1F3A0];
	_ =	sdelay $0x4  }
0x24c: {  	v0 =	vadd.f32 v8, v0;
	v8 =	vld [tilespmem:$0x1F3B0];
	_ =	sdelay $0x4  }
0x24d: {  	v1 =	vadd.f32 v8, v1;
	v8 =	vld [tilespmem:$0x1F3D0];
	_ =	sdelay $0x4  }
0x24e: {  	v2 =	vadd.f32 v8, v2;
	v8 =	vld [tilespmem:$0x1F3E0];
	_ =	sdelay $0x4  }
0x24f: {  	v4 =	vadd.f32 v8, v4;
	v8 =	vld [tilespmem:$0x1F3F0];
	_ =	sdelay $0x4  }
0x250: {  	v0 =	vadd.f32 v8, v0;
	v8 =	vld [tilespmem:$0x1F400];
	_ =	sdelay $0x4  }
0x251: {  	v1 =	vadd.f32 v8, v1;
	v8 =	vld [tilespmem:$0x1F410];
	_ =	sdelay $0x4  }
0x252: {  	v2 =	vadd.f32 v8, v2;
	v8 =	vld [tilespmem:$0x1F420];
	_ =	sdelay $0x4  }
0x253: {  	v4 =	vadd.f32 v8, v4;
	v8 =	vld [tilespmem:$0x1F430];
	_ =	sdelay $0x4  }
0x254: {  	v0 =	vadd.f32 v8, v0;
	v8 =	vld [tilespmem:$0x1F440];
	_ =	sdelay $0x4  }
0x255: {  	v1 =	vadd.f32 v8, v1;
	v8 =	vld [tilespmem:$0x1F450];
	_ =	sdelay $0x4  }
0x256: {  	v2 =	vadd.f32 v8, v2;
	_ =	sdelay $0x1  }
0x257: {  	[tilespmem:$0x1F930] =	vst v2;
	v2 =	vld [tilespmem:$0x1F460];
	_ =	sdelay $0x4  }
0x258: {  	v2 =	vadd.f32 v2, v4;
	v4 =	vld [tilespmem:$0x1F470];
	_ =	sdelay $0x4  }
0x259: {  	v0 =	vadd.f32 v4, v0  }
0x25a: {  	v30 =	vld [tilespmem:$0x1F280]  }
0x25b: {  	[tilespmem:$0x1F950] =	vst v0;
	v0 =	vld [tilespmem:$0x1F480]  }
0x25c: {  	v37 =	vld [tilespmem:$0x1F2D0];
	_ =	sdelay $0x1  }
0x25d: {  	v8 =	vld [tilespmem:$0x1FA70]  }
0x25e: {  	v54 =	vld [tilespmem:$0x1F320]  }
0x25f: {  	v10 =	vmov v23;
	v9 =	vmul.f32 v30, v23;
	v23 =	vld [tilespmem:$0x1F3C0];
	v0 =	vadd.f32 v0, v1  }
0x260: {  	[tilespmem:$0x1F890] =	vst v51;
	v42 =	vmul.f32 v59, v22;
	v15 =	vmul.f32 v37, v51;
	v12 =	vmov v51;
	v51 =	vld [tilespmem:$0x1F370]  }
0x261: {  	[tilespmem:$0x1F970] =	vst v0;
	v0 =	vld [tilespmem:$0x1FA50]  }
0x262: {  	[tilespmem:$0x1FE70] =	vst v21;
	v21 =	vadd.f32 v42, v8;
	v8 =	vld [tilespmem:$0x1FA80]  }
0x263: {  	v41 =	vmul.f32 v59, v47  }
0x264: {  	v13 =	vmul.f32 v37, v40;
	v3 =	vmov v40;
	v40 =	vmul.f32 v59, v29;
	v1 =	vld [tilespmem:$0x1FA60]  }
0x265: {  	v16 =	vmul.f32 v54, v38;
	[tilespmem:$0x1F940] =	vst v2;
	v2 =	vmul.f32 v59, v36  }
0x266: {  	v28 =	vmul.f32 v23, v25;
	v4 =	vmul.f32 v23, v46;
	v0 =	vadd.f32 v40, v0  }
0x267: {  	v31 =	vmovc v22;
	v22 =	vmul.f32 v23, v43;
	v26 =	vmul.f32 v51, v11;
	v2 =	vadd.f32 v2, v8  }
0x268: {  	v4 =	vadd.f32 v4, v21;
	v0 =	vadd.f32 v28, v0;
	v28 =	vmul.f32 v51, v35  }
0x269: {  	v39 =	vmul.f32 v23, v62;
	v2 =	vadd.f32 v22, v2;
	v1 =	vadd.f32 v41, v1  }
0x26a: {  	v22 =	vmul.f32 v54, v63;
	v0 =	vadd.f32 v26, v0;
	v4 =	vadd.f32 v28, v4  }
0x26b: {  	v61 =	vmovc v17;
	v6 =	vmul.f32 v14, v17;
	v17 =	vld [tilespmem:$0x1F270];
	v27 =	vmul.f32 v51, v60;
	v1 =	vadd.f32 v39, v1  }
0x26c: {  	v0 =	vadd.f32 v16, v0;
	v16 =	vmul.f32 v37, v55;
	v4 =	vadd.f32 v22, v4  }
0x26d: {  	v18 =	vmul.f32 v54, v33;
	v21 =	vmul.f32 v51, v53;
	v1 =	vadd.f32 v27, v1  }
0x26e: {  	v0 =	vadd.f32 v13, v0;
	v13 =	vmul.f32 v30, v57;
	v4 =	vadd.f32 v16, v4  }
0x26f: {  	v2 =	vadd.f32 v21, v2;
	v21 =	vmul.f32 v54, v24;
	v1 =	vadd.f32 v18, v1  }
0x270: {  	v0 =	vadd.f32 v9, v0;
	v9 =	vmul.f32 v17, v45;
	v4 =	vadd.f32 v13, v4  }
0x271: {  	v5 =	vmul.f32 v17, v44;
	v49 =	vmul.f32 v30, v20;
	v2 =	vadd.f32 v21, v2  }
0x272: {  	v18 =	vmul.f32 v37, v56;
	v1 =	vadd.f32 v15, v1;
	v4 =	vadd.f32 v9, v4;
	v9 =	vld [tilespmem:$0x1F4E0]  }
0x273: {  	v7 =	vmul.f32 v17, v50;
	v0 =	vadd.f32 v5, v0;
	v5 =	vmul.f32 v14, v52  }
0x274: {  	v2 =	vadd.f32 v18, v2;
	v15 =	vmul.f32 v30, v34;
	v1 =	vadd.f32 v49, v1;
	v13 =	vld [tilespmem:$0x1F530]  }
0x275: {  	v42 =	vmov v11;
	v11 =	vmul.f32 v17, v32;
	v4 =	vadd.f32 v5, v4  }
0x276: {  	v2 =	vadd.f32 v15, v2;
	v1 =	vadd.f32 v7, v1;
	v7 =	vmul.f32 v14, v48;
	v14 =	vld [tilespmem:$0x1F580]  }
0x277: {  	v4 =	vadd.f32 v9, v4;
	v9 =	vld [tilespmem:$0x1F4F0]  }
0x278: {  	v2 =	vadd.f32 v11, v2  }
0x279: {  	v4 =	vadd.f32 v13, v4;
	v13 =	vld [tilespmem:$0x1F540]  }
0x27a: {  	v2 =	vadd.f32 v7, v2  }
0x27b: {  	v4 =	vadd.f32 v14, v4;
	v14 =	vld [tilespmem:$0x1F590]  }
0x27c: {  	v7 =	vld [tilespmem:$0x1F4C0];
	v2 =	vadd.f32 v9, v2;
	_ =	sdelay $0x1  }
0x27d: {  	v11 =	vld [tilespmem:$0x1F510];
	v2 =	vadd.f32 v13, v2  }
0x27e: {  	v15 =	vld [tilespmem:$0x1F560];
	v0 =	vadd.f32 v58, v0  }
0x27f: {  	v2 =	vadd.f32 v14, v2;
	v14 =	vld [tilespmem:$0x1F5D0]  }
0x280: {  	v18 =	vld [tilespmem:$0x1F5B0];
	v0 =	vadd.f32 v7, v0  }
0x281: {  	v7 =	vld [tilespmem:$0x1F4D0]  }
0x282: {  	v22 =	vld [tilespmem:$0x1F600];
	v0 =	vadd.f32 v11, v0  }
0x283: {  	v1 =	vadd.f32 v6, v1;
	v11 =	vld [tilespmem:$0x1F520]  }
0x284: {  	v0 =	vadd.f32 v15, v0;
	v4 =	vadd.f32 v14, v4;
	v14 =	vld [tilespmem:$0x1F5E0]  }
0x285: {  	v15 =	vld [tilespmem:$0x1F570]  }
0x286: {  	v39 =	vld [tilespmem:$0x1F5A0];
	v1 =	vadd.f32 v7, v1;
	v0 =	vadd.f32 v18, v0  }
0x287: {  	v18 =	vld [tilespmem:$0x1F5C0]  }
0x288: {  	v1 =	vadd.f32 v11, v1;
	v0 =	vadd.f32 v22, v0;
	v22 =	vld [tilespmem:$0x1F610]  }
0x289: {  	v2 =	vadd.f32 v14, v2;
	v14 =	vld [tilespmem:$0x1F5F0]  }
0x28a: {  	v1 =	vadd.f32 v15, v1;
	_ =	sdelay $0x1  }
0x28b: {  	v1 =	vadd.f32 v18, v1  }
0x28c: {  	[tilespmem:$0x1F8E0] =	vst v38;
	v16 =	vmul.f32 v39, v38  }
0x28d: {  	v1 =	vadd.f32 v22, v1;
	v21 =	vmul.f32 v14, v42;
	v22 =	vmul.f32 v14, v60;
	v38 =	vmovc v14;
	v14 =	vld [tilespmem:$0x1F620];
	_ =	sdelay $0x4  }
0x28e: {  	v4 =	vadd.f32 v14, v4;
	v14 =	vld [tilespmem:$0x1F630];
	_ =	sdelay $0x4  }
0x28f: {  	v2 =	vadd.f32 v14, v2;
	v14 =	vld [tilespmem:$0x1F640];
	_ =	sdelay $0x4  }
0x290: {  	[tilespmem:$0x1FA90] =	vst v25;
	v26 =	vmul.f32 v14, v25;
	v25 =	vld [tilespmem:$0x1F650];
	_ =	sdelay $0x4  }
0x291: {  	v0 =	vadd.f32 v25, v0;
	v25 =	vld [tilespmem:$0x1F660];
	_ =	sdelay $0x4  }
0x292: {  	v27 =	vmul.f32 v14, v62;
	v1 =	vadd.f32 v25, v1;
	v25 =	vmov v14;
	v14 =	vld [tilespmem:$0x1F670];
	_ =	sdelay $0x4  }
0x293: {  	v4 =	vadd.f32 v14, v4;
	v14 =	vld [tilespmem:$0x1F680];
	_ =	sdelay $0x4  }
0x294: {  	v2 =	vadd.f32 v14, v2;
	v14 =	vld [tilespmem:$0x1F690];
	_ =	sdelay $0x4  }
0x295: {  	[tilespmem:$0x1FA40] =	vst v29;
	v28 =	vmul.f32 v14, v29;
	v29 =	vld [tilespmem:$0x1F6A0];
	_ =	sdelay $0x4  }
0x296: {  	v0 =	vadd.f32 v29, v0;
	v29 =	vld [tilespmem:$0x1F6B0];
	_ =	sdelay $0x4  }
0x297: {  	v1 =	vadd.f32 v29, v1;
	v29 =	vld [tilespmem:$0x1F6C0];
	_ =	sdelay $0x4  }
0x298: {  	v4 =	vadd.f32 v29, v4;
	v29 =	vld [tilespmem:$0x1F6D0];
	_ =	sdelay $0x4  }
0x299: {  	v2 =	vadd.f32 v29, v2;
	v29 =	vld [tilespmem:$0x1F6E0];
	_ =	sdelay $0x4  }
0x29a: {  	v0 =	vadd.f32 v29, v0;
	_ =	sdelay $0x1  }
0x29b: {  	[tilespmem:$0x1FA50] =	vst v0;
	v0 =	vld [tilespmem:$0x1F6F0];
	_ =	sdelay $0x4  }
0x29c: {  	v0 =	vadd.f32 v0, v1;
	v1 =	vld [tilespmem:$0x1F700];
	_ =	sdelay $0x4  }
0x29d: {  	v1 =	vadd.f32 v1, v4;
	_ =	sdelay $0x1  }
0x29e: {  	[tilespmem:$0x1FA70] =	vst v1;
	v1 =	vld [tilespmem:$0x1F710]  }
0x29f: {  	v17 =	vld [tilespmem:$0x1F4A0];
	_ =	sdelay $0x1  }
0x2a0: {  	[tilespmem:$0x1F960] =	vst v47;
	v58 =	vld [tilespmem:$0x1F550];
	v30 =	vmul.f32 v14, v47  }
0x2a1: {  	v47 =	vmov v31;
	v31 =	vmul.f32 v14, v31;
	[tilespmem:$0x1FA60] =	vst v0;
	v0 =	vmul.f32 v14, v36;
	v14 =	vld [tilespmem:$0x1F740]  }
0x2a2: {  	v1 =	vadd.f32 v1, v2  }
0x2a3: {  	v40 =	vmov v19;
	v49 =	vmul.f32 v17, v19;
	v19 =	vld [tilespmem:$0x1F4B0]  }
0x2a4: {  	[tilespmem:$0x1FA80] =	vst v1;
	v1 =	vld [tilespmem:$0x1F720]  }
0x2a5: {  	v37 =	vld [tilespmem:$0x1F500]  }
0x2a6: {  	v51 =	vmov v3;
	v13 =	vmul.f32 v58, v3;
	v3 =	vadd.f32 v31, v14;
	v14 =	vld [tilespmem:$0x1F750]  }
0x2a7: {  	v2 =	vld [tilespmem:$0x1F730];
	_ =	sdelay $0x1  }
0x2a8: {  	v6 =	vmul.f32 v19, v44;
	v4 =	vmul.f32 v25, v46;
	v1 =	vadd.f32 v28, v1  }
0x2a9: {  	v9 =	vmul.f32 v37, v10;
	v18 =	vmul.f32 v39, v33  }
0x2aa: {  	v4 =	vadd.f32 v4, v3;
	v1 =	vadd.f32 v26, v1;
	v26 =	vmul.f32 v38, v35  }
0x2ab: {  	v29 =	vmul.f32 v25, v43;
	v0 =	vadd.f32 v0, v14;
	v2 =	vadd.f32 v30, v2  }
0x2ac: {  	v1 =	vadd.f32 v21, v1;
	v21 =	vmul.f32 v39, v63;
	v4 =	vadd.f32 v26, v4  }
0x2ad: {  	v23 =	vmul.f32 v38, v53;
	v0 =	vadd.f32 v29, v0;
	v2 =	vadd.f32 v27, v2  }
0x2ae: {  	v1 =	vadd.f32 v16, v1;
	v16 =	vmul.f32 v58, v55;
	v4 =	vadd.f32 v21, v4  }
0x2af: {  	v0 =	vadd.f32 v23, v0;
	v2 =	vadd.f32 v22, v2;
	v22 =	vmul.f32 v39, v24  }
0x2b0: {  	v1 =	vadd.f32 v13, v1;
	v13 =	vmul.f32 v37, v57;
	v4 =	vadd.f32 v16, v4  }
0x2b1: {  	v2 =	vadd.f32 v18, v2;
	v0 =	vadd.f32 v22, v0;
	v18 =	vmul.f32 v58, v56  }
0x2b2: {  	v1 =	vadd.f32 v9, v1;
	v9 =	vmul.f32 v19, v45;
	v4 =	vadd.f32 v13, v4  }
0x2b3: {  	v3 =	vmul.f32 v37, v34;
	v0 =	vadd.f32 v18, v0  }
0x2b4: {  	v1 =	vadd.f32 v6, v1;
	v6 =	vmul.f32 v17, v52;
	v4 =	vadd.f32 v9, v4;
	_ =	sdelay $0x1  }
0x2b5: {  	v15 =	vmul.f32 v58, v12;
	v0 =	vadd.f32 v3, v0;
	v3 =	vadd.f32 v6, v4;
	v4 =	vld [tilespmem:$0x1F7A0];
	_ =	sdelay $0x1  }
0x2b6: {  	v11 =	vmul.f32 v37, v20;
	v2 =	vadd.f32 v15, v2  }
0x2b7: {  	v1 =	vadd.f32 v49, v1  }
0x2b8: {  	v7 =	vmul.f32 v19, v50;
	v2 =	vadd.f32 v11, v2  }
0x2b9: {  	v1 =	vadd.f32 v4, v1;
	v4 =	vld [tilespmem:$0x1F7B0]  }
0x2ba: {  	v5 =	vmul.f32 v17, v61;
	v2 =	vadd.f32 v7, v2;
	_ =	sdelay $0x1  }
0x2bb: {  	v2 =	vadd.f32 v5, v2;
	_ =	sdelay $0x1  }
0x2bc: {  	v2 =	vadd.f32 v4, v2;
	v4 =	vld [tilespmem:$0x1F7C0];
	_ =	sdelay $0x3  }
0x2bd: {  	v11 =	vmul.f32 v19, v32  }
0x2be: {  	v3 =	vadd.f32 v4, v3;
	v4 =	vld [tilespmem:$0x1F7D0]  }
0x2bf: {  	v0 =	vadd.f32 v11, v0;
	v7 =	vmul.f32 v17, v48;
	_ =	sdelay $0x1  }
0x2c0: {  	v0 =	vadd.f32 v7, v0;
	_ =	sdelay $0x1  }
0x2c1: {  	v0 =	vadd.f32 v4, v0;
	v4 =	vld [tilespmem:$0x1F7E0];
	_ =	sdelay $0x4  }
0x2c2: {  	v1 =	vadd.f32 v4, v1;
	v4 =	vld [tilespmem:$0x1F7F0];
	_ =	sdelay $0x4  }
0x2c3: {  	v2 =	vadd.f32 v4, v2;
	v4 =	vld [tilespmem:$0x1F810];
	_ =	sdelay $0x2  }
0x2c4: {  	v13 =	vld [tilespmem:$0x1F760]  }
0x2c5: {  	v5 =	vld [tilespmem:$0x1F870]  }
0x2c6: {  	v3 =	vadd.f32 v4, v3;
	v4 =	vld [tilespmem:$0x1F820];
	_ =	sdelay $0x1  }
0x2c7: {  	v8 =	vmov v20  }
0x2c8: {  	v21 =	vmul.f32 v13, v8;
	v8 =	vld [tilespmem:$0x1F890]  }
0x2c9: {  	v1 =	vadd.f32 v5, v1;
	v5 =	vld [tilespmem:$0x1F880]  }
0x2ca: {  	v0 =	vadd.f32 v4, v0;
	v4 =	vld [tilespmem:$0x1FF90];
	_ =	sdelay $0x4  }
0x2cb: {  	v2 =	vadd.f32 v5, v2;
	v22 =	vmul.f32 v4, v51;
	v5 =	vmovc v4;
	v23 =	vmul.f32 v4, v8;
	v4 =	vld [tilespmem:$0x1F8B0];
	_ =	sdelay $0x4  }
0x2cc: {  	v30 =	vadd.f32 v4, v3;
	v4 =	vld [tilespmem:$0x1F8D0];
	_ =	sdelay $0x1  }
0x2cd: {  	v59 =	vld [tilespmem:$0x1F490]  }
0x2ce: {  	v28 =	vmov v43;
	v43 =	vld [tilespmem:$0x1FEE0]  }
0x2cf: {  	v3 =	vld [tilespmem:$0x1F8C0]  }
0x2d0: {  	v29 =	vadd.f32 v4, v0;
	v0 =	vld [tilespmem:$0x1F8E0]  }
0x2d1: {  	v38 =	vld [tilespmem:$0x1FE60]  }
0x2d2: {  	v58 =	vld [tilespmem:$0x1F800]  }
0x2d3: {  	v15 =	vmov v46;
	v46 =	vld [tilespmem:$0x1F850]  }
0x2d4: {  	v37 =	vld [tilespmem:$0x1FED0]  }
0x2d5: {  	v54 =	vmovc v42;
	v42 =	vmov v63;
	v63 =	vmov v24;
	v24 =	vmul.f32 v3, v0;
	v0 =	vld [tilespmem:$0x1F8F0]  }
0x2d6: {  	v11 =	vld [tilespmem:$0x1F830]  }
0x2d7: {  	v27 =	vmov v45;
	v45 =	vld [tilespmem:$0x1F9F0]  }
0x2d8: {  	v7 =	vld [tilespmem:$0x1F790]  }
0x2d9: {  	v9 =	vld [tilespmem:$0x1F770]  }
0x2da: {  	p0 =	sne.s32 s18, $0x1F0;
	v25 =	vadd.f32 v0, v1;
	v0 =	vld [tilespmem:$0x1F900]  }
.Ltmp0:
0x2db: {  	v12 =	vmov v52;
	v52 =	vld [tilespmem:$0x1F8A0];
	(pc) =	sbr.rel @p0 .LBB2_3-.Ltmp0, $4  }
0x2dc: {  	[tilespmem:$0x1F990] =	vst v36;
	v6 =	vld [tilespmem:$0x1F780]  }
0x2dd: {  	[tilespmem:$0x1F9A0] =	vst v62;
	v41 =	vmov v10;
	v20 =	vmul.f32 v7, v50;
	v50 =	vld [tilespmem:$0x1F9E0]  }
0x2de: {  	v10 =	vmovc v60;
	v62 =	vmovc v35;
	v14 =	vmov v34;
	v18 =	vmul.f32 v59, v61;
	v19 =	vmul.f32 v7, v44;
	v44 =	vld [tilespmem:$0x1F860]  }
0x2df: {  	s18 =	sadd.s32 $0x10, s18;
	v26 =	vmovc v32;
	v16 =	vmul.f32 v59, v40;
	v17 =	vmul.f32 v13, v41;
	v51 =	vld [tilespmem:$0x1F840];
	v31 =	vadd.f32 v0, v2  }
0x2e0: {  	v0 =	vld [tilespmem:$0x1FE40];
	_ =	sdelay $0x1  }
0x2e1: {  	v4 =	vld [tilespmem:$0x1FD90];
	_ =	sdelay $0x2  }
0x2e2: {  	v1 =	vld [tilespmem:$0x1FE70];
	v0 =	vadd.f32 v0, v30;
	_ =	sdelay $0x1  }
0x2e3: {  	v0 =	vadd.f32 v4, v0;
	v4 =	vld [tilespmem:$0x1FDB0];
	_ =	sdelay $0x2  }
0x2e4: {  	v32 =	vmov v3;
	v3 =	vld [tilespmem:$0x1FD80];
	v1 =	vadd.f32 v1, v29;
	_ =	sdelay $0x1  }
0x2e5: {  	v1 =	vadd.f32 v4, v1;
	v4 =	vld [tilespmem:$0x1FC50];
	_ =	sdelay $0x2  }
0x2e6: {  	v3 =	vadd.f32 v3, v31;
	_ =	sdelay $0x1  }
0x2e7: {  	v3 =	vadd.f32 v4, v3;
	v4 =	vld [tilespmem:$0x1FC80];
	_ =	sdelay $0x4  }
0x2e8: {  	v0 =	vadd.f32 v4, v0;
	v4 =	vld [tilespmem:$0x1FCA0]  }
0x2e9: {  	v2 =	vld [tilespmem:$0x1FD60];
	_ =	sdelay $0x3  }
0x2ea: {  	v1 =	vadd.f32 v4, v1;
	v4 =	vld [tilespmem:$0x1FBE0]  }
0x2eb: {  	v2 =	vadd.f32 v2, v25;
	_ =	sdelay $0x1  }
0x2ec: {  	v2 =	vadd.f32 v6, v2;
	_ =	sdelay $0x1  }
0x2ed: {  	v2 =	vadd.f32 v4, v2;
	v4 =	vld [tilespmem:$0x1FBF0];
	_ =	sdelay $0x4  }
0x2ee: {  	v3 =	vadd.f32 v4, v3;
	v4 =	vld [tilespmem:$0x1FC00];
	_ =	sdelay $0x4  }
0x2ef: {  	v0 =	vadd.f32 v4, v0;
	v4 =	vld [tilespmem:$0x1FC10];
	_ =	sdelay $0x4  }
0x2f0: {  	v1 =	vadd.f32 v4, v1;
	v4 =	vld [tilespmem:$0x1FAF0];
	_ =	sdelay $0x4  }
0x2f1: {  	v2 =	vadd.f32 v4, v2;
	v4 =	vld [tilespmem:$0x1FB00];
	_ =	sdelay $0x2  }
0x2f2: {  	v35 =	vld [tilespmem:$0x1FAE0]  }
0x2f3: {  	v6 =	vld [tilespmem:$0x1FB30]  }
0x2f4: {  	v3 =	vadd.f32 v4, v3;
	v4 =	vld [tilespmem:$0x1FA40];
	_ =	sdelay $0x4  }
0x2f5: {  	v0 =	vadd.f32 v6, v0;
	v6 =	vld [tilespmem:$0x1F960];
	v4 =	vmul.f32 v35, v4;
	_ =	sdelay $0x1  }
0x2f6: {  	v4 =	vadd.f32 v4, v9;
	v9 =	vld [tilespmem:$0x1FFD0];
	_ =	sdelay $0x2  }
0x2f7: {  	v36 =	vmul.f32 v35, v6;
	_ =	sdelay $0x1  }
0x2f8: {  	v41 =	vadd.f32 v36, v9;
	v9 =	vld [tilespmem:$0x1FFE0];
	_ =	sdelay $0x2  }
0x2f9: {  	v6 =	vmul.f32 v35, v47  }
0x2fa: {  	v34 =	vld [tilespmem:$0x1FAD0]  }
0x2fb: {  	v6 =	vadd.f32 v6, v9;
	v9 =	vld [tilespmem:$0x1FA90]  }
0x2fc: {  	v39 =	vmov v7;
	v7 =	vld [tilespmem:$0x1F990]  }
0x2fd: {  	v60 =	vld [tilespmem:$0x1FAC0];
	_ =	sdelay $0x2  }
0x2fe: {  	v9 =	vmul.f32 v34, v9  }
0x2ff: {  	v7 =	vmul.f32 v35, v7  }
0x300: {  	v35 =	vmovc v13;
	v13 =	vmul.f32 v34, v15;
	v4 =	vadd.f32 v9, v4;
	v9 =	vmul.f32 v60, v54;
	_ =	sdelay $0x1  }
0x301: {  	v6 =	vadd.f32 v13, v6;
	v4 =	vadd.f32 v9, v4;
	v9 =	vmul.f32 v60, v62;
	_ =	sdelay $0x1  }
0x302: {  	v6 =	vadd.f32 v9, v6;
	v9 =	vmul.f32 v32, v42;
	_ =	sdelay $0x1  }
0x303: {  	v6 =	vadd.f32 v9, v6;
	v9 =	vmul.f32 v5, v55;
	_ =	sdelay $0x1  }
0x304: {  	v6 =	vadd.f32 v9, v6;
	v9 =	vmul.f32 v35, v57  }
0x305: {  	v4 =	vadd.f32 v24, v4  }
0x306: {  	v6 =	vadd.f32 v9, v6;
	v9 =	vmul.f32 v39, v27  }
0x307: {  	v4 =	vadd.f32 v22, v4  }
0x308: {  	v6 =	vadd.f32 v9, v6;
	v9 =	vmul.f32 v59, v12  }
0x309: {  	v4 =	vadd.f32 v17, v4  }
0x30a: {  	v6 =	vadd.f32 v9, v6;
	v9 =	vld [tilespmem:$0x1FF60]  }
0x30b: {  	v4 =	vadd.f32 v19, v4;
	_ =	sdelay $0x1  }
0x30c: {  	v4 =	vadd.f32 v16, v4;
	_ =	sdelay $0x1  }
0x30d: {  	v4 =	vadd.f32 v9, v4;
	v9 =	vld [tilespmem:$0x1FCC0];
	_ =	sdelay $0x4  }
0x30e: {  	v9 =	vmul.f32 v46, v9;
	_ =	sdelay $0x1  }
0x30f: {  	v6 =	vadd.f32 v9, v6;
	v9 =	vld [tilespmem:$0x1FF40];
	_ =	sdelay $0x4  }
0x310: {  	v4 =	vadd.f32 v9, v4;
	v9 =	vld [tilespmem:$0x1FE90];
	_ =	sdelay $0x4  }
0x311: {  	v9 =	vmul.f32 v58, v9  }
0x312: {  	v49 =	vld [tilespmem:$0x1F9A0]  }
0x313: {  	v6 =	vadd.f32 v9, v6;
	v9 =	vld [tilespmem:$0x1FF20]  }
0x314: {  	v47 =	vld [tilespmem:$0x1FFF0];
	_ =	sdelay $0x2  }
0x315: {  	v29 =	vmul.f32 v34, v49  }
0x316: {  	v8 =	vmul.f32 v60, v10;
	v4 =	vadd.f32 v9, v4;
	v9 =	vld [tilespmem:$0x1F930]  }
0x317: {  	v7 =	vadd.f32 v7, v47;
	v15 =	vmul.f32 v34, v28;
	v61 =	vadd.f32 v29, v41;
	_ =	sdelay $0x1  }
0x318: {  	v7 =	vadd.f32 v15, v7;
	v15 =	vadd.f32 v8, v61;
	v8 =	vmul.f32 v32, v33  }
0x319: {  	s15 =	sshrl.u32 s15, $0x2  }
0x31a: {  	v15 =	vadd.f32 v8, v15;
	[tilespmem:s15+$0x10800] =	vst v9;
	v9 =	vmul.f32 v52, v43;
	_ =	sdelay $0x1  }
0x31b: {  	v8 =	vmul.f32 v5, v56;
	v5 =	vadd.f32 v23, v15;
	v6 =	vadd.f32 v9, v6;
	v9 =	vld [tilespmem:$0x1FE80];
	_ =	sdelay $0x1  }
0x31c: {  	v5 =	vadd.f32 v21, v5  }
0x31d: {  	v10 =	vld [tilespmem:$0x1FF70]  }
0x31e: {  	v5 =	vadd.f32 v20, v5  }
0x31f: {  	v4 =	vadd.f32 v9, v4;
	v9 =	vld [tilespmem:$0x1F950]  }
0x320: {  	v5 =	vadd.f32 v18, v5;
	_ =	sdelay $0x1  }
0x321: {  	v5 =	vadd.f32 v10, v5;
	v10 =	vld [tilespmem:$0x1FF50];
	_ =	sdelay $0x1  }
0x322: {  	[tilespmem:s15+$0x10820] =	vst v9;
	v9 =	vld [tilespmem:$0x1FE00];
	_ =	sdelay $0x2  }
0x323: {  	v5 =	vadd.f32 v10, v5;
	v10 =	vld [tilespmem:$0x1FF30];
	_ =	sdelay $0x1  }
0x324: {  	v9 =	vmul.f32 v51, v9;
	_ =	sdelay $0x1  }
0x325: {  	v6 =	vadd.f32 v9, v6;
	v9 =	vld [tilespmem:$0x1FDD0]  }
0x326: {  	v5 =	vadd.f32 v10, v5;
	v10 =	vld [tilespmem:$0x1F940];
	_ =	sdelay $0x3  }
0x327: {  	v13 =	vmul.f32 v60, v53;
	v4 =	vadd.f32 v9, v4;
	v9 =	vld [tilespmem:$0x1FA50]  }
0x328: {  	[tilespmem:s15+$0x10810] =	vst v10;
	v10 =	vld [tilespmem:$0x1FEA0]  }
0x329: {  	v7 =	vadd.f32 v13, v7;
	v13 =	vmul.f32 v32, v63;
	_ =	sdelay $0x1  }
0x32a: {  	v7 =	vadd.f32 v13, v7  }
0x32b: {  	[tilespmem:s15+$0x10880] =	vst v9;
	v9 =	vld [tilespmem:$0x1FD40]  }
0x32c: {  	v7 =	vadd.f32 v8, v7;
	v8 =	vmul.f32 v35, v14;
	v5 =	vadd.f32 v10, v5;
	v10 =	vld [tilespmem:$0x1F970];
	_ =	sdelay $0x1  }
0x32d: {  	v7 =	vadd.f32 v8, v7;
	v8 =	vmul.f32 v39, v26;
	_ =	sdelay $0x1  }
0x32e: {  	v7 =	vadd.f32 v8, v7;
	v8 =	vmul.f32 v59, v48;
	v9 =	vmul.f32 v44, v9  }
0x32f: {  	[tilespmem:s15+$0x10830] =	vst v10;
	v10 =	vld [tilespmem:$0x1FDF0]  }
0x330: {  	v7 =	vadd.f32 v8, v7;
	v8 =	vmul.f32 v46, v50;
	v6 =	vadd.f32 v9, v6;
	v9 =	vld [tilespmem:$0x1FCB0];
	_ =	sdelay $0x1  }
0x331: {  	v7 =	vadd.f32 v8, v7;
	v8 =	vmul.f32 v58, v45;
	_ =	sdelay $0x1  }
0x332: {  	v7 =	vadd.f32 v8, v7;
	v8 =	vmul.f32 v52, v37;
	v5 =	vadd.f32 v10, v5;
	v10 =	vld [tilespmem:$0x1FA60]  }
0x333: {  	v4 =	vadd.f32 v9, v4;
	v9 =	vld [tilespmem:$0x1FA70]  }
0x334: {  	v7 =	vadd.f32 v8, v7;
	v8 =	vmul.f32 v51, v38;
	_ =	sdelay $0x1  }
0x335: {  	v7 =	vadd.f32 v8, v7;
	v8 =	vld [tilespmem:$0x1FDA0]  }
0x336: {  	[tilespmem:s15+$0x10890] =	vst v10;
	v10 =	vld [tilespmem:$0x1FCE0]  }
0x337: {  	[tilespmem:s15+$0x108A0] =	vst v9;
	v9 =	vld [tilespmem:$0x1FC70];
	_ =	sdelay $0x3  }
0x338: {  	v8 =	vmul.f32 v44, v8  }
0x339: {  	v9 =	vmul.f32 v10, v9  }
0x33a: {  	v7 =	vadd.f32 v8, v7;
	v8 =	vld [tilespmem:$0x1FA10]  }
0x33b: {  	v6 =	vadd.f32 v9, v6;
	v9 =	vld [tilespmem:$0x1FC30];
	_ =	sdelay $0x3  }
0x33c: {  	[tilespmem:s15+$0x10900] =	vst v2;
	v2 =	vld [tilespmem:$0x1FA20];
	v8 =	vmul.f32 v10, v8  }
0x33d: {  	v4 =	vadd.f32 v9, v4;
	v9 =	vld [tilespmem:$0x1FC40]  }
0x33e: {  	v7 =	vadd.f32 v8, v7;
	v8 =	vld [tilespmem:$0x1FA30];
	_ =	sdelay $0x1  }
0x33f: {  	[tilespmem:s15+$0x10910] =	vst v3;
	v3 =	vld [tilespmem:$0x1FBA0]  }
0x340: {  	v40 =	vld [tilespmem:$0x1FB60]  }
0x341: {  	[tilespmem:s15+$0x10920] =	vst v0;
	v0 =	vld [tilespmem:$0x1FB20];
	v2 =	vmul.f32 v9, v2  }
0x342: {  	v10 =	vld [tilespmem:$0x1FCF0];
	v8 =	vmul.f32 v9, v8  }
0x343: {  	v2 =	vadd.f32 v2, v6;
	v6 =	vld [tilespmem:$0x1FBB0]  }
0x344: {  	v3 =	vadd.f32 v3, v4;
	v4 =	vadd.f32 v8, v7;
	v7 =	vld [tilespmem:$0x1FB50];
	_ =	sdelay $0x2  }
0x345: {  	v5 =	vadd.f32 v10, v5;
	v10 =	vld [tilespmem:$0x1FA80];
	_ =	sdelay $0x1  }
0x346: {  	v1 =	vadd.f32 v40, v1;
	v0 =	vmul.f32 v6, v0;
	v6 =	vmul.f32 v6, v7;
	v7 =	vld [tilespmem:$0x1FBC0]  }
0x347: {  	s14 =	sadd.s32 $0x1, s14  }
0x348: {  	p0 =	sne.s32 s14, $0x10;
	[tilespmem:s15+$0x10930] =	vst v1  }
.Ltmp1:
0x349: {  	v13 =	vimm.s32 $0x7;
	v5 =	vadd.f32 v11, v5;
	[tilespmem:s15+$0x108B0] =	vst v10;
	v0 =	vadd.f32 v0, v2;
	(pc) =	sbr.rel @p0 .LBB2_2-.Ltmp1, $4  }
0x34a: {  	v54 =	vimm.s32 $0xC;
	v45 =	vimm.s32 $0x6;
	[tilespmem:s15+$0x10980] =	vst v3;
	v1 =	vadd.f32 v6, v4  }
0x34b: {  	v18 =	vimm.s32 $0xD;
	v59 =	vimm.s32 $0xF;
	[tilespmem:s15+$0x109A0] =	vst v0;
	v5 =	vadd.f32 v7, v5  }
0x34c: {  	v11 =	vimm.s32 $0x8;
	v3 =	vimm.s32 $0x3;
	v8 =	vimm.s32 $0x9;
	[tilespmem:s15+$0x109B0] =	vst v1  }
0x34d: {  	v2 =	vimm.s32 $0x2;
	v1 =	vimm.s32 $0x1;
	[tilespmem:s15+$0x10990] =	vst v5;
	v5 =	vimm.s32 $0xA  }
0x34e: {  	s14 =	simm.s32 $0x0  }
0x34f: {  	[tilespmem:s14], [sflag:$0x1] =	stream.linear.gather [hbm4b:s5+s14], $0x10000, $0x38;
	[tilespmem:$0x12800] =	vst v63  }
0x350: {  	_ =	swait.ge [sflag:s9], $0x10000  }
0x351: {  	[sflag:s9] =	ssyncset.done $0x0  }
0x352: {  	s15 =	simm.s32 $0x0;
	[sflag:s9] =	ssyncadd.s32 $0xFFFF0000  }
.LBB2_6:
0x353: {  	s17 =	sshll.u32 s15, $0x6  }
0x354: {  	s16 =	sshll.u32 s15, $0xB;
	s17 =	sand.u32 $0x40, s17  }
0x355: {  	s18 =	sand.u32 $0x7000, s16;
	s17 =	sadd.s32 s17, s6  }
0x356: {  	s18 =	sadd.s32 s18, s17;
	s17 =	simm.s32 $0x400  }
0x357: {  	[tilespmem:s11], [sflag:$0x1] =	stream.strided.gather [hbm4b:s18+s10], $0x800, s17, s10, $0x38;
	[tilespmem:$0x12800] =	vst v63  }
0x358: {  	_ =	swait.ge [sflag:s9], $0x800  }
0x359: {  	s31 =	sand.u32 $0x70, s14;
	s19 =	sand.u32 $0x600, s14;
	[sflag:s9] =	ssyncset.done $0x0  }
0x35a: {  	s18 =	sor.u32 s31, s19;
	[sflag:s9] =	ssyncadd.s32 $0xFFFFF800  }
0x35b: {  	v15 =	vld [tilespmem:s18+$0x10000]  }
0x35c: {  	v0 =	vld [tilespmem:s17+$0x300]  }
0x35d: {  	v59 =	vld [tilespmem:s17+$0x280]  }
0x35e: {  	v54 =	vld [tilespmem:s17+$0x180]  }
0x35f: {  	v26 =	vld [tilespmem:s17+$0x100]  }
0x360: {  	v17 =	vld [tilespmem:s17+$0x80]  }
0x361: {  	v52 =	vld [tilespmem:s17+$0x90]  }
0x362: {  	v20 =	vld [tilespmem:s17+$0x0]  }
0x363: {  	v14 =	vld [tilespmem:s17+$0xFFFFFF80]  }
0x364: {  	v10 =	vld [tilespmem:s17+$0xFFFFFF90]  }
0x365: {  	v12 =	vld [tilespmem:s17+$0xFFFFFF00]  }
0x366: {  	v55 =	vld [tilespmem:s17+$0xFFFFFF10]  }
0x367: {  	v7 =	vld [tilespmem:s17+$0xFFFFFE80]  }
0x368: {  	v4 =	vld [tilespmem:s17+$0xFFFFFE90]  }
0x369: {  	v57 =	vld [tilespmem:s17+$0xFFFFFD10]  }
0x36a: {  	v53 =	vld [tilespmem:s17+$0xFFFFFC90]  }
0x36b: {  	v28 =	vld [tilespmem:s17+$0xFFFFFCA0];
	[tilespmem:$0x1EBB0] =	vst v0;
	v0 =	vimm.s32 $0xB;
	v11 =	vperm.xlane v15, v3  }
0x36c: {  	v61 =	vld [tilespmem:s17+$0xFFFFFE00];
	v8 =	vperm.xlane v15, v2;
	v24 =	vperm.xlane v15, v0;
	v0 =	vimm.s32 $0xA  }
0x36d: {  	v51 =	vld [tilespmem:s17+$0xFFFFFE10];
	v5 =	vperm.xlane v15, v1;
	v25 =	vperm.xlane v15, v0;
	v0 =	vimm.s32 $0x9  }
0x36e: {  	v60 =	vld [tilespmem:s17+$0xFFFFFD80];
	v30 =	vmul.f32 v8, v57;
	v27 =	vperm.xlane v15, v0;
	v0 =	vimm.s32 $0x8  }
0x36f: {  	v56 =	vld [tilespmem:s17+$0xFFFFFD00];
	v40 =	vmul.f32 v5, v53;
	v23 =	vperm.xlane v15, v0;
	v0 =	vimm.s32 $0x7  }
0x370: {  	v41 =	vld [tilespmem:s17+$0xFFFFFC80];
	v49 =	vmul.f32 v5, v28;
	v21 =	vperm.xlane v15, v0;
	v0 =	vimm.s32 $0x6  }
0x371: {  	v18 =	vld [tilespmem:s17+$0xFFFFFC00];
	[tilespmem:$0x1F0D0] =	vst v17;
	v33 =	vmul.f32 v27, v17;
	v31 =	vperm.xlane v15, v0;
	v0 =	vimm.s32 $0x5  }
0x372: {  	v62 =	vld [tilespmem:s17+$0xFFFFFC20];
	[tilespmem:$0x1F050] =	vst v20;
	v34 =	vmul.f32 v23, v20;
	v32 =	vperm.xlane v15, v0  }
0x373: {  	[tilespmem:$0x1EFE0] =	vst v14;
	v17 =	vld [tilespmem:s17+$0xFFFFFC10];
	v0 =	vimm.s32 $0x4;
	v35 =	vmul.f32 v21, v14;
	v36 =	vmul.f32 v21, v10  }
0x374: {  	[tilespmem:$0x1F1D0] =	vst v4;
	v13 =	vperm.xlane v15, v0;
	v0 =	vimm.s32 $0x0;
	v39 =	vmul.f32 v32, v4;
	v4 =	vld [tilespmem:s17+$0xFFFFFC30]  }
0x375: {  	v47 =	vld [tilespmem:s17+$0xFFFFFD20];
	[tilespmem:$0x1F000] =	vst v10;
	v10 =	vmul.f32 v8, v56;
	v3 =	vperm.xlane v15, v0  }
0x376: {  	[tilespmem:$0x1EF50] =	vst v12;
	v37 =	vmul.f32 v31, v12;
	v12 =	vmul.f32 v11, v60;
	v0 =	vld [tilespmem:s17+$0xFFFFFCB0]  }
0x377: {  	v16 =	vimm.f32 $0.0e+00;
	v22 =	vld [tilespmem:s17+$0xFFFFFD30];
	[tilespmem:$0x1EED0] =	vst v7;
	v38 =	vmul.f32 v32, v7;
	v50 =	vmul.f32 v3, v18  }
0x378: {  	v63 =	vld [tilespmem:s17+$0xFFFFFD90];
	[tilespmem:$0x1ED00] =	vst v41;
	v1 =	vimm.s32 $0xC;
	v20 =	vmovc v41;
	v42 =	vmul.f32 v3, v17;
	v44 =	vmul.f32 v3, v62  }
0x379: {  	v29 =	vld [tilespmem:s17+$0xFFFFFDA0];
	v7 =	vmul.f32 v5, v41;
	[tilespmem:$0x1EBF0] =	vst v17;
	v41 =	vadd.f32 v50, v16;
	v46 =	vmul.f32 v3, v4  }
0x37a: {  	v48 =	vld [tilespmem:s17+$0xFFFFFDB0];
	v14 =	vmul.f32 v13, v61;
	v42 =	vadd.f32 v42, v16;
	v44 =	vadd.f32 v44, v16;
	v17 =	vmovc v4  }
0x37b: {  	v6 =	vld [tilespmem:s17+$0xFFFFFE20];
	[tilespmem:$0x1ECB0] =	vst v4;
	v50 =	vmul.f32 v5, v0;
	v41 =	vadd.f32 v7, v41;
	v46 =	vadd.f32 v46, v16  }
0x37c: {  	v45 =	vld [tilespmem:s17+$0xFFFFFEA0];
	v4 =	vmovc v0;
	v40 =	vadd.f32 v40, v42;
	v42 =	vmul.f32 v8, v47;
	v44 =	vadd.f32 v49, v44  }
0x37d: {  	[tilespmem:$0x1ED60] =	vst v0;
	v0 =	vld [tilespmem:s17+$0xFFFFFE30];
	v49 =	vmul.f32 v8, v22;
	v41 =	vadd.f32 v10, v41;
	v46 =	vadd.f32 v50, v46  }
0x37e: {  	v3 =	vld [tilespmem:s17+$0xFFFFFEB0];
	v30 =	vadd.f32 v30, v40;
	v42 =	vadd.f32 v42, v44;
	v50 =	vmul.f32 v11, v63  }
0x37f: {  	v5 =	vld [tilespmem:s17+$0xFFFFFF20];
	v40 =	vmul.f32 v11, v29;
	v41 =	vadd.f32 v12, v41;
	v44 =	vadd.f32 v49, v46  }
0x380: {  	v7 =	vld [tilespmem:s17+$0xFFFFFF30];
	v46 =	vmul.f32 v13, v51;
	v49 =	vmul.f32 v11, v48;
	v30 =	vadd.f32 v50, v30  }
0x381: {  	[tilespmem:$0x1EC10] =	vst v6;
	v8 =	vld [tilespmem:s17+$0x30];
	v40 =	vadd.f32 v40, v42;
	v50 =	vmul.f32 v13, v6;
	v41 =	vadd.f32 v14, v41  }
0x382: {  	[tilespmem:$0x1F120] =	vst v26;
	v6 =	vld [tilespmem:s17+$0xFFFFFFA0];
	v42 =	vadd.f32 v49, v44;
	v44 =	vmul.f32 v13, v0;
	v46 =	vadd.f32 v46, v30  }
0x383: {  	[tilespmem:$0x1F040] =	vst v54;
	v49 =	vmul.f32 v32, v45;
	v40 =	vadd.f32 v50, v40;
	v30 =	vld [tilespmem:s17+$0x10];
	v32 =	vmul.f32 v32, v3  }
0x384: {  	v12 =	vmovc v0;
	v14 =	vld [tilespmem:s17+$0xFFFFFFB0];
	v38 =	vadd.f32 v38, v41;
	v41 =	vmul.f32 v31, v55;
	v42 =	vadd.f32 v44, v42  }
0x385: {  	v19 =	vld [tilespmem:s17+$0xB0];
	[tilespmem:$0x1EF20] =	vst v3;
	v39 =	vadd.f32 v39, v46;
	v40 =	vadd.f32 v49, v40;
	v44 =	vmul.f32 v31, v5  }
0x386: {  	v50 =	vmovc v3;
	v3 =	vld [tilespmem:s17+$0x20];
	v31 =	vmul.f32 v31, v7;
	v37 =	vadd.f32 v37, v38;
	v32 =	vadd.f32 v32, v42  }
0x387: {  	[tilespmem:$0x1EE10] =	vst v0;
	v49 =	vld [tilespmem:s17+$0xA0];
	v38 =	vadd.f32 v41, v39;
	v39 =	vmul.f32 v21, v6;
	v40 =	vadd.f32 v44, v40  }
0x388: {  	v10 =	vld [tilespmem:s17+$0x1A0];
	[tilespmem:$0x1EF80] =	vst v7;
	v41 =	vmul.f32 v23, v30;
	v35 =	vadd.f32 v35, v37;
	v31 =	vadd.f32 v31, v32  }
0x389: {  	v11 =	vld [tilespmem:s17+$0x130];
	[tilespmem:$0x1F080] =	vst v8;
	v32 =	vmul.f32 v21, v14;
	v36 =	vadd.f32 v36, v38;
	v38 =	vadd.f32 v39, v40  }
0x38a: {  	v0 =	vmovc v7;
	v7 =	vld [tilespmem:s17+$0x110];
	v39 =	vmul.f32 v23, v8;
	v44 =	vmovc v8;
	v8 =	vmov v54;
	v54 =	vmul.f32 v24, v54  }
0x38b: {  	v43 =	vld [tilespmem:s17+$0x120];
	[tilespmem:$0x1EF70] =	vst v5;
	v37 =	vmul.f32 v23, v3;
	v34 =	vadd.f32 v34, v35;
	v31 =	vadd.f32 v32, v31  }
0x38c: {  	[tilespmem:$0x1EC20] =	vst v6;
	v6 =	vld [tilespmem:s17+$0x190];
	v32 =	vmul.f32 v27, v52;
	v40 =	vadd.f32 v41, v36;
	v36 =	vmul.f32 v27, v49  }
0x38d: {  	v58 =	vld [tilespmem:s17+$0x200];
	[tilespmem:$0x1F030] =	vst v10;
	v37 =	vadd.f32 v37, v38;
	v33 =	vadd.f32 v33, v34;
	v34 =	vmul.f32 v25, v26  }
0x38e: {  	v46 =	vmovc v5;
	v5 =	vld [tilespmem:s17+$0x1B0];
	v27 =	vmul.f32 v27, v19;
	v41 =	vadd.f32 v39, v31;
	v32 =	vadd.f32 v32, v40  }
0x38f: {  	v13 =	vld [tilespmem:s17+$0x210];
	[tilespmem:$0x1F100] =	vst v11;
	v40 =	vmul.f32 v25, v7;
	v36 =	vadd.f32 v36, v37;
	v33 =	vadd.f32 v34, v33  }
0x390: {  	v21 =	vld [tilespmem:s17+$0x230];
	v42 =	vmovc v3;
	v27 =	vadd.f32 v27, v41;
	v41 =	vmul.f32 v25, v43;
	v25 =	vmul.f32 v25, v11  }
0x391: {  	[tilespmem:$0x1F090] =	vst v3;
	v3 =	vmovc v26;
	v26 =	vld [tilespmem:s17+$0x220];
	v31 =	vmovc v11;
	v34 =	vadd.f32 v40, v32;
	v40 =	vmul.f32 v24, v6;
	v11 =	vimm.s32 $0x1  }
0x392: {  	[tilespmem:$0x1F140] =	vst v7;
	v23 =	vld [tilespmem:s17+$0x2A0];
	v35 =	vadd.f32 v41, v36;
	v25 =	vadd.f32 v25, v27;
	v27 =	vperm.xlane v15, v1  }
0x393: {  	[tilespmem:$0x1EC50] =	vst v6;
	v32 =	vld [tilespmem:s17+$0x290];
	v41 =	vmul.f32 v24, v10;
	v36 =	vadd.f32 v54, v33;
	v24 =	vmul.f32 v24, v5  }
0x394: {  	[tilespmem:$0x1F070] =	vst v5;
	v7 =	vmovc v10;
	v6 =	vmovc v5;
	v34 =	vadd.f32 v40, v34;
	v5 =	vld [tilespmem:s17+$0x2B0];
	v10 =	vimm.s32 $0xD;
	v37 =	vmul.f32 v27, v58  }
0x395: {  	v33 =	vld [tilespmem:s17+$0x310];
	v54 =	vmul.f32 v27, v13;
	v24 =	vadd.f32 v24, v25;
	v25 =	vperm.xlane v15, v10  }
0x396: {  	[tilespmem:$0x1EC30] =	vst v26;
	v35 =	vadd.f32 v41, v35;
	v39 =	vmul.f32 v27, v26;
	v27 =	vmul.f32 v27, v21;
	v26 =	vld [tilespmem:$0x1EBB0]  }
0x397: {  	[tilespmem:$0x1EFA0] =	vst v13;
	v10 =	vimm.s32 $0xE;
	v36 =	vadd.f32 v37, v36;
	v37 =	vadd.f32 v54, v34;
	v54 =	vld [tilespmem:s17+$0x320]  }
0x398: {  	v1 =	vmovc v13;
	v13 =	vld [tilespmem:s17+$0x330];
	v38 =	vadd.f32 v39, v35;
	v35 =	vmul.f32 v25, v59;
	v39 =	vmul.f32 v25, v32  }
0x399: {  	v9 =	vld [tilespmem:s18+$0x10080];
	[tilespmem:$0x1EC60] =	vst v59;
	v24 =	vadd.f32 v27, v24;
	v27 =	vperm.xlane v15, v10;
	v59 =	vmul.f32 v25, v23  }
0x39a: {  	v34 =	vld [tilespmem:s17+$0x380];
	[tilespmem:$0x1EC70] =	vst v5;
	v25 =	vmul.f32 v25, v5;
	v5 =	vimm.s32 $0xF;
	v36 =	vadd.f32 v35, v36  }
0x39b: {  	v37 =	vadd.f32 v39, v37;
	v38 =	vadd.f32 v59, v38;
	v39 =	vmul.f32 v27, v26  }
0x39c: {  	v35 =	vld [tilespmem:s17+$0x390];
	v24 =	vadd.f32 v25, v24;
	v25 =	vmul.f32 v27, v33;
	v40 =	vmul.f32 v27, v54  }
0x39d: {  	v15 =	vperm.xlane v15, v5;
	v59 =	vld [tilespmem:s17+$0x3A0];
	v36 =	vadd.f32 v39, v36;
	v27 =	vmul.f32 v27, v13  }
0x39e: {  	v10 =	vimm.s32 $0x0;
	v5 =	vld [tilespmem:s17+$0x3B0];
	v25 =	vadd.f32 v25, v37;
	v37 =	vadd.f32 v40, v38  }
0x39f: {  	v38 =	vmul.f32 v15, v34;
	v24 =	vadd.f32 v27, v24;
	v27 =	vperm.xlane v9, v11  }
0x3a0: {  	v39 =	vperm.xlane v9, v10  }
0x3a1: {  	[tilespmem:$0x1EC80] =	vst v13;
	v13 =	vadd.f32 v38, v36;
	v36 =	vmul.f32 v15, v35;
	v41 =	vmul.f32 v27, v20;
	v20 =	vld [tilespmem:$0x1EBF0]  }
0x3a2: {  	v40 =	vmul.f32 v39, v18  }
0x3a3: {  	v38 =	vmul.f32 v15, v59;
	v15 =	vmul.f32 v15, v5;
	[tilespmem:$0x1EBC0] =	vst v13;
	v13 =	vadd.f32 v36, v25  }
0x3a4: {  	[tilespmem:$0x1F200] =	vst v56;
	v40 =	vadd.f32 v40, v16;
	v36 =	vmul.f32 v39, v17;
	v17 =	vimm.s32 $0x4  }
0x3a5: {  	[tilespmem:$0x1EBD0] =	vst v13;
	v13 =	vadd.f32 v38, v37;
	v37 =	vmul.f32 v27, v53;
	v38 =	vperm.xlane v9, v2  }
0x3a6: {  	[tilespmem:$0x1ED10] =	vst v53;
	v53 =	vmul.f32 v27, v28;
	v36 =	vadd.f32 v36, v16;
	v25 =	vmul.f32 v39, v20  }
0x3a7: {  	v27 =	vmul.f32 v27, v4;
	[tilespmem:$0x1EBE0] =	vst v13;
	v13 =	vadd.f32 v15, v24;
	v24 =	vmul.f32 v39, v62  }
0x3a8: {  	[tilespmem:$0x1EC40] =	vst v21;
	v4 =	vimm.s32 $0x3;
	v15 =	vadd.f32 v41, v40;
	v25 =	vadd.f32 v25, v16  }
0x3a9: {  	v21 =	vmovc v57;
	v56 =	vmul.f32 v38, v56;
	v57 =	vmul.f32 v38, v57;
	v24 =	vadd.f32 v24, v16  }
0x3aa: {  	[tilespmem:$0x1F220] =	vst v60;
	v27 =	vadd.f32 v27, v36;
	v36 =	vperm.xlane v9, v4;
	v25 =	vadd.f32 v37, v25  }
0x3ab: {  	[tilespmem:$0x1EDD0] =	vst v47;
	v2 =	vld [tilespmem:$0x1EED0];
	v15 =	vadd.f32 v56, v15;
	v56 =	vmul.f32 v38, v22;
	v24 =	vadd.f32 v53, v24  }
0x3ac: {  	[tilespmem:$0x1EDF0] =	vst v22;
	v53 =	vmul.f32 v38, v47;
	v47 =	vld [tilespmem:$0x1EC10];
	v25 =	vadd.f32 v57, v25;
	v57 =	vmul.f32 v36, v60  }
0x3ad: {  	[tilespmem:$0x1F1C0] =	vst v63;
	v22 =	vmov v63;
	v60 =	vmul.f32 v36, v63;
	v63 =	vperm.xlane v9, v17  }
0x3ae: {  	[tilespmem:$0x1EC90] =	vst v18;
	v18 =	vimm.s32 $0x5;
	v27 =	vadd.f32 v56, v27  }
0x3af: {  	v25 =	vadd.f32 v60, v25;
	v56 =	vmul.f32 v63, v61;
	v60 =	vperm.xlane v9, v18  }
0x3b0: {  	v15 =	vadd.f32 v57, v15;
	v57 =	vmul.f32 v63, v51;
	v37 =	vmul.f32 v63, v12  }
0x3b1: {  	[tilespmem:$0x1F1E0] =	vst v61;
	v61 =	vmul.f32 v63, v47;
	v63 =	vmul.f32 v60, v2;
	v2 =	vld [tilespmem:$0x1F1D0];
	_ =	sdelay $0x3  }
0x3b2: {  	[tilespmem:$0x1ED20] =	vst v28;
	v24 =	vadd.f32 v53, v24;
	v53 =	vmul.f32 v36, v29;
	v36 =	vmul.f32 v36, v48  }
0x3b3: {  	[tilespmem:$0x1EE40] =	vst v48;
	v48 =	vmul.f32 v60, v2;
	v2 =	vimm.s32 $0x6  }
0x3b4: {  	[tilespmem:$0x1F210] =	vst v51;
	v10 =	vimm.s32 $0xB;
	v27 =	vadd.f32 v36, v27;
	v51 =	vperm.xlane v9, v2  }
0x3b5: {  	v28 =	vimm.s32 $0xD;
	[tilespmem:$0x1EC00] =	vst v13;
	v16 =	vimm.s32 $0x8;
	v13 =	vimm.s32 $0x9  }
0x3b6: {  	[tilespmem:$0x1EDE0] =	vst v29;
	v29 =	vimm.s32 $0x7;
	v27 =	vadd.f32 v37, v27;
	v37 =	vmul.f32 v51, v0;
	v0 =	vld [tilespmem:$0x1EFE0]  }
0x3b7: {  	v12 =	vimm.s32 $0xC;
	v24 =	vadd.f32 v53, v24;
	v15 =	vadd.f32 v56, v15  }
0x3b8: {  	v25 =	vadd.f32 v57, v25;
	v53 =	vmul.f32 v60, v45;
	v36 =	vmul.f32 v60, v50  }
0x3b9: {  	v24 =	vadd.f32 v61, v24;
	v15 =	vadd.f32 v63, v15;
	v60 =	vperm.xlane v9, v29;
	v2 =	vld [tilespmem:$0x1EF50]  }
0x3ba: {  	v25 =	vadd.f32 v48, v25;
	v48 =	vld [tilespmem:$0x1EC20];
	v57 =	vmul.f32 v51, v55;
	v61 =	vmul.f32 v51, v46  }
0x3bb: {  	v24 =	vadd.f32 v53, v24;
	v46 =	vperm.xlane v9, v16;
	v63 =	vmul.f32 v60, v0;
	v0 =	vld [tilespmem:$0x1F000]  }
0x3bc: {  	[tilespmem:$0x1EFC0] =	vst v14;
	v27 =	vadd.f32 v36, v27;
	v36 =	vmul.f32 v60, v14;
	v14 =	vimm.s32 $0xE  }
0x3bd: {  	v25 =	vadd.f32 v57, v25;
	v24 =	vadd.f32 v61, v24;
	v53 =	vmul.f32 v46, v30  }
0x3be: {  	[tilespmem:$0x1EF60] =	vst v55;
	v27 =	vadd.f32 v37, v27;
	v55 =	vmul.f32 v46, v42;
	v37 =	vmul.f32 v46, v44  }
0x3bf: {  	[tilespmem:$0x1F060] =	vst v30;
	v30 =	vimm.s32 $0xF;
	v56 =	vmul.f32 v51, v2;
	v50 =	vmul.f32 v60, v48  }
0x3c0: {  	[tilespmem:$0x1EE00] =	vst v45;
	v44 =	vperm.xlane v9, v14;
	v27 =	vadd.f32 v36, v27;
	v45 =	vmul.f32 v60, v0;
	v0 =	vld [tilespmem:$0x1F050]  }
0x3c1: {  	v11 =	vld [tilespmem:$0x1EC30];
	v15 =	vadd.f32 v56, v15;
	v56 =	vperm.xlane v9, v13;
	v24 =	vadd.f32 v50, v24  }
0x3c2: {  	v42 =	vperm.xlane v9, v30;
	v36 =	vperm.xlane v9, v12;
	v27 =	vadd.f32 v37, v27;
	v50 =	vld [tilespmem:s18+$0x10100]  }
0x3c3: {  	[tilespmem:$0x1EF90] =	vst v58;
	v37 =	vperm.xlane v9, v10;
	v61 =	vmul.f32 v56, v49;
	v24 =	vadd.f32 v55, v24;
	v55 =	vld [tilespmem:$0x1EC50]  }
0x3c4: {  	[tilespmem:$0x1F0A0] =	vst v49;
	v15 =	vadd.f32 v63, v15;
	v38 =	vmul.f32 v56, v19;
	v49 =	vmul.f32 v36, v58;
	v58 =	vld [tilespmem:$0x1EC40]  }
0x3c5: {  	[tilespmem:$0x1F0F0] =	vst v19;
	v19 =	vimm.s32 $0x1;
	v25 =	vadd.f32 v45, v25;
	v51 =	vmul.f32 v46, v0;
	v0 =	vld [tilespmem:$0x1F0D0]  }
0x3c6: {  	[tilespmem:$0x1F0E0] =	vst v52;
	v27 =	vadd.f32 v38, v27;
	v60 =	vmul.f32 v56, v52;
	v52 =	vmul.f32 v36, v11  }
0x3c7: {  	v41 =	vperm.xlane v50, v12;
	v38 =	vperm.xlane v50, v10;
	v25 =	vadd.f32 v53, v25  }
0x3c8: {  	v2 =	vld [tilespmem:$0x1F140];
	v24 =	vadd.f32 v61, v24;
	v39 =	vperm.xlane v50, v19;
	v61 =	vmul.f32 v37, v55  }
0x3c9: {  	v53 =	vmul.f32 v36, v58;
	v46 =	vperm.xlane v9, v28;
	v25 =	vadd.f32 v60, v25  }
0x3ca: {  	v60 =	vmul.f32 v37, v8;
	v57 =	vmul.f32 v56, v0;
	v0 =	vimm.s32 $0xA  }
0x3cb: {  	v8 =	vperm.xlane v50, v16;
	v9 =	vperm.xlane v9, v0  }
0x3cc: {  	v15 =	vadd.f32 v51, v15;
	v51 =	vmul.f32 v36, v1;
	v56 =	vperm.xlane v50, v30  }
0x3cd: {  	v63 =	vmul.f32 v9, v3;
	v45 =	vmul.f32 v9, v2  }
0x3ce: {  	v15 =	vadd.f32 v57, v15;
	v57 =	vmul.f32 v9, v43;
	v9 =	vmul.f32 v9, v31  }
0x3cf: {  	v36 =	vimm.s32 $0x6;
	v0 =	vperm.xlane v50, v0;
	v2 =	vperm.xlane v50, v28  }
0x3d0: {  	v25 =	vadd.f32 v45, v25;
	v9 =	vadd.f32 v9, v27;
	v27 =	vmul.f32 v37, v6  }
0x3d1: {  	[tilespmem:$0x1F110] =	vst v43;
	v3 =	vperm.xlane v50, v29;
	v43 =	vperm.xlane v50, v18;
	v15 =	vadd.f32 v63, v15  }
0x3d2: {  	v40 =	vld [tilespmem:$0x1EC60];
	[tilespmem:$0x1F130] =	vst v0;
	v0 =	vimm.s32 $0x0;
	v25 =	vadd.f32 v61, v25;
	v9 =	vadd.f32 v27, v9  }
0x3d3: {  	v24 =	vadd.f32 v57, v24;
	v63 =	vmul.f32 v37, v7;
	v57 =	vperm.xlane v50, v14  }
0x3d4: {  	v25 =	vadd.f32 v51, v25;
	v9 =	vadd.f32 v53, v9;
	v53 =	vmul.f32 v46, v32  }
0x3d5: {  	v6 =	vimm.s32 $0x2;
	v37 =	vperm.xlane v50, v13;
	v15 =	vadd.f32 v60, v15  }
0x3d6: {  	v24 =	vadd.f32 v63, v24;
	v60 =	vperm.xlane v50, v4;
	v25 =	vadd.f32 v53, v25;
	v53 =	vld [tilespmem:$0x1EC70]  }
0x3d7: {  	v27 =	vmul.f32 v46, v40;
	v15 =	vadd.f32 v49, v15;
	v49 =	vperm.xlane v50, v36  }
0x3d8: {  	v51 =	vperm.xlane v50, v17;
	v24 =	vadd.f32 v52, v24;
	v52 =	vperm.xlane v50, v6  }
0x3d9: {  	v10 =	vld [tilespmem:$0x1EC80];
	v16 =	vadd.f32 v27, v15;
	v27 =	vperm.xlane v50, v0;
	v50 =	vmul.f32 v46, v23  }
0x3da: {  	v4 =	vld [tilespmem:$0x1EC90]  }
0x3db: {  	v24 =	vadd.f32 v50, v24;
	v50 =	vld [tilespmem:s18+$0x10180];
	v46 =	vmul.f32 v46, v53  }
0x3dc: {  	v63 =	vmul.f32 v44, v26  }
0x3dd: {  	v7 =	vimm.s32 $0xF;
	v15 =	vadd.f32 v46, v9;
	v9 =	vmul.f32 v44, v33  }
0x3de: {  	v61 =	vmul.f32 v42, v34;
	v16 =	vadd.f32 v63, v16;
	v63 =	vmul.f32 v44, v54  }
0x3df: {  	v9 =	vadd.f32 v9, v25;
	v25 =	vmul.f32 v44, v10;
	v44 =	vmul.f32 v27, v4;
	v4 =	vld [tilespmem:$0x1ECB0]  }
0x3e0: {  	v13 =	vperm.xlane v50, v7;
	v7 =	vadd.f32 v61, v16  }
0x3e1: {  	v12 =	vimm.s32 $0xB;
	v1 =	vimm.s32 $0xE  }
0x3e2: {  	v0 =	vmul.f32 v42, v35;
	[tilespmem:$0x1ECC0] =	vst v7;
	v7 =	vperm.xlane v50, v1;
	v1 =	vimm.s32 $0x9  }
0x3e3: {  	[tilespmem:$0x1ECA0] =	vst v62;
	v17 =	vmul.f32 v27, v62;
	v24 =	vadd.f32 v63, v24;
	v63 =	vmul.f32 v27, v20  }
0x3e4: {  	v46 =	vmul.f32 v42, v59;
	v62 =	vmovc v4;
	v18 =	vmul.f32 v27, v4;
	v4 =	vadd.f32 v0, v9  }
0x3e5: {  	v42 =	vmul.f32 v42, v5;
	v20 =	vperm.xlane v50, v1;
	v15 =	vadd.f32 v25, v15;
	v1 =	vmovc v23;
	v23 =	vld [tilespmem:$0x1ED10]  }
0x3e6: {  	[tilespmem:$0x1ECD0] =	vst v4;
	v4 =	vld [tilespmem:$0x1ED00]  }
0x3e7: {  	v29 =	vperm.xlane v50, v12;
	v12 =	vmov v5;
	v5 =	vadd.f32 v42, v15  }
0x3e8: {  	v16 =	vadd.f32 v46, v24;
	v27 =	vimm.s32 $0x5;
	v0 =	vmovc v7;
	v7 =	vimm.f32 $0.0e+00  }
0x3e9: {  	[tilespmem:$0x1ECF0] =	vst v5;
	v15 =	vadd.f32 v44, v7;
	v5 =	vimm.s32 $0x0;
	v44 =	vperm.xlane v50, v27  }
0x3ea: {  	v61 =	vimm.s32 $0x4;
	v5 =	vperm.xlane v50, v5;
	v27 =	vmul.f32 v39, v23  }
0x3eb: {  	[tilespmem:$0x1ECE0] =	vst v16;
	v25 =	vadd.f32 v63, v7;
	v16 =	vmul.f32 v39, v4;
	v4 =	vperm.xlane v50, v61  }
0x3ec: {  	v28 =	vimm.s32 $0xA;
	v6 =	vperm.xlane v50, v6;
	[tilespmem:$0x1ED50] =	vst v5;
	v5 =	vmul.f32 v56, v34  }
0x3ed: {  	v9 =	vperm.xlane v50, v28;
	v25 =	vadd.f32 v27, v25;
	v27 =	vld [tilespmem:$0x1ED20];
	[tilespmem:$0x1F1F0] =	vst v4;
	v4 =	vimm.s32 $0x3  }
0x3ee: {  	[tilespmem:$0x1ED70] =	vst v5;
	v5 =	vmul.f32 v56, v35;
	v28 =	vperm.xlane v50, v4;
	v4 =	vld [tilespmem:$0x1ED60]  }
0x3ef: {  	[tilespmem:$0x1ED30] =	vst v6;
	v6 =	vperm.xlane v50, v19;
	v16 =	vadd.f32 v16, v15;
	v15 =	vmov v59  }
0x3f0: {  	v36 =	vperm.xlane v50, v36;
	[tilespmem:$0x1ED80] =	vst v5;
	v5 =	vmul.f32 v56, v15;
	_ =	sdelay $0x1  }
0x3f1: {  	v59 =	vmov v36;
	v36 =	vmul.f32 v39, v27;
	[tilespmem:$0x1EDA0] =	vst v5;
	v5 =	vmul.f32 v56, v12  }
0x3f2: {  	[tilespmem:$0x1ED40] =	vst v6;
	v6 =	vmov v13;
	v63 =	vmul.f32 v39, v4;
	v39 =	vmul.f32 v52, v21  }
0x3f3: {  	[tilespmem:$0x1EE20] =	vst v6;
	v6 =	vmul.f32 v6, v35;
	v56 =	vld [tilespmem:$0x1EDD0]  }
0x3f4: {  	[tilespmem:$0x1EDC0] =	vst v5;
	v5 =	vadd.f32 v39, v25;
	v39 =	vmul.f32 v13, v34;
	v34 =	vmul.f32 v60, v22  }
0x3f5: {  	v17 =	vadd.f32 v17, v7;
	[tilespmem:$0x1EE30] =	vst v6;
	v6 =	vld [tilespmem:$0x1F220]  }
0x3f6: {  	v18 =	vadd.f32 v18, v7;
	v34 =	vadd.f32 v34, v5;
	v5 =	vmul.f32 v57, v33  }
0x3f7: {  	v17 =	vadd.f32 v36, v17  }
0x3f8: {  	v18 =	vadd.f32 v63, v18;
	v63 =	vmul.f32 v52, v56;
	[tilespmem:$0x1EE60] =	vst v5;
	v5 =	vmul.f32 v57, v54;
	_ =	sdelay $0x1  }
0x3f9: {  	v17 =	vadd.f32 v63, v17;
	v63 =	vmul.f32 v60, v6;
	v6 =	vld [tilespmem:$0x1EE40];
	[tilespmem:$0x1EE80] =	vst v5;
	v5 =	vmul.f32 v57, v10;
	_ =	sdelay $0x1  }
0x3fa: {  	v30 =	vimm.s32 $0x8;
	v31 =	vimm.s32 $0xC;
	v45 =	vimm.s32 $0xD;
	[tilespmem:$0x1EE90] =	vst v5;
	v5 =	vld [tilespmem:$0x1F1E0]  }
0x3fb: {  	v14 =	vimm.s32 $0x7;
	v45 =	vperm.xlane v50, v45;
	v31 =	vperm.xlane v50, v31  }
0x3fc: {  	v30 =	vperm.xlane v50, v30;
	v14 =	vperm.xlane v50, v14  }
0x3fd: {  	v24 =	vmov v6;
	v50 =	vmul.f32 v60, v6;
	v6 =	vmul.f32 v57, v26;
	_ =	sdelay $0x1  }
0x3fe: {  	v10 =	vmul.f32 v0, v33;
	[tilespmem:$0x1EE50] =	vst v6;
	v6 =	vmul.f32 v51, v5  }
0x3ff: {  	[tilespmem:$0x1EEB0] =	vst v0;
	v5 =	vmul.f32 v0, v26;
	v0 =	vmul.f32 v2, v32;
	_ =	sdelay $0x1  }
0x400: {  	v42 =	vmov v4;
	v4 =	vld [tilespmem:$0x1F200];
	[tilespmem:$0x1EEC0] =	vst v0;
	v0 =	vmul.f32 v2, v1;
	_ =	sdelay $0x1  }
0x401: {  	[tilespmem:$0x1EEF0] =	vst v0;
	v0 =	vld [tilespmem:$0x1F1D0];
	_ =	sdelay $0x2  }
0x402: {  	v36 =	vmul.f32 v52, v4;
	v4 =	vld [tilespmem:$0x1EDF0];
	_ =	sdelay $0x1  }
0x403: {  	[tilespmem:$0x1EDB0] =	vst v12;
	v12 =	vmov v48;
	v48 =	vld [tilespmem:$0x1EE10];
	v46 =	vmul.f32 v43, v0;
	v0 =	vmul.f32 v2, v53;
	_ =	sdelay $0x1  }
0x404: {  	[tilespmem:$0x1EF00] =	vst v0;
	v0 =	vmul.f32 v45, v40  }
0x405: {  	v16 =	vadd.f32 v36, v16;
	v36 =	vmul.f32 v52, v4  }
0x406: {  	[tilespmem:$0x1EF10] =	vst v0;
	v0 =	vld [tilespmem:$0x1EF20]  }
0x407: {  	v25 =	vld [tilespmem:$0x1EDE0];
	v16 =	vadd.f32 v63, v16;
	v63 =	vmul.f32 v51, v48;
	v18 =	vadd.f32 v36, v18;
	_ =	sdelay $0x1  }
0x408: {  	v52 =	vld [tilespmem:$0x1EE00];
	v18 =	vadd.f32 v50, v18;
	_ =	sdelay $0x1  }
0x409: {  	v18 =	vadd.f32 v63, v18;
	v63 =	vmovc v0;
	v19 =	vmul.f32 v43, v0;
	v0 =	vmul.f32 v45, v32  }
0x40a: {  	v36 =	vmul.f32 v60, v25  }
0x40b: {  	v13 =	vmov v11;
	v11 =	vmov v58;
	[tilespmem:$0x1EF40] =	vst v0;
	v0 =	vld [tilespmem:$0x1EF70]  }
0x40c: {  	v58 =	vmul.f32 v51, v47;
	v57 =	vmovc v47;
	v17 =	vadd.f32 v36, v17;
	v47 =	vmul.f32 v43, v52  }
0x40d: {  	v60 =	vmov v4;
	v4 =	vld [tilespmem:$0x1F210]  }
0x40e: {  	v17 =	vadd.f32 v58, v17;
	v58 =	vld [tilespmem:$0x1EED0]  }
0x40f: {  	[tilespmem:$0x1EEA0] =	vst v5;
	v5 =	vld [tilespmem:$0x1EFA0]  }
0x410: {  	v17 =	vadd.f32 v47, v17;
	v47 =	vmov v0;
	v33 =	vmul.f32 v49, v0;
	v0 =	vld [tilespmem:$0x1EF80];
	_ =	sdelay $0x2  }
0x411: {  	[tilespmem:$0x1EE70] =	vst v54  }
0x412: {  	v54 =	vmovc v20;
	v20 =	vmul.f32 v51, v4;
	v16 =	vadd.f32 v6, v16;
	v4 =	vld [tilespmem:$0x1EF90];
	v36 =	vmul.f32 v43, v58  }
0x413: {  	[tilespmem:$0x1ED90] =	vst v15;
	v15 =	vmov v0;
	v53 =	vmul.f32 v49, v0;
	v0 =	vmul.f32 v41, v5  }
0x414: {  	v16 =	vadd.f32 v36, v16;
	v36 =	vld [tilespmem:$0x1EF50]  }
0x415: {  	v6 =	vmul.f32 v2, v40;
	v40 =	vld [tilespmem:$0x1EF60];
	[tilespmem:$0x1EFB0] =	vst v0;
	v0 =	vmul.f32 v41, v11;
	_ =	sdelay $0x1  }
0x416: {  	v61 =	vmov v21;
	v21 =	vld [tilespmem:$0x1EFE0];
	v20 =	vadd.f32 v20, v34;
	[tilespmem:$0x1EFD0] =	vst v0;
	v0 =	vmul.f32 v31, v4  }
0x417: {  	v22 =	vld [tilespmem:$0x1F040];
	v35 =	vmul.f32 v41, v13  }
0x418: {  	v13 =	vmovc v44;
	v44 =	vld [tilespmem:$0x1EFC0];
	v51 =	vmov v9;
	v20 =	vadd.f32 v46, v20;
	[tilespmem:$0x1EFF0] =	vst v0;
	v0 =	vmul.f32 v31, v5  }
0x419: {  	v9 =	vmovc v14;
	v14 =	vld [tilespmem:$0x1F050];
	v50 =	vmul.f32 v49, v36;
	v18 =	vadd.f32 v19, v18;
	v19 =	vmul.f32 v49, v40  }
0x41a: {  	v2 =	vmul.f32 v41, v4;
	[tilespmem:$0x1F020] =	vst v0;
	v0 =	vld [tilespmem:$0x1F030]  }
0x41b: {  	v16 =	vadd.f32 v50, v16;
	v19 =	vadd.f32 v19, v20;
	v20 =	vmul.f32 v3, v21;
	v41 =	vld [tilespmem:$0x1F000]  }
0x41c: {  	v18 =	vadd.f32 v53, v18;
	v53 =	vld [tilespmem:$0x1F070]  }
0x41d: {  	[tilespmem:$0x1EF30] =	vst v45;
	v26 =	vld [tilespmem:$0x1F0D0];
	v32 =	vmul.f32 v38, v22;
	v16 =	vadd.f32 v20, v16  }
0x41e: {  	v43 =	vld [tilespmem:$0x1F090];
	v20 =	vmul.f32 v3, v12;
	v17 =	vadd.f32 v33, v17;
	v33 =	vmul.f32 v38, v55;
	v49 =	vmovc v29  }
0x41f: {  	[tilespmem:$0x1EEE0] =	vst v1;
	v45 =	vld [tilespmem:$0x1F0A0];
	v1 =	vmul.f32 v38, v0;
	v0 =	vmul.f32 v49, v22  }
0x420: {  	v17 =	vadd.f32 v20, v17;
	v20 =	vmul.f32 v8, v14;
	v5 =	vld [tilespmem:$0x1F060];
	v29 =	vmul.f32 v3, v41  }
0x421: {  	v34 =	vmul.f32 v38, v53;
	v38 =	vld [tilespmem:$0x1F080];
	[tilespmem:$0x1F0B0] =	vst v0;
	v0 =	vmul.f32 v49, v55  }
0x422: {  	v19 =	vadd.f32 v29, v19;
	v29 =	vmul.f32 v3, v44;
	v3 =	vmov v28;
	v28 =	vld [tilespmem:$0x1F0E0]  }
0x423: {  	v16 =	vadd.f32 v20, v16;
	v20 =	vmul.f32 v8, v43;
	[tilespmem:$0x1F0C0] =	vst v0;
	v0 =	vld [tilespmem:$0x1F0F0];
	_ =	sdelay $0x1  }
0x424: {  	v17 =	vadd.f32 v20, v17;
	v20 =	vmul.f32 v37, v26  }
0x425: {  	v18 =	vadd.f32 v29, v18;
	v22 =	vmul.f32 v8, v38  }
0x426: {  	v50 =	vld [tilespmem:$0x1F130];
	v16 =	vadd.f32 v20, v16;
	v29 =	vmul.f32 v8, v5;
	v8 =	vmovc v23;
	v23 =	vmul.f32 v37, v45  }
0x427: {  	v18 =	vadd.f32 v22, v18;
	v22 =	vmul.f32 v37, v28;
	v20 =	vmul.f32 v37, v0;
	v37 =	vmovc v0;
	v0 =	vld [tilespmem:$0x1F120];
	_ =	sdelay $0x1  }
0x428: {  	v4 =	vld [tilespmem:$0x1F140];
	_ =	sdelay $0x2  }
0x429: {  	v19 =	vadd.f32 v29, v19;
	v29 =	vmul.f32 v50, v0;
	v0 =	vmul.f32 v51, v0;
	_ =	sdelay $0x1  }
0x42a: {  	[tilespmem:$0x1F150] =	vst v0;
	v0 =	vmul.f32 v51, v4;
	_ =	sdelay $0x1  }
0x42b: {  	[tilespmem:$0x1F160] =	vst v0;
	v0 =	vmul.f32 v54, v26;
	_ =	sdelay $0x1  }
0x42c: {  	[tilespmem:$0x1F170] =	vst v0;
	v0 =	vmul.f32 v54, v28;
	_ =	sdelay $0x1  }
0x42d: {  	[tilespmem:$0x1F180] =	vst v0;
	v0 =	vmul.f32 v30, v14;
	_ =	sdelay $0x1  }
0x42e: {  	[tilespmem:$0x1F190] =	vst v0;
	v0 =	vmul.f32 v30, v5;
	_ =	sdelay $0x1  }
0x42f: {  	[tilespmem:$0x1F1B0] =	vst v0;
	v0 =	vld [tilespmem:$0x1F1D0];
	_ =	sdelay $0x2  }
0x430: {  	v19 =	vadd.f32 v22, v19;
	v22 =	vmul.f32 v50, v4  }
0x431: {  	v4 =	vld [tilespmem:$0x1F1F0]  }
0x432: {  	v26 =	vadd.f32 v29, v16;
	v29 =	vadd.f32 v22, v19;
	v19 =	vmul.f32 v13, v0;
	v0 =	vld [tilespmem:$0x1F1E0];
	_ =	sdelay $0x1  }
0x433: {  	v46 =	vld [tilespmem:$0x1F110]  }
0x434: {  	v55 =	vld [tilespmem:$0x1F100];
	_ =	sdelay $0x1  }
0x435: {  	v22 =	vmul.f32 v4, v0;
	v0 =	vld [tilespmem:$0x1F210];
	_ =	sdelay $0x1  }
0x436: {  	[tilespmem:$0x1F010] =	vst v31;
	v31 =	vmul.f32 v50, v46  }
0x437: {  	v17 =	vadd.f32 v23, v17;
	v23 =	vmul.f32 v50, v55;
	v20 =	vadd.f32 v20, v18;
	_ =	sdelay $0x1  }
0x438: {  	[tilespmem:$0x1F1A0] =	vst v30;
	v30 =	vadd.f32 v31, v17;
	v31 =	vadd.f32 v23, v20;
	v23 =	vmul.f32 v4, v0;
	v0 =	vld [tilespmem:$0x1F220];
	_ =	sdelay $0x3  }
0x439: {  	v28 =	vadd.f32 v32, v26  }
0x43a: {  	v32 =	vadd.f32 v33, v29;
	v29 =	vmul.f32 v3, v0;
	v0 =	vimm.f32 $0.0e+00  }
0x43b: {  	v18 =	vmul.f32 v59, v36;
	[tilespmem:$0x1F230] =	vst v0;
	v0 =	vimm.f32 $0.0e+00  }
0x43c: {  	v50 =	vld [tilespmem:$0x1F1C0];
	v16 =	vmul.f32 v9, v21;
	v21 =	vmul.f32 v13, v58;
	[tilespmem:$0x1F240] =	vst v0;
	v0 =	vimm.f32 $0.0e+00  }
0x43d: {  	s19 =	simm.s32 $0x0;
	s18 =	simm.s32 $0x10;
	v33 =	vld [tilespmem:$0x1F200];
	v17 =	vmul.f32 v9, v41;
	v20 =	vmul.f32 v59, v40;
	v5 =	vmov v4;
	[tilespmem:$0x1F250] =	vst v0  }
.LBB2_7:
0x43e: {  	_ =	sdelay $0x1  }
0x43f: {  	v30 =	vadd.f32 v1, v30;
	v1 =	vld [tilespmem:$0x1EFB0];
	_ =	sdelay $0x4  }
0x440: {  	v32 =	vadd.f32 v1, v32;
	v1 =	vld [tilespmem:$0x1EFD0];
	_ =	sdelay $0x2  }
0x441: {  	v31 =	vadd.f32 v34, v31  }
0x442: {  	v26 =	vmul.f32 v3, v50;
	v50 =	vld [tilespmem:$0x1ED40]  }
0x443: {  	v31 =	vadd.f32 v1, v31;
	v1 =	vld [tilespmem:$0x1ED00];
	_ =	sdelay $0x4  }
0x444: {  	v58 =	vmul.f32 v50, v1;
	v1 =	vld [tilespmem:$0x1EEC0];
	_ =	sdelay $0x4  }
0x445: {  	v32 =	vadd.f32 v1, v32;
	v1 =	vld [tilespmem:$0x1EEF0];
	_ =	sdelay $0x2  }
0x446: {  	v30 =	vadd.f32 v35, v30  }
0x447: {  	v28 =	vadd.f32 v2, v28;
	v2 =	vld [tilespmem:$0x1EE50]  }
0x448: {  	v30 =	vadd.f32 v1, v30;
	v1 =	vld [tilespmem:$0x1EF00];
	_ =	sdelay $0x1  }
0x449: {  	v4 =	vld [tilespmem:$0x1EE80];
	v28 =	vadd.f32 v6, v28  }
0x44a: {  	v6 =	vld [tilespmem:$0x1ED50]  }
0x44b: {  	v28 =	vadd.f32 v2, v28;
	v2 =	vld [tilespmem:$0x1EE60]  }
0x44c: {  	v31 =	vadd.f32 v1, v31;
	v1 =	vld [tilespmem:$0x1EC90];
	_ =	sdelay $0x2  }
0x44d: {  	v36 =	vmul.f32 v50, v8;
	v8 =	vld [tilespmem:$0x1ED70]  }
0x44e: {  	v32 =	vadd.f32 v2, v32;
	v2 =	vld [tilespmem:$0x1EBF0]  }
0x44f: {  	v30 =	vadd.f32 v4, v30;
	v4 =	vld [tilespmem:$0x1EE90];
	v1 =	vmul.f32 v6, v1;
	_ =	sdelay $0x1  }
0x450: {  	v1 =	vadd.f32 v1, v7;
	v7 =	vld [tilespmem:$0x1F230];
	_ =	sdelay $0x1  }
0x451: {  	v8 =	vadd.f32 v8, v28  }
0x452: {  	v2 =	vmul.f32 v6, v2;
	v31 =	vadd.f32 v4, v31;
	v4 =	vld [tilespmem:$0x1ECA0]  }
0x453: {  	[tilespmem:$0x1E9C0] =	vst v8;
	v8 =	vld [tilespmem:$0x1ED80]  }
0x454: {  	v2 =	vadd.f32 v2, v7;
	v7 =	vld [tilespmem:$0x1F240];
	_ =	sdelay $0x2  }
0x455: {  	v4 =	vmul.f32 v6, v4  }
0x456: {  	v0 =	vld [tilespmem:$0x1ED30];
	v8 =	vadd.f32 v8, v32  }
0x457: {  	v4 =	vadd.f32 v4, v7;
	v7 =	vld [tilespmem:$0x1F250]  }
0x458: {  	[tilespmem:$0x1E9D0] =	vst v8;
	v8 =	vld [tilespmem:$0x1EDA0];
	_ =	sdelay $0x1  }
0x459: {  	v6 =	vmul.f32 v6, v62  }
0x45a: {  	v28 =	vmul.f32 v50, v27  }
0x45b: {  	v33 =	vmul.f32 v0, v33;
	v27 =	vmul.f32 v50, v42;
	v6 =	vadd.f32 v6, v7  }
0x45c: {  	v8 =	vadd.f32 v8, v30;
	v30 =	vmul.f32 v0, v56;
	v4 =	vadd.f32 v28, v4  }
0x45d: {  	v41 =	vmul.f32 v0, v61;
	v0 =	vmul.f32 v0, v60;
	v7 =	vadd.f32 v27, v6  }
0x45e: {  	v25 =	vmul.f32 v3, v25;
	v4 =	vadd.f32 v30, v4  }
0x45f: {  	v3 =	vmul.f32 v3, v24;
	v1 =	vadd.f32 v58, v1;
	v0 =	vadd.f32 v0, v7  }
0x460: {  	v4 =	vadd.f32 v25, v4;
	v6 =	vmov v5;
	v5 =	vmul.f32 v5, v57  }
0x461: {  	v1 =	vadd.f32 v33, v1;
	v0 =	vadd.f32 v3, v0  }
0x462: {  	v3 =	vmul.f32 v6, v48;
	v6 =	vmul.f32 v13, v52;
	v4 =	vadd.f32 v5, v4  }
0x463: {  	v1 =	vadd.f32 v29, v1  }
0x464: {  	v2 =	vadd.f32 v36, v2;
	v5 =	vmul.f32 v59, v47;
	v4 =	vadd.f32 v6, v4  }
0x465: {  	v1 =	vadd.f32 v22, v1  }
0x466: {  	v2 =	vadd.f32 v41, v2;
	v6 =	vmul.f32 v9, v12;
	v4 =	vadd.f32 v5, v4  }
0x467: {  	v1 =	vadd.f32 v21, v1;
	v7 =	vld [tilespmem:$0x1F1A0]  }
0x468: {  	v2 =	vadd.f32 v26, v2;
	v4 =	vadd.f32 v6, v4;
	v6 =	vld [tilespmem:$0x1F190]  }
0x469: {  	v1 =	vadd.f32 v18, v1  }
0x46a: {  	v2 =	vadd.f32 v23, v2  }
0x46b: {  	v1 =	vadd.f32 v16, v1  }
0x46c: {  	v2 =	vadd.f32 v19, v2;
	v5 =	vmul.f32 v7, v43  }
0x46d: {  	v1 =	vadd.f32 v6, v1;
	v6 =	vld [tilespmem:$0x1F1B0]  }
0x46e: {  	v2 =	vadd.f32 v20, v2;
	v4 =	vadd.f32 v5, v4;
	v5 =	vld [tilespmem:$0x1F170];
	_ =	sdelay $0x1  }
0x46f: {  	v2 =	vadd.f32 v17, v2;
	_ =	sdelay $0x1  }
0x470: {  	v2 =	vadd.f32 v6, v2;
	v6 =	vmul.f32 v54, v45  }
0x471: {  	v1 =	vadd.f32 v5, v1;
	v5 =	vld [tilespmem:$0x1F180]  }
0x472: {  	v4 =	vadd.f32 v6, v4;
	v6 =	vld [tilespmem:$0x1F150];
	_ =	sdelay $0x3  }
0x473: {  	v2 =	vadd.f32 v5, v2;
	v5 =	vmul.f32 v51, v46  }
0x474: {  	v0 =	vadd.f32 v3, v0;
	v3 =	vmul.f32 v13, v63;
	v1 =	vadd.f32 v6, v1;
	v6 =	vld [tilespmem:$0x1F160]  }
0x475: {  	v4 =	vadd.f32 v5, v4;
	v5 =	vld [tilespmem:$0x1F0B0]  }
0x476: {  	v0 =	vadd.f32 v3, v0;
	v3 =	vmul.f32 v59, v15;
	_ =	sdelay $0x1  }
0x477: {  	v0 =	vadd.f32 v3, v0;
	v3 =	vmul.f32 v9, v44  }
0x478: {  	v2 =	vadd.f32 v6, v2;
	v6 =	vld [tilespmem:$0x1F030]  }
0x479: {  	v0 =	vadd.f32 v3, v0;
	v3 =	vmul.f32 v7, v38;
	v1 =	vadd.f32 v5, v1;
	v5 =	vld [tilespmem:$0x1F0C0];
	_ =	sdelay $0x1  }
0x47a: {  	v0 =	vadd.f32 v3, v0;
	v3 =	vmul.f32 v54, v37  }
0x47b: {  	v7 =	vld [tilespmem:$0x1F010]  }
0x47c: {  	v0 =	vadd.f32 v3, v0;
	v3 =	vmul.f32 v51, v55;
	v6 =	vmul.f32 v49, v6  }
0x47d: {  	v2 =	vadd.f32 v5, v2;
	v5 =	vld [tilespmem:$0x1EC30]  }
0x47e: {  	v0 =	vadd.f32 v3, v0;
	v3 =	vmul.f32 v49, v53;
	v4 =	vadd.f32 v6, v4;
	v6 =	vld [tilespmem:$0x1EFF0];
	_ =	sdelay $0x1  }
0x47f: {  	v0 =	vadd.f32 v3, v0;
	v3 =	vmul.f32 v7, v11;
	_ =	sdelay $0x1  }
0x480: {  	v0 =	vadd.f32 v3, v0;
	v3 =	vld [tilespmem:$0x1EC70];
	v5 =	vmul.f32 v7, v5  }
0x481: {  	v1 =	vadd.f32 v6, v1;
	v6 =	vld [tilespmem:$0x1F020]  }
0x482: {  	v4 =	vadd.f32 v5, v4;
	v5 =	vld [tilespmem:$0x1EF10]  }
0x483: {  	v7 =	vld [tilespmem:$0x1EF30];
	_ =	sdelay $0x2  }
0x484: {  	v2 =	vadd.f32 v6, v2;
	v6 =	vld [tilespmem:$0x1EEE0]  }
0x485: {  	v1 =	vadd.f32 v5, v1;
	v5 =	vld [tilespmem:$0x1EF40]  }
0x486: {  	v3 =	vmul.f32 v7, v3;
	_ =	sdelay $0x1  }
0x487: {  	v0 =	vadd.f32 v3, v0;
	v3 =	vld [tilespmem:$0x1EC80]  }
0x488: {  	v6 =	vmul.f32 v7, v6;
	v7 =	vld [tilespmem:$0x1EEB0]  }
0x489: {  	v2 =	vadd.f32 v5, v2;
	v5 =	vld [tilespmem:$0x1EE70];
	_ =	sdelay $0x3  }
0x48a: {  	v4 =	vadd.f32 v6, v4;
	v6 =	vld [tilespmem:$0x1EEA0];
	v3 =	vmul.f32 v7, v3  }
0x48b: {  	s19 =	sadd.s32 $0x40, s19;
	v5 =	vmul.f32 v7, v5;
	v7 =	vld [tilespmem:$0x1EE20]  }
0x48c: {  	s20 =	sand.u32 $0x70, s18;
	s21 =	sand.u32 $0x600, s19;
	v0 =	vadd.f32 v3, v0;
	v3 =	vld [tilespmem:$0x1EDB0]  }
0x48d: {  	s20 =	sor.u32 s20, s21  }
0x48e: {  	v23 =	vld [tilespmem:s20+$0x10080]  }
0x48f: {  	v1 =	vadd.f32 v6, v1;
	v6 =	vld [tilespmem:$0x1ED90]  }
0x490: {  	v49 =	vld [tilespmem:s20+$0x10180]  }
0x491: {  	v16 =	vld [tilespmem:s20+$0x10000];
	v3 =	vmul.f32 v7, v3  }
0x492: {  	v44 =	vld [tilespmem:s20+$0x10100]  }
0x493: {  	[tilespmem:$0x1E9E0] =	vst v8;
	v8 =	vld [tilespmem:$0x1EDC0];
	v0 =	vadd.f32 v3, v0  }
0x494: {  	v6 =	vmul.f32 v7, v6;
	v3 =	vimm.s32 $0x8  }
0x495: {  	v9 =	vperm.xlane v23, v3;
	v30 =	vperm.xlane v49, v3;
	[tilespmem:$0x1F250] =	vst v0;
	v0 =	vimm.s32 $0xE  }
0x496: {  	v1 =	vadd.f32 v39, v1;
	v53 =	vperm.xlane v16, v0;
	v46 =	vperm.xlane v23, v0  }
0x497: {  	v42 =	vperm.xlane v44, v0;
	v27 =	vperm.xlane v49, v0;
	v0 =	vimm.s32 $0xD  }
0x498: {  	v8 =	vadd.f32 v8, v31;
	v38 =	vperm.xlane v16, v0;
	v60 =	vperm.xlane v23, v0  }
0x499: {  	[tilespmem:$0x1EA30] =	vst v1;
	v1 =	vld [tilespmem:$0x1EE30];
	v61 =	vperm.xlane v44, v0;
	v28 =	vperm.xlane v49, v0;
	v0 =	vimm.s32 $0xC  }
0x49a: {  	v2 =	vadd.f32 v10, v2;
	v35 =	vperm.xlane v16, v0;
	v62 =	vperm.xlane v23, v0  }
0x49b: {  	v29 =	vperm.xlane v44, v0;
	v31 =	vperm.xlane v49, v0;
	v0 =	vimm.s32 $0xB  }
0x49c: {  	v4 =	vadd.f32 v5, v4;
	v20 =	vperm.xlane v16, v0;
	v19 =	vperm.xlane v23, v0  }
0x49d: {  	v18 =	vperm.xlane v44, v0;
	v21 =	vperm.xlane v49, v0;
	v0 =	vimm.s32 $0xA  }
0x49e: {  	v1 =	vadd.f32 v1, v2;
	v14 =	vperm.xlane v16, v0;
	v12 =	vperm.xlane v23, v0  }
0x49f: {  	v10 =	vperm.xlane v44, v0;
	v24 =	vperm.xlane v49, v0;
	v0 =	vimm.s32 $0x9  }
0x4a0: {  	v2 =	vperm.xlane v16, v3;
	v7 =	vperm.xlane v16, v0  }
0x4a1: {  	[tilespmem:$0x1F230] =	vst v1;
	v1 =	vadd.f32 v6, v4;
	v6 =	vperm.xlane v23, v0;
	v4 =	vperm.xlane v44, v0  }
0x4a2: {  	v25 =	vperm.xlane v49, v0;
	v0 =	vperm.xlane v44, v3;
	v3 =	vimm.s32 $0x7  }
0x4a3: {  	[tilespmem:$0x1F240] =	vst v1;
	v1 =	vperm.xlane v23, v3;
	_ =	sdelay $0x1  }
0x4a4: {  	[tilespmem:$0x1E520] =	vst v1;
	v1 =	vperm.xlane v44, v3;
	_ =	sdelay $0x1  }
0x4a5: {  	[tilespmem:$0x1E730] =	vst v1;
	v1 =	vperm.xlane v49, v3  }
0x4a6: {  	v39 =	vperm.xlane v16, v3;
	v3 =	vimm.s32 $0x6  }
0x4a7: {  	[tilespmem:$0x1EA10] =	vst v1;
	v1 =	vperm.xlane v23, v3;
	_ =	sdelay $0x1  }
0x4a8: {  	[tilespmem:$0x1E530] =	vst v1;
	v1 =	vperm.xlane v44, v3;
	_ =	sdelay $0x1  }
0x4a9: {  	[tilespmem:$0x1E740] =	vst v1;
	v1 =	vperm.xlane v49, v3;
	_ =	sdelay $0x1  }
0x4aa: {  	[tilespmem:$0x1E720] =	vst v1;
	v1 =	vimm.s32 $0x5  }
0x4ab: {  	v40 =	vperm.xlane v16, v3;
	v3 =	vperm.xlane v23, v1  }
0x4ac: {  	v41 =	vperm.xlane v16, v1  }
0x4ad: {  	[tilespmem:$0x1E540] =	vst v3;
	v3 =	vperm.xlane v44, v1;
	v1 =	vperm.xlane v49, v1;
	_ =	sdelay $0x1  }
0x4ae: {  	[tilespmem:$0x1EA80] =	vst v1;
	v1 =	vimm.s32 $0x4  }
0x4af: {  	[tilespmem:$0x1E790] =	vst v3;
	v3 =	vperm.xlane v23, v1  }
0x4b0: {  	v26 =	vperm.xlane v16, v1  }
0x4b1: {  	[tilespmem:$0x1E580] =	vst v3;
	v3 =	vperm.xlane v44, v1;
	v1 =	vperm.xlane v49, v1;
	_ =	sdelay $0x1  }
0x4b2: {  	[tilespmem:$0x1F1F0] =	vst v1;
	v1 =	vimm.s32 $0x3  }
0x4b3: {  	[tilespmem:$0x1E7E0] =	vst v3;
	v3 =	vperm.xlane v23, v1  }
0x4b4: {  	v45 =	vperm.xlane v16, v1  }
0x4b5: {  	[tilespmem:$0x1E5D0] =	vst v3;
	v3 =	vperm.xlane v44, v1;
	v1 =	vperm.xlane v49, v1;
	_ =	sdelay $0x1  }
0x4b6: {  	[tilespmem:$0x1EB50] =	vst v1;
	v1 =	vimm.s32 $0x2  }
0x4b7: {  	v17 =	vperm.xlane v16, v1;
	v59 =	vperm.xlane v23, v1  }
0x4b8: {  	v5 =	vimm.s32 $0xF;
	[tilespmem:$0x1E830] =	vst v3;
	v3 =	vperm.xlane v44, v1;
	v1 =	vperm.xlane v49, v1  }
0x4b9: {  	v50 =	vperm.xlane v16, v5;
	v51 =	vperm.xlane v23, v5  }
0x4ba: {  	v52 =	vperm.xlane v44, v5;
	v32 =	vperm.xlane v49, v5;
	[tilespmem:$0x1ED30] =	vst v1;
	v1 =	vimm.s32 $0x1  }
0x4bb: {  	v5 =	vperm.xlane v16, v1;
	v55 =	vperm.xlane v23, v1  }
0x4bc: {  	s17 =	sadd.s32 $0x800, s17;
	[tilespmem:$0x1E880] =	vst v3;
	v3 =	vperm.xlane v44, v1;
	v1 =	vperm.xlane v49, v1  }
0x4bd: {  	v63 =	vld [tilespmem:s17+$0x380]  }
0x4be: {  	[tilespmem:$0x1ED40] =	vst v1;
	v1 =	vimm.s32 $0x0  }
0x4bf: {  	v33 =	vld [tilespmem:s17+$0x390];
	[tilespmem:$0x1E8D0] =	vst v3;
	v3 =	vperm.xlane v16, v1;
	v43 =	vperm.xlane v23, v1  }
0x4c0: {  	[tilespmem:$0x1E9F0] =	vst v8;
	v8 =	vperm.xlane v44, v1;
	v1 =	vperm.xlane v49, v1  }
0x4c1: {  	v13 =	vld [tilespmem:s17+$0x3A0]  }
0x4c2: {  	[tilespmem:$0x1ED50] =	vst v1;
	v1 =	vmul.f32 v50, v63  }
0x4c3: {  	v15 =	vld [tilespmem:s17+$0x3B0]  }
0x4c4: {  	[tilespmem:$0x1E6E0] =	vst v1;
	v1 =	vmul.f32 v50, v33;
	_ =	sdelay $0x1  }
0x4c5: {  	[tilespmem:$0x1E6F0] =	vst v1;
	v1 =	vmul.f32 v50, v13;
	_ =	sdelay $0x1  }
0x4c6: {  	[tilespmem:$0x1E700] =	vst v1;
	v1 =	vmul.f32 v50, v15;
	_ =	sdelay $0x1  }
0x4c7: {  	v11 =	vld [tilespmem:s17+$0x330];
	[tilespmem:$0x1E710] =	vst v1;
	v1 =	vmul.f32 v51, v63;
	_ =	sdelay $0x1  }
0x4c8: {  	[tilespmem:$0x1E980] =	vst v1;
	v1 =	vmul.f32 v51, v33;
	_ =	sdelay $0x1  }
0x4c9: {  	[tilespmem:$0x1E990] =	vst v1;
	v1 =	vmul.f32 v51, v13  }
0x4ca: {  	[tilespmem:$0x1EC80] =	vst v11  }
0x4cb: {  	[tilespmem:$0x1E9A0] =	vst v1;
	v1 =	vmul.f32 v51, v15  }
0x4cc: {  	v44 =	vld [tilespmem:s17+$0x300];
	[tilespmem:$0x1E930] =	vst v8  }
0x4cd: {  	v8 =	vld [tilespmem:s17+$0x320];
	[tilespmem:$0x1E9B0] =	vst v1;
	v1 =	vmul.f32 v52, v63  }
0x4ce: {  	[tilespmem:$0x1ED90] =	vst v13  }
0x4cf: {  	v47 =	vld [tilespmem:s17+$0x310];
	[tilespmem:$0x1ED70] =	vst v1;
	v1 =	vmul.f32 v52, v33  }
0x4d0: {  	[tilespmem:$0x1EDB0] =	vst v15  }
0x4d1: {  	[tilespmem:$0x1ED80] =	vst v1;
	v1 =	vmul.f32 v52, v13  }
0x4d2: {  	[tilespmem:$0x1EE70] =	vst v8;
	v13 =	vmul.f32 v46, v44  }
0x4d3: {  	[tilespmem:$0x1EDA0] =	vst v1;
	v1 =	vmul.f32 v52, v15  }
0x4d4: {  	[tilespmem:$0x1E940] =	vst v13;
	v13 =	vmul.f32 v46, v47;
	v15 =	vld [tilespmem:s17+$0x2B0]  }
0x4d5: {  	[tilespmem:$0x1EDC0] =	vst v1;
	v1 =	vmul.f32 v32, v63  }
0x4d6: {  	[tilespmem:$0x1E950] =	vst v13;
	v13 =	vmul.f32 v46, v8  }
0x4d7: {  	[tilespmem:$0x1EB30] =	vst v1  }
0x4d8: {  	v1 =	vmul.f32 v32, v33;
	[tilespmem:$0x1E960] =	vst v13  }
0x4d9: {  	v13 =	vmul.f32 v46, v11;
	[tilespmem:$0x1EC70] =	vst v15  }
0x4da: {  	[tilespmem:$0x1EE30] =	vst v1;
	v1 =	vmul.f32 v53, v44  }
0x4db: {  	[tilespmem:$0x1E970] =	vst v13;
	v13 =	vmul.f32 v42, v44  }
0x4dc: {  	[tilespmem:$0x1E6A0] =	vst v1;
	v1 =	vmul.f32 v53, v47  }
0x4dd: {  	[tilespmem:$0x1EE50] =	vst v13;
	v13 =	vmul.f32 v42, v47  }
0x4de: {  	[tilespmem:$0x1E6B0] =	vst v1;
	v1 =	vmul.f32 v53, v8  }
0x4df: {  	v54 =	vld [tilespmem:s17+$0x280];
	[tilespmem:$0x1EE60] =	vst v13;
	v8 =	vmul.f32 v42, v8  }
0x4e0: {  	v13 =	vld [tilespmem:s17+$0x230];
	[tilespmem:$0x1E6C0] =	vst v1;
	v1 =	vmul.f32 v53, v11  }
0x4e1: {  	[tilespmem:$0x1EE80] =	vst v8;
	v8 =	vmul.f32 v42, v11  }
0x4e2: {  	v56 =	vld [tilespmem:s17+$0x290];
	v11 =	vmul.f32 v27, v44;
	[tilespmem:$0x1E6D0] =	vst v1  }
0x4e3: {  	[tilespmem:$0x1EE90] =	vst v8  }
0x4e4: {  	[tilespmem:$0x1EEA0] =	vst v11;
	v8 =	vmul.f32 v27, v47  }
0x4e5: {  	v1 =	vld [tilespmem:s17+$0x2A0];
	v11 =	vmul.f32 v60, v54;
	[tilespmem:$0x1EC40] =	vst v13  }
0x4e6: {  	[tilespmem:$0x1EB10] =	vst v8;
	v8 =	vmul.f32 v38, v54  }
0x4e7: {  	[tilespmem:$0x1E8F0] =	vst v11;
	v11 =	vmul.f32 v60, v56  }
0x4e8: {  	[tilespmem:$0x1E660] =	vst v8  }
0x4e9: {  	v8 =	vmul.f32 v38, v56;
	[tilespmem:$0x1E900] =	vst v11  }
0x4ea: {  	[tilespmem:$0x1EEE0] =	vst v1;
	v11 =	vmul.f32 v60, v1  }
0x4eb: {  	[tilespmem:$0x1E670] =	vst v8;
	v8 =	vmul.f32 v38, v1  }
0x4ec: {  	v1 =	vmul.f32 v61, v1;
	[tilespmem:$0x1E910] =	vst v11  }
0x4ed: {  	v11 =	vmul.f32 v60, v15;
	[tilespmem:$0x1E680] =	vst v8  }
0x4ee: {  	v8 =	vmul.f32 v38, v15;
	[tilespmem:$0x1EEF0] =	vst v1  }
0x4ef: {  	v60 =	vld [tilespmem:s17+$0x180];
	v1 =	vmul.f32 v61, v15;
	[tilespmem:$0x1E920] =	vst v11  }
0x4f0: {  	v11 =	vmul.f32 v61, v54;
	[tilespmem:$0x1E690] =	vst v8  }
0x4f1: {  	v57 =	vld [tilespmem:s17+$0x200];
	[tilespmem:$0x1EF00] =	vst v1;
	v1 =	vmul.f32 v28, v54  }
0x4f2: {  	v8 =	vld [tilespmem:s17+$0x220];
	[tilespmem:$0x1EA20] =	vst v11;
	v11 =	vmul.f32 v61, v56  }
0x4f3: {  	v58 =	vld [tilespmem:s17+$0x210];
	[tilespmem:$0x1EF10] =	vst v1;
	v1 =	vmul.f32 v28, v56  }
0x4f4: {  	v16 =	vmul.f32 v20, v60;
	[tilespmem:$0x1EEC0] =	vst v11  }
0x4f5: {  	[tilespmem:$0x1EF40] =	vst v1  }
0x4f6: {  	v11 =	vmul.f32 v62, v57;
	[tilespmem:$0x1E5E0] =	vst v16  }
0x4f7: {  	v1 =	vmul.f32 v35, v57;
	[tilespmem:$0x1EC30] =	vst v8  }
0x4f8: {  	[tilespmem:$0x1E890] =	vst v11;
	v11 =	vmul.f32 v62, v58  }
0x4f9: {  	[tilespmem:$0x1E620] =	vst v1;
	v1 =	vmul.f32 v35, v58  }
0x4fa: {  	[tilespmem:$0x1E8A0] =	vst v11;
	v11 =	vmul.f32 v62, v8  }
0x4fb: {  	v61 =	vld [tilespmem:s17+$0x190];
	[tilespmem:$0x1E630] =	vst v1;
	v1 =	vmul.f32 v35, v8  }
0x4fc: {  	v15 =	vmov v13;
	v8 =	vmul.f32 v29, v8;
	[tilespmem:$0x1E8B0] =	vst v11  }
0x4fd: {  	v11 =	vmul.f32 v62, v15;
	[tilespmem:$0x1E640] =	vst v1  }
0x4fe: {  	v1 =	vmul.f32 v35, v13;
	[tilespmem:$0x1EA00] =	vst v8  }
0x4ff: {  	v62 =	vld [tilespmem:s17+$0x100];
	v8 =	vmul.f32 v29, v15;
	[tilespmem:$0x1E8C0] =	vst v11  }
0x500: {  	v15 =	vmul.f32 v20, v61;
	[tilespmem:$0x1E650] =	vst v1;
	v1 =	vld [tilespmem:s17+$0x1A0]  }
0x501: {  	v13 =	vld [tilespmem:s17+$0x1B0];
	v11 =	vmul.f32 v29, v57;
	[tilespmem:$0x1EFD0] =	vst v8  }
0x502: {  	v8 =	vmul.f32 v31, v57;
	[tilespmem:$0x1E5F0] =	vst v15  }
0x503: {  	[tilespmem:$0x1EBA0] =	vst v11;
	v11 =	vmul.f32 v29, v58  }
0x504: {  	[tilespmem:$0x1EFF0] =	vst v8  }
0x505: {  	[tilespmem:$0x1EFB0] =	vst v11;
	v11 =	vmul.f32 v20, v1  }
0x506: {  	v63 =	vld [tilespmem:s17+$0x110];
	v16 =	vmul.f32 v14, v62;
	[tilespmem:$0x1F070] =	vst v13  }
0x507: {  	[tilespmem:$0x1E600] =	vst v11;
	v11 =	vmul.f32 v20, v13  }
0x508: {  	v8 =	vmov v13;
	[tilespmem:$0x1E590] =	vst v16;
	v13 =	vmul.f32 v19, v60  }
0x509: {  	[tilespmem:$0x1E610] =	vst v11  }
0x50a: {  	v11 =	vld [tilespmem:s17+$0x120];
	[tilespmem:$0x1E840] =	vst v13;
	v13 =	vmul.f32 v19, v61  }
0x50b: {  	v16 =	vmul.f32 v14, v63;
	[tilespmem:$0x1F030] =	vst v1  }
0x50c: {  	v15 =	vld [tilespmem:s17+$0x130];
	[tilespmem:$0x1E850] =	vst v13;
	v13 =	vmul.f32 v19, v1  }
0x50d: {  	[tilespmem:$0x1E5A0] =	vst v16  }
0x50e: {  	[tilespmem:$0x1E860] =	vst v13;
	v13 =	vmul.f32 v19, v8;
	v19 =	vmul.f32 v18, v1  }
0x50f: {  	v1 =	vmov v11;
	[tilespmem:$0x1F110] =	vst v11;
	v11 =	vmul.f32 v14, v11  }
0x510: {  	[tilespmem:$0x1EB80] =	vst v19;
	v19 =	vmul.f32 v18, v8  }
0x511: {  	v8 =	vmov v15;
	v16 =	vmul.f32 v10, v1;
	[tilespmem:$0x1E5B0] =	vst v11;
	v11 =	vmul.f32 v14, v15  }
0x512: {  	[tilespmem:$0x1F100] =	vst v15;
	v15 =	vmul.f32 v12, v1;
	v1 =	vmul.f32 v10, v8  }
0x513: {  	v33 =	vld [tilespmem:s17+$0x80]  }
0x514: {  	[tilespmem:$0x1EB60] =	vst v1;
	v1 =	vmul.f32 v24, v62  }
0x515: {  	v42 =	vld [tilespmem:s17+$0x90]  }
0x516: {  	[tilespmem:$0x1F150] =	vst v1;
	v1 =	vmul.f32 v24, v63  }
0x517: {  	[tilespmem:$0x1E5C0] =	vst v11;
	v11 =	vld [tilespmem:s17+$0xB0]  }
0x518: {  	[tilespmem:$0x1F160] =	vst v1;
	v1 =	vmul.f32 v7, v33  }
0x519: {  	[tilespmem:$0x1E870] =	vst v13;
	v13 =	vmul.f32 v18, v60  }
0x51a: {  	[tilespmem:$0x1E550] =	vst v1;
	v1 =	vmul.f32 v7, v42  }
0x51b: {  	[tilespmem:$0x1EB70] =	vst v13;
	v13 =	vmul.f32 v18, v61  }
0x51c: {  	[tilespmem:$0x1E560] =	vst v1;
	v1 =	vmul.f32 v7, v11  }
0x51d: {  	[tilespmem:$0x1EB90] =	vst v13;
	v13 =	vld [tilespmem:s17+$0xA0]  }
0x51e: {  	[tilespmem:$0x1E570] =	vst v1;
	v1 =	vmul.f32 v6, v33  }
0x51f: {  	v14 =	vmul.f32 v12, v62  }
0x520: {  	[tilespmem:$0x1E7A0] =	vst v1;
	v1 =	vmul.f32 v6, v42  }
0x521: {  	[tilespmem:$0x1E7F0] =	vst v14  }
0x522: {  	[tilespmem:$0x1E7B0] =	vst v1;
	v1 =	vmul.f32 v6, v13  }
0x523: {  	v14 =	vmul.f32 v12, v63;
	[tilespmem:$0x1E810] =	vst v15  }
0x524: {  	[tilespmem:$0x1E7C0] =	vst v1;
	v1 =	vmul.f32 v6, v11  }
0x525: {  	v12 =	vmul.f32 v12, v8;
	[tilespmem:$0x1E800] =	vst v14  }
0x526: {  	[tilespmem:$0x1E7D0] =	vst v1;
	v1 =	vmul.f32 v4, v33  }
0x527: {  	v15 =	vmul.f32 v10, v62;
	[tilespmem:$0x1E820] =	vst v12  }
0x528: {  	[tilespmem:$0x1EAA0] =	vst v1;
	v1 =	vmul.f32 v4, v42  }
0x529: {  	v14 =	vld [tilespmem:s17+$0x0];
	[tilespmem:$0x1EAF0] =	vst v15;
	v15 =	vmul.f32 v10, v63  }
0x52a: {  	v10 =	vld [tilespmem:s17+$0x30];
	[tilespmem:$0x1EAB0] =	vst v1;
	v1 =	vmul.f32 v4, v13  }
0x52b: {  	[tilespmem:$0x1EB00] =	vst v15;
	v15 =	vld [tilespmem:s17+$0x20]  }
0x52c: {  	v12 =	vld [tilespmem:s17+$0x10];
	[tilespmem:$0x1EAC0] =	vst v1;
	v1 =	vmul.f32 v4, v11;
	_ =	sdelay $0x1  }
0x52d: {  	[tilespmem:$0x1EAD0] =	vst v1;
	v1 =	vmul.f32 v25, v33  }
0x52e: {  	v38 =	vmul.f32 v2, v14;
	v63 =	vmul.f32 v2, v10  }
0x52f: {  	v36 =	vmul.f32 v2, v15;
	[tilespmem:$0x1F170] =	vst v1;
	v1 =	vmul.f32 v25, v42  }
0x530: {  	v42 =	vmul.f32 v2, v12;
	v2 =	vmul.f32 v9, v14;
	_ =	sdelay $0x1  }
0x531: {  	[tilespmem:$0x1E750] =	vst v2;
	v2 =	vmul.f32 v9, v12  }
0x532: {  	v34 =	vld [tilespmem:s17+$0xFFFFFC90];
	v22 =	vmul.f32 v31, v58  }
0x533: {  	v37 =	vld [tilespmem:s17+$0xFFFFFC10];
	[tilespmem:$0x1E760] =	vst v2;
	v2 =	vmul.f32 v9, v15  }
0x534: {  	[tilespmem:$0x1F020] =	vst v22;
	v22 =	vld [tilespmem:s17+$0xFFFFFF10]  }
0x535: {  	v49 =	vld [tilespmem:s17+$0xFFFFFE90];
	[tilespmem:$0x1E770] =	vst v2;
	v2 =	vmul.f32 v9, v10  }
0x536: {  	v23 =	vld [tilespmem:s17+$0xFFFFFD80]  }
0x537: {  	v58 =	vld [tilespmem:s17+$0xFFFFFC20];
	[tilespmem:$0x1E780] =	vst v2;
	v2 =	vmul.f32 v0, v14  }
0x538: {  	v50 =	vld [tilespmem:s17+$0xFFFFFD90]  }
0x539: {  	v29 =	vld [tilespmem:$0x1EBE0];
	[tilespmem:$0x1EA40] =	vst v2;
	v2 =	vmul.f32 v0, v12  }
0x53a: {  	v51 =	vld [tilespmem:s17+$0xFFFFFE00]  }
0x53b: {  	v46 =	vld [tilespmem:s17+$0xFFFFFF00];
	[tilespmem:$0x1EA50] =	vst v2;
	v2 =	vmul.f32 v0, v15;
	v0 =	vmul.f32 v0, v10  }
0x53c: {  	v54 =	vld [tilespmem:s17+$0xFFFFFE80];
	v57 =	vmul.f32 v3, v58  }
0x53d: {  	v20 =	vld [tilespmem:s17+$0xFFFFFC30];
	[tilespmem:$0x1EA70] =	vst v0;
	v0 =	vmul.f32 v30, v14  }
0x53e: {  	[tilespmem:$0x1EE20] =	vst v32;
	v44 =	vadd.f32 v57, v29;
	v29 =	vld [tilespmem:$0x1EC00]  }
0x53f: {  	v62 =	vld [tilespmem:s17+$0xFFFFFC00];
	[tilespmem:$0x1F190] =	vst v0;
	v0 =	vmul.f32 v30, v12  }
0x540: {  	[tilespmem:$0x1EEB0] =	vst v27;
	v18 =	vmul.f32 v21, v60;
	v8 =	vld [tilespmem:s17+$0xFFFFFC80]  }
0x541: {  	[tilespmem:$0x1F1B0] =	vst v0;
	v0 =	vld [tilespmem:$0x1EBC0]  }
0x542: {  	[tilespmem:$0x1F0B0] =	vst v18;
	v18 =	vmul.f32 v21, v61;
	v61 =	vld [tilespmem:s17+$0xFFFFFD10]  }
0x543: {  	[tilespmem:$0x1E8E0] =	vst v19;
	v19 =	vld [tilespmem:s17+$0xFFFFFF90]  }
0x544: {  	[tilespmem:$0x1EB20] =	vst v21;
	v21 =	vld [tilespmem:s17+$0xFFFFFE10];
	v52 =	vmul.f32 v3, v62  }
0x545: {  	[tilespmem:$0x1EF30] =	vst v28;
	v27 =	vmul.f32 v3, v37;
	v47 =	vmul.f32 v5, v8;
	v33 =	vld [tilespmem:s17+$0xFFFFFD00]  }
0x546: {  	[tilespmem:$0x1EAE0] =	vst v24;
	v3 =	vmul.f32 v3, v20;
	v53 =	vmul.f32 v7, v13;
	v48 =	vadd.f32 v52, v0;
	v0 =	vld [tilespmem:$0x1EBD0]  }
0x547: {  	[tilespmem:$0x1EA90] =	vst v25;
	v28 =	vld [tilespmem:s17+$0xFFFFFCA0];
	v24 =	vmul.f32 v17, v61;
	v7 =	vmul.f32 v41, v49  }
0x548: {  	v56 =	vld [tilespmem:s17+$0xFFFFFCB0];
	[tilespmem:$0x1F0A0] =	vst v13;
	v6 =	vmul.f32 v41, v54;
	v13 =	vmul.f32 v39, v19  }
0x549: {  	v35 =	vld [tilespmem:s17+$0xFFFFFD20];
	[tilespmem:$0x1F080] =	vst v10;
	v4 =	vmul.f32 v40, v22;
	v25 =	vmul.f32 v5, v34  }
0x54a: {  	v60 =	vld [tilespmem:s17+$0xFFFFFD30];
	v3 =	vadd.f32 v3, v29;
	[tilespmem:$0x1F090] =	vst v15;
	v9 =	vmul.f32 v26, v21;
	v10 =	vmul.f32 v45, v50  }
0x54b: {  	v32 =	vld [tilespmem:s17+$0xFFFFFDA0];
	v15 =	vmul.f32 v17, v33;
	[tilespmem:$0x1EA60] =	vst v2;
	v2 =	vmul.f32 v40, v46;
	v27 =	vadd.f32 v27, v0  }
0x54c: {  	[tilespmem:$0x1F0C0] =	vst v18;
	v18 =	vld [tilespmem:s17+$0xFFFFFDB0];
	v14 =	vmul.f32 v26, v51;
	v47 =	vadd.f32 v47, v48;
	v0 =	vmul.f32 v5, v28  }
0x54d: {  	v57 =	vld [tilespmem:s17+$0xFFFFFE20];
	v12 =	vmul.f32 v45, v23;
	v5 =	vmul.f32 v5, v56;
	v25 =	vadd.f32 v25, v27  }
0x54e: {  	v48 =	vld [tilespmem:s17+$0xFFFFFE30];
	v15 =	vadd.f32 v15, v47;
	v27 =	vmul.f32 v17, v35;
	v0 =	vadd.f32 v0, v44  }
0x54f: {  	v52 =	vld [tilespmem:s17+$0xFFFFFEA0];
	v3 =	vadd.f32 v5, v3;
	v5 =	vmul.f32 v17, v60;
	v24 =	vadd.f32 v24, v25  }
0x550: {  	v47 =	vld [tilespmem:s17+$0xFFFFFEB0];
	v15 =	vadd.f32 v12, v15;
	v25 =	vmul.f32 v45, v32;
	v0 =	vadd.f32 v27, v0  }
0x551: {  	[tilespmem:$0x1EB40] =	vst v16;
	v16 =	vld [tilespmem:s17+$0xFFFFFF80];
	v3 =	vadd.f32 v5, v3;
	v5 =	vmul.f32 v45, v18;
	v10 =	vadd.f32 v10, v24  }
0x552: {  	v12 =	vld [tilespmem:s17+$0xFFFFFF30];
	v15 =	vadd.f32 v14, v15;
	v24 =	vmul.f32 v26, v57;
	v0 =	vadd.f32 v25, v0  }
0x553: {  	v3 =	vadd.f32 v5, v3;
	v5 =	vmul.f32 v26, v48;
	v9 =	vadd.f32 v9, v10  }
0x554: {  	v44 =	vld [tilespmem:s17+$0xFFFFFFB0];
	v6 =	vadd.f32 v6, v15;
	v10 =	vmul.f32 v41, v52;
	v0 =	vadd.f32 v24, v0  }
0x555: {  	v3 =	vadd.f32 v5, v3;
	v5 =	vmul.f32 v41, v47;
	v7 =	vadd.f32 v7, v9  }
0x556: {  	[tilespmem:$0x1F0F0] =	vst v11;
	v11 =	vmul.f32 v39, v16;
	v14 =	vld [tilespmem:$0x1E520];
	v2 =	vadd.f32 v2, v6;
	v0 =	vadd.f32 v10, v0  }
0x557: {  	v3 =	vadd.f32 v5, v3;
	v5 =	vmul.f32 v40, v12;
	v10 =	vld [tilespmem:$0x1E550];
	v7 =	vadd.f32 v4, v7  }
0x558: {  	v45 =	vld [tilespmem:s17+$0xFFFFFF20];
	v2 =	vadd.f32 v11, v2  }
0x559: {  	[tilespmem:$0x1F180] =	vst v1;
	v3 =	vadd.f32 v5, v3;
	v5 =	vmul.f32 v39, v44;
	v1 =	vadd.f32 v13, v7;
	v13 =	vld [tilespmem:$0x1E590]  }
0x55a: {  	[tilespmem:$0x1F010] =	vst v31;
	v31 =	vld [tilespmem:s17+$0xFFFFFFA0];
	v2 =	vadd.f32 v38, v2  }
0x55b: {  	v4 =	vmov v19;
	v3 =	vadd.f32 v5, v3;
	v5 =	vmul.f32 v14, v19;
	v19 =	vld [tilespmem:$0x1E5E0]  }
0x55c: {  	v2 =	vadd.f32 v10, v2;
	v10 =	vld [tilespmem:$0x1E560];
	_ =	sdelay $0x1  }
0x55d: {  	v9 =	vmul.f32 v40, v45;
	v2 =	vadd.f32 v13, v2;
	v13 =	vld [tilespmem:$0x1E5A0]  }
0x55e: {  	[tilespmem:$0x1F1A0] =	vst v30;
	v26 =	vmov v16;
	v30 =	vmul.f32 v14, v16;
	v16 =	vld [tilespmem:$0x1E5D0];
	v1 =	vadd.f32 v42, v1  }
0x55f: {  	v6 =	vmul.f32 v39, v31;
	v0 =	vadd.f32 v9, v0;
	v2 =	vadd.f32 v19, v2;
	v19 =	vld [tilespmem:$0x1E5F0]  }
0x560: {  	v1 =	vadd.f32 v10, v1  }
0x561: {  	v0 =	vadd.f32 v6, v0  }
0x562: {  	v1 =	vadd.f32 v13, v1;
	v13 =	vld [tilespmem:$0x1E5B0]  }
0x563: {  	v0 =	vadd.f32 v36, v0  }
0x564: {  	v17 =	vmul.f32 v16, v23;
	v24 =	vmul.f32 v16, v50;
	v1 =	vadd.f32 v19, v1;
	v19 =	vmovc v16;
	v16 =	vld [tilespmem:$0x1E600]  }
0x565: {  	v11 =	vld [tilespmem:$0x1E570];
	v0 =	vadd.f32 v53, v0;
	_ =	sdelay $0x1  }
0x566: {  	v0 =	vadd.f32 v13, v0;
	v13 =	vld [tilespmem:$0x1E5C0]  }
0x567: {  	v3 =	vadd.f32 v63, v3  }
0x568: {  	v0 =	vadd.f32 v16, v0;
	v16 =	vld [tilespmem:$0x1E610]  }
0x569: {  	v3 =	vadd.f32 v11, v3;
	_ =	sdelay $0x1  }
0x56a: {  	v3 =	vadd.f32 v13, v3;
	_ =	sdelay $0x1  }
0x56b: {  	v3 =	vadd.f32 v16, v3;
	v16 =	vld [tilespmem:$0x1E620];
	_ =	sdelay $0x4  }
0x56c: {  	v2 =	vadd.f32 v16, v2;
	v16 =	vld [tilespmem:$0x1E630];
	_ =	sdelay $0x4  }
0x56d: {  	v1 =	vadd.f32 v16, v1;
	v16 =	vld [tilespmem:$0x1E640];
	_ =	sdelay $0x4  }
0x56e: {  	v0 =	vadd.f32 v16, v0;
	v16 =	vld [tilespmem:$0x1E650];
	_ =	sdelay $0x4  }
0x56f: {  	v3 =	vadd.f32 v16, v3;
	v16 =	vld [tilespmem:$0x1E660];
	_ =	sdelay $0x4  }
0x570: {  	v2 =	vadd.f32 v16, v2;
	v16 =	vld [tilespmem:$0x1E670];
	_ =	sdelay $0x4  }
0x571: {  	v1 =	vadd.f32 v16, v1;
	v16 =	vld [tilespmem:$0x1E680];
	_ =	sdelay $0x4  }
0x572: {  	v0 =	vadd.f32 v16, v0;
	v16 =	vld [tilespmem:$0x1E690];
	_ =	sdelay $0x4  }
0x573: {  	v3 =	vadd.f32 v16, v3;
	v16 =	vld [tilespmem:$0x1E6A0];
	_ =	sdelay $0x4  }
0x574: {  	v2 =	vadd.f32 v16, v2;
	v16 =	vld [tilespmem:$0x1E6B0];
	_ =	sdelay $0x4  }
0x575: {  	v1 =	vadd.f32 v16, v1;
	v16 =	vld [tilespmem:$0x1E6C0];
	_ =	sdelay $0x4  }
0x576: {  	v0 =	vadd.f32 v16, v0;
	v16 =	vld [tilespmem:$0x1E6D0];
	_ =	sdelay $0x4  }
0x577: {  	v3 =	vadd.f32 v16, v3;
	v16 =	vld [tilespmem:$0x1E6E0];
	_ =	sdelay $0x4  }
0x578: {  	v2 =	vadd.f32 v16, v2;
	_ =	sdelay $0x1  }
0x579: {  	[tilespmem:$0x1EBC0] =	vst v2;
	v2 =	vld [tilespmem:$0x1E6F0];
	_ =	sdelay $0x4  }
0x57a: {  	v1 =	vadd.f32 v2, v1;
	v2 =	vld [tilespmem:$0x1E700];
	_ =	sdelay $0x4  }
0x57b: {  	v16 =	vld [tilespmem:$0x1ECE0];
	v0 =	vadd.f32 v2, v0;
	_ =	sdelay $0x1  }
0x57c: {  	[tilespmem:$0x1EBE0] =	vst v0;
	v0 =	vld [tilespmem:$0x1E710]  }
0x57d: {  	v42 =	vmul.f32 v43, v58  }
0x57e: {  	v63 =	vld [tilespmem:$0x1E580]  }
0x57f: {  	v13 =	vmov v23;
	v23 =	vadd.f32 v42, v16;
	v16 =	vld [tilespmem:$0x1ECF0]  }
0x580: {  	v2 =	vld [tilespmem:$0x1ECD0]  }
0x581: {  	v0 =	vadd.f32 v0, v3  }
0x582: {  	[tilespmem:$0x1EBD0] =	vst v1  }
0x583: {  	v41 =	vmul.f32 v43, v37;
	v1 =	vmul.f32 v43, v20;
	[tilespmem:$0x1EC00] =	vst v0;
	v0 =	vld [tilespmem:$0x1ECC0]  }
0x584: {  	v39 =	vmul.f32 v55, v34;
	v15 =	vmul.f32 v63, v21  }
0x585: {  	v53 =	vmovc v21;
	v21 =	vmul.f32 v55, v56;
	v1 =	vadd.f32 v1, v16;
	v2 =	vadd.f32 v41, v2  }
0x586: {  	v27 =	vmul.f32 v59, v61;
	v40 =	vmul.f32 v43, v62;
	v9 =	vld [tilespmem:$0x1E530]  }
0x587: {  	v36 =	vld [tilespmem:$0x1E540];
	v1 =	vadd.f32 v21, v1;
	v21 =	vmul.f32 v59, v60;
	v2 =	vadd.f32 v39, v2  }
0x588: {  	v29 =	vmul.f32 v55, v8;
	v0 =	vadd.f32 v40, v0  }
0x589: {  	v1 =	vadd.f32 v21, v1;
	v21 =	vmul.f32 v19, v18;
	v2 =	vadd.f32 v27, v2  }
0x58a: {  	v25 =	vmul.f32 v59, v33;
	v0 =	vadd.f32 v29, v0  }
0x58b: {  	v1 =	vadd.f32 v21, v1;
	v21 =	vmul.f32 v63, v48;
	v2 =	vadd.f32 v24, v2  }
0x58c: {  	v6 =	vmul.f32 v9, v46;
	v10 =	vmul.f32 v36, v49;
	v0 =	vadd.f32 v25, v0  }
0x58d: {  	v1 =	vadd.f32 v21, v1;
	v2 =	vadd.f32 v15, v2;
	v15 =	vmul.f32 v36, v47  }
0x58e: {  	v7 =	vmul.f32 v9, v22;
	v38 =	vmovc v9;
	v11 =	vmul.f32 v63, v51;
	v0 =	vadd.f32 v17, v0  }
0x58f: {  	v2 =	vadd.f32 v10, v2;
	v1 =	vadd.f32 v15, v1;
	v10 =	vmul.f32 v38, v12  }
0x590: {  	v9 =	vmul.f32 v36, v54;
	v3 =	vmul.f32 v55, v28;
	v0 =	vadd.f32 v11, v0  }
0x591: {  	v2 =	vadd.f32 v7, v2;
	v1 =	vadd.f32 v10, v1;
	v7 =	vmul.f32 v14, v44  }
0x592: {  	v0 =	vadd.f32 v9, v0  }
0x593: {  	v3 =	vadd.f32 v3, v23;
	v29 =	vmul.f32 v59, v35;
	v1 =	vadd.f32 v7, v1;
	v7 =	vld [tilespmem:$0x1E750]  }
0x594: {  	v0 =	vadd.f32 v6, v0  }
0x595: {  	v23 =	vmul.f32 v19, v32;
	v10 =	vld [tilespmem:$0x1E7A0];
	v3 =	vadd.f32 v29, v3  }
0x596: {  	v0 =	vadd.f32 v30, v0  }
0x597: {  	v15 =	vld [tilespmem:$0x1E7F0];
	v17 =	vmul.f32 v63, v57;
	v3 =	vadd.f32 v23, v3  }
0x598: {  	v0 =	vadd.f32 v7, v0;
	v7 =	vld [tilespmem:$0x1E760]  }
0x599: {  	v16 =	vld [tilespmem:$0x1E840];
	v11 =	vmul.f32 v36, v52;
	v3 =	vadd.f32 v17, v3  }
0x59a: {  	v0 =	vadd.f32 v10, v0;
	v10 =	vld [tilespmem:$0x1E7B0]  }
0x59b: {  	v2 =	vadd.f32 v5, v2;
	v9 =	vmul.f32 v38, v45;
	v3 =	vadd.f32 v11, v3  }
0x59c: {  	v0 =	vadd.f32 v15, v0;
	v15 =	vld [tilespmem:$0x1E800]  }
0x59d: {  	v3 =	vadd.f32 v9, v3;
	v9 =	vld [tilespmem:$0x1E770];
	v2 =	vadd.f32 v7, v2  }
0x59e: {  	v6 =	vmul.f32 v14, v31;
	v0 =	vadd.f32 v16, v0;
	v16 =	vld [tilespmem:$0x1E850]  }
0x59f: {  	v11 =	vld [tilespmem:$0x1E7C0];
	v2 =	vadd.f32 v10, v2  }
0x5a0: {  	v3 =	vadd.f32 v6, v3  }
0x5a1: {  	v14 =	vld [tilespmem:$0x1E810];
	v2 =	vadd.f32 v15, v2  }
0x5a2: {  	v3 =	vadd.f32 v9, v3;
	v9 =	vld [tilespmem:$0x1E780]  }
0x5a3: {  	v2 =	vadd.f32 v16, v2;
	v16 =	vld [tilespmem:$0x1E860]  }
0x5a4: {  	v3 =	vadd.f32 v11, v3;
	v11 =	vld [tilespmem:$0x1E7D0];
	_ =	sdelay $0x1  }
0x5a5: {  	v3 =	vadd.f32 v14, v3;
	v14 =	vld [tilespmem:$0x1E820]  }
0x5a6: {  	v1 =	vadd.f32 v9, v1  }
0x5a7: {  	v3 =	vadd.f32 v16, v3;
	v16 =	vld [tilespmem:$0x1E870]  }
0x5a8: {  	v23 =	vld [tilespmem:$0x1E890];
	v1 =	vadd.f32 v11, v1;
	_ =	sdelay $0x1  }
0x5a9: {  	v25 =	vld [tilespmem:$0x1E8F0];
	v1 =	vadd.f32 v14, v1  }
0x5aa: {  	v29 =	vld [tilespmem:$0x1E940]  }
0x5ab: {  	v1 =	vadd.f32 v16, v1;
	v16 =	vld [tilespmem:$0x1E8B0]  }
0x5ac: {  	v0 =	vadd.f32 v23, v0  }
0x5ad: {  	v19 =	vld [tilespmem:$0x1E980]  }
0x5ae: {  	v23 =	vld [tilespmem:$0x1E8A0];
	v0 =	vadd.f32 v25, v0  }
0x5af: {  	v25 =	vld [tilespmem:$0x1E900]  }
0x5b0: {  	v0 =	vadd.f32 v29, v0;
	v3 =	vadd.f32 v16, v3;
	v16 =	vld [tilespmem:$0x1E8C0];
	_ =	sdelay $0x1  }
0x5b1: {  	v29 =	vld [tilespmem:$0x1E950];
	v0 =	vadd.f32 v19, v0  }
0x5b2: {  	v2 =	vadd.f32 v23, v2  }
0x5b3: {  	[tilespmem:$0x1ECC0] =	vst v0;
	v0 =	vld [tilespmem:$0x1E990]  }
0x5b4: {  	v2 =	vadd.f32 v25, v2;
	v1 =	vadd.f32 v16, v1;
	v16 =	vld [tilespmem:$0x1E910];
	_ =	sdelay $0x1  }
0x5b5: {  	v30 =	vld [tilespmem:$0x1E960];
	v2 =	vadd.f32 v29, v2;
	_ =	sdelay $0x1  }
0x5b6: {  	v0 =	vadd.f32 v0, v2;
	v2 =	vld [tilespmem:$0x1E9A0]  }
0x5b7: {  	v3 =	vadd.f32 v16, v3;
	v16 =	vld [tilespmem:$0x1E920];
	_ =	sdelay $0x1  }
0x5b8: {  	v3 =	vadd.f32 v30, v3;
	_ =	sdelay $0x1  }
0x5b9: {  	v30 =	vld [tilespmem:$0x1E970];
	v2 =	vadd.f32 v2, v3  }
0x5ba: {  	v1 =	vadd.f32 v16, v1;
	v16 =	vld [tilespmem:$0x1E930]  }
0x5bb: {  	[tilespmem:$0x1ECE0] =	vst v2;
	v2 =	vld [tilespmem:$0x1E9B0];
	_ =	sdelay $0x2  }
0x5bc: {  	v55 =	vld [tilespmem:$0x1E740];
	v1 =	vadd.f32 v30, v1  }
0x5bd: {  	v39 =	vld [tilespmem:$0x1E880]  }
0x5be: {  	v40 =	vld [tilespmem:$0x1E8D0];
	v27 =	vmul.f32 v16, v62;
	v29 =	vmul.f32 v16, v37;
	v1 =	vadd.f32 v2, v1  }
0x5bf: {  	[tilespmem:$0x1ECD0] =	vst v0;
	v30 =	vmul.f32 v16, v58;
	v0 =	vmul.f32 v16, v20;
	v16 =	vld [tilespmem:$0x1E9E0]  }
0x5c0: {  	[tilespmem:$0x1ECF0] =	vst v1;
	v1 =	vld [tilespmem:$0x1E9C0]  }
0x5c1: {  	v19 =	vld [tilespmem:$0x1E9F0];
	_ =	sdelay $0x1  }
0x5c2: {  	v14 =	vld [tilespmem:$0x1E830]  }
0x5c3: {  	[tilespmem:$0x1EC90] =	vst v62;
	v42 =	vmov v56;
	v24 =	vmul.f32 v40, v8;
	v63 =	vld [tilespmem:$0x1E7E0];
	v7 =	vmul.f32 v55, v22  }
0x5c4: {  	v36 =	vmovc v22;
	v3 =	vmul.f32 v40, v28;
	v2 =	vld [tilespmem:$0x1E9D0];
	v16 =	vadd.f32 v30, v16;
	v1 =	vadd.f32 v27, v1  }
0x5c5: {  	v22 =	vmul.f32 v39, v33;
	v0 =	vadd.f32 v0, v19;
	v19 =	vmul.f32 v40, v56;
	v56 =	vmovc v35  }
0x5c6: {  	v41 =	vld [tilespmem:$0x1E790];
	v62 =	vmovc v20;
	v20 =	vmul.f32 v39, v56;
	v3 =	vadd.f32 v3, v16;
	v1 =	vadd.f32 v24, v1  }
0x5c7: {  	[tilespmem:$0x1ED00] =	vst v8;
	v17 =	vmul.f32 v14, v13  }
0x5c8: {  	v8 =	vmovc v34;
	v3 =	vadd.f32 v20, v3;
	v1 =	vadd.f32 v22, v1;
	v22 =	vmul.f32 v14, v32  }
0x5c9: {  	v11 =	vmul.f32 v63, v51;
	v25 =	vmul.f32 v40, v8;
	v2 =	vadd.f32 v29, v2  }
0x5ca: {  	v1 =	vadd.f32 v17, v1;
	v17 =	vmul.f32 v63, v57;
	v3 =	vadd.f32 v22, v3  }
0x5cb: {  	v9 =	vmul.f32 v41, v54;
	v23 =	vmul.f32 v39, v61;
	v2 =	vadd.f32 v25, v2  }
0x5cc: {  	v1 =	vadd.f32 v11, v1;
	v11 =	vmul.f32 v41, v52;
	v3 =	vadd.f32 v17, v3  }
0x5cd: {  	v21 =	vmul.f32 v14, v50;
	v2 =	vadd.f32 v23, v2  }
0x5ce: {  	v1 =	vadd.f32 v9, v1;
	v9 =	vmul.f32 v55, v45;
	v3 =	vadd.f32 v11, v3  }
0x5cf: {  	v43 =	vld [tilespmem:$0x1E730];
	v15 =	vmul.f32 v63, v53;
	v2 =	vadd.f32 v21, v2  }
0x5d0: {  	v3 =	vadd.f32 v9, v3;
	v9 =	vld [tilespmem:$0x1EA10]  }
0x5d1: {  	v10 =	vmul.f32 v41, v49;
	v2 =	vadd.f32 v15, v2;
	_ =	sdelay $0x1  }
0x5d2: {  	v59 =	vld [tilespmem:$0x1E720];
	v2 =	vadd.f32 v10, v2  }
0x5d3: {  	v5 =	vmul.f32 v43, v4;
	v34 =	vld [tilespmem:$0x1E8E0];
	v6 =	vmul.f32 v55, v46;
	v0 =	vadd.f32 v19, v0  }
0x5d4: {  	v16 =	vmul.f32 v39, v60;
	v2 =	vadd.f32 v7, v2;
	v17 =	vmul.f32 v9, v4;
	v4 =	vld [tilespmem:$0x1EA40]  }
0x5d5: {  	[tilespmem:$0x1EBF0] =	vst v37;
	v38 =	vmul.f32 v43, v26;
	v37 =	vld [tilespmem:$0x1F0F0];
	v1 =	vadd.f32 v6, v1  }
0x5d6: {  	v0 =	vadd.f32 v16, v0;
	v16 =	vmul.f32 v14, v18;
	v2 =	vadd.f32 v5, v2;
	v5 =	vld [tilespmem:$0x1EAA0]  }
0x5d7: {  	v35 =	vld [tilespmem:$0x1EA00];
	v1 =	vadd.f32 v38, v1  }
0x5d8: {  	v39 =	vld [tilespmem:$0x1EB30];
	v0 =	vadd.f32 v16, v0;
	v16 =	vmul.f32 v63, v48  }
0x5d9: {  	v1 =	vadd.f32 v4, v1;
	v4 =	vld [tilespmem:$0x1EA50]  }
0x5da: {  	v24 =	vmovc v18;
	v18 =	vmul.f32 v59, v46;
	v46 =	vld [tilespmem:$0x1F110];
	v14 =	vmul.f32 v41, v47;
	v0 =	vadd.f32 v16, v0  }
0x5db: {  	v1 =	vadd.f32 v5, v1;
	v5 =	vld [tilespmem:$0x1EAB0]  }
0x5dc: {  	v0 =	vadd.f32 v14, v0;
	v14 =	vld [tilespmem:$0x1EB40]  }
0x5dd: {  	v10 =	vmul.f32 v55, v12;
	v11 =	vld [tilespmem:$0x1EC40]  }
0x5de: {  	v2 =	vadd.f32 v4, v2;
	v4 =	vld [tilespmem:$0x1EA60]  }
0x5df: {  	v0 =	vadd.f32 v10, v0;
	v10 =	vld [tilespmem:$0x1F1F0];
	v6 =	vmul.f32 v43, v31  }
0x5e0: {  	v2 =	vadd.f32 v5, v2;
	v5 =	vld [tilespmem:$0x1EAC0]  }
0x5e1: {  	v55 =	vld [tilespmem:$0x1F100];
	v3 =	vadd.f32 v6, v3  }
0x5e2: {  	v63 =	vmov v47;
	v47 =	vmov v45;
	v7 =	vmul.f32 v43, v44;
	v45 =	vld [tilespmem:$0x1F0A0]  }
0x5e3: {  	v3 =	vadd.f32 v4, v3;
	v4 =	vld [tilespmem:$0x1EA70]  }
0x5e4: {  	v0 =	vadd.f32 v7, v0;
	v7 =	vld [tilespmem:$0x1EA30]  }
0x5e5: {  	v3 =	vadd.f32 v5, v3;
	v5 =	vld [tilespmem:$0x1EAD0]  }
0x5e6: {  	v43 =	vld [tilespmem:$0x1F090]  }
0x5e7: {  	v30 =	vadd.f32 v14, v3;
	v14 =	vld [tilespmem:$0x1EB60]  }
0x5e8: {  	v6 =	vld [tilespmem:$0x1EA20];
	v0 =	vadd.f32 v4, v0  }
0x5e9: {  	v38 =	vld [tilespmem:$0x1F080]  }
0x5ea: {  	v0 =	vadd.f32 v5, v0;
	v5 =	vld [tilespmem:$0x1EAF0]  }
0x5eb: {  	v22 =	vmul.f32 v10, v51;
	v51 =	vld [tilespmem:$0x1EAE0]  }
0x5ec: {  	v15 =	vmov v12;
	v12 =	vmov v31;
	v31 =	vadd.f32 v14, v0;
	v0 =	vld [tilespmem:$0x1EB70]  }
0x5ed: {  	v4 =	vld [tilespmem:$0x1EA80]  }
0x5ee: {  	v23 =	vmul.f32 v10, v53;
	v53 =	vld [tilespmem:$0x1F070]  }
0x5ef: {  	v1 =	vadd.f32 v5, v1;
	v5 =	vld [tilespmem:$0x1EB00]  }
0x5f0: {  	v3 =	vld [tilespmem:$0x1EB50]  }
0x5f1: {  	p0 =	sne.s32 s18, $0x1F0;
	v27 =	vmov v28;
	v28 =	vadd.f32 v0, v1;
	v0 =	vld [tilespmem:$0x1EB90]  }
.Ltmp2:
0x5f2: {  	v21 =	vmul.f32 v4, v54;
	v54 =	vld [tilespmem:$0x1EA90];
	(pc) =	sbr.rel @p0 .LBB2_7-.Ltmp2, $4  }
0x5f3: {  	v19 =	vmul.f32 v4, v49;
	v49 =	vld [tilespmem:$0x1EB20]  }
0x5f4: {  	v1 =	vld [tilespmem:$0x1EB80];
	v2 =	vadd.f32 v5, v2  }
0x5f5: {  	[tilespmem:$0x1ECA0] =	vst v58;
	v25 =	vmov v32;
	v20 =	vmul.f32 v59, v36;
	v5 =	vmov v10;
	v10 =	vld [tilespmem:$0x1EB10]  }
0x5f6: {  	s18 =	sadd.s32 $0x10, s18;
	v16 =	vmul.f32 v9, v26;
	v29 =	vmul.f32 v3, v13;
	v13 =	vmovc v4;
	v32 =	vadd.f32 v0, v2;
	v2 =	vld [tilespmem:$0x1EBA0]  }
0x5f7: {  	v4 =	vld [tilespmem:$0x1EFD0];
	_ =	sdelay $0x2  }
0x5f8: {  	v0 =	vadd.f32 v1, v30;
	v1 =	vadd.f32 v34, v31;
	v34 =	vmov v3;
	v3 =	vld [tilespmem:$0x1EFB0];
	_ =	sdelay $0x1  }
0x5f9: {  	v1 =	vadd.f32 v4, v1;
	v4 =	vld [tilespmem:$0x1EEC0];
	_ =	sdelay $0x2  }
0x5fa: {  	v3 =	vadd.f32 v3, v32;
	_ =	sdelay $0x1  }
0x5fb: {  	v3 =	vadd.f32 v4, v3;
	v4 =	vld [tilespmem:$0x1EEF0];
	_ =	sdelay $0x2  }
0x5fc: {  	v0 =	vadd.f32 v35, v0;
	_ =	sdelay $0x1  }
0x5fd: {  	v0 =	vadd.f32 v4, v0;
	v4 =	vld [tilespmem:$0x1EF00];
	_ =	sdelay $0x4  }
0x5fe: {  	v1 =	vadd.f32 v4, v1;
	v4 =	vld [tilespmem:$0x1EE50]  }
0x5ff: {  	v2 =	vadd.f32 v2, v28;
	_ =	sdelay $0x1  }
0x600: {  	v2 =	vadd.f32 v6, v2;
	_ =	sdelay $0x1  }
0x601: {  	v2 =	vadd.f32 v4, v2;
	v4 =	vld [tilespmem:$0x1EE60];
	_ =	sdelay $0x4  }
0x602: {  	v3 =	vadd.f32 v4, v3;
	v4 =	vld [tilespmem:$0x1EE80];
	_ =	sdelay $0x4  }
0x603: {  	v0 =	vadd.f32 v4, v0;
	v4 =	vld [tilespmem:$0x1EE90];
	_ =	sdelay $0x3  }
0x604: {  	v40 =	vld [tilespmem:$0x1ED80]  }
0x605: {  	v1 =	vadd.f32 v4, v1;
	v4 =	vld [tilespmem:$0x1ED70];
	_ =	sdelay $0x3  }
0x606: {  	v26 =	vadd.f32 v40, v3;
	v3 =	vld [tilespmem:$0x1EBF0]  }
0x607: {  	v28 =	vadd.f32 v4, v2;
	v2 =	vld [tilespmem:$0x1ED50]  }
0x608: {  	v4 =	vld [tilespmem:$0x1EC90]  }
0x609: {  	v41 =	vld [tilespmem:$0x1ECA0];
	_ =	sdelay $0x3  }
0x60a: {  	v4 =	vmul.f32 v2, v4;
	v3 =	vmul.f32 v2, v3  }
0x60b: {  	v14 =	vmul.f32 v2, v41;
	v58 =	vmul.f32 v2, v62;
	v2 =	vld [tilespmem:$0x1EDA0];
	_ =	sdelay $0x4  }
0x60c: {  	v2 =	vadd.f32 v2, v0;
	v0 =	vld [tilespmem:$0x1EDC0];
	_ =	sdelay $0x4  }
0x60d: {  	v1 =	vadd.f32 v0, v1;
	v0 =	vadd.f32 v4, v7;
	v4 =	vld [tilespmem:$0x1F230];
	_ =	sdelay $0x2  }
0x60e: {  	v36 =	vld [tilespmem:$0x1F250]  }
0x60f: {  	v62 =	vld [tilespmem:$0x1ED40]  }
0x610: {  	v3 =	vadd.f32 v3, v4;
	v4 =	vld [tilespmem:$0x1ED00];
	_ =	sdelay $0x1  }
0x611: {  	v35 =	vld [tilespmem:$0x1F240];
	_ =	sdelay $0x1  }
0x612: {  	v40 =	vmul.f32 v62, v8;
	v41 =	vmul.f32 v62, v27  }
0x613: {  	v6 =	vadd.f32 v58, v36;
	v58 =	vmul.f32 v62, v42;
	v4 =	vmul.f32 v62, v4;
	v62 =	vld [tilespmem:$0x1ED30];
	_ =	sdelay $0x1  }
0x614: {  	v31 =	vadd.f32 v14, v35;
	_ =	sdelay $0x1  }
0x615: {  	v27 =	vadd.f32 v41, v31  }
0x616: {  	v0 =	vadd.f32 v4, v0;
	v4 =	vmul.f32 v62, v33;
	v36 =	vmul.f32 v62, v56  }
0x617: {  	v8 =	vmov v25  }
0x618: {  	s16 =	sshrl.u32 s16, $0x2;
	v30 =	vld [tilespmem:$0x1EFF0];
	v42 =	vmul.f32 v34, v8;
	v0 =	vadd.f32 v4, v0;
	v4 =	vadd.f32 v36, v27  }
0x619: {  	v32 =	vld [tilespmem:s16+$0x10880]  }
0x61a: {  	v14 =	vld [tilespmem:$0x1F170];
	v56 =	vmov v5;
	v5 =	vmul.f32 v5, v57;
	v4 =	vadd.f32 v42, v4  }
0x61b: {  	v6 =	vadd.f32 v58, v6;
	v41 =	vmul.f32 v34, v50;
	v58 =	vmul.f32 v13, v63;
	v63 =	vld [tilespmem:$0x1F190]  }
0x61c: {  	v50 =	vmul.f32 v34, v24;
	v24 =	vld [tilespmem:s16+$0x10820];
	v4 =	vadd.f32 v5, v4;
	v5 =	vmul.f32 v13, v52  }
0x61d: {  	v35 =	vmul.f32 v62, v61;
	v61 =	vld [tilespmem:$0x1F1A0]  }
0x61e: {  	v31 =	vld [tilespmem:$0x1F020];
	v4 =	vadd.f32 v5, v4;
	v5 =	vmul.f32 v59, v47  }
0x61f: {  	v25 =	vmov v9;
	v34 =	vld [tilespmem:s16+$0x10890]  }
0x620: {  	v33 =	vld [tilespmem:$0x1EBC0];
	v4 =	vadd.f32 v5, v4;
	v5 =	vmul.f32 v25, v12  }
0x621: {  	v3 =	vadd.f32 v40, v3;
	v40 =	vmul.f32 v62, v60;
	v60 =	vmul.f32 v25, v44;
	v44 =	vld [tilespmem:$0x1EF40]  }
0x622: {  	v7 =	vmul.f32 v56, v48;
	v48 =	vld [tilespmem:$0x1ECD0];
	v4 =	vadd.f32 v5, v4;
	v5 =	vmul.f32 v61, v43  }
0x623: {  	v27 =	vld [tilespmem:$0x1F010]  }
0x624: {  	v3 =	vadd.f32 v35, v3;
	v35 =	vld [tilespmem:$0x1EBD0];
	v4 =	vadd.f32 v5, v4;
	v5 =	vmul.f32 v54, v45  }
0x625: {  	v36 =	vld [tilespmem:s16+$0x108A0]  }
0x626: {  	v6 =	vadd.f32 v40, v6;
	v40 =	vld [tilespmem:$0x1EBE0];
	v4 =	vadd.f32 v5, v4;
	v5 =	vmul.f32 v51, v46  }
0x627: {  	v0 =	vadd.f32 v29, v0;
	v3 =	vadd.f32 v41, v3;
	v29 =	vld [tilespmem:s16+$0x10830]  }
0x628: {  	v4 =	vadd.f32 v5, v4;
	v5 =	vld [tilespmem:s16+$0x10800]  }
0x629: {  	v42 =	vld [tilespmem:s16+$0x108B0];
	v3 =	vadd.f32 v23, v3  }
0x62a: {  	v6 =	vadd.f32 v50, v6;
	v50 =	vld [tilespmem:$0x1EEA0]  }
0x62b: {  	v3 =	vadd.f32 v19, v3;
	v19 =	vld [tilespmem:$0x1F030]  }
0x62c: {  	v62 =	vmul.f32 v61, v38;
	v38 =	vld [tilespmem:$0x1EF30]  }
0x62d: {  	v25 =	vld [tilespmem:$0x1EC30];
	v5 =	vadd.f32 v5, v33  }
0x62e: {  	v0 =	vadd.f32 v22, v0;
	v22 =	vld [tilespmem:$0x1F0B0]  }
0x62f: {  	[tilespmem:s16+$0x10800] =	vst v5;
	v5 =	vld [tilespmem:$0x1EEE0]  }
0x630: {  	v6 =	vadd.f32 v7, v6;
	v23 =	vld [tilespmem:$0x1F0C0];
	v7 =	vmul.f32 v49, v19  }
0x631: {  	v13 =	vmul.f32 v54, v37;
	v37 =	vld [tilespmem:$0x1EF10]  }
0x632: {  	v52 =	vld [tilespmem:$0x1ECE0];
	v4 =	vadd.f32 v7, v4;
	v7 =	vmul.f32 v27, v25  }
0x633: {  	v59 =	vmul.f32 v59, v15;
	v15 =	vld [tilespmem:$0x1F180]  }
0x634: {  	v0 =	vadd.f32 v21, v0;
	v21 =	vld [tilespmem:s16+$0x10810];
	v4 =	vadd.f32 v7, v4;
	v5 =	vmul.f32 v38, v5  }
0x635: {  	v12 =	vld [tilespmem:$0x1F1B0]  }
0x636: {  	v6 =	vadd.f32 v58, v6;
	v4 =	vadd.f32 v5, v4;
	v5 =	vld [tilespmem:$0x1ECC0]  }
0x637: {  	v47 =	vld [tilespmem:s16+$0x10910];
	v3 =	vadd.f32 v20, v3  }
0x638: {  	v0 =	vadd.f32 v18, v0;
	v6 =	vadd.f32 v59, v6;
	v18 =	vld [tilespmem:$0x1F160]  }
0x639: {  	v41 =	vadd.f32 v24, v40;
	v20 =	vmul.f32 v49, v53;
	v53 =	vld [tilespmem:s16+$0x10930];
	v3 =	vadd.f32 v17, v3  }
0x63a: {  	v0 =	vadd.f32 v16, v0;
	v6 =	vadd.f32 v60, v6;
	v17 =	vld [tilespmem:$0x1F150]  }
0x63b: {  	v49 =	vld [tilespmem:s16+$0x10920];
	v3 =	vadd.f32 v12, v3;
	v5 =	vadd.f32 v32, v5  }
0x63c: {  	v16 =	vmul.f32 v51, v55;
	v9 =	vadd.f32 v21, v35;
	v0 =	vadd.f32 v63, v0;
	v51 =	vld [tilespmem:$0x1EEB0]  }
0x63d: {  	v6 =	vadd.f32 v62, v6;
	v3 =	vadd.f32 v15, v3;
	[tilespmem:s16+$0x10880] =	vst v5;
	v5 =	vld [tilespmem:$0x1EE70]  }
0x63e: {  	v43 =	vld [tilespmem:$0x1EC70];
	v58 =	vadd.f32 v47, v26;
	v0 =	vadd.f32 v14, v0  }
0x63f: {  	v6 =	vadd.f32 v13, v6;
	v46 =	vld [tilespmem:s16+$0x10900];
	v3 =	vadd.f32 v18, v3  }
0x640: {  	v45 =	vld [tilespmem:$0x1EC00];
	v1 =	vadd.f32 v53, v1;
	v0 =	vadd.f32 v17, v0  }
0x641: {  	v55 =	vld [tilespmem:$0x1ECF0];
	v6 =	vadd.f32 v16, v6;
	v3 =	vadd.f32 v23, v3  }
0x642: {  	v60 =	vld [tilespmem:$0x1EE20];
	v2 =	vadd.f32 v49, v2;
	v0 =	vadd.f32 v22, v0;
	v5 =	vmul.f32 v51, v5  }
0x643: {  	v54 =	vld [tilespmem:$0x1EC80];
	v6 =	vadd.f32 v20, v6;
	v3 =	vadd.f32 v31, v3  }
0x644: {  	v11 =	vmul.f32 v27, v11;
	[tilespmem:s16+$0x10820] =	vst v41;
	v62 =	vld [tilespmem:$0x1EDB0];
	v4 =	vadd.f32 v5, v4;
	v5 =	vadd.f32 v46, v28  }
0x645: {  	v63 =	vld [tilespmem:$0x1EE30];
	[tilespmem:s16+$0x10810] =	vst v9;
	v8 =	vadd.f32 v29, v45;
	v0 =	vadd.f32 v30, v0  }
0x646: {  	v14 =	vmul.f32 v38, v43;
	v6 =	vadd.f32 v11, v6;
	v3 =	vadd.f32 v44, v3;
	[tilespmem:s16+$0x10900] =	vst v5;
	v5 =	vld [tilespmem:$0x1ED90]  }
0x647: {  	v57 =	vld [tilespmem:s16+$0x10990];
	[tilespmem:s16+$0x10910] =	vst v58;
	v11 =	vadd.f32 v36, v52;
	v0 =	vadd.f32 v37, v0  }
0x648: {  	v56 =	vld [tilespmem:s16+$0x10980];
	[tilespmem:s16+$0x10930] =	vst v1;
	v6 =	vadd.f32 v14, v6;
	v14 =	vmul.f32 v51, v54;
	v3 =	vadd.f32 v10, v3  }
0x649: {  	v61 =	vld [tilespmem:s16+$0x109B0];
	[tilespmem:s16+$0x10920] =	vst v2;
	v7 =	vadd.f32 v34, v48;
	v0 =	vadd.f32 v50, v0  }
0x64a: {  	v59 =	vld [tilespmem:s16+$0x109A0];
	[tilespmem:s16+$0x108A0] =	vst v11;
	v11 =	vmul.f32 v60, v62;
	v6 =	vadd.f32 v14, v6;
	v3 =	vadd.f32 v63, v3  }
0x64b: {  	s15 =	sadd.s32 $0x1, s15;
	[tilespmem:s16+$0x10890] =	vst v7;
	v7 =	vadd.f32 v42, v55;
	v0 =	vadd.f32 v39, v0;
	v5 =	vmul.f32 v60, v5  }
0x64c: {  	p0 =	sne.s32 s15, $0x10;
	[tilespmem:s16+$0x10830] =	vst v8;
	v2 =	vadd.f32 v11, v6;
	v1 =	vadd.f32 v57, v3  }
.Ltmp3:
0x64d: {  	[tilespmem:s16+$0x108B0] =	vst v7;
	v0 =	vadd.f32 v56, v0;
	v4 =	vadd.f32 v5, v4;
	(pc) =	sbr.rel @p0 .LBB2_6-.Ltmp3, $4  }
0x64e: {  	[tilespmem:s16+$0x10990] =	vst v1;
	v1 =	vadd.f32 v61, v2  }
0x64f: {  	[tilespmem:s16+$0x10980] =	vst v0;
	v0 =	vadd.f32 v59, v4  }
0x650: {  	[tilespmem:s16+$0x109B0] =	vst v1  }
0x651: {  	v3 =	vimm.s32 $0x3;
	v2 =	vimm.s32 $0x2;
	v1 =	vimm.s32 $0x1;
	[tilespmem:s16+$0x109A0] =	vst v0  }
0x652: {  	s13 =	sadd.s32 $0x1, s13  }
0x653: {  	p0 =	sne.s32 s13, s8  }
.Ltmp4:
0x654: {  	_ = 	snop;
	(pc) =	sbr.rel @p0 .LBB2_1-.Ltmp4, $4  }
0x655: {  	[hbm4b:s7+s2] =	stream.linear.scatter [tilespmem:s12], [sflag:$0x1], $0x2000, $0x38;
	[tilespmem:$0x12800] =	vst v63  }
0x656: {  	v45 =	vimm.s32 $0x6;
	v13 =	vimm.s32 $0x7;
	_ =	swait.ge [sflag:s9], $0x2000  }
0x657: {  	v11 =	vimm.s32 $0x8;
	v8 =	vimm.s32 $0x9;
	v5 =	vimm.s32 $0xA;
	[sflag:s9] =	ssyncset.done $0x0  }
0x658: {  	v54 =	vimm.s32 $0xC;
	v18 =	vimm.s32 $0xD;
	v59 =	vimm.s32 $0xF;
	[sflag:s9] =	ssyncadd.s32 $0xFFFFE000  }
0x659: {  	_ =	sfence.sel $0x180000  }
0x65a: {  	[bflag:$0x0] =	sbarrier.arrive $0xFFFF  }
0x65b: {  	p0 =	sne.s32 s1, $0x0;
	_ =	strace $0x90000047  }
0x65c: {  	s0 =	sadd.s32 @!p0 $0x100000, s0;
	[bflag:$0x2] =	sbarrier.arrive $0xFFFF  }
0x65d: {  	[sflag:s0] =	ssyncadd.tile.s32 @!p0 $0x1;
	_ =	shalt  }
.Lfunc_end2:
_tile_overlayer_lowered:
.L_overlay_start_2:
0x65e: {  	(tag) =	ssettag $0x2  }
0x65f: {  	s0 =	rddreg [dreg:$0x0];
	s2 =	stileid.u32  }
0x660: {  	s1 =	rddreg [dreg:$0x1];
	p0 =	sne.s32 s2, $0x0  }
0x661: {  	s3 =	rddreg [dreg:$0x2];
	[bflag:$0x3] =	sbarrier.arrive $0xFFFF;
	s2 =	simm.s32 @!p0 $0x1C01  }
0x662: {  	[timem:s3], [sflag:s2] =	dma.local @!p0 [hbm:s0], s1  }
0x663: {  	s0 =	simm.s32 @!p0 $0x1  }
0x664: {  	_ =	swait.ge @!p0 [sflag:s0], s1  }
0x665: {  	s1 =	ssub.s32 @!p0 $0x0, s1;
	[sflag:s0] =	ssyncset.done @!p0 $0x0  }
0x666: {  	[sflag:s0] =	ssyncadd.s32 @!p0 s1  }
0x667: {  	[bflag:$0x3] =	sbarrier.arrive $0xFFFF  }
0x668: {  	_ =	shalt  }

</sc_bundles>
